<compile_context>
chip_gen: v7x
topology: tpu7x:2x2x1
jax: 0.10.2.dev20260603
libtpu: 0.0.44.dev20260713+nightly
codegen_flags: <defaults>
</compile_context>

<pallas_src>
import functools

import jax
import jax.numpy as jnp
from jax import lax
from jax.experimental import pallas as pl
from jax.experimental.pallas import tpu as pltpu
from jax.experimental.pallas import tpu_sc as plsc

_NC = 2
_NS = 16
_NW = _NC * _NS
_L = 16
_K = 128
_KC = 128
_BR = 1024


def _sc_aggregate_fs(Np, D, Ep, trash_row, with_counts):
  Dh = D // _NC
  G = Ep // (_NS * _KC)
  IT = G // 2
  rpt = Np // _NS
  nz = rpt // _K
  assert rpt % _K == 0 and G % 2 == 0

  mesh = plsc.VectorSubcoreMesh(core_axis_name="c", subcore_axis_name="s")
  if with_counts:
    out_type = (jax.ShapeDtypeStruct((_NC, Np, Dh), jnp.float32),
                jax.ShapeDtypeStruct((Np, _L), jnp.float32))
  else:
    out_type = jax.ShapeDtypeStruct((_NC, Np, Dh), jnp.float32)
  scratch = [
      pltpu.VMEM((G, _KC), jnp.int32),
      pltpu.VMEM((G, _KC), jnp.int32),
      pltpu.VMEM((2, _KC, Dh), jnp.float32),
      pltpu.VMEM_SHARED((Np, Dh), jnp.float32),
      pltpu.SemaphoreType.DMA,
      pltpu.SemaphoreType.DMA,
  ]
  if with_counts:
    scratch += [
        pltpu.VMEM((_KC, _L), jnp.float32),
        pltpu.VMEM((_K, _L), jnp.float32),
        pltpu.VMEM_SHARED((Np, _L), jnp.float32),
    ]

  def body(*refs):
    if with_counts:
      (table, src, dst, zacc, zcnt, ones, acc_out, cnt_out,
       src_a, dst_a, rows, sh_acc, gs0, gs1, ones_v, cnt_v, sh_cnt) = refs
    else:
      (table, src, dst, zacc, acc_out,
       src_a, dst_a, rows, sh_acc, gs0, gs1) = refs
    c = lax.axis_index("c")
    s = lax.axis_index("s")
    r0 = s * rpt

    pltpu.sync_copy(src.at[s], src_a)
    pltpu.sync_copy(dst.at[s], dst_a)

    def prep(i, carry):
      for j in range(_KC // _L):
        sl = pl.ds(j * _L, _L)
        sv = src_a[i, sl]
        dv = dst_a[i, sl]
        dst_a[i, sl] = jnp.where(
            sv == dv, jnp.full((_L,), trash_row, jnp.int32), dv)
        src_a[i, sl] = sv * 2 + c
      return carry

    lax.fori_loop(0, G, prep, 0)

    pltpu.sync_copy(zacc, rows.at[0, pl.ds(0, _K)])
    for z in range(nz):
      pltpu.sync_copy(rows.at[0, pl.ds(0, _K)],
                      sh_acc.at[pl.ds(r0 + z * _K, _K)])
    if with_counts:
      pltpu.sync_copy(ones, ones_v)

      @pl.when(c == 0)
      def _():
        pltpu.sync_copy(zcnt, cnt_v)
        for z in range(nz):
          pltpu.sync_copy(cnt_v, sh_cnt.at[pl.ds(r0 + z * _K, _K)])

    plsc.subcore_barrier()

    def g_wait(slot, sem):
      pltpu.make_async_copy(table.at[src_a.at[0]], rows.at[slot], sem).wait()

    def scatter(i, slot):
      pltpu.sync_copy(rows.at[slot], sh_acc.at[dst_a.at[i]], add=True)
      if with_counts:
        @pl.when(c == 0)
        def _():
          pltpu.sync_copy(ones_v, sh_cnt.at[dst_a.at[i]], add=True)

    pltpu.async_copy(table.at[src_a.at[0]], rows.at[0], gs0)

    def step(i, carry):
      pltpu.async_copy(table.at[src_a.at[2 * i + 1]], rows.at[1], gs1)
      g_wait(0, gs0)
      scatter(2 * i, 0)

      @pl.when(i + 1 < IT)
      def _():
        pltpu.async_copy(table.at[src_a.at[2 * i + 2]], rows.at[0], gs0)

      g_wait(1, gs1)
      scatter(2 * i + 1, 1)
      return carry

    lax.fori_loop(0, IT, step, 0)
    plsc.subcore_barrier()

    for z in range(nz):
      pltpu.sync_copy(sh_acc.at[pl.ds(r0 + z * _K, _K)],
                      rows.at[0, pl.ds(0, _K)])
      pltpu.sync_copy(rows.at[0, pl.ds(0, _K)],
                      acc_out.at[c, pl.ds(r0 + z * _K, _K)])
    if with_counts:
      @pl.when(c == 0)
      def _():
        for z in range(nz):
          pltpu.sync_copy(sh_cnt.at[pl.ds(r0 + z * _K, _K)], cnt_v)
          pltpu.sync_copy(cnt_v, cnt_out.at[pl.ds(r0 + z * _K, _K)])

  return pl.kernel(
      body, out_type=out_type, mesh=mesh, scratch_types=scratch,
      compiler_params=pltpu.CompilerParams(use_tc_tiling_on_sc=False))


def _mm_relu_body(x_ref, w_ref, b_ref, o_ref):
  o_ref[...] = jnp.maximum(
      jnp.dot(x_ref[...], w_ref[...], preferred_element_type=jnp.float32)
      + b_ref[...], 0.0)


def _layer0_body(a0, a1, c0, xin, wla, wlb, bl, wa, ba, h_ref, o_ref):
  cnt = jnp.maximum(c0[:, :1], 1.0)
  mean = jnp.concatenate([a0[...], a1[...]], axis=1) / cnt
  h = (jnp.dot(xin[...], wla[...], preferred_element_type=jnp.float32)
       + jnp.dot(mean, wlb[...], preferred_element_type=jnp.float32)
       + bl[...])
  h = jnp.maximum(h, 0.0)
  nrm = jnp.sqrt(jnp.sum(h * h, axis=1, keepdims=True))
  h = h / jnp.maximum(nrm, 1e-12)
  h_ref[...] = h
  o_ref[...] = jnp.maximum(
      jnp.dot(h, wa[...], preferred_element_type=jnp.float32) + ba[...], 0.0)


def _layer1_body(a0, a1, c0, hin, wla, wlb, bl, wp1, bp1, wp2, bp2, o_ref):
  cnt = jnp.maximum(c0[:, :1], 1.0)
  mean = jnp.concatenate([a0[...], a1[...]], axis=1) / cnt
  h = (jnp.dot(hin[...], wla[...], preferred_element_type=jnp.float32)
       + jnp.dot(mean, wlb[...], preferred_element_type=jnp.float32)
       + bl[...])
  h = jnp.maximum(h, 0.0)
  nrm = jnp.sqrt(jnp.sum(h * h, axis=1, keepdims=True))
  h = h / jnp.maximum(nrm, 1e-12)
  p = (jnp.dot(jnp.dot(h, wp1[...], preferred_element_type=jnp.float32)
               + bp1[...], wp2[...], preferred_element_type=jnp.float32)
       + bp2[...])
  m = jnp.max(p, axis=1, keepdims=True)
  sh = p - m
  o_ref[...] = sh - jnp.log(jnp.sum(jnp.exp(sh), axis=1, keepdims=True))


def _row_spec(d):
  return pl.BlockSpec((_BR, d), lambda i: (i, 0))


def _full_spec(r, d):
  return pl.BlockSpec((r, d), lambda i: (0, 0))


def kernel(x, edge_index, batch, Wa0, ba0, Wl0, bl0, Wa1, ba1, Wl1, bl1,
           Wp1, bp1, Wp2, bp2):
  del batch
  N, D = x.shape
  E = edge_index.shape[1]
  H = Wl0.shape[1]
  O = Wp2.shape[1]
  f32 = jnp.float32

  Np = -(-(N + 1) // _BR) * _BR
  Gf = 2 * -(-E // (2 * _NS * _KC))
  Epf = Gf * _NS * _KC
  grid = (Np // _BR,)
  Dh = D // _NC

  x_p = jnp.pad(x, ((0, Np - N), (0, 0)))
  srcf = jnp.pad(edge_index[0], (0, Epf - E)).reshape(_NS, Gf, _KC)
  dstf = jnp.pad(edge_index[1], (0, Epf - E)).reshape(_NS, Gf, _KC)
  zaccf = jnp.zeros((_K, Dh), f32)
  zcnt = jnp.zeros((_K, _L), f32)
  ones = jnp.ones((_KC, _L), f32)

  out0 = pl.pallas_call(
      _mm_relu_body,
      grid=grid,
      in_specs=[_row_spec(D), _full_spec(D, D), _full_spec(1, D)],
      out_specs=_row_spec(D),
      out_shape=jax.ShapeDtypeStruct((Np, D), f32),
  )(x_p, Wa0, ba0.reshape(1, D))

  acc0, cnt = _sc_aggregate_fs(Np, D, Epf, N, True)(
      out0.reshape(_NC * Np, Dh), srcf, dstf, zaccf, zcnt, ones)

  h0, out1 = pl.pallas_call(
      _layer0_body,
      grid=grid,
      in_specs=[_row_spec(Dh), _row_spec(Dh), _row_spec(_L),
                _row_spec(D), _full_spec(D, H), _full_spec(D, H),
                _full_spec(1, H), _full_spec(H, H), _full_spec(1, H)],
      out_specs=[_row_spec(H), _row_spec(H)],
      out_shape=[jax.ShapeDtypeStruct((Np, H), f32),
                 jax.ShapeDtypeStruct((Np, H), f32)],
  )(acc0[0], acc0[1], cnt, x_p, Wl0[:D], Wl0[D:],
    bl0.reshape(1, H), Wa1, ba1.reshape(1, H))

  acc1 = _sc_aggregate_fs(Np, H, Epf, N, False)(
      out1.reshape(_NC * Np, Dh), srcf, dstf, zaccf)

  res = pl.pallas_call(
      _layer1_body,
      grid=grid,
      in_specs=[_row_spec(Dh), _row_spec(Dh), _row_spec(_L),
                _row_spec(H), _full_spec(H, H), _full_spec(H, H),
                _full_spec(1, H), _full_spec(H, H), _full_spec(1, H),
                _full_spec(H, O), _full_spec(1, O)],
      out_specs=_row_spec(O),
      out_shape=jax.ShapeDtypeStruct((Np, O), f32),
  )(acc1[0], acc1[1], cnt, h0, Wl1[:D], Wl1[D:],
    bl1.reshape(1, H), Wp1, bp1.reshape(1, H), Wp2, bp2.reshape(1, O))

  return res[:N]

# --- scband reference (transcript-rebuilt; emitter-appended) ---
"""Pipeline reference for scband-gnnstack-13615046328861 (READ-ONLY COPY).

The authoritative reference and input builder live on the scoring server;
editing this copy changes nothing except your own understanding.
"""

import jax, jax.numpy as jnp
import numpy as np

N = 10000
E = 320000
D = 128
H = 128
O = 128


def _glorot(key, shape):
    fan_in, fan_out = shape[0], shape[1]
    lim = float(np.sqrt(6.0 / (fan_in + fan_out)))
    return jax.random.uniform(key, shape, dtype=jnp.float32, minval=-lim, maxval=lim)


def setup_inputs(seed: int = 0) -> dict:
    key = jax.random.key(seed)
    ks = jax.random.split(key, 16)
    inp = {}
    inp["x"] = jax.random.normal(ks[0], (N, D), dtype=jnp.float32)
    inp["edge_index"] = jax.random.randint(ks[1], (2, E), 0, N, dtype=jnp.int32)
    inp["batch"] = jnp.zeros((N,), dtype=jnp.int32)
    # GraphSage layer 0: agg_lin (D->D), lin (2D->H)
    inp["Wa0"] = _glorot(ks[2], (D, D)); inp["ba0"] = jnp.zeros((D,), jnp.float32)
    inp["Wl0"] = _glorot(ks[3], (2 * D, H)); inp["bl0"] = jnp.zeros((H,), jnp.float32)
    # GraphSage layer 1: agg_lin (H->H), lin (2H->H)
    inp["Wa1"] = _glorot(ks[4], (H, H)); inp["ba1"] = jnp.zeros((H,), jnp.float32)
    inp["Wl1"] = _glorot(ks[5], (2 * H, H)); inp["bl1"] = jnp.zeros((H,), jnp.float32)
    # post_mp: Linear(H,H), Dropout(eval=identity), Linear(H,O)
    inp["Wp1"] = _glorot(ks[6], (H, H)); inp["bp1"] = jnp.zeros((H,), jnp.float32)
    inp["Wp2"] = _glorot(ks[7], (H, O)); inp["bp2"] = jnp.zeros((O,), jnp.float32)
    return inp


def _segment_mean(msg, dst, num_nodes):
    s = jax.ops.segment_sum(msg, dst, num_segments=num_nodes)
    c = jax.ops.segment_sum(jnp.ones((dst.shape[0], 1), msg.dtype), dst, num_segments=num_nodes)
    return s / jnp.maximum(c, 1.0)


def _sage_layer(x, src, dst, Wa, ba, Wl, bl):
    out = jax.nn.relu(x @ Wa + ba)
    mean = _segment_mean(out[src], dst, x.shape[0])
    h = jax.nn.relu(jnp.concatenate([x, mean], axis=1) @ Wl + bl)
    nrm = jnp.linalg.norm(h, axis=1, keepdims=True)
    return h / jnp.maximum(nrm, 1e-12)


def reference(x, edge_index, batch, Wa0, ba0, Wl0, bl0, Wa1, ba1, Wl1, bl1, Wp1, bp1, Wp2, bp2):
    # remove self loops (same edge set used by every layer)
    src, dst = edge_index[0], edge_index[1]
    mask = src != dst
    dst = jnp.where(mask, dst, x.shape[0])
    # layer 0 + relu activation (dropout is identity in eval)
    h = _sage_layer(x, src, dst, Wa0, ba0, Wl0, bl0)
    h = jax.nn.relu(h)
    # layer 1 (last conv, no activation)
    h = _sage_layer(h, src, dst, Wa1, ba1, Wl1, bl1)
    # post_mp: Linear -> Dropout(identity) -> Linear
    h = (h @ Wp1 + bp1) @ Wp2 + bp2
    return jax.nn.log_softmax(h, axis=1)

if __name__ == "__main__":
    import jax
    _d = setup_inputs()
    print(jax.jit(kernel)(*tuple(_d.values())))

</pallas_src>

<mosaic_0001>
#map = affine_map<(d0, d1) -> (0, 0)>
#map1 = affine_map<(d0, d1) -> (0, 0, 0)>
module attributes {stable_mosaic.version = 14 : i64} {
  func.func @body(%arg0: i32, %arg1: i32, %arg2: memref<20480x64xf32, #tpu.memory_space<hbm>>, %arg3: memref<16x158x128xi32, #tpu.memory_space<hbm>>, %arg4: memref<16x158x128xi32, #tpu.memory_space<hbm>>, %arg5: memref<128x64xf32, #tpu.memory_space<hbm>>, %arg6: memref<2x10240x64xf32, #tpu.memory_space<hbm>>, %arg7: memref<158x128xi32, #tpu.memory_space<vmem>>, %arg8: memref<158x128xi32, #tpu.memory_space<vmem>>, %arg9: memref<2x128x64xf32, #tpu.memory_space<vmem>>, %arg10: memref<10240x64xf32, #tpu.memory_space<vmem_shared>>, %arg11: memref<!tpu.dma_semaphore, #tpu.memory_space<semaphore_mem>>, %arg12: memref<!tpu.dma_semaphore, #tpu.memory_space<semaphore_mem>>) attributes {dimension_semantics = [#tpu.dimension_semantics<core_parallel>, #tpu.dimension_semantics<subcore_parallel>], iteration_bounds = array<i64: 2, 16>, scalar_prefetch = 0 : i64, scratch_operands = 6 : i64, tpu.core_type = #tpu.core_type<sc_vector_subcore>, window_params = [{transform_indices = #map}, {transform_indices = #map1}, {transform_indices = #map1}, {transform_indices = #map}, {transform_indices = #map1}]} {
    %mul3A = arith.constant 640 : i32
    %mul3A_0 = arith.muli %arg1, %mul3A : i32
    "tpu.region"() ({
      %run_scoped3A_68 = tpu.sem_alloc : memref<!tpu.dma_semaphore, #tpu.memory_space<semaphore_mem>>
      %dma_start3A_69 = arith.constant 0 : i32
      %dma_start3A_70 = arith.constant 0 : i32
      %dma_start3A_71 = tpu.memref_slice %arg3[%arg1, %dma_start3A_69, %dma_start3A_70] : memref<16x158x128xi32, #tpu.memory_space<hbm>> -> memref<1x158x128xi32, #tpu.memory_space<hbm>>
      %dma_start3A_72 = tpu.memref_squeeze %dma_start3A_71 : memref<1x158x128xi32, #tpu.memory_space<hbm>> -> memref<158x128xi32, #tpu.memory_space<hbm>>
      %dma_start3A_73 = arith.constant 0 : i32
      %dma_start3A_74 = arith.constant 0 : i32
      %dma_start3A_75 = tpu.memref_slice %arg3[%arg1, %dma_start3A_73, %dma_start3A_74] : memref<16x158x128xi32, #tpu.memory_space<hbm>> -> memref<1x158x128xi32, #tpu.memory_space<hbm>>
      %dma_start3A_76 = tpu.memref_squeeze %dma_start3A_75 : memref<1x158x128xi32, #tpu.memory_space<hbm>> -> memref<158x128xi32, #tpu.memory_space<hbm>>
      tpu.enqueue_dma source(%dma_start3A_76 : memref<158x128xi32, #tpu.memory_space<hbm>>) target(%arg7 : memref<158x128xi32, #tpu.memory_space<vmem>>) target_semaphore(%run_scoped3A_68 : memref<!tpu.dma_semaphore, #tpu.memory_space<semaphore_mem>>)
      %dma_wait3A = arith.constant 0 : i32
      %dma_wait3A_77 = arith.constant 0 : i32
      %dma_wait3A_78 = tpu.memref_slice %arg3[%arg1, %dma_wait3A, %dma_wait3A_77] : memref<16x158x128xi32, #tpu.memory_space<hbm>> -> memref<1x158x128xi32, #tpu.memory_space<hbm>>
      %dma_wait3A_79 = tpu.memref_squeeze %dma_wait3A_78 : memref<1x158x128xi32, #tpu.memory_space<hbm>> -> memref<158x128xi32, #tpu.memory_space<hbm>>
      %dma_wait3A_80 = arith.constant 0 : i32
      %dma_wait3A_81 = arith.constant 0 : i32
      %dma_wait3A_82 = tpu.memref_slice %arg3[%arg1, %dma_wait3A_80, %dma_wait3A_81] : memref<16x158x128xi32, #tpu.memory_space<hbm>> -> memref<1x158x128xi32, #tpu.memory_space<hbm>>
      %dma_wait3A_83 = tpu.memref_squeeze %dma_wait3A_82 : memref<1x158x128xi32, #tpu.memory_space<hbm>> -> memref<158x128xi32, #tpu.memory_space<hbm>>
      tpu.wait_dma2 semaphore(%run_scoped3A_68 : memref<!tpu.dma_semaphore, #tpu.memory_space<semaphore_mem>>) src(%dma_wait3A_83 : memref<158x128xi32, #tpu.memory_space<hbm>>) dst(%arg7 : memref<158x128xi32, #tpu.memory_space<vmem>>)
      tpu.yield
    }) : () -> ()
    "tpu.region"() ({
      %run_scoped3A_68 = tpu.sem_alloc : memref<!tpu.dma_semaphore, #tpu.memory_space<semaphore_mem>>
      %dma_start3A_69 = arith.constant 0 : i32
      %dma_start3A_70 = arith.constant 0 : i32
      %dma_start3A_71 = tpu.memref_slice %arg4[%arg1, %dma_start3A_69, %dma_start3A_70] : memref<16x158x128xi32, #tpu.memory_space<hbm>> -> memref<1x158x128xi32, #tpu.memory_space<hbm>>
      %dma_start3A_72 = tpu.memref_squeeze %dma_start3A_71 : memref<1x158x128xi32, #tpu.memory_space<hbm>> -> memref<158x128xi32, #tpu.memory_space<hbm>>
      %dma_start3A_73 = arith.constant 0 : i32
      %dma_start3A_74 = arith.constant 0 : i32
      %dma_start3A_75 = tpu.memref_slice %arg4[%arg1, %dma_start3A_73, %dma_start3A_74] : memref<16x158x128xi32, #tpu.memory_space<hbm>> -> memref<1x158x128xi32, #tpu.memory_space<hbm>>
      %dma_start3A_76 = tpu.memref_squeeze %dma_start3A_75 : memref<1x158x128xi32, #tpu.memory_space<hbm>> -> memref<158x128xi32, #tpu.memory_space<hbm>>
      tpu.enqueue_dma source(%dma_start3A_76 : memref<158x128xi32, #tpu.memory_space<hbm>>) target(%arg8 : memref<158x128xi32, #tpu.memory_space<vmem>>) target_semaphore(%run_scoped3A_68 : memref<!tpu.dma_semaphore, #tpu.memory_space<semaphore_mem>>)
      %dma_wait3A = arith.constant 0 : i32
      %dma_wait3A_77 = arith.constant 0 : i32
      %dma_wait3A_78 = tpu.memref_slice %arg4[%arg1, %dma_wait3A, %dma_wait3A_77] : memref<16x158x128xi32, #tpu.memory_space<hbm>> -> memref<1x158x128xi32, #tpu.memory_space<hbm>>
      %dma_wait3A_79 = tpu.memref_squeeze %dma_wait3A_78 : memref<1x158x128xi32, #tpu.memory_space<hbm>> -> memref<158x128xi32, #tpu.memory_space<hbm>>
      %dma_wait3A_80 = arith.constant 0 : i32
      %dma_wait3A_81 = arith.constant 0 : i32
      %dma_wait3A_82 = tpu.memref_slice %arg4[%arg1, %dma_wait3A_80, %dma_wait3A_81] : memref<16x158x128xi32, #tpu.memory_space<hbm>> -> memref<1x158x128xi32, #tpu.memory_space<hbm>>
      %dma_wait3A_83 = tpu.memref_squeeze %dma_wait3A_82 : memref<1x158x128xi32, #tpu.memory_space<hbm>> -> memref<158x128xi32, #tpu.memory_space<hbm>>
      tpu.wait_dma2 semaphore(%run_scoped3A_68 : memref<!tpu.dma_semaphore, #tpu.memory_space<semaphore_mem>>) src(%dma_wait3A_83 : memref<158x128xi32, #tpu.memory_space<hbm>>) dst(%arg8 : memref<158x128xi32, #tpu.memory_space<vmem>>)
      tpu.yield
    }) : () -> ()
    %scan3A = arith.constant 0 : i32
    %scan3A_1 = arith.constant 0 : i32
    %scan3A_2 = arith.constant 158 : i32
    %scan3A_3 = arith.addi %scan3A_1, %scan3A_2 : i32
    %scan3A_4 = arith.constant 1 : i32
    scf.for %scan3A_68 = %scan3A_1 to %scan3A_3 step %scan3A_4  : i32 {
      %get3A = arith.index_cast %scan3A_68 : i32 to index
      %get3A_69 = arith.constant 0 : index
      %get3A_70 = tpu.vector_load %arg7[%get3A, %get3A_69] {strides = array<i32>} : memref<158x128xi32, #tpu.memory_space<vmem>>, vector<1x16xi32>,
      %get3A_71 = vector.shape_cast %get3A_70 : vector<1x16xi32> to vector<16xi32>
      %get3A_72 = arith.index_cast %scan3A_68 : i32 to index
      %get3A_73 = arith.constant 0 : index
      %get3A_74 = tpu.vector_load %arg8[%get3A_72, %get3A_73] {strides = array<i32>} : memref<158x128xi32, #tpu.memory_space<vmem>>, vector<1x16xi32>,
      %get3A_75 = vector.shape_cast %get3A_74 : vector<1x16xi32> to vector<16xi32>
      %eq3A = arith.cmpi eq, %get3A_71, %get3A_75 : vector<16xi32>
      %broadcast_in_dim3A = arith.constant 10000 : i32
      %broadcast_in_dim3A_76 = vector.broadcast %broadcast_in_dim3A : i32 to vector<16xi32>
      %select_n3A = arith.select %eq3A, %broadcast_in_dim3A_76, %get3A_75 : vector<16xi1>, vector<16xi32>
      %swap3A = arith.index_cast %scan3A_68 : i32 to index
      %swap3A_77 = arith.constant 0 : index
      %swap3A_78 = tpu.vector_load %arg8[%swap3A, %swap3A_77] {strides = array<i32>} : memref<158x128xi32, #tpu.memory_space<vmem>>, vector<1x16xi32>,
      %swap3A_79 = vector.shape_cast %swap3A_78 : vector<1x16xi32> to vector<16xi32>
      %swap3A_80 = vector.shape_cast %select_n3A : vector<16xi32> to vector<1x16xi32>
      tpu.vector_store %arg8[%swap3A, %swap3A_77], %swap3A_80 {strides = array<i32>} : memref<158x128xi32, #tpu.memory_space<vmem>>, vector<1x16xi32>,
      %mul3A_81 = arith.constant 2 : i32
      %mul3A_82 = vector.broadcast %mul3A_81 : i32 to vector<16xi32>
      %mul3A_83 = arith.muli %get3A_71, %mul3A_82 : vector<16xi32>
      %add3A_84 = vector.broadcast %arg0 : i32 to vector<16xi32>
      %add3A_85 = arith.addi %mul3A_83, %add3A_84 : vector<16xi32>
      %swap3A_86 = arith.index_cast %scan3A_68 : i32 to index
      %swap3A_87 = arith.constant 0 : index
      %swap3A_88 = tpu.vector_load %arg7[%swap3A_86, %swap3A_87] {strides = array<i32>} : memref<158x128xi32, #tpu.memory_space<vmem>>, vector<1x16xi32>,
      %swap3A_89 = vector.shape_cast %swap3A_88 : vector<1x16xi32> to vector<16xi32>
      %swap3A_90 = vector.shape_cast %add3A_85 : vector<16xi32> to vector<1x16xi32>
      tpu.vector_store %arg7[%swap3A_86, %swap3A_87], %swap3A_90 {strides = array<i32>} : memref<158x128xi32, #tpu.memory_space<vmem>>, vector<1x16xi32>,
      %get3A_91 = arith.index_cast %scan3A_68 : i32 to index
      %get3A_92 = arith.constant 16 : index
      %get3A_93 = tpu.vector_load %arg7[%get3A_91, %get3A_92] {strides = array<i32>} : memref<158x128xi32, #tpu.memory_space<vmem>>, vector<1x16xi32>,
      %get3A_94 = vector.shape_cast %get3A_93 : vector<1x16xi32> to vector<16xi32>
      %get3A_95 = arith.index_cast %scan3A_68 : i32 to index
      %get3A_96 = arith.constant 16 : index
      %get3A_97 = tpu.vector_load %arg8[%get3A_95, %get3A_96] {strides = array<i32>} : memref<158x128xi32, #tpu.memory_space<vmem>>, vector<1x16xi32>,
      %get3A_98 = vector.shape_cast %get3A_97 : vector<1x16xi32> to vector<16xi32>
      %eq3A_99 = arith.cmpi eq, %get3A_94, %get3A_98 : vector<16xi32>
      %broadcast_in_dim3A_100 = arith.constant 10000 : i32
      %broadcast_in_dim3A_101 = vector.broadcast %broadcast_in_dim3A_100 : i32 to vector<16xi32>
      %select_n3A_102 = arith.select %eq3A_99, %broadcast_in_dim3A_101, %get3A_98 : vector<16xi1>, vector<16xi32>
      %swap3A_103 = arith.index_cast %scan3A_68 : i32 to index
      %swap3A_104 = arith.constant 16 : index
      %swap3A_105 = tpu.vector_load %arg8[%swap3A_103, %swap3A_104] {strides = array<i32>} : memref<158x128xi32, #tpu.memory_space<vmem>>, vector<1x16xi32>,
      %swap3A_106 = vector.shape_cast %swap3A_105 : vector<1x16xi32> to vector<16xi32>
      %swap3A_107 = vector.shape_cast %select_n3A_102 : vector<16xi32> to vector<1x16xi32>
      tpu.vector_store %arg8[%swap3A_103, %swap3A_104], %swap3A_107 {strides = array<i32>} : memref<158x128xi32, #tpu.memory_space<vmem>>, vector<1x16xi32>,
      %mul3A_108 = arith.constant 2 : i32
      %mul3A_109 = vector.broadcast %mul3A_108 : i32 to vector<16xi32>
      %mul3A_110 = arith.muli %get3A_94, %mul3A_109 : vector<16xi32>
      %add3A_111 = vector.broadcast %arg0 : i32 to vector<16xi32>
      %add3A_112 = arith.addi %mul3A_110, %add3A_111 : vector<16xi32>
      %swap3A_113 = arith.index_cast %scan3A_68 : i32 to index
      %swap3A_114 = arith.constant 16 : index
      %swap3A_115 = tpu.vector_load %arg7[%swap3A_113, %swap3A_114] {strides = array<i32>} : memref<158x128xi32, #tpu.memory_space<vmem>>, vector<1x16xi32>,
      %swap3A_116 = vector.shape_cast %swap3A_115 : vector<1x16xi32> to vector<16xi32>
      %swap3A_117 = vector.shape_cast %add3A_112 : vector<16xi32> to vector<1x16xi32>
      tpu.vector_store %arg7[%swap3A_113, %swap3A_114], %swap3A_117 {strides = array<i32>} : memref<158x128xi32, #tpu.memory_space<vmem>>, vector<1x16xi32>,
      %get3A_118 = arith.index_cast %scan3A_68 : i32 to index
      %get3A_119 = arith.constant 32 : index
      %get3A_120 = tpu.vector_load %arg7[%get3A_118, %get3A_119] {strides = array<i32>} : memref<158x128xi32, #tpu.memory_space<vmem>>, vector<1x16xi32>,
      %get3A_121 = vector.shape_cast %get3A_120 : vector<1x16xi32> to vector<16xi32>
      %get3A_122 = arith.index_cast %scan3A_68 : i32 to index
      %get3A_123 = arith.constant 32 : index
      %get3A_124 = tpu.vector_load %arg8[%get3A_122, %get3A_123] {strides = array<i32>} : memref<158x128xi32, #tpu.memory_space<vmem>>, vector<1x16xi32>,
      %get3A_125 = vector.shape_cast %get3A_124 : vector<1x16xi32> to vector<16xi32>
      %eq3A_126 = arith.cmpi eq, %get3A_121, %get3A_125 : vector<16xi32>
      %broadcast_in_dim3A_127 = arith.constant 10000 : i32
      %broadcast_in_dim3A_128 = vector.broadcast %broadcast_in_dim3A_127 : i32 to vector<16xi32>
      %select_n3A_129 = arith.select %eq3A_126, %broadcast_in_dim3A_128, %get3A_125 : vector<16xi1>, vector<16xi32>
      %swap3A_130 = arith.index_cast %scan3A_68 : i32 to index
      %swap3A_131 = arith.constant 32 : index
      %swap3A_132 = tpu.vector_load %arg8[%swap3A_130, %swap3A_131] {strides = array<i32>} : memref<158x128xi32, #tpu.memory_space<vmem>>, vector<1x16xi32>,
      %swap3A_133 = vector.shape_cast %swap3A_132 : vector<1x16xi32> to vector<16xi32>
      %swap3A_134 = vector.shape_cast %select_n3A_129 : vector<16xi32> to vector<1x16xi32>
      tpu.vector_store %arg8[%swap3A_130, %swap3A_131], %swap3A_134 {strides = array<i32>} : memref<158x128xi32, #tpu.memory_space<vmem>>, vector<1x16xi32>,
      %mul3A_135 = arith.constant 2 : i32
      %mul3A_136 = vector.broadcast %mul3A_135 : i32 to vector<16xi32>
      %mul3A_137 = arith.muli %get3A_121, %mul3A_136 : vector<16xi32>
      %add3A_138 = vector.broadcast %arg0 : i32 to vector<16xi32>
      %add3A_139 = arith.addi %mul3A_137, %add3A_138 : vector<16xi32>
      %swap3A_140 = arith.index_cast %scan3A_68 : i32 to index
      %swap3A_141 = arith.constant 32 : index
      %swap3A_142 = tpu.vector_load %arg7[%swap3A_140, %swap3A_141] {strides = array<i32>} : memref<158x128xi32, #tpu.memory_space<vmem>>, vector<1x16xi32>,
      %swap3A_143 = vector.shape_cast %swap3A_142 : vector<1x16xi32> to vector<16xi32>
      %swap3A_144 = vector.shape_cast %add3A_139 : vector<16xi32> to vector<1x16xi32>
      tpu.vector_store %arg7[%swap3A_140, %swap3A_141], %swap3A_144 {strides = array<i32>} : memref<158x128xi32, #tpu.memory_space<vmem>>, vector<1x16xi32>,
      %get3A_145 = arith.index_cast %scan3A_68 : i32 to index
      %get3A_146 = arith.constant 48 : index
      %get3A_147 = tpu.vector_load %arg7[%get3A_145, %get3A_146] {strides = array<i32>} : memref<158x128xi32, #tpu.memory_space<vmem>>, vector<1x16xi32>,
      %get3A_148 = vector.shape_cast %get3A_147 : vector<1x16xi32> to vector<16xi32>
      %get3A_149 = arith.index_cast %scan3A_68 : i32 to index
      %get3A_150 = arith.constant 48 : index
      %get3A_151 = tpu.vector_load %arg8[%get3A_149, %get3A_150] {strides = array<i32>} : memref<158x128xi32, #tpu.memory_space<vmem>>, vector<1x16xi32>,
      %get3A_152 = vector.shape_cast %get3A_151 : vector<1x16xi32> to vector<16xi32>
      %eq3A_153 = arith.cmpi eq, %get3A_148, %get3A_152 : vector<16xi32>
      %broadcast_in_dim3A_154 = arith.constant 10000 : i32
      %broadcast_in_dim3A_155 = vector.broadcast %broadcast_in_dim3A_154 : i32 to vector<16xi32>
      %select_n3A_156 = arith.select %eq3A_153, %broadcast_in_dim3A_155, %get3A_152 : vector<16xi1>, vector<16xi32>
      %swap3A_157 = arith.index_cast %scan3A_68 : i32 to index
      %swap3A_158 = arith.constant 48 : index
      %swap3A_159 = tpu.vector_load %arg8[%swap3A_157, %swap3A_158] {strides = array<i32>} : memref<158x128xi32, #tpu.memory_space<vmem>>, vector<1x16xi32>,
      %swap3A_160 = vector.shape_cast %swap3A_159 : vector<1x16xi32> to vector<16xi32>
      %swap3A_161 = vector.shape_cast %select_n3A_156 : vector<16xi32> to vector<1x16xi32>
      tpu.vector_store %arg8[%swap3A_157, %swap3A_158], %swap3A_161 {strides = array<i32>} : memref<158x128xi32, #tpu.memory_space<vmem>>, vector<1x16xi32>,
      %mul3A_162 = arith.constant 2 : i32
      %mul3A_163 = vector.broadcast %mul3A_162 : i32 to vector<16xi32>
      %mul3A_164 = arith.muli %get3A_148, %mul3A_163 : vector<16xi32>
      %add3A_165 = vector.broadcast %arg0 : i32 to vector<16xi32>
      %add3A_166 = arith.addi %mul3A_164, %add3A_165 : vector<16xi32>
      %swap3A_167 = arith.index_cast %scan3A_68 : i32 to index
      %swap3A_168 = arith.constant 48 : index
      %swap3A_169 = tpu.vector_load %arg7[%swap3A_167, %swap3A_168] {strides = array<i32>} : memref<158x128xi32, #tpu.memory_space<vmem>>, vector<1x16xi32>,
      %swap3A_170 = vector.shape_cast %swap3A_169 : vector<1x16xi32> to vector<16xi32>
      %swap3A_171 = vector.shape_cast %add3A_166 : vector<16xi32> to vector<1x16xi32>
      tpu.vector_store %arg7[%swap3A_167, %swap3A_168], %swap3A_171 {strides = array<i32>} : memref<158x128xi32, #tpu.memory_space<vmem>>, vector<1x16xi32>,
      %get3A_172 = arith.index_cast %scan3A_68 : i32 to index
      %get3A_173 = arith.constant 64 : index
      %get3A_174 = tpu.vector_load %arg7[%get3A_172, %get3A_173] {strides = array<i32>} : memref<158x128xi32, #tpu.memory_space<vmem>>, vector<1x16xi32>,
      %get3A_175 = vector.shape_cast %get3A_174 : vector<1x16xi32> to vector<16xi32>
      %get3A_176 = arith.index_cast %scan3A_68 : i32 to index
      %get3A_177 = arith.constant 64 : index
      %get3A_178 = tpu.vector_load %arg8[%get3A_176, %get3A_177] {strides = array<i32>} : memref<158x128xi32, #tpu.memory_space<vmem>>, vector<1x16xi32>,
      %get3A_179 = vector.shape_cast %get3A_178 : vector<1x16xi32> to vector<16xi32>
      %eq3A_180 = arith.cmpi eq, %get3A_175, %get3A_179 : vector<16xi32>
      %broadcast_in_dim3A_181 = arith.constant 10000 : i32
      %broadcast_in_dim3A_182 = vector.broadcast %broadcast_in_dim3A_181 : i32 to vector<16xi32>
      %select_n3A_183 = arith.select %eq3A_180, %broadcast_in_dim3A_182, %get3A_179 : vector<16xi1>, vector<16xi32>
      %swap3A_184 = arith.index_cast %scan3A_68 : i32 to index
      %swap3A_185 = arith.constant 64 : index
      %swap3A_186 = tpu.vector_load %arg8[%swap3A_184, %swap3A_185] {strides = array<i32>} : memref<158x128xi32, #tpu.memory_space<vmem>>, vector<1x16xi32>,
      %swap3A_187 = vector.shape_cast %swap3A_186 : vector<1x16xi32> to vector<16xi32>
      %swap3A_188 = vector.shape_cast %select_n3A_183 : vector<16xi32> to vector<1x16xi32>
      tpu.vector_store %arg8[%swap3A_184, %swap3A_185], %swap3A_188 {strides = array<i32>} : memref<158x128xi32, #tpu.memory_space<vmem>>, vector<1x16xi32>,
      %mul3A_189 = arith.constant 2 : i32
      %mul3A_190 = vector.broadcast %mul3A_189 : i32 to vector<16xi32>
      %mul3A_191 = arith.muli %get3A_175, %mul3A_190 : vector<16xi32>
      %add3A_192 = vector.broadcast %arg0 : i32 to vector<16xi32>
      %add3A_193 = arith.addi %mul3A_191, %add3A_192 : vector<16xi32>
      %swap3A_194 = arith.index_cast %scan3A_68 : i32 to index
      %swap3A_195 = arith.constant 64 : index
      %swap3A_196 = tpu.vector_load %arg7[%swap3A_194, %swap3A_195] {strides = array<i32>} : memref<158x128xi32, #tpu.memory_space<vmem>>, vector<1x16xi32>,
      %swap3A_197 = vector.shape_cast %swap3A_196 : vector<1x16xi32> to vector<16xi32>
      %swap3A_198 = vector.shape_cast %add3A_193 : vector<16xi32> to vector<1x16xi32>
      tpu.vector_store %arg7[%swap3A_194, %swap3A_195], %swap3A_198 {strides = array<i32>} : memref<158x128xi32, #tpu.memory_space<vmem>>, vector<1x16xi32>,
      %get3A_199 = arith.index_cast %scan3A_68 : i32 to index
      %get3A_200 = arith.constant 80 : index
      %get3A_201 = tpu.vector_load %arg7[%get3A_199, %get3A_200] {strides = array<i32>} : memref<158x128xi32, #tpu.memory_space<vmem>>, vector<1x16xi32>,
      %get3A_202 = vector.shape_cast %get3A_201 : vector<1x16xi32> to vector<16xi32>
      %get3A_203 = arith.index_cast %scan3A_68 : i32 to index
      %get3A_204 = arith.constant 80 : index
      %get3A_205 = tpu.vector_load %arg8[%get3A_203, %get3A_204] {strides = array<i32>} : memref<158x128xi32, #tpu.memory_space<vmem>>, vector<1x16xi32>,
      %get3A_206 = vector.shape_cast %get3A_205 : vector<1x16xi32> to vector<16xi32>
      %eq3A_207 = arith.cmpi eq, %get3A_202, %get3A_206 : vector<16xi32>
      %broadcast_in_dim3A_208 = arith.constant 10000 : i32
      %broadcast_in_dim3A_209 = vector.broadcast %broadcast_in_dim3A_208 : i32 to vector<16xi32>
      %select_n3A_210 = arith.select %eq3A_207, %broadcast_in_dim3A_209, %get3A_206 : vector<16xi1>, vector<16xi32>
      %swap3A_211 = arith.index_cast %scan3A_68 : i32 to index
      %swap3A_212 = arith.constant 80 : index
      %swap3A_213 = tpu.vector_load %arg8[%swap3A_211, %swap3A_212] {strides = array<i32>} : memref<158x128xi32, #tpu.memory_space<vmem>>, vector<1x16xi32>,
      %swap3A_214 = vector.shape_cast %swap3A_213 : vector<1x16xi32> to vector<16xi32>
      %swap3A_215 = vector.shape_cast %select_n3A_210 : vector<16xi32> to vector<1x16xi32>
      tpu.vector_store %arg8[%swap3A_211, %swap3A_212], %swap3A_215 {strides = array<i32>} : memref<158x128xi32, #tpu.memory_space<vmem>>, vector<1x16xi32>,
      %mul3A_216 = arith.constant 2 : i32
      %mul3A_217 = vector.broadcast %mul3A_216 : i32 to vector<16xi32>
      %mul3A_218 = arith.muli %get3A_202, %mul3A_217 : vector<16xi32>
      %add3A_219 = vector.broadcast %arg0 : i32 to vector<16xi32>
      %add3A_220 = arith.addi %mul3A_218, %add3A_219 : vector<16xi32>
      %swap3A_221 = arith.index_cast %scan3A_68 : i32 to index
      %swap3A_222 = arith.constant 80 : index
      %swap3A_223 = tpu.vector_load %arg7[%swap3A_221, %swap3A_222] {strides = array<i32>} : memref<158x128xi32, #tpu.memory_space<vmem>>, vector<1x16xi32>,
      %swap3A_224 = vector.shape_cast %swap3A_223 : vector<1x16xi32> to vector<16xi32>
      %swap3A_225 = vector.shape_cast %add3A_220 : vector<16xi32> to vector<1x16xi32>
      tpu.vector_store %arg7[%swap3A_221, %swap3A_222], %swap3A_225 {strides = array<i32>} : memref<158x128xi32, #tpu.memory_space<vmem>>, vector<1x16xi32>,
      %get3A_226 = arith.index_cast %scan3A_68 : i32 to index
      %get3A_227 = arith.constant 96 : index
      %get3A_228 = tpu.vector_load %arg7[%get3A_226, %get3A_227] {strides = array<i32>} : memref<158x128xi32, #tpu.memory_space<vmem>>, vector<1x16xi32>,
      %get3A_229 = vector.shape_cast %get3A_228 : vector<1x16xi32> to vector<16xi32>
      %get3A_230 = arith.index_cast %scan3A_68 : i32 to index
      %get3A_231 = arith.constant 96 : index
      %get3A_232 = tpu.vector_load %arg8[%get3A_230, %get3A_231] {strides = array<i32>} : memref<158x128xi32, #tpu.memory_space<vmem>>, vector<1x16xi32>,
      %get3A_233 = vector.shape_cast %get3A_232 : vector<1x16xi32> to vector<16xi32>
      %eq3A_234 = arith.cmpi eq, %get3A_229, %get3A_233 : vector<16xi32>
      %broadcast_in_dim3A_235 = arith.constant 10000 : i32
      %broadcast_in_dim3A_236 = vector.broadcast %broadcast_in_dim3A_235 : i32 to vector<16xi32>
      %select_n3A_237 = arith.select %eq3A_234, %broadcast_in_dim3A_236, %get3A_233 : vector<16xi1>, vector<16xi32>
      %swap3A_238 = arith.index_cast %scan3A_68 : i32 to index
      %swap3A_239 = arith.constant 96 : index
      %swap3A_240 = tpu.vector_load %arg8[%swap3A_238, %swap3A_239] {strides = array<i32>} : memref<158x128xi32, #tpu.memory_space<vmem>>, vector<1x16xi32>,
      %swap3A_241 = vector.shape_cast %swap3A_240 : vector<1x16xi32> to vector<16xi32>
      %swap3A_242 = vector.shape_cast %select_n3A_237 : vector<16xi32> to vector<1x16xi32>
      tpu.vector_store %arg8[%swap3A_238, %swap3A_239], %swap3A_242 {strides = array<i32>} : memref<158x128xi32, #tpu.memory_space<vmem>>, vector<1x16xi32>,
      %mul3A_243 = arith.constant 2 : i32
      %mul3A_244 = vector.broadcast %mul3A_243 : i32 to vector<16xi32>
      %mul3A_245 = arith.muli %get3A_229, %mul3A_244 : vector<16xi32>
      %add3A_246 = vector.broadcast %arg0 : i32 to vector<16xi32>
      %add3A_247 = arith.addi %mul3A_245, %add3A_246 : vector<16xi32>
      %swap3A_248 = arith.index_cast %scan3A_68 : i32 to index
      %swap3A_249 = arith.constant 96 : index
      %swap3A_250 = tpu.vector_load %arg7[%swap3A_248, %swap3A_249] {strides = array<i32>} : memref<158x128xi32, #tpu.memory_space<vmem>>, vector<1x16xi32>,
      %swap3A_251 = vector.shape_cast %swap3A_250 : vector<1x16xi32> to vector<16xi32>
      %swap3A_252 = vector.shape_cast %add3A_247 : vector<16xi32> to vector<1x16xi32>
      tpu.vector_store %arg7[%swap3A_248, %swap3A_249], %swap3A_252 {strides = array<i32>} : memref<158x128xi32, #tpu.memory_space<vmem>>, vector<1x16xi32>,
      %get3A_253 = arith.index_cast %scan3A_68 : i32 to index
      %get3A_254 = arith.constant 112 : index
      %get3A_255 = tpu.vector_load %arg7[%get3A_253, %get3A_254] {strides = array<i32>} : memref<158x128xi32, #tpu.memory_space<vmem>>, vector<1x16xi32>,
      %get3A_256 = vector.shape_cast %get3A_255 : vector<1x16xi32> to vector<16xi32>
      %get3A_257 = arith.index_cast %scan3A_68 : i32 to index
      %get3A_258 = arith.constant 112 : index
      %get3A_259 = tpu.vector_load %arg8[%get3A_257, %get3A_258] {strides = array<i32>} : memref<158x128xi32, #tpu.memory_space<vmem>>, vector<1x16xi32>,
      %get3A_260 = vector.shape_cast %get3A_259 : vector<1x16xi32> to vector<16xi32>
      %eq3A_261 = arith.cmpi eq, %get3A_256, %get3A_260 : vector<16xi32>
      %broadcast_in_dim3A_262 = arith.constant 10000 : i32
      %broadcast_in_dim3A_263 = vector.broadcast %broadcast_in_dim3A_262 : i32 to vector<16xi32>
      %select_n3A_264 = arith.select %eq3A_261, %broadcast_in_dim3A_263, %get3A_260 : vector<16xi1>, vector<16xi32>
      %swap3A_265 = arith.index_cast %scan3A_68 : i32 to index
      %swap3A_266 = arith.constant 112 : index
      %swap3A_267 = tpu.vector_load %arg8[%swap3A_265, %swap3A_266] {strides = array<i32>} : memref<158x128xi32, #tpu.memory_space<vmem>>, vector<1x16xi32>,
      %swap3A_268 = vector.shape_cast %swap3A_267 : vector<1x16xi32> to vector<16xi32>
      %swap3A_269 = vector.shape_cast %select_n3A_264 : vector<16xi32> to vector<1x16xi32>
      tpu.vector_store %arg8[%swap3A_265, %swap3A_266], %swap3A_269 {strides = array<i32>} : memref<158x128xi32, #tpu.memory_space<vmem>>, vector<1x16xi32>,
      %mul3A_270 = arith.constant 2 : i32
      %mul3A_271 = vector.broadcast %mul3A_270 : i32 to vector<16xi32>
      %mul3A_272 = arith.muli %get3A_256, %mul3A_271 : vector<16xi32>
      %add3A_273 = vector.broadcast %arg0 : i32 to vector<16xi32>
      %add3A_274 = arith.addi %mul3A_272, %add3A_273 : vector<16xi32>
      %swap3A_275 = arith.index_cast %scan3A_68 : i32 to index
      %swap3A_276 = arith.constant 112 : index
      %swap3A_277 = tpu.vector_load %arg7[%swap3A_275, %swap3A_276] {strides = array<i32>} : memref<158x128xi32, #tpu.memory_space<vmem>>, vector<1x16xi32>,
      %swap3A_278 = vector.shape_cast %swap3A_277 : vector<1x16xi32> to vector<16xi32>
      %swap3A_279 = vector.shape_cast %add3A_274 : vector<16xi32> to vector<1x16xi32>
      tpu.vector_store %arg7[%swap3A_275, %swap3A_276], %swap3A_279 {strides = array<i32>} : memref<158x128xi32, #tpu.memory_space<vmem>>, vector<1x16xi32>,
    }
    %scan3A_5 = arith.constant 158 : i32
    %run_scoped3A = arith.constant 0 : i32
    "tpu.region"() ({
      %run_scoped3A_68 = tpu.sem_alloc : memref<!tpu.dma_semaphore, #tpu.memory_space<semaphore_mem>>
      %dma_start3A_69 = arith.constant 0 : i32
      %dma_start3A_70 = arith.constant 0 : i32
      %dma_start3A_71 = tpu.memref_slice %arg9[%run_scoped3A, %dma_start3A_69, %dma_start3A_70] : memref<2x128x64xf32, #tpu.memory_space<vmem>> -> memref<1x128x64xf32, #tpu.memory_space<vmem>>
      %dma_start3A_72 = tpu.memref_squeeze %dma_start3A_71 : memref<1x128x64xf32, #tpu.memory_space<vmem>> -> memref<128x64xf32, #tpu.memory_space<vmem>>
      %dma_start3A_73 = arith.constant 0 : i32
      %dma_start3A_74 = arith.constant 0 : i32
      %dma_start3A_75 = tpu.memref_slice %arg9[%run_scoped3A, %dma_start3A_73, %dma_start3A_74] : memref<2x128x64xf32, #tpu.memory_space<vmem>> -> memref<1x128x64xf32, #tpu.memory_space<vmem>>
      %dma_start3A_76 = tpu.memref_squeeze %dma_start3A_75 : memref<1x128x64xf32, #tpu.memory_space<vmem>> -> memref<128x64xf32, #tpu.memory_space<vmem>>
      tpu.enqueue_dma source(%arg5 : memref<128x64xf32, #tpu.memory_space<hbm>>) target(%dma_start3A_76 : memref<128x64xf32, #tpu.memory_space<vmem>>) target_semaphore(%run_scoped3A_68 : memref<!tpu.dma_semaphore, #tpu.memory_space<semaphore_mem>>)
      %dma_wait3A = arith.constant 0 : i32
      %dma_wait3A_77 = arith.constant 0 : i32
      %dma_wait3A_78 = tpu.memref_slice %arg9[%run_scoped3A, %dma_wait3A, %dma_wait3A_77] : memref<2x128x64xf32, #tpu.memory_space<vmem>> -> memref<1x128x64xf32, #tpu.memory_space<vmem>>
      %dma_wait3A_79 = tpu.memref_squeeze %dma_wait3A_78 : memref<1x128x64xf32, #tpu.memory_space<vmem>> -> memref<128x64xf32, #tpu.memory_space<vmem>>
      %dma_wait3A_80 = arith.constant 0 : i32
      %dma_wait3A_81 = arith.constant 0 : i32
      %dma_wait3A_82 = tpu.memref_slice %arg9[%run_scoped3A, %dma_wait3A_80, %dma_wait3A_81] : memref<2x128x64xf32, #tpu.memory_space<vmem>> -> memref<1x128x64xf32, #tpu.memory_space<vmem>>
      %dma_wait3A_83 = tpu.memref_squeeze %dma_wait3A_82 : memref<1x128x64xf32, #tpu.memory_space<vmem>> -> memref<128x64xf32, #tpu.memory_space<vmem>>
      tpu.wait_dma2 semaphore(%run_scoped3A_68 : memref<!tpu.dma_semaphore, #tpu.memory_space<semaphore_mem>>) src(%arg5 : memref<128x64xf32, #tpu.memory_space<hbm>>) dst(%dma_wait3A_83 : memref<128x64xf32, #tpu.memory_space<vmem>>)
      tpu.yield
    }) : () -> ()
    %add3A = arith.constant 0 : i32
    %add3A_6 = arith.addi %mul3A_0, %add3A : i32
    %run_scoped3A_7 = arith.constant 0 : i32
    "tpu.region"() ({
      %run_scoped3A_68 = tpu.sem_alloc : memref<!tpu.dma_semaphore, #tpu.memory_space<semaphore_mem>>
      %dma_start3A_69 = arith.constant 0 : i32
      %dma_start3A_70 = arith.constant 0 : i32
      %dma_start3A_71 = tpu.memref_slice %arg9[%run_scoped3A_7, %dma_start3A_69, %dma_start3A_70] : memref<2x128x64xf32, #tpu.memory_space<vmem>> -> memref<1x128x64xf32, #tpu.memory_space<vmem>>
      %dma_start3A_72 = tpu.memref_squeeze %dma_start3A_71 : memref<1x128x64xf32, #tpu.memory_space<vmem>> -> memref<128x64xf32, #tpu.memory_space<vmem>>
      %dma_start3A_73 = arith.constant 0 : i32
      %dma_start3A_74 = tpu.memref_slice %arg10[%add3A_6, %dma_start3A_73] : memref<10240x64xf32, #tpu.memory_space<vmem_shared>> -> memref<128x64xf32, #tpu.memory_space<vmem_shared>>
      %dma_start3A_75 = arith.constant 0 : i32
      %dma_start3A_76 = tpu.memref_slice %arg10[%add3A_6, %dma_start3A_75] : memref<10240x64xf32, #tpu.memory_space<vmem_shared>> -> memref<128x64xf32, #tpu.memory_space<vmem_shared>>
      %dma_start3A_77 = arith.constant 0 : i32
      %dma_start3A_78 = arith.constant 0 : i32
      %dma_start3A_79 = tpu.memref_slice %arg9[%run_scoped3A_7, %dma_start3A_77, %dma_start3A_78] : memref<2x128x64xf32, #tpu.memory_space<vmem>> -> memref<1x128x64xf32, #tpu.memory_space<vmem>>
      %dma_start3A_80 = tpu.memref_squeeze %dma_start3A_79 : memref<1x128x64xf32, #tpu.memory_space<vmem>> -> memref<128x64xf32, #tpu.memory_space<vmem>>
      tpu.enqueue_dma source(%dma_start3A_80 : memref<128x64xf32, #tpu.memory_space<vmem>>) target(%dma_start3A_76 : memref<128x64xf32, #tpu.memory_space<vmem_shared>>) target_semaphore(%run_scoped3A_68 : memref<!tpu.dma_semaphore, #tpu.memory_space<semaphore_mem>>)
      %dma_wait3A = arith.constant 0 : i32
      %dma_wait3A_81 = arith.constant 0 : i32
      %dma_wait3A_82 = tpu.memref_slice %arg9[%run_scoped3A_7, %dma_wait3A, %dma_wait3A_81] : memref<2x128x64xf32, #tpu.memory_space<vmem>> -> memref<1x128x64xf32, #tpu.memory_space<vmem>>
      %dma_wait3A_83 = tpu.memref_squeeze %dma_wait3A_82 : memref<1x128x64xf32, #tpu.memory_space<vmem>> -> memref<128x64xf32, #tpu.memory_space<vmem>>
      %dma_wait3A_84 = arith.constant 0 : i32
      %dma_wait3A_85 = tpu.memref_slice %arg10[%add3A_6, %dma_wait3A_84] : memref<10240x64xf32, #tpu.memory_space<vmem_shared>> -> memref<128x64xf32, #tpu.memory_space<vmem_shared>>
      %dma_wait3A_86 = arith.constant 0 : i32
      %dma_wait3A_87 = tpu.memref_slice %arg10[%add3A_6, %dma_wait3A_86] : memref<10240x64xf32, #tpu.memory_space<vmem_shared>> -> memref<128x64xf32, #tpu.memory_space<vmem_shared>>
      %dma_wait3A_88 = arith.constant 0 : i32
      %dma_wait3A_89 = arith.constant 0 : i32
      %dma_wait3A_90 = tpu.memref_slice %arg9[%run_scoped3A_7, %dma_wait3A_88, %dma_wait3A_89] : memref<2x128x64xf32, #tpu.memory_space<vmem>> -> memref<1x128x64xf32, #tpu.memory_space<vmem>>
      %dma_wait3A_91 = tpu.memref_squeeze %dma_wait3A_90 : memref<1x128x64xf32, #tpu.memory_space<vmem>> -> memref<128x64xf32, #tpu.memory_space<vmem>>
      tpu.wait_dma2 semaphore(%run_scoped3A_68 : memref<!tpu.dma_semaphore, #tpu.memory_space<semaphore_mem>>) src(%dma_wait3A_91 : memref<128x64xf32, #tpu.memory_space<vmem>>) dst(%dma_wait3A_87 : memref<128x64xf32, #tpu.memory_space<vmem_shared>>)
      tpu.yield
    }) : () -> ()
    %add3A_8 = arith.constant 128 : i32
    %add3A_9 = arith.addi %mul3A_0, %add3A_8 : i32
    %run_scoped3A_10 = arith.constant 0 : i32
    "tpu.region"() ({
      %run_scoped3A_68 = tpu.sem_alloc : memref<!tpu.dma_semaphore, #tpu.memory_space<semaphore_mem>>
      %dma_start3A_69 = arith.constant 0 : i32
      %dma_start3A_70 = arith.constant 0 : i32
      %dma_start3A_71 = tpu.memref_slice %arg9[%run_scoped3A_10, %dma_start3A_69, %dma_start3A_70] : memref<2x128x64xf32, #tpu.memory_space<vmem>> -> memref<1x128x64xf32, #tpu.memory_space<vmem>>
      %dma_start3A_72 = tpu.memref_squeeze %dma_start3A_71 : memref<1x128x64xf32, #tpu.memory_space<vmem>> -> memref<128x64xf32, #tpu.memory_space<vmem>>
      %dma_start3A_73 = arith.constant 0 : i32
      %dma_start3A_74 = tpu.memref_slice %arg10[%add3A_9, %dma_start3A_73] : memref<10240x64xf32, #tpu.memory_space<vmem_shared>> -> memref<128x64xf32, #tpu.memory_space<vmem_shared>>
      %dma_start3A_75 = arith.constant 0 : i32
      %dma_start3A_76 = tpu.memref_slice %arg10[%add3A_9, %dma_start3A_75] : memref<10240x64xf32, #tpu.memory_space<vmem_shared>> -> memref<128x64xf32, #tpu.memory_space<vmem_shared>>
      %dma_start3A_77 = arith.constant 0 : i32
      %dma_start3A_78 = arith.constant 0 : i32
      %dma_start3A_79 = tpu.memref_slice %arg9[%run_scoped3A_10, %dma_start3A_77, %dma_start3A_78] : memref<2x128x64xf32, #tpu.memory_space<vmem>> -> memref<1x128x64xf32, #tpu.memory_space<vmem>>
      %dma_start3A_80 = tpu.memref_squeeze %dma_start3A_79 : memref<1x128x64xf32, #tpu.memory_space<vmem>> -> memref<128x64xf32, #tpu.memory_space<vmem>>
      tpu.enqueue_dma source(%dma_start3A_80 : memref<128x64xf32, #tpu.memory_space<vmem>>) target(%dma_start3A_76 : memref<128x64xf32, #tpu.memory_space<vmem_shared>>) target_semaphore(%run_scoped3A_68 : memref<!tpu.dma_semaphore, #tpu.memory_space<semaphore_mem>>)
      %dma_wait3A = arith.constant 0 : i32
      %dma_wait3A_81 = arith.constant 0 : i32
      %dma_wait3A_82 = tpu.memref_slice %arg9[%run_scoped3A_10, %dma_wait3A, %dma_wait3A_81] : memref<2x128x64xf32, #tpu.memory_space<vmem>> -> memref<1x128x64xf32, #tpu.memory_space<vmem>>
      %dma_wait3A_83 = tpu.memref_squeeze %dma_wait3A_82 : memref<1x128x64xf32, #tpu.memory_space<vmem>> -> memref<128x64xf32, #tpu.memory_space<vmem>>
      %dma_wait3A_84 = arith.constant 0 : i32
      %dma_wait3A_85 = tpu.memref_slice %arg10[%add3A_9, %dma_wait3A_84] : memref<10240x64xf32, #tpu.memory_space<vmem_shared>> -> memref<128x64xf32, #tpu.memory_space<vmem_shared>>
      %dma_wait3A_86 = arith.constant 0 : i32
      %dma_wait3A_87 = tpu.memref_slice %arg10[%add3A_9, %dma_wait3A_86] : memref<10240x64xf32, #tpu.memory_space<vmem_shared>> -> memref<128x64xf32, #tpu.memory_space<vmem_shared>>
      %dma_wait3A_88 = arith.constant 0 : i32
      %dma_wait3A_89 = arith.constant 0 : i32
      %dma_wait3A_90 = tpu.memref_slice %arg9[%run_scoped3A_10, %dma_wait3A_88, %dma_wait3A_89] : memref<2x128x64xf32, #tpu.memory_space<vmem>> -> memref<1x128x64xf32, #tpu.memory_space<vmem>>
      %dma_wait3A_91 = tpu.memref_squeeze %dma_wait3A_90 : memref<1x128x64xf32, #tpu.memory_space<vmem>> -> memref<128x64xf32, #tpu.memory_space<vmem>>
      tpu.wait_dma2 semaphore(%run_scoped3A_68 : memref<!tpu.dma_semaphore, #tpu.memory_space<semaphore_mem>>) src(%dma_wait3A_91 : memref<128x64xf32, #tpu.memory_space<vmem>>) dst(%dma_wait3A_87 : memref<128x64xf32, #tpu.memory_space<vmem_shared>>)
      tpu.yield
    }) : () -> ()
    %add3A_11 = arith.constant 256 : i32
    %add3A_12 = arith.addi %mul3A_0, %add3A_11 : i32
    %run_scoped3A_13 = arith.constant 0 : i32
    "tpu.region"() ({
      %run_scoped3A_68 = tpu.sem_alloc : memref<!tpu.dma_semaphore, #tpu.memory_space<semaphore_mem>>
      %dma_start3A_69 = arith.constant 0 : i32
      %dma_start3A_70 = arith.constant 0 : i32
      %dma_start3A_71 = tpu.memref_slice %arg9[%run_scoped3A_13, %dma_start3A_69, %dma_start3A_70] : memref<2x128x64xf32, #tpu.memory_space<vmem>> -> memref<1x128x64xf32, #tpu.memory_space<vmem>>
      %dma_start3A_72 = tpu.memref_squeeze %dma_start3A_71 : memref<1x128x64xf32, #tpu.memory_space<vmem>> -> memref<128x64xf32, #tpu.memory_space<vmem>>
      %dma_start3A_73 = arith.constant 0 : i32
      %dma_start3A_74 = tpu.memref_slice %arg10[%add3A_12, %dma_start3A_73] : memref<10240x64xf32, #tpu.memory_space<vmem_shared>> -> memref<128x64xf32, #tpu.memory_space<vmem_shared>>
      %dma_start3A_75 = arith.constant 0 : i32
      %dma_start3A_76 = tpu.memref_slice %arg10[%add3A_12, %dma_start3A_75] : memref<10240x64xf32, #tpu.memory_space<vmem_shared>> -> memref<128x64xf32, #tpu.memory_space<vmem_shared>>
      %dma_start3A_77 = arith.constant 0 : i32
      %dma_start3A_78 = arith.constant 0 : i32
      %dma_start3A_79 = tpu.memref_slice %arg9[%run_scoped3A_13, %dma_start3A_77, %dma_start3A_78] : memref<2x128x64xf32, #tpu.memory_space<vmem>> -> memref<1x128x64xf32, #tpu.memory_space<vmem>>
      %dma_start3A_80 = tpu.memref_squeeze %dma_start3A_79 : memref<1x128x64xf32, #tpu.memory_space<vmem>> -> memref<128x64xf32, #tpu.memory_space<vmem>>
      tpu.enqueue_dma source(%dma_start3A_80 : memref<128x64xf32, #tpu.memory_space<vmem>>) target(%dma_start3A_76 : memref<128x64xf32, #tpu.memory_space<vmem_shared>>) target_semaphore(%run_scoped3A_68 : memref<!tpu.dma_semaphore, #tpu.memory_space<semaphore_mem>>)
      %dma_wait3A = arith.constant 0 : i32
      %dma_wait3A_81 = arith.constant 0 : i32
      %dma_wait3A_82 = tpu.memref_slice %arg9[%run_scoped3A_13, %dma_wait3A, %dma_wait3A_81] : memref<2x128x64xf32, #tpu.memory_space<vmem>> -> memref<1x128x64xf32, #tpu.memory_space<vmem>>
      %dma_wait3A_83 = tpu.memref_squeeze %dma_wait3A_82 : memref<1x128x64xf32, #tpu.memory_space<vmem>> -> memref<128x64xf32, #tpu.memory_space<vmem>>
      %dma_wait3A_84 = arith.constant 0 : i32
      %dma_wait3A_85 = tpu.memref_slice %arg10[%add3A_12, %dma_wait3A_84] : memref<10240x64xf32, #tpu.memory_space<vmem_shared>> -> memref<128x64xf32, #tpu.memory_space<vmem_shared>>
      %dma_wait3A_86 = arith.constant 0 : i32
      %dma_wait3A_87 = tpu.memref_slice %arg10[%add3A_12, %dma_wait3A_86] : memref<10240x64xf32, #tpu.memory_space<vmem_shared>> -> memref<128x64xf32, #tpu.memory_space<vmem_shared>>
      %dma_wait3A_88 = arith.constant 0 : i32
      %dma_wait3A_89 = arith.constant 0 : i32
      %dma_wait3A_90 = tpu.memref_slice %arg9[%run_scoped3A_13, %dma_wait3A_88, %dma_wait3A_89] : memref<2x128x64xf32, #tpu.memory_space<vmem>> -> memref<1x128x64xf32, #tpu.memory_space<vmem>>
      %dma_wait3A_91 = tpu.memref_squeeze %dma_wait3A_90 : memref<1x128x64xf32, #tpu.memory_space<vmem>> -> memref<128x64xf32, #tpu.memory_space<vmem>>
      tpu.wait_dma2 semaphore(%run_scoped3A_68 : memref<!tpu.dma_semaphore, #tpu.memory_space<semaphore_mem>>) src(%dma_wait3A_91 : memref<128x64xf32, #tpu.memory_space<vmem>>) dst(%dma_wait3A_87 : memref<128x64xf32, #tpu.memory_space<vmem_shared>>)
      tpu.yield
    }) : () -> ()
    %add3A_14 = arith.constant 384 : i32
    %add3A_15 = arith.addi %mul3A_0, %add3A_14 : i32
    %run_scoped3A_16 = arith.constant 0 : i32
    "tpu.region"() ({
      %run_scoped3A_68 = tpu.sem_alloc : memref<!tpu.dma_semaphore, #tpu.memory_space<semaphore_mem>>
      %dma_start3A_69 = arith.constant 0 : i32
      %dma_start3A_70 = arith.constant 0 : i32
      %dma_start3A_71 = tpu.memref_slice %arg9[%run_scoped3A_16, %dma_start3A_69, %dma_start3A_70] : memref<2x128x64xf32, #tpu.memory_space<vmem>> -> memref<1x128x64xf32, #tpu.memory_space<vmem>>
      %dma_start3A_72 = tpu.memref_squeeze %dma_start3A_71 : memref<1x128x64xf32, #tpu.memory_space<vmem>> -> memref<128x64xf32, #tpu.memory_space<vmem>>
      %dma_start3A_73 = arith.constant 0 : i32
      %dma_start3A_74 = tpu.memref_slice %arg10[%add3A_15, %dma_start3A_73] : memref<10240x64xf32, #tpu.memory_space<vmem_shared>> -> memref<128x64xf32, #tpu.memory_space<vmem_shared>>
      %dma_start3A_75 = arith.constant 0 : i32
      %dma_start3A_76 = tpu.memref_slice %arg10[%add3A_15, %dma_start3A_75] : memref<10240x64xf32, #tpu.memory_space<vmem_shared>> -> memref<128x64xf32, #tpu.memory_space<vmem_shared>>
      %dma_start3A_77 = arith.constant 0 : i32
      %dma_start3A_78 = arith.constant 0 : i32
      %dma_start3A_79 = tpu.memref_slice %arg9[%run_scoped3A_16, %dma_start3A_77, %dma_start3A_78] : memref<2x128x64xf32, #tpu.memory_space<vmem>> -> memref<1x128x64xf32, #tpu.memory_space<vmem>>
      %dma_start3A_80 = tpu.memref_squeeze %dma_start3A_79 : memref<1x128x64xf32, #tpu.memory_space<vmem>> -> memref<128x64xf32, #tpu.memory_space<vmem>>
      tpu.enqueue_dma source(%dma_start3A_80 : memref<128x64xf32, #tpu.memory_space<vmem>>) target(%dma_start3A_76 : memref<128x64xf32, #tpu.memory_space<vmem_shared>>) target_semaphore(%run_scoped3A_68 : memref<!tpu.dma_semaphore, #tpu.memory_space<semaphore_mem>>)
      %dma_wait3A = arith.constant 0 : i32
      %dma_wait3A_81 = arith.constant 0 : i32
      %dma_wait3A_82 = tpu.memref_slice %arg9[%run_scoped3A_16, %dma_wait3A, %dma_wait3A_81] : memref<2x128x64xf32, #tpu.memory_space<vmem>> -> memref<1x128x64xf32, #tpu.memory_space<vmem>>
      %dma_wait3A_83 = tpu.memref_squeeze %dma_wait3A_82 : memref<1x128x64xf32, #tpu.memory_space<vmem>> -> memref<128x64xf32, #tpu.memory_space<vmem>>
      %dma_wait3A_84 = arith.constant 0 : i32
      %dma_wait3A_85 = tpu.memref_slice %arg10[%add3A_15, %dma_wait3A_84] : memref<10240x64xf32, #tpu.memory_space<vmem_shared>> -> memref<128x64xf32, #tpu.memory_space<vmem_shared>>
      %dma_wait3A_86 = arith.constant 0 : i32
      %dma_wait3A_87 = tpu.memref_slice %arg10[%add3A_15, %dma_wait3A_86] : memref<10240x64xf32, #tpu.memory_space<vmem_shared>> -> memref<128x64xf32, #tpu.memory_space<vmem_shared>>
      %dma_wait3A_88 = arith.constant 0 : i32
      %dma_wait3A_89 = arith.constant 0 : i32
      %dma_wait3A_90 = tpu.memref_slice %arg9[%run_scoped3A_16, %dma_wait3A_88, %dma_wait3A_89] : memref<2x128x64xf32, #tpu.memory_space<vmem>> -> memref<1x128x64xf32, #tpu.memory_space<vmem>>
      %dma_wait3A_91 = tpu.memref_squeeze %dma_wait3A_90 : memref<1x128x64xf32, #tpu.memory_space<vmem>> -> memref<128x64xf32, #tpu.memory_space<vmem>>
      tpu.wait_dma2 semaphore(%run_scoped3A_68 : memref<!tpu.dma_semaphore, #tpu.memory_space<semaphore_mem>>) src(%dma_wait3A_91 : memref<128x64xf32, #tpu.memory_space<vmem>>) dst(%dma_wait3A_87 : memref<128x64xf32, #tpu.memory_space<vmem_shared>>)
      tpu.yield
    }) : () -> ()
    %add3A_17 = arith.constant 512 : i32
    %add3A_18 = arith.addi %mul3A_0, %add3A_17 : i32
    %run_scoped3A_19 = arith.constant 0 : i32
    "tpu.region"() ({
      %run_scoped3A_68 = tpu.sem_alloc : memref<!tpu.dma_semaphore, #tpu.memory_space<semaphore_mem>>
      %dma_start3A_69 = arith.constant 0 : i32
      %dma_start3A_70 = arith.constant 0 : i32
      %dma_start3A_71 = tpu.memref_slice %arg9[%run_scoped3A_19, %dma_start3A_69, %dma_start3A_70] : memref<2x128x64xf32, #tpu.memory_space<vmem>> -> memref<1x128x64xf32, #tpu.memory_space<vmem>>
      %dma_start3A_72 = tpu.memref_squeeze %dma_start3A_71 : memref<1x128x64xf32, #tpu.memory_space<vmem>> -> memref<128x64xf32, #tpu.memory_space<vmem>>
      %dma_start3A_73 = arith.constant 0 : i32
      %dma_start3A_74 = tpu.memref_slice %arg10[%add3A_18, %dma_start3A_73] : memref<10240x64xf32, #tpu.memory_space<vmem_shared>> -> memref<128x64xf32, #tpu.memory_space<vmem_shared>>
      %dma_start3A_75 = arith.constant 0 : i32
      %dma_start3A_76 = tpu.memref_slice %arg10[%add3A_18, %dma_start3A_75] : memref<10240x64xf32, #tpu.memory_space<vmem_shared>> -> memref<128x64xf32, #tpu.memory_space<vmem_shared>>
      %dma_start3A_77 = arith.constant 0 : i32
      %dma_start3A_78 = arith.constant 0 : i32
      %dma_start3A_79 = tpu.memref_slice %arg9[%run_scoped3A_19, %dma_start3A_77, %dma_start3A_78] : memref<2x128x64xf32, #tpu.memory_space<vmem>> -> memref<1x128x64xf32, #tpu.memory_space<vmem>>
      %dma_start3A_80 = tpu.memref_squeeze %dma_start3A_79 : memref<1x128x64xf32, #tpu.memory_space<vmem>> -> memref<128x64xf32, #tpu.memory_space<vmem>>
      tpu.enqueue_dma source(%dma_start3A_80 : memref<128x64xf32, #tpu.memory_space<vmem>>) target(%dma_start3A_76 : memref<128x64xf32, #tpu.memory_space<vmem_shared>>) target_semaphore(%run_scoped3A_68 : memref<!tpu.dma_semaphore, #tpu.memory_space<semaphore_mem>>)
      %dma_wait3A = arith.constant 0 : i32
      %dma_wait3A_81 = arith.constant 0 : i32
      %dma_wait3A_82 = tpu.memref_slice %arg9[%run_scoped3A_19, %dma_wait3A, %dma_wait3A_81] : memref<2x128x64xf32, #tpu.memory_space<vmem>> -> memref<1x128x64xf32, #tpu.memory_space<vmem>>
      %dma_wait3A_83 = tpu.memref_squeeze %dma_wait3A_82 : memref<1x128x64xf32, #tpu.memory_space<vmem>> -> memref<128x64xf32, #tpu.memory_space<vmem>>
      %dma_wait3A_84 = arith.constant 0 : i32
      %dma_wait3A_85 = tpu.memref_slice %arg10[%add3A_18, %dma_wait3A_84] : memref<10240x64xf32, #tpu.memory_space<vmem_shared>> -> memref<128x64xf32, #tpu.memory_space<vmem_shared>>
      %dma_wait3A_86 = arith.constant 0 : i32
      %dma_wait3A_87 = tpu.memref_slice %arg10[%add3A_18, %dma_wait3A_86] : memref<10240x64xf32, #tpu.memory_space<vmem_shared>> -> memref<128x64xf32, #tpu.memory_space<vmem_shared>>
      %dma_wait3A_88 = arith.constant 0 : i32
      %dma_wait3A_89 = arith.constant 0 : i32
      %dma_wait3A_90 = tpu.memref_slice %arg9[%run_scoped3A_19, %dma_wait3A_88, %dma_wait3A_89] : memref<2x128x64xf32, #tpu.memory_space<vmem>> -> memref<1x128x64xf32, #tpu.memory_space<vmem>>
      %dma_wait3A_91 = tpu.memref_squeeze %dma_wait3A_90 : memref<1x128x64xf32, #tpu.memory_space<vmem>> -> memref<128x64xf32, #tpu.memory_space<vmem>>
      tpu.wait_dma2 semaphore(%run_scoped3A_68 : memref<!tpu.dma_semaphore, #tpu.memory_space<semaphore_mem>>) src(%dma_wait3A_91 : memref<128x64xf32, #tpu.memory_space<vmem>>) dst(%dma_wait3A_87 : memref<128x64xf32, #tpu.memory_space<vmem_shared>>)
      tpu.yield
    }) : () -> ()
    %barrier3A = arith.constant 0 : index
    tpu.barrier barrier_id(%barrier3A)
    %dma_start3A = arith.constant 0 : i32
    %dma_start3A_20 = arith.constant 0 : i32
    %dma_start3A_21 = arith.constant 0 : i32
    %dma_start3A_22 = arith.constant 0 : i32
    %dma_start3A_23 = tpu.memref_slice %arg9[%dma_start3A_20, %dma_start3A_21, %dma_start3A_22] : memref<2x128x64xf32, #tpu.memory_space<vmem>> -> memref<1x128x64xf32, #tpu.memory_space<vmem>>
    %dma_start3A_24 = tpu.memref_squeeze %dma_start3A_23 : memref<1x128x64xf32, #tpu.memory_space<vmem>> -> memref<128x64xf32, #tpu.memory_space<vmem>>
    %dma_start3A_25 = arith.constant 0 : i32
    %dma_start3A_26 = tpu.memref_slice %arg7[%dma_start3A, %dma_start3A_25] : memref<158x128xi32, #tpu.memory_space<vmem>> -> memref<1x128xi32, #tpu.memory_space<vmem>>
    %dma_start3A_27 = tpu.memref_squeeze %dma_start3A_26 : memref<1x128xi32, #tpu.memory_space<vmem>> -> memref<128xi32, #tpu.memory_space<vmem>>
    %dma_start3A_28 = arith.constant 0 : i32
    %dma_start3A_29 = arith.constant 0 : i32
    %dma_start3A_30 = tpu.memref_slice %arg2[%dma_start3A_28, %dma_start3A_29] : memref<20480x64xf32, #tpu.memory_space<hbm>> -> memref<20480x64xf32, #tpu.memory_space<hbm>>
    tpu.enqueue_indirect_dma source(%dma_start3A_30 : memref<20480x64xf32, #tpu.memory_space<hbm>>) target(%dma_start3A_24 : memref<128x64xf32, #tpu.memory_space<vmem>>) offsets(%dma_start3A_27 : memref<128xi32, #tpu.memory_space<vmem>>) semaphore(%arg11 : memref<!tpu.dma_semaphore, #tpu.memory_space<semaphore_mem>>)
    %scan3A_31 = arith.constant 0 : i32
    %scan3A_32 = arith.constant 0 : i32
    %scan3A_33 = arith.constant 79 : i32
    %scan3A_34 = arith.addi %scan3A_32, %scan3A_33 : i32
    %scan3A_35 = arith.constant 1 : i32
    scf.for %scan3A_68 = %scan3A_32 to %scan3A_34 step %scan3A_35  : i32 {
      %mul3A_69 = arith.constant 2 : i32
      %mul3A_70 = arith.muli %mul3A_69, %scan3A_68 : i32
      %add3A_71 = arith.constant 1 : i32
      %add3A_72 = arith.addi %mul3A_70, %add3A_71 : i32
      %dma_start3A_73 = arith.constant 1 : i32
      %dma_start3A_74 = arith.constant 0 : i32
      %dma_start3A_75 = arith.constant 0 : i32
      %dma_start3A_76 = tpu.memref_slice %arg9[%dma_start3A_73, %dma_start3A_74, %dma_start3A_75] : memref<2x128x64xf32, #tpu.memory_space<vmem>> -> memref<1x128x64xf32, #tpu.memory_space<vmem>>
      %dma_start3A_77 = tpu.memref_squeeze %dma_start3A_76 : memref<1x128x64xf32, #tpu.memory_space<vmem>> -> memref<128x64xf32, #tpu.memory_space<vmem>>
      %dma_start3A_78 = arith.constant 0 : i32
      %dma_start3A_79 = tpu.memref_slice %arg7[%add3A_72, %dma_start3A_78] : memref<158x128xi32, #tpu.memory_space<vmem>> -> memref<1x128xi32, #tpu.memory_space<vmem>>
      %dma_start3A_80 = tpu.memref_squeeze %dma_start3A_79 : memref<1x128xi32, #tpu.memory_space<vmem>> -> memref<128xi32, #tpu.memory_space<vmem>>
      %dma_start3A_81 = arith.constant 0 : i32
      %dma_start3A_82 = arith.constant 0 : i32
      %dma_start3A_83 = tpu.memref_slice %arg2[%dma_start3A_81, %dma_start3A_82] : memref<20480x64xf32, #tpu.memory_space<hbm>> -> memref<20480x64xf32, #tpu.memory_space<hbm>>
      tpu.enqueue_indirect_dma source(%dma_start3A_83 : memref<20480x64xf32, #tpu.memory_space<hbm>>) target(%dma_start3A_77 : memref<128x64xf32, #tpu.memory_space<vmem>>) offsets(%dma_start3A_80 : memref<128xi32, #tpu.memory_space<vmem>>) semaphore(%arg12 : memref<!tpu.dma_semaphore, #tpu.memory_space<semaphore_mem>>)
      %dma_wait3A = arith.constant 0 : i32
      %dma_wait3A_84 = arith.constant 0 : i32
      %dma_wait3A_85 = arith.constant 0 : i32
      %dma_wait3A_86 = arith.constant 0 : i32
      %dma_wait3A_87 = tpu.memref_slice %arg9[%dma_wait3A_84, %dma_wait3A_85, %dma_wait3A_86] : memref<2x128x64xf32, #tpu.memory_space<vmem>> -> memref<1x128x64xf32, #tpu.memory_space<vmem>>
      %dma_wait3A_88 = tpu.memref_squeeze %dma_wait3A_87 : memref<1x128x64xf32, #tpu.memory_space<vmem>> -> memref<128x64xf32, #tpu.memory_space<vmem>>
      %dma_wait3A_89 = arith.constant 0 : i32
      %dma_wait3A_90 = tpu.memref_slice %arg7[%dma_wait3A, %dma_wait3A_89] : memref<158x128xi32, #tpu.memory_space<vmem>> -> memref<1x128xi32, #tpu.memory_space<vmem>>
      %dma_wait3A_91 = tpu.memref_squeeze %dma_wait3A_90 : memref<1x128xi32, #tpu.memory_space<vmem>> -> memref<128xi32, #tpu.memory_space<vmem>>
      %dma_wait3A_92 = arith.constant 0 : i32
      %dma_wait3A_93 = arith.constant 0 : i32
      %dma_wait3A_94 = tpu.memref_slice %arg2[%dma_wait3A_92, %dma_wait3A_93] : memref<20480x64xf32, #tpu.memory_space<hbm>> -> memref<20480x64xf32, #tpu.memory_space<hbm>>
      tpu.wait_indirect_dma semaphore(%arg11 : memref<!tpu.dma_semaphore, #tpu.memory_space<semaphore_mem>>) src(%dma_wait3A_94 : memref<20480x64xf32, #tpu.memory_space<hbm>>) dst(%dma_wait3A_88 : memref<128x64xf32, #tpu.memory_space<vmem>>)
      %mul3A_95 = arith.constant 2 : i32
      %mul3A_96 = arith.muli %mul3A_95, %scan3A_68 : i32
      %run_scoped3A_97 = arith.constant 0 : i32
      "tpu.region"() ({
        %run_scoped3A_119 = tpu.sem_alloc : memref<!tpu.dma_semaphore, #tpu.memory_space<semaphore_mem>>
        %dma_start3A_120 = arith.constant 0 : i32
        %dma_start3A_121 = arith.constant 0 : i32
        %dma_start3A_122 = tpu.memref_slice %arg9[%run_scoped3A_97, %dma_start3A_120, %dma_start3A_121] : memref<2x128x64xf32, #tpu.memory_space<vmem>> -> memref<1x128x64xf32, #tpu.memory_space<vmem>>
        %dma_start3A_123 = tpu.memref_squeeze %dma_start3A_122 : memref<1x128x64xf32, #tpu.memory_space<vmem>> -> memref<128x64xf32, #tpu.memory_space<vmem>>
        %dma_start3A_124 = arith.constant 0 : i32
        %dma_start3A_125 = tpu.memref_slice %arg8[%mul3A_96, %dma_start3A_124] : memref<158x128xi32, #tpu.memory_space<vmem>> -> memref<1x128xi32, #tpu.memory_space<vmem>>
        %dma_start3A_126 = tpu.memref_squeeze %dma_start3A_125 : memref<1x128xi32, #tpu.memory_space<vmem>> -> memref<128xi32, #tpu.memory_space<vmem>>
        %dma_start3A_127 = arith.constant 0 : i32
        %dma_start3A_128 = arith.constant 0 : i32
        %dma_start3A_129 = tpu.memref_slice %arg10[%dma_start3A_127, %dma_start3A_128] : memref<10240x64xf32, #tpu.memory_space<vmem_shared>> -> memref<10240x64xf32, #tpu.memory_space<vmem_shared>>
        tpu.enqueue_indirect_dma source(%dma_start3A_123 : memref<128x64xf32, #tpu.memory_space<vmem>>) target(%dma_start3A_129 : memref<10240x64xf32, #tpu.memory_space<vmem_shared>>) offsets(%dma_start3A_126 : memref<128xi32, #tpu.memory_space<vmem>>) semaphore(%run_scoped3A_119 : memref<!tpu.dma_semaphore, #tpu.memory_space<semaphore_mem>>) {add = true}
        %dma_wait3A_130 = arith.constant 0 : i32
        %dma_wait3A_131 = arith.constant 0 : i32
        %dma_wait3A_132 = tpu.memref_slice %arg9[%run_scoped3A_97, %dma_wait3A_130, %dma_wait3A_131] : memref<2x128x64xf32, #tpu.memory_space<vmem>> -> memref<1x128x64xf32, #tpu.memory_space<vmem>>
        %dma_wait3A_133 = tpu.memref_squeeze %dma_wait3A_132 : memref<1x128x64xf32, #tpu.memory_space<vmem>> -> memref<128x64xf32, #tpu.memory_space<vmem>>
        %dma_wait3A_134 = arith.constant 0 : i32
        %dma_wait3A_135 = tpu.memref_slice %arg8[%mul3A_96, %dma_wait3A_134] : memref<158x128xi32, #tpu.memory_space<vmem>> -> memref<1x128xi32, #tpu.memory_space<vmem>>
        %dma_wait3A_136 = tpu.memref_squeeze %dma_wait3A_135 : memref<1x128xi32, #tpu.memory_space<vmem>> -> memref<128xi32, #tpu.memory_space<vmem>>
        %dma_wait3A_137 = arith.constant 0 : i32
        %dma_wait3A_138 = arith.constant 0 : i32
        %dma_wait3A_139 = tpu.memref_slice %arg10[%dma_wait3A_137, %dma_wait3A_138] : memref<10240x64xf32, #tpu.memory_space<vmem_shared>> -> memref<10240x64xf32, #tpu.memory_space<vmem_shared>>
        tpu.wait_indirect_dma semaphore(%run_scoped3A_119 : memref<!tpu.dma_semaphore, #tpu.memory_space<semaphore_mem>>) src(%dma_wait3A_133 : memref<128x64xf32, #tpu.memory_space<vmem>>) dst(%dma_wait3A_139 : memref<10240x64xf32, #tpu.memory_space<vmem_shared>>)
        tpu.yield
      }) : () -> ()
      %add3A_98 = arith.constant 1 : i32
      %add3A_99 = arith.addi %scan3A_68, %add3A_98 : i32
      %lt3A = arith.constant 79 : i32
      %lt3A_100 = arith.cmpi slt, %add3A_99, %lt3A : i32
      %convert_element_type3A = arith.extui %lt3A_100 : i1 to i32
      %cond3A = arith.constant 0 : i32
      %cond3A_101 = arith.cmpi ne, %convert_element_type3A, %cond3A : i32
      scf.if %cond3A_101 {
        %mul3A_119 = arith.constant 2 : i32
        %mul3A_120 = arith.muli %mul3A_119, %scan3A_68 : i32
        %add3A_121 = arith.constant 2 : i32
        %add3A_122 = arith.addi %mul3A_120, %add3A_121 : i32
        %dma_start3A_123 = arith.constant 0 : i32
        %dma_start3A_124 = arith.constant 0 : i32
        %dma_start3A_125 = arith.constant 0 : i32
        %dma_start3A_126 = tpu.memref_slice %arg9[%dma_start3A_123, %dma_start3A_124, %dma_start3A_125] : memref<2x128x64xf32, #tpu.memory_space<vmem>> -> memref<1x128x64xf32, #tpu.memory_space<vmem>>
        %dma_start3A_127 = tpu.memref_squeeze %dma_start3A_126 : memref<1x128x64xf32, #tpu.memory_space<vmem>> -> memref<128x64xf32, #tpu.memory_space<vmem>>
        %dma_start3A_128 = arith.constant 0 : i32
        %dma_start3A_129 = tpu.memref_slice %arg7[%add3A_122, %dma_start3A_128] : memref<158x128xi32, #tpu.memory_space<vmem>> -> memref<1x128xi32, #tpu.memory_space<vmem>>
        %dma_start3A_130 = tpu.memref_squeeze %dma_start3A_129 : memref<1x128xi32, #tpu.memory_space<vmem>> -> memref<128xi32, #tpu.memory_space<vmem>>
        %dma_start3A_131 = arith.constant 0 : i32
        %dma_start3A_132 = arith.constant 0 : i32
        %dma_start3A_133 = tpu.memref_slice %arg2[%dma_start3A_131, %dma_start3A_132] : memref<20480x64xf32, #tpu.memory_space<hbm>> -> memref<20480x64xf32, #tpu.memory_space<hbm>>
        tpu.enqueue_indirect_dma source(%dma_start3A_133 : memref<20480x64xf32, #tpu.memory_space<hbm>>) target(%dma_start3A_127 : memref<128x64xf32, #tpu.memory_space<vmem>>) offsets(%dma_start3A_130 : memref<128xi32, #tpu.memory_space<vmem>>) semaphore(%arg11 : memref<!tpu.dma_semaphore, #tpu.memory_space<semaphore_mem>>)
      } else {
      }
      %dma_wait3A_102 = arith.constant 0 : i32
      %dma_wait3A_103 = arith.constant 1 : i32
      %dma_wait3A_104 = arith.constant 0 : i32
      %dma_wait3A_105 = arith.constant 0 : i32
      %dma_wait3A_106 = tpu.memref_slice %arg9[%dma_wait3A_103, %dma_wait3A_104, %dma_wait3A_105] : memref<2x128x64xf32, #tpu.memory_space<vmem>> -> memref<1x128x64xf32, #tpu.memory_space<vmem>>
      %dma_wait3A_107 = tpu.memref_squeeze %dma_wait3A_106 : memref<1x128x64xf32, #tpu.memory_space<vmem>> -> memref<128x64xf32, #tpu.memory_space<vmem>>
      %dma_wait3A_108 = arith.constant 0 : i32
      %dma_wait3A_109 = tpu.memref_slice %arg7[%dma_wait3A_102, %dma_wait3A_108] : memref<158x128xi32, #tpu.memory_space<vmem>> -> memref<1x128xi32, #tpu.memory_space<vmem>>
      %dma_wait3A_110 = tpu.memref_squeeze %dma_wait3A_109 : memref<1x128xi32, #tpu.memory_space<vmem>> -> memref<128xi32, #tpu.memory_space<vmem>>
      %dma_wait3A_111 = arith.constant 0 : i32
      %dma_wait3A_112 = arith.constant 0 : i32
      %dma_wait3A_113 = tpu.memref_slice %arg2[%dma_wait3A_111, %dma_wait3A_112] : memref<20480x64xf32, #tpu.memory_space<hbm>> -> memref<20480x64xf32, #tpu.memory_space<hbm>>
      tpu.wait_indirect_dma semaphore(%arg12 : memref<!tpu.dma_semaphore, #tpu.memory_space<semaphore_mem>>) src(%dma_wait3A_113 : memref<20480x64xf32, #tpu.memory_space<hbm>>) dst(%dma_wait3A_107 : memref<128x64xf32, #tpu.memory_space<vmem>>)
      %mul3A_114 = arith.constant 2 : i32
      %mul3A_115 = arith.muli %mul3A_114, %scan3A_68 : i32
      %add3A_116 = arith.constant 1 : i32
      %add3A_117 = arith.addi %mul3A_115, %add3A_116 : i32
      %run_scoped3A_118 = arith.constant 1 : i32
      "tpu.region"() ({
        %run_scoped3A_119 = tpu.sem_alloc : memref<!tpu.dma_semaphore, #tpu.memory_space<semaphore_mem>>
        %dma_start3A_120 = arith.constant 0 : i32
        %dma_start3A_121 = arith.constant 0 : i32
        %dma_start3A_122 = tpu.memref_slice %arg9[%run_scoped3A_118, %dma_start3A_120, %dma_start3A_121] : memref<2x128x64xf32, #tpu.memory_space<vmem>> -> memref<1x128x64xf32, #tpu.memory_space<vmem>>
        %dma_start3A_123 = tpu.memref_squeeze %dma_start3A_122 : memref<1x128x64xf32, #tpu.memory_space<vmem>> -> memref<128x64xf32, #tpu.memory_space<vmem>>
        %dma_start3A_124 = arith.constant 0 : i32
        %dma_start3A_125 = tpu.memref_slice %arg8[%add3A_117, %dma_start3A_124] : memref<158x128xi32, #tpu.memory_space<vmem>> -> memref<1x128xi32, #tpu.memory_space<vmem>>
        %dma_start3A_126 = tpu.memref_squeeze %dma_start3A_125 : memref<1x128xi32, #tpu.memory_space<vmem>> -> memref<128xi32, #tpu.memory_space<vmem>>
        %dma_start3A_127 = arith.constant 0 : i32
        %dma_start3A_128 = arith.constant 0 : i32
        %dma_start3A_129 = tpu.memref_slice %arg10[%dma_start3A_127, %dma_start3A_128] : memref<10240x64xf32, #tpu.memory_space<vmem_shared>> -> memref<10240x64xf32, #tpu.memory_space<vmem_shared>>
        tpu.enqueue_indirect_dma source(%dma_start3A_123 : memref<128x64xf32, #tpu.memory_space<vmem>>) target(%dma_start3A_129 : memref<10240x64xf32, #tpu.memory_space<vmem_shared>>) offsets(%dma_start3A_126 : memref<128xi32, #tpu.memory_space<vmem>>) semaphore(%run_scoped3A_119 : memref<!tpu.dma_semaphore, #tpu.memory_space<semaphore_mem>>) {add = true}
        %dma_wait3A_130 = arith.constant 0 : i32
        %dma_wait3A_131 = arith.constant 0 : i32
        %dma_wait3A_132 = tpu.memref_slice %arg9[%run_scoped3A_118, %dma_wait3A_130, %dma_wait3A_131] : memref<2x128x64xf32, #tpu.memory_space<vmem>> -> memref<1x128x64xf32, #tpu.memory_space<vmem>>
        %dma_wait3A_133 = tpu.memref_squeeze %dma_wait3A_132 : memref<1x128x64xf32, #tpu.memory_space<vmem>> -> memref<128x64xf32, #tpu.memory_space<vmem>>
        %dma_wait3A_134 = arith.constant 0 : i32
        %dma_wait3A_135 = tpu.memref_slice %arg8[%add3A_117, %dma_wait3A_134] : memref<158x128xi32, #tpu.memory_space<vmem>> -> memref<1x128xi32, #tpu.memory_space<vmem>>
        %dma_wait3A_136 = tpu.memref_squeeze %dma_wait3A_135 : memref<1x128xi32, #tpu.memory_space<vmem>> -> memref<128xi32, #tpu.memory_space<vmem>>
        %dma_wait3A_137 = arith.constant 0 : i32
        %dma_wait3A_138 = arith.constant 0 : i32
        %dma_wait3A_139 = tpu.memref_slice %arg10[%dma_wait3A_137, %dma_wait3A_138] : memref<10240x64xf32, #tpu.memory_space<vmem_shared>> -> memref<10240x64xf32, #tpu.memory_space<vmem_shared>>
        tpu.wait_indirect_dma semaphore(%run_scoped3A_119 : memref<!tpu.dma_semaphore, #tpu.memory_space<semaphore_mem>>) src(%dma_wait3A_133 : memref<128x64xf32, #tpu.memory_space<vmem>>) dst(%dma_wait3A_139 : memref<10240x64xf32, #tpu.memory_space<vmem_shared>>)
        tpu.yield
      }) : () -> ()
    }
    %scan3A_36 = arith.constant 79 : i32
    %barrier3A_37 = arith.constant 0 : index
    tpu.barrier barrier_id(%barrier3A_37)
    %add3A_38 = arith.constant 0 : i32
    %add3A_39 = arith.addi %mul3A_0, %add3A_38 : i32
    %run_scoped3A_40 = arith.constant 0 : i32
    "tpu.region"() ({
      %run_scoped3A_68 = tpu.sem_alloc : memref<!tpu.dma_semaphore, #tpu.memory_space<semaphore_mem>>
      %dma_start3A_69 = arith.constant 0 : i32
      %dma_start3A_70 = arith.constant 0 : i32
      %dma_start3A_71 = tpu.memref_slice %arg9[%run_scoped3A_40, %dma_start3A_69, %dma_start3A_70] : memref<2x128x64xf32, #tpu.memory_space<vmem>> -> memref<1x128x64xf32, #tpu.memory_space<vmem>>
      %dma_start3A_72 = tpu.memref_squeeze %dma_start3A_71 : memref<1x128x64xf32, #tpu.memory_space<vmem>> -> memref<128x64xf32, #tpu.memory_space<vmem>>
      %dma_start3A_73 = arith.constant 0 : i32
      %dma_start3A_74 = tpu.memref_slice %arg10[%add3A_39, %dma_start3A_73] : memref<10240x64xf32, #tpu.memory_space<vmem_shared>> -> memref<128x64xf32, #tpu.memory_space<vmem_shared>>
      %dma_start3A_75 = arith.constant 0 : i32
      %dma_start3A_76 = arith.constant 0 : i32
      %dma_start3A_77 = tpu.memref_slice %arg9[%run_scoped3A_40, %dma_start3A_75, %dma_start3A_76] : memref<2x128x64xf32, #tpu.memory_space<vmem>> -> memref<1x128x64xf32, #tpu.memory_space<vmem>>
      %dma_start3A_78 = tpu.memref_squeeze %dma_start3A_77 : memref<1x128x64xf32, #tpu.memory_space<vmem>> -> memref<128x64xf32, #tpu.memory_space<vmem>>
      %dma_start3A_79 = arith.constant 0 : i32
      %dma_start3A_80 = tpu.memref_slice %arg10[%add3A_39, %dma_start3A_79] : memref<10240x64xf32, #tpu.memory_space<vmem_shared>> -> memref<128x64xf32, #tpu.memory_space<vmem_shared>>
      tpu.enqueue_dma source(%dma_start3A_80 : memref<128x64xf32, #tpu.memory_space<vmem_shared>>) target(%dma_start3A_78 : memref<128x64xf32, #tpu.memory_space<vmem>>) target_semaphore(%run_scoped3A_68 : memref<!tpu.dma_semaphore, #tpu.memory_space<semaphore_mem>>)
      %dma_wait3A = arith.constant 0 : i32
      %dma_wait3A_81 = arith.constant 0 : i32
      %dma_wait3A_82 = tpu.memref_slice %arg9[%run_scoped3A_40, %dma_wait3A, %dma_wait3A_81] : memref<2x128x64xf32, #tpu.memory_space<vmem>> -> memref<1x128x64xf32, #tpu.memory_space<vmem>>
      %dma_wait3A_83 = tpu.memref_squeeze %dma_wait3A_82 : memref<1x128x64xf32, #tpu.memory_space<vmem>> -> memref<128x64xf32, #tpu.memory_space<vmem>>
      %dma_wait3A_84 = arith.constant 0 : i32
      %dma_wait3A_85 = tpu.memref_slice %arg10[%add3A_39, %dma_wait3A_84] : memref<10240x64xf32, #tpu.memory_space<vmem_shared>> -> memref<128x64xf32, #tpu.memory_space<vmem_shared>>
      %dma_wait3A_86 = arith.constant 0 : i32
      %dma_wait3A_87 = arith.constant 0 : i32
      %dma_wait3A_88 = tpu.memref_slice %arg9[%run_scoped3A_40, %dma_wait3A_86, %dma_wait3A_87] : memref<2x128x64xf32, #tpu.memory_space<vmem>> -> memref<1x128x64xf32, #tpu.memory_space<vmem>>
      %dma_wait3A_89 = tpu.memref_squeeze %dma_wait3A_88 : memref<1x128x64xf32, #tpu.memory_space<vmem>> -> memref<128x64xf32, #tpu.memory_space<vmem>>
      %dma_wait3A_90 = arith.constant 0 : i32
      %dma_wait3A_91 = tpu.memref_slice %arg10[%add3A_39, %dma_wait3A_90] : memref<10240x64xf32, #tpu.memory_space<vmem_shared>> -> memref<128x64xf32, #tpu.memory_space<vmem_shared>>
      tpu.wait_dma2 semaphore(%run_scoped3A_68 : memref<!tpu.dma_semaphore, #tpu.memory_space<semaphore_mem>>) src(%dma_wait3A_91 : memref<128x64xf32, #tpu.memory_space<vmem_shared>>) dst(%dma_wait3A_89 : memref<128x64xf32, #tpu.memory_space<vmem>>)
      tpu.yield
    }) : () -> ()
    %add3A_41 = arith.constant 0 : i32
    %add3A_42 = arith.addi %mul3A_0, %add3A_41 : i32
    %run_scoped3A_43 = arith.constant 0 : i32
    "tpu.region"() ({
      %run_scoped3A_68 = tpu.sem_alloc : memref<!tpu.dma_semaphore, #tpu.memory_space<semaphore_mem>>
      %dma_start3A_69 = arith.constant 0 : i32
      %dma_start3A_70 = arith.constant 0 : i32
      %dma_start3A_71 = tpu.memref_slice %arg9[%run_scoped3A_43, %dma_start3A_69, %dma_start3A_70] : memref<2x128x64xf32, #tpu.memory_space<vmem>> -> memref<1x128x64xf32, #tpu.memory_space<vmem>>
      %dma_start3A_72 = tpu.memref_squeeze %dma_start3A_71 : memref<1x128x64xf32, #tpu.memory_space<vmem>> -> memref<128x64xf32, #tpu.memory_space<vmem>>
      %dma_start3A_73 = arith.constant 0 : i32
      %dma_start3A_74 = tpu.memref_slice %arg6[%arg0, %add3A_42, %dma_start3A_73] : memref<2x10240x64xf32, #tpu.memory_space<hbm>> -> memref<1x128x64xf32, #tpu.memory_space<hbm>>
      %dma_start3A_75 = tpu.memref_squeeze %dma_start3A_74 : memref<1x128x64xf32, #tpu.memory_space<hbm>> -> memref<128x64xf32, #tpu.memory_space<hbm>>
      %dma_start3A_76 = arith.constant 0 : i32
      %dma_start3A_77 = tpu.memref_slice %arg6[%arg0, %add3A_42, %dma_start3A_76] : memref<2x10240x64xf32, #tpu.memory_space<hbm>> -> memref<1x128x64xf32, #tpu.memory_space<hbm>>
      %dma_start3A_78 = tpu.memref_squeeze %dma_start3A_77 : memref<1x128x64xf32, #tpu.memory_space<hbm>> -> memref<128x64xf32, #tpu.memory_space<hbm>>
      %dma_start3A_79 = arith.constant 0 : i32
      %dma_start3A_80 = arith.constant 0 : i32
      %dma_start3A_81 = tpu.memref_slice %arg9[%run_scoped3A_43, %dma_start3A_79, %dma_start3A_80] : memref<2x128x64xf32, #tpu.memory_space<vmem>> -> memref<1x128x64xf32, #tpu.memory_space<vmem>>
      %dma_start3A_82 = tpu.memref_squeeze %dma_start3A_81 : memref<1x128x64xf32, #tpu.memory_space<vmem>> -> memref<128x64xf32, #tpu.memory_space<vmem>>
      tpu.enqueue_dma source(%dma_start3A_82 : memref<128x64xf32, #tpu.memory_space<vmem>>) target(%dma_start3A_78 : memref<128x64xf32, #tpu.memory_space<hbm>>) target_semaphore(%run_scoped3A_68 : memref<!tpu.dma_semaphore, #tpu.memory_space<semaphore_mem>>)
      %dma_wait3A = arith.constant 0 : i32
      %dma_wait3A_83 = arith.constant 0 : i32
      %dma_wait3A_84 = tpu.memref_slice %arg9[%run_scoped3A_43, %dma_wait3A, %dma_wait3A_83] : memref<2x128x64xf32, #tpu.memory_space<vmem>> -> memref<1x128x64xf32, #tpu.memory_space<vmem>>
      %dma_wait3A_85 = tpu.memref_squeeze %dma_wait3A_84 : memref<1x128x64xf32, #tpu.memory_space<vmem>> -> memref<128x64xf32, #tpu.memory_space<vmem>>
      %dma_wait3A_86 = arith.constant 0 : i32
      %dma_wait3A_87 = tpu.memref_slice %arg6[%arg0, %add3A_42, %dma_wait3A_86] : memref<2x10240x64xf32, #tpu.memory_space<hbm>> -> memref<1x128x64xf32, #tpu.memory_space<hbm>>
      %dma_wait3A_88 = tpu.memref_squeeze %dma_wait3A_87 : memref<1x128x64xf32, #tpu.memory_space<hbm>> -> memref<128x64xf32, #tpu.memory_space<hbm>>
      %dma_wait3A_89 = arith.constant 0 : i32
      %dma_wait3A_90 = tpu.memref_slice %arg6[%arg0, %add3A_42, %dma_wait3A_89] : memref<2x10240x64xf32, #tpu.memory_space<hbm>> -> memref<1x128x64xf32, #tpu.memory_space<hbm>>
      %dma_wait3A_91 = tpu.memref_squeeze %dma_wait3A_90 : memref<1x128x64xf32, #tpu.memory_space<hbm>> -> memref<128x64xf32, #tpu.memory_space<hbm>>
      %dma_wait3A_92 = arith.constant 0 : i32
      %dma_wait3A_93 = arith.constant 0 : i32
      %dma_wait3A_94 = tpu.memref_slice %arg9[%run_scoped3A_43, %dma_wait3A_92, %dma_wait3A_93] : memref<2x128x64xf32, #tpu.memory_space<vmem>> -> memref<1x128x64xf32, #tpu.memory_space<vmem>>
      %dma_wait3A_95 = tpu.memref_squeeze %dma_wait3A_94 : memref<1x128x64xf32, #tpu.memory_space<vmem>> -> memref<128x64xf32, #tpu.memory_space<vmem>>
      tpu.wait_dma2 semaphore(%run_scoped3A_68 : memref<!tpu.dma_semaphore, #tpu.memory_space<semaphore_mem>>) src(%dma_wait3A_95 : memref<128x64xf32, #tpu.memory_space<vmem>>) dst(%dma_wait3A_91 : memref<128x64xf32, #tpu.memory_space<hbm>>)
      tpu.yield
    }) : () -> ()
    %add3A_44 = arith.constant 128 : i32
    %add3A_45 = arith.addi %mul3A_0, %add3A_44 : i32
    %run_scoped3A_46 = arith.constant 0 : i32
    "tpu.region"() ({
      %run_scoped3A_68 = tpu.sem_alloc : memref<!tpu.dma_semaphore, #tpu.memory_space<semaphore_mem>>
      %dma_start3A_69 = arith.constant 0 : i32
      %dma_start3A_70 = arith.constant 0 : i32
      %dma_start3A_71 = tpu.memref_slice %arg9[%run_scoped3A_46, %dma_start3A_69, %dma_start3A_70] : memref<2x128x64xf32, #tpu.memory_space<vmem>> -> memref<1x128x64xf32, #tpu.memory_space<vmem>>
      %dma_start3A_72 = tpu.memref_squeeze %dma_start3A_71 : memref<1x128x64xf32, #tpu.memory_space<vmem>> -> memref<128x64xf32, #tpu.memory_space<vmem>>
      %dma_start3A_73 = arith.constant 0 : i32
      %dma_start3A_74 = tpu.memref_slice %arg10[%add3A_45, %dma_start3A_73] : memref<10240x64xf32, #tpu.memory_space<vmem_shared>> -> memref<128x64xf32, #tpu.memory_space<vmem_shared>>
      %dma_start3A_75 = arith.constant 0 : i32
      %dma_start3A_76 = arith.constant 0 : i32
      %dma_start3A_77 = tpu.memref_slice %arg9[%run_scoped3A_46, %dma_start3A_75, %dma_start3A_76] : memref<2x128x64xf32, #tpu.memory_space<vmem>> -> memref<1x128x64xf32, #tpu.memory_space<vmem>>
      %dma_start3A_78 = tpu.memref_squeeze %dma_start3A_77 : memref<1x128x64xf32, #tpu.memory_space<vmem>> -> memref<128x64xf32, #tpu.memory_space<vmem>>
      %dma_start3A_79 = arith.constant 0 : i32
      %dma_start3A_80 = tpu.memref_slice %arg10[%add3A_45, %dma_start3A_79] : memref<10240x64xf32, #tpu.memory_space<vmem_shared>> -> memref<128x64xf32, #tpu.memory_space<vmem_shared>>
      tpu.enqueue_dma source(%dma_start3A_80 : memref<128x64xf32, #tpu.memory_space<vmem_shared>>) target(%dma_start3A_78 : memref<128x64xf32, #tpu.memory_space<vmem>>) target_semaphore(%run_scoped3A_68 : memref<!tpu.dma_semaphore, #tpu.memory_space<semaphore_mem>>)
      %dma_wait3A = arith.constant 0 : i32
      %dma_wait3A_81 = arith.constant 0 : i32
      %dma_wait3A_82 = tpu.memref_slice %arg9[%run_scoped3A_46, %dma_wait3A, %dma_wait3A_81] : memref<2x128x64xf32, #tpu.memory_space<vmem>> -> memref<1x128x64xf32, #tpu.memory_space<vmem>>
      %dma_wait3A_83 = tpu.memref_squeeze %dma_wait3A_82 : memref<1x128x64xf32, #tpu.memory_space<vmem>> -> memref<128x64xf32, #tpu.memory_space<vmem>>
      %dma_wait3A_84 = arith.constant 0 : i32
      %dma_wait3A_85 = tpu.memref_slice %arg10[%add3A_45, %dma_wait3A_84] : memref<10240x64xf32, #tpu.memory_space<vmem_shared>> -> memref<128x64xf32, #tpu.memory_space<vmem_shared>>
      %dma_wait3A_86 = arith.constant 0 : i32
      %dma_wait3A_87 = arith.constant 0 : i32
      %dma_wait3A_88 = tpu.memref_slice %arg9[%run_scoped3A_46, %dma_wait3A_86, %dma_wait3A_87] : memref<2x128x64xf32, #tpu.memory_space<vmem>> -> memref<1x128x64xf32, #tpu.memory_space<vmem>>
      %dma_wait3A_89 = tpu.memref_squeeze %dma_wait3A_88 : memref<1x128x64xf32, #tpu.memory_space<vmem>> -> memref<128x64xf32, #tpu.memory_space<vmem>>
      %dma_wait3A_90 = arith.constant 0 : i32
      %dma_wait3A_91 = tpu.memref_slice %arg10[%add3A_45, %dma_wait3A_90] : memref<10240x64xf32, #tpu.memory_space<vmem_shared>> -> memref<128x64xf32, #tpu.memory_space<vmem_shared>>
      tpu.wait_dma2 semaphore(%run_scoped3A_68 : memref<!tpu.dma_semaphore, #tpu.memory_space<semaphore_mem>>) src(%dma_wait3A_91 : memref<128x64xf32, #tpu.memory_space<vmem_shared>>) dst(%dma_wait3A_89 : memref<128x64xf32, #tpu.memory_space<vmem>>)
      tpu.yield
    }) : () -> ()
    %add3A_47 = arith.constant 128 : i32
    %add3A_48 = arith.addi %mul3A_0, %add3A_47 : i32
    %run_scoped3A_49 = arith.constant 0 : i32
    "tpu.region"() ({
      %run_scoped3A_68 = tpu.sem_alloc : memref<!tpu.dma_semaphore, #tpu.memory_space<semaphore_mem>>
      %dma_start3A_69 = arith.constant 0 : i32
      %dma_start3A_70 = arith.constant 0 : i32
      %dma_start3A_71 = tpu.memref_slice %arg9[%run_scoped3A_49, %dma_start3A_69, %dma_start3A_70] : memref<2x128x64xf32, #tpu.memory_space<vmem>> -> memref<1x128x64xf32, #tpu.memory_space<vmem>>
      %dma_start3A_72 = tpu.memref_squeeze %dma_start3A_71 : memref<1x128x64xf32, #tpu.memory_space<vmem>> -> memref<128x64xf32, #tpu.memory_space<vmem>>
      %dma_start3A_73 = arith.constant 0 : i32
      %dma_start3A_74 = tpu.memref_slice %arg6[%arg0, %add3A_48, %dma_start3A_73] : memref<2x10240x64xf32, #tpu.memory_space<hbm>> -> memref<1x128x64xf32, #tpu.memory_space<hbm>>
      %dma_start3A_75 = tpu.memref_squeeze %dma_start3A_74 : memref<1x128x64xf32, #tpu.memory_space<hbm>> -> memref<128x64xf32, #tpu.memory_space<hbm>>
      %dma_start3A_76 = arith.constant 0 : i32
      %dma_start3A_77 = tpu.memref_slice %arg6[%arg0, %add3A_48, %dma_start3A_76] : memref<2x10240x64xf32, #tpu.memory_space<hbm>> -> memref<1x128x64xf32, #tpu.memory_space<hbm>>
      %dma_start3A_78 = tpu.memref_squeeze %dma_start3A_77 : memref<1x128x64xf32, #tpu.memory_space<hbm>> -> memref<128x64xf32, #tpu.memory_space<hbm>>
      %dma_start3A_79 = arith.constant 0 : i32
      %dma_start3A_80 = arith.constant 0 : i32
      %dma_start3A_81 = tpu.memref_slice %arg9[%run_scoped3A_49, %dma_start3A_79, %dma_start3A_80] : memref<2x128x64xf32, #tpu.memory_space<vmem>> -> memref<1x128x64xf32, #tpu.memory_space<vmem>>
      %dma_start3A_82 = tpu.memref_squeeze %dma_start3A_81 : memref<1x128x64xf32, #tpu.memory_space<vmem>> -> memref<128x64xf32, #tpu.memory_space<vmem>>
      tpu.enqueue_dma source(%dma_start3A_82 : memref<128x64xf32, #tpu.memory_space<vmem>>) target(%dma_start3A_78 : memref<128x64xf32, #tpu.memory_space<hbm>>) target_semaphore(%run_scoped3A_68 : memref<!tpu.dma_semaphore, #tpu.memory_space<semaphore_mem>>)
      %dma_wait3A = arith.constant 0 : i32
      %dma_wait3A_83 = arith.constant 0 : i32
      %dma_wait3A_84 = tpu.memref_slice %arg9[%run_scoped3A_49, %dma_wait3A, %dma_wait3A_83] : memref<2x128x64xf32, #tpu.memory_space<vmem>> -> memref<1x128x64xf32, #tpu.memory_space<vmem>>
      %dma_wait3A_85 = tpu.memref_squeeze %dma_wait3A_84 : memref<1x128x64xf32, #tpu.memory_space<vmem>> -> memref<128x64xf32, #tpu.memory_space<vmem>>
      %dma_wait3A_86 = arith.constant 0 : i32
      %dma_wait3A_87 = tpu.memref_slice %arg6[%arg0, %add3A_48, %dma_wait3A_86] : memref<2x10240x64xf32, #tpu.memory_space<hbm>> -> memref<1x128x64xf32, #tpu.memory_space<hbm>>
      %dma_wait3A_88 = tpu.memref_squeeze %dma_wait3A_87 : memref<1x128x64xf32, #tpu.memory_space<hbm>> -> memref<128x64xf32, #tpu.memory_space<hbm>>
      %dma_wait3A_89 = arith.constant 0 : i32
      %dma_wait3A_90 = tpu.memref_slice %arg6[%arg0, %add3A_48, %dma_wait3A_89] : memref<2x10240x64xf32, #tpu.memory_space<hbm>> -> memref<1x128x64xf32, #tpu.memory_space<hbm>>
      %dma_wait3A_91 = tpu.memref_squeeze %dma_wait3A_90 : memref<1x128x64xf32, #tpu.memory_space<hbm>> -> memref<128x64xf32, #tpu.memory_space<hbm>>
      %dma_wait3A_92 = arith.constant 0 : i32
      %dma_wait3A_93 = arith.constant 0 : i32
      %dma_wait3A_94 = tpu.memref_slice %arg9[%run_scoped3A_49, %dma_wait3A_92, %dma_wait3A_93] : memref<2x128x64xf32, #tpu.memory_space<vmem>> -> memref<1x128x64xf32, #tpu.memory_space<vmem>>
      %dma_wait3A_95 = tpu.memref_squeeze %dma_wait3A_94 : memref<1x128x64xf32, #tpu.memory_space<vmem>> -> memref<128x64xf32, #tpu.memory_space<vmem>>
      tpu.wait_dma2 semaphore(%run_scoped3A_68 : memref<!tpu.dma_semaphore, #tpu.memory_space<semaphore_mem>>) src(%dma_wait3A_95 : memref<128x64xf32, #tpu.memory_space<vmem>>) dst(%dma_wait3A_91 : memref<128x64xf32, #tpu.memory_space<hbm>>)
      tpu.yield
    }) : () -> ()
    %add3A_50 = arith.constant 256 : i32
    %add3A_51 = arith.addi %mul3A_0, %add3A_50 : i32
    %run_scoped3A_52 = arith.constant 0 : i32
    "tpu.region"() ({
      %run_scoped3A_68 = tpu.sem_alloc : memref<!tpu.dma_semaphore, #tpu.memory_space<semaphore_mem>>
      %dma_start3A_69 = arith.constant 0 : i32
      %dma_start3A_70 = arith.constant 0 : i32
      %dma_start3A_71 = tpu.memref_slice %arg9[%run_scoped3A_52, %dma_start3A_69, %dma_start3A_70] : memref<2x128x64xf32, #tpu.memory_space<vmem>> -> memref<1x128x64xf32, #tpu.memory_space<vmem>>
      %dma_start3A_72 = tpu.memref_squeeze %dma_start3A_71 : memref<1x128x64xf32, #tpu.memory_space<vmem>> -> memref<128x64xf32, #tpu.memory_space<vmem>>
      %dma_start3A_73 = arith.constant 0 : i32
      %dma_start3A_74 = tpu.memref_slice %arg10[%add3A_51, %dma_start3A_73] : memref<10240x64xf32, #tpu.memory_space<vmem_shared>> -> memref<128x64xf32, #tpu.memory_space<vmem_shared>>
      %dma_start3A_75 = arith.constant 0 : i32
      %dma_start3A_76 = arith.constant 0 : i32
      %dma_start3A_77 = tpu.memref_slice %arg9[%run_scoped3A_52, %dma_start3A_75, %dma_start3A_76] : memref<2x128x64xf32, #tpu.memory_space<vmem>> -> memref<1x128x64xf32, #tpu.memory_space<vmem>>
      %dma_start3A_78 = tpu.memref_squeeze %dma_start3A_77 : memref<1x128x64xf32, #tpu.memory_space<vmem>> -> memref<128x64xf32, #tpu.memory_space<vmem>>
      %dma_start3A_79 = arith.constant 0 : i32
      %dma_start3A_80 = tpu.memref_slice %arg10[%add3A_51, %dma_start3A_79] : memref<10240x64xf32, #tpu.memory_space<vmem_shared>> -> memref<128x64xf32, #tpu.memory_space<vmem_shared>>
      tpu.enqueue_dma source(%dma_start3A_80 : memref<128x64xf32, #tpu.memory_space<vmem_shared>>) target(%dma_start3A_78 : memref<128x64xf32, #tpu.memory_space<vmem>>) target_semaphore(%run_scoped3A_68 : memref<!tpu.dma_semaphore, #tpu.memory_space<semaphore_mem>>)
      %dma_wait3A = arith.constant 0 : i32
      %dma_wait3A_81 = arith.constant 0 : i32
      %dma_wait3A_82 = tpu.memref_slice %arg9[%run_scoped3A_52, %dma_wait3A, %dma_wait3A_81] : memref<2x128x64xf32, #tpu.memory_space<vmem>> -> memref<1x128x64xf32, #tpu.memory_space<vmem>>
      %dma_wait3A_83 = tpu.memref_squeeze %dma_wait3A_82 : memref<1x128x64xf32, #tpu.memory_space<vmem>> -> memref<128x64xf32, #tpu.memory_space<vmem>>
      %dma_wait3A_84 = arith.constant 0 : i32
      %dma_wait3A_85 = tpu.memref_slice %arg10[%add3A_51, %dma_wait3A_84] : memref<10240x64xf32, #tpu.memory_space<vmem_shared>> -> memref<128x64xf32, #tpu.memory_space<vmem_shared>>
      %dma_wait3A_86 = arith.constant 0 : i32
      %dma_wait3A_87 = arith.constant 0 : i32
      %dma_wait3A_88 = tpu.memref_slice %arg9[%run_scoped3A_52, %dma_wait3A_86, %dma_wait3A_87] : memref<2x128x64xf32, #tpu.memory_space<vmem>> -> memref<1x128x64xf32, #tpu.memory_space<vmem>>
      %dma_wait3A_89 = tpu.memref_squeeze %dma_wait3A_88 : memref<1x128x64xf32, #tpu.memory_space<vmem>> -> memref<128x64xf32, #tpu.memory_space<vmem>>
      %dma_wait3A_90 = arith.constant 0 : i32
      %dma_wait3A_91 = tpu.memref_slice %arg10[%add3A_51, %dma_wait3A_90] : memref<10240x64xf32, #tpu.memory_space<vmem_shared>> -> memref<128x64xf32, #tpu.memory_space<vmem_shared>>
      tpu.wait_dma2 semaphore(%run_scoped3A_68 : memref<!tpu.dma_semaphore, #tpu.memory_space<semaphore_mem>>) src(%dma_wait3A_91 : memref<128x64xf32, #tpu.memory_space<vmem_shared>>) dst(%dma_wait3A_89 : memref<128x64xf32, #tpu.memory_space<vmem>>)
      tpu.yield
    }) : () -> ()
    %add3A_53 = arith.constant 256 : i32
    %add3A_54 = arith.addi %mul3A_0, %add3A_53 : i32
    %run_scoped3A_55 = arith.constant 0 : i32
    "tpu.region"() ({
      %run_scoped3A_68 = tpu.sem_alloc : memref<!tpu.dma_semaphore, #tpu.memory_space<semaphore_mem>>
      %dma_start3A_69 = arith.constant 0 : i32
      %dma_start3A_70 = arith.constant 0 : i32
      %dma_start3A_71 = tpu.memref_slice %arg9[%run_scoped3A_55, %dma_start3A_69, %dma_start3A_70] : memref<2x128x64xf32, #tpu.memory_space<vmem>> -> memref<1x128x64xf32, #tpu.memory_space<vmem>>
      %dma_start3A_72 = tpu.memref_squeeze %dma_start3A_71 : memref<1x128x64xf32, #tpu.memory_space<vmem>> -> memref<128x64xf32, #tpu.memory_space<vmem>>
      %dma_start3A_73 = arith.constant 0 : i32
      %dma_start3A_74 = tpu.memref_slice %arg6[%arg0, %add3A_54, %dma_start3A_73] : memref<2x10240x64xf32, #tpu.memory_space<hbm>> -> memref<1x128x64xf32, #tpu.memory_space<hbm>>
      %dma_start3A_75 = tpu.memref_squeeze %dma_start3A_74 : memref<1x128x64xf32, #tpu.memory_space<hbm>> -> memref<128x64xf32, #tpu.memory_space<hbm>>
      %dma_start3A_76 = arith.constant 0 : i32
      %dma_start3A_77 = tpu.memref_slice %arg6[%arg0, %add3A_54, %dma_start3A_76] : memref<2x10240x64xf32, #tpu.memory_space<hbm>> -> memref<1x128x64xf32, #tpu.memory_space<hbm>>
      %dma_start3A_78 = tpu.memref_squeeze %dma_start3A_77 : memref<1x128x64xf32, #tpu.memory_space<hbm>> -> memref<128x64xf32, #tpu.memory_space<hbm>>
      %dma_start3A_79 = arith.constant 0 : i32
      %dma_start3A_80 = arith.constant 0 : i32
      %dma_start3A_81 = tpu.memref_slice %arg9[%run_scoped3A_55, %dma_start3A_79, %dma_start3A_80] : memref<2x128x64xf32, #tpu.memory_space<vmem>> -> memref<1x128x64xf32, #tpu.memory_space<vmem>>
      %dma_start3A_82 = tpu.memref_squeeze %dma_start3A_81 : memref<1x128x64xf32, #tpu.memory_space<vmem>> -> memref<128x64xf32, #tpu.memory_space<vmem>>
      tpu.enqueue_dma source(%dma_start3A_82 : memref<128x64xf32, #tpu.memory_space<vmem>>) target(%dma_start3A_78 : memref<128x64xf32, #tpu.memory_space<hbm>>) target_semaphore(%run_scoped3A_68 : memref<!tpu.dma_semaphore, #tpu.memory_space<semaphore_mem>>)
      %dma_wait3A = arith.constant 0 : i32
      %dma_wait3A_83 = arith.constant 0 : i32
      %dma_wait3A_84 = tpu.memref_slice %arg9[%run_scoped3A_55, %dma_wait3A, %dma_wait3A_83] : memref<2x128x64xf32, #tpu.memory_space<vmem>> -> memref<1x128x64xf32, #tpu.memory_space<vmem>>
      %dma_wait3A_85 = tpu.memref_squeeze %dma_wait3A_84 : memref<1x128x64xf32, #tpu.memory_space<vmem>> -> memref<128x64xf32, #tpu.memory_space<vmem>>
      %dma_wait3A_86 = arith.constant 0 : i32
      %dma_wait3A_87 = tpu.memref_slice %arg6[%arg0, %add3A_54, %dma_wait3A_86] : memref<2x10240x64xf32, #tpu.memory_space<hbm>> -> memref<1x128x64xf32, #tpu.memory_space<hbm>>
      %dma_wait3A_88 = tpu.memref_squeeze %dma_wait3A_87 : memref<1x128x64xf32, #tpu.memory_space<hbm>> -> memref<128x64xf32, #tpu.memory_space<hbm>>
      %dma_wait3A_89 = arith.constant 0 : i32
      %dma_wait3A_90 = tpu.memref_slice %arg6[%arg0, %add3A_54, %dma_wait3A_89] : memref<2x10240x64xf32, #tpu.memory_space<hbm>> -> memref<1x128x64xf32, #tpu.memory_space<hbm>>
      %dma_wait3A_91 = tpu.memref_squeeze %dma_wait3A_90 : memref<1x128x64xf32, #tpu.memory_space<hbm>> -> memref<128x64xf32, #tpu.memory_space<hbm>>
      %dma_wait3A_92 = arith.constant 0 : i32
      %dma_wait3A_93 = arith.constant 0 : i32
      %dma_wait3A_94 = tpu.memref_slice %arg9[%run_scoped3A_55, %dma_wait3A_92, %dma_wait3A_93] : memref<2x128x64xf32, #tpu.memory_space<vmem>> -> memref<1x128x64xf32, #tpu.memory_space<vmem>>
      %dma_wait3A_95 = tpu.memref_squeeze %dma_wait3A_94 : memref<1x128x64xf32, #tpu.memory_space<vmem>> -> memref<128x64xf32, #tpu.memory_space<vmem>>
      tpu.wait_dma2 semaphore(%run_scoped3A_68 : memref<!tpu.dma_semaphore, #tpu.memory_space<semaphore_mem>>) src(%dma_wait3A_95 : memref<128x64xf32, #tpu.memory_space<vmem>>) dst(%dma_wait3A_91 : memref<128x64xf32, #tpu.memory_space<hbm>>)
      tpu.yield
    }) : () -> ()
    %add3A_56 = arith.constant 384 : i32
    %add3A_57 = arith.addi %mul3A_0, %add3A_56 : i32
    %run_scoped3A_58 = arith.constant 0 : i32
    "tpu.region"() ({
      %run_scoped3A_68 = tpu.sem_alloc : memref<!tpu.dma_semaphore, #tpu.memory_space<semaphore_mem>>
      %dma_start3A_69 = arith.constant 0 : i32
      %dma_start3A_70 = arith.constant 0 : i32
      %dma_start3A_71 = tpu.memref_slice %arg9[%run_scoped3A_58, %dma_start3A_69, %dma_start3A_70] : memref<2x128x64xf32, #tpu.memory_space<vmem>> -> memref<1x128x64xf32, #tpu.memory_space<vmem>>
      %dma_start3A_72 = tpu.memref_squeeze %dma_start3A_71 : memref<1x128x64xf32, #tpu.memory_space<vmem>> -> memref<128x64xf32, #tpu.memory_space<vmem>>
      %dma_start3A_73 = arith.constant 0 : i32
      %dma_start3A_74 = tpu.memref_slice %arg10[%add3A_57, %dma_start3A_73] : memref<10240x64xf32, #tpu.memory_space<vmem_shared>> -> memref<128x64xf32, #tpu.memory_space<vmem_shared>>
      %dma_start3A_75 = arith.constant 0 : i32
      %dma_start3A_76 = arith.constant 0 : i32
      %dma_start3A_77 = tpu.memref_slice %arg9[%run_scoped3A_58, %dma_start3A_75, %dma_start3A_76] : memref<2x128x64xf32, #tpu.memory_space<vmem>> -> memref<1x128x64xf32, #tpu.memory_space<vmem>>
      %dma_start3A_78 = tpu.memref_squeeze %dma_start3A_77 : memref<1x128x64xf32, #tpu.memory_space<vmem>> -> memref<128x64xf32, #tpu.memory_space<vmem>>
      %dma_start3A_79 = arith.constant 0 : i32
      %dma_start3A_80 = tpu.memref_slice %arg10[%add3A_57, %dma_start3A_79] : memref<10240x64xf32, #tpu.memory_space<vmem_shared>> -> memref<128x64xf32, #tpu.memory_space<vmem_shared>>
      tpu.enqueue_dma source(%dma_start3A_80 : memref<128x64xf32, #tpu.memory_space<vmem_shared>>) target(%dma_start3A_78 : memref<128x64xf32, #tpu.memory_space<vmem>>) target_semaphore(%run_scoped3A_68 : memref<!tpu.dma_semaphore, #tpu.memory_space<semaphore_mem>>)
      %dma_wait3A = arith.constant 0 : i32
      %dma_wait3A_81 = arith.constant 0 : i32
      %dma_wait3A_82 = tpu.memref_slice %arg9[%run_scoped3A_58, %dma_wait3A, %dma_wait3A_81] : memref<2x128x64xf32, #tpu.memory_space<vmem>> -> memref<1x128x64xf32, #tpu.memory_space<vmem>>
      %dma_wait3A_83 = tpu.memref_squeeze %dma_wait3A_82 : memref<1x128x64xf32, #tpu.memory_space<vmem>> -> memref<128x64xf32, #tpu.memory_space<vmem>>
      %dma_wait3A_84 = arith.constant 0 : i32
      %dma_wait3A_85 = tpu.memref_slice %arg10[%add3A_57, %dma_wait3A_84] : memref<10240x64xf32, #tpu.memory_space<vmem_shared>> -> memref<128x64xf32, #tpu.memory_space<vmem_shared>>
      %dma_wait3A_86 = arith.constant 0 : i32
      %dma_wait3A_87 = arith.constant 0 : i32
      %dma_wait3A_88 = tpu.memref_slice %arg9[%run_scoped3A_58, %dma_wait3A_86, %dma_wait3A_87] : memref<2x128x64xf32, #tpu.memory_space<vmem>> -> memref<1x128x64xf32, #tpu.memory_space<vmem>>
      %dma_wait3A_89 = tpu.memref_squeeze %dma_wait3A_88 : memref<1x128x64xf32, #tpu.memory_space<vmem>> -> memref<128x64xf32, #tpu.memory_space<vmem>>
      %dma_wait3A_90 = arith.constant 0 : i32
      %dma_wait3A_91 = tpu.memref_slice %arg10[%add3A_57, %dma_wait3A_90] : memref<10240x64xf32, #tpu.memory_space<vmem_shared>> -> memref<128x64xf32, #tpu.memory_space<vmem_shared>>
      tpu.wait_dma2 semaphore(%run_scoped3A_68 : memref<!tpu.dma_semaphore, #tpu.memory_space<semaphore_mem>>) src(%dma_wait3A_91 : memref<128x64xf32, #tpu.memory_space<vmem_shared>>) dst(%dma_wait3A_89 : memref<128x64xf32, #tpu.memory_space<vmem>>)
      tpu.yield
    }) : () -> ()
    %add3A_59 = arith.constant 384 : i32
    %add3A_60 = arith.addi %mul3A_0, %add3A_59 : i32
    %run_scoped3A_61 = arith.constant 0 : i32
    "tpu.region"() ({
      %run_scoped3A_68 = tpu.sem_alloc : memref<!tpu.dma_semaphore, #tpu.memory_space<semaphore_mem>>
      %dma_start3A_69 = arith.constant 0 : i32
      %dma_start3A_70 = arith.constant 0 : i32
      %dma_start3A_71 = tpu.memref_slice %arg9[%run_scoped3A_61, %dma_start3A_69, %dma_start3A_70] : memref<2x128x64xf32, #tpu.memory_space<vmem>> -> memref<1x128x64xf32, #tpu.memory_space<vmem>>
      %dma_start3A_72 = tpu.memref_squeeze %dma_start3A_71 : memref<1x128x64xf32, #tpu.memory_space<vmem>> -> memref<128x64xf32, #tpu.memory_space<vmem>>
      %dma_start3A_73 = arith.constant 0 : i32
      %dma_start3A_74 = tpu.memref_slice %arg6[%arg0, %add3A_60, %dma_start3A_73] : memref<2x10240x64xf32, #tpu.memory_space<hbm>> -> memref<1x128x64xf32, #tpu.memory_space<hbm>>
      %dma_start3A_75 = tpu.memref_squeeze %dma_start3A_74 : memref<1x128x64xf32, #tpu.memory_space<hbm>> -> memref<128x64xf32, #tpu.memory_space<hbm>>
      %dma_start3A_76 = arith.constant 0 : i32
      %dma_start3A_77 = tpu.memref_slice %arg6[%arg0, %add3A_60, %dma_start3A_76] : memref<2x10240x64xf32, #tpu.memory_space<hbm>> -> memref<1x128x64xf32, #tpu.memory_space<hbm>>
      %dma_start3A_78 = tpu.memref_squeeze %dma_start3A_77 : memref<1x128x64xf32, #tpu.memory_space<hbm>> -> memref<128x64xf32, #tpu.memory_space<hbm>>
      %dma_start3A_79 = arith.constant 0 : i32
      %dma_start3A_80 = arith.constant 0 : i32
      %dma_start3A_81 = tpu.memref_slice %arg9[%run_scoped3A_61, %dma_start3A_79, %dma_start3A_80] : memref<2x128x64xf32, #tpu.memory_space<vmem>> -> memref<1x128x64xf32, #tpu.memory_space<vmem>>
      %dma_start3A_82 = tpu.memref_squeeze %dma_start3A_81 : memref<1x128x64xf32, #tpu.memory_space<vmem>> -> memref<128x64xf32, #tpu.memory_space<vmem>>
      tpu.enqueue_dma source(%dma_start3A_82 : memref<128x64xf32, #tpu.memory_space<vmem>>) target(%dma_start3A_78 : memref<128x64xf32, #tpu.memory_space<hbm>>) target_semaphore(%run_scoped3A_68 : memref<!tpu.dma_semaphore, #tpu.memory_space<semaphore_mem>>)
      %dma_wait3A = arith.constant 0 : i32
      %dma_wait3A_83 = arith.constant 0 : i32
      %dma_wait3A_84 = tpu.memref_slice %arg9[%run_scoped3A_61, %dma_wait3A, %dma_wait3A_83] : memref<2x128x64xf32, #tpu.memory_space<vmem>> -> memref<1x128x64xf32, #tpu.memory_space<vmem>>
      %dma_wait3A_85 = tpu.memref_squeeze %dma_wait3A_84 : memref<1x128x64xf32, #tpu.memory_space<vmem>> -> memref<128x64xf32, #tpu.memory_space<vmem>>
      %dma_wait3A_86 = arith.constant 0 : i32
      %dma_wait3A_87 = tpu.memref_slice %arg6[%arg0, %add3A_60, %dma_wait3A_86] : memref<2x10240x64xf32, #tpu.memory_space<hbm>> -> memref<1x128x64xf32, #tpu.memory_space<hbm>>
      %dma_wait3A_88 = tpu.memref_squeeze %dma_wait3A_87 : memref<1x128x64xf32, #tpu.memory_space<hbm>> -> memref<128x64xf32, #tpu.memory_space<hbm>>
      %dma_wait3A_89 = arith.constant 0 : i32
      %dma_wait3A_90 = tpu.memref_slice %arg6[%arg0, %add3A_60, %dma_wait3A_89] : memref<2x10240x64xf32, #tpu.memory_space<hbm>> -> memref<1x128x64xf32, #tpu.memory_space<hbm>>
      %dma_wait3A_91 = tpu.memref_squeeze %dma_wait3A_90 : memref<1x128x64xf32, #tpu.memory_space<hbm>> -> memref<128x64xf32, #tpu.memory_space<hbm>>
      %dma_wait3A_92 = arith.constant 0 : i32
      %dma_wait3A_93 = arith.constant 0 : i32
      %dma_wait3A_94 = tpu.memref_slice %arg9[%run_scoped3A_61, %dma_wait3A_92, %dma_wait3A_93] : memref<2x128x64xf32, #tpu.memory_space<vmem>> -> memref<1x128x64xf32, #tpu.memory_space<vmem>>
      %dma_wait3A_95 = tpu.memref_squeeze %dma_wait3A_94 : memref<1x128x64xf32, #tpu.memory_space<vmem>> -> memref<128x64xf32, #tpu.memory_space<vmem>>
      tpu.wait_dma2 semaphore(%run_scoped3A_68 : memref<!tpu.dma_semaphore, #tpu.memory_space<semaphore_mem>>) src(%dma_wait3A_95 : memref<128x64xf32, #tpu.memory_space<vmem>>) dst(%dma_wait3A_91 : memref<128x64xf32, #tpu.memory_space<hbm>>)
      tpu.yield
    }) : () -> ()
    %add3A_62 = arith.constant 512 : i32
    %add3A_63 = arith.addi %mul3A_0, %add3A_62 : i32
    %run_scoped3A_64 = arith.constant 0 : i32
    "tpu.region"() ({
      %run_scoped3A_68 = tpu.sem_alloc : memref<!tpu.dma_semaphore, #tpu.memory_space<semaphore_mem>>
      %dma_start3A_69 = arith.constant 0 : i32
      %dma_start3A_70 = arith.constant 0 : i32
      %dma_start3A_71 = tpu.memref_slice %arg9[%run_scoped3A_64, %dma_start3A_69, %dma_start3A_70] : memref<2x128x64xf32, #tpu.memory_space<vmem>> -> memref<1x128x64xf32, #tpu.memory_space<vmem>>
      %dma_start3A_72 = tpu.memref_squeeze %dma_start3A_71 : memref<1x128x64xf32, #tpu.memory_space<vmem>> -> memref<128x64xf32, #tpu.memory_space<vmem>>
      %dma_start3A_73 = arith.constant 0 : i32
      %dma_start3A_74 = tpu.memref_slice %arg10[%add3A_63, %dma_start3A_73] : memref<10240x64xf32, #tpu.memory_space<vmem_shared>> -> memref<128x64xf32, #tpu.memory_space<vmem_shared>>
      %dma_start3A_75 = arith.constant 0 : i32
      %dma_start3A_76 = arith.constant 0 : i32
      %dma_start3A_77 = tpu.memref_slice %arg9[%run_scoped3A_64, %dma_start3A_75, %dma_start3A_76] : memref<2x128x64xf32, #tpu.memory_space<vmem>> -> memref<1x128x64xf32, #tpu.memory_space<vmem>>
      %dma_start3A_78 = tpu.memref_squeeze %dma_start3A_77 : memref<1x128x64xf32, #tpu.memory_space<vmem>> -> memref<128x64xf32, #tpu.memory_space<vmem>>
      %dma_start3A_79 = arith.constant 0 : i32
      %dma_start3A_80 = tpu.memref_slice %arg10[%add3A_63, %dma_start3A_79] : memref<10240x64xf32, #tpu.memory_space<vmem_shared>> -> memref<128x64xf32, #tpu.memory_space<vmem_shared>>
      tpu.enqueue_dma source(%dma_start3A_80 : memref<128x64xf32, #tpu.memory_space<vmem_shared>>) target(%dma_start3A_78 : memref<128x64xf32, #tpu.memory_space<vmem>>) target_semaphore(%run_scoped3A_68 : memref<!tpu.dma_semaphore, #tpu.memory_space<semaphore_mem>>)
      %dma_wait3A = arith.constant 0 : i32
      %dma_wait3A_81 = arith.constant 0 : i32
      %dma_wait3A_82 = tpu.memref_slice %arg9[%run_scoped3A_64, %dma_wait3A, %dma_wait3A_81] : memref<2x128x64xf32, #tpu.memory_space<vmem>> -> memref<1x128x64xf32, #tpu.memory_space<vmem>>
      %dma_wait3A_83 = tpu.memref_squeeze %dma_wait3A_82 : memref<1x128x64xf32, #tpu.memory_space<vmem>> -> memref<128x64xf32, #tpu.memory_space<vmem>>
      %dma_wait3A_84 = arith.constant 0 : i32
      %dma_wait3A_85 = tpu.memref_slice %arg10[%add3A_63, %dma_wait3A_84] : memref<10240x64xf32, #tpu.memory_space<vmem_shared>> -> memref<128x64xf32, #tpu.memory_space<vmem_shared>>
      %dma_wait3A_86 = arith.constant 0 : i32
      %dma_wait3A_87 = arith.constant 0 : i32
      %dma_wait3A_88 = tpu.memref_slice %arg9[%run_scoped3A_64, %dma_wait3A_86, %dma_wait3A_87] : memref<2x128x64xf32, #tpu.memory_space<vmem>> -> memref<1x128x64xf32, #tpu.memory_space<vmem>>
      %dma_wait3A_89 = tpu.memref_squeeze %dma_wait3A_88 : memref<1x128x64xf32, #tpu.memory_space<vmem>> -> memref<128x64xf32, #tpu.memory_space<vmem>>
      %dma_wait3A_90 = arith.constant 0 : i32
      %dma_wait3A_91 = tpu.memref_slice %arg10[%add3A_63, %dma_wait3A_90] : memref<10240x64xf32, #tpu.memory_space<vmem_shared>> -> memref<128x64xf32, #tpu.memory_space<vmem_shared>>
      tpu.wait_dma2 semaphore(%run_scoped3A_68 : memref<!tpu.dma_semaphore, #tpu.memory_space<semaphore_mem>>) src(%dma_wait3A_91 : memref<128x64xf32, #tpu.memory_space<vmem_shared>>) dst(%dma_wait3A_89 : memref<128x64xf32, #tpu.memory_space<vmem>>)
      tpu.yield
    }) : () -> ()
    %add3A_65 = arith.constant 512 : i32
    %add3A_66 = arith.addi %mul3A_0, %add3A_65 : i32
    %run_scoped3A_67 = arith.constant 0 : i32
    "tpu.region"() ({
      %run_scoped3A_68 = tpu.sem_alloc : memref<!tpu.dma_semaphore, #tpu.memory_space<semaphore_mem>>
      %dma_start3A_69 = arith.constant 0 : i32
      %dma_start3A_70 = arith.constant 0 : i32
      %dma_start3A_71 = tpu.memref_slice %arg9[%run_scoped3A_67, %dma_start3A_69, %dma_start3A_70] : memref<2x128x64xf32, #tpu.memory_space<vmem>> -> memref<1x128x64xf32, #tpu.memory_space<vmem>>
      %dma_start3A_72 = tpu.memref_squeeze %dma_start3A_71 : memref<1x128x64xf32, #tpu.memory_space<vmem>> -> memref<128x64xf32, #tpu.memory_space<vmem>>
      %dma_start3A_73 = arith.constant 0 : i32
      %dma_start3A_74 = tpu.memref_slice %arg6[%arg0, %add3A_66, %dma_start3A_73] : memref<2x10240x64xf32, #tpu.memory_space<hbm>> -> memref<1x128x64xf32, #tpu.memory_space<hbm>>
      %dma_start3A_75 = tpu.memref_squeeze %dma_start3A_74 : memref<1x128x64xf32, #tpu.memory_space<hbm>> -> memref<128x64xf32, #tpu.memory_space<hbm>>
      %dma_start3A_76 = arith.constant 0 : i32
      %dma_start3A_77 = tpu.memref_slice %arg6[%arg0, %add3A_66, %dma_start3A_76] : memref<2x10240x64xf32, #tpu.memory_space<hbm>> -> memref<1x128x64xf32, #tpu.memory_space<hbm>>
      %dma_start3A_78 = tpu.memref_squeeze %dma_start3A_77 : memref<1x128x64xf32, #tpu.memory_space<hbm>> -> memref<128x64xf32, #tpu.memory_space<hbm>>
      %dma_start3A_79 = arith.constant 0 : i32
      %dma_start3A_80 = arith.constant 0 : i32
      %dma_start3A_81 = tpu.memref_slice %arg9[%run_scoped3A_67, %dma_start3A_79, %dma_start3A_80] : memref<2x128x64xf32, #tpu.memory_space<vmem>> -> memref<1x128x64xf32, #tpu.memory_space<vmem>>
      %dma_start3A_82 = tpu.memref_squeeze %dma_start3A_81 : memref<1x128x64xf32, #tpu.memory_space<vmem>> -> memref<128x64xf32, #tpu.memory_space<vmem>>
      tpu.enqueue_dma source(%dma_start3A_82 : memref<128x64xf32, #tpu.memory_space<vmem>>) target(%dma_start3A_78 : memref<128x64xf32, #tpu.memory_space<hbm>>) target_semaphore(%run_scoped3A_68 : memref<!tpu.dma_semaphore, #tpu.memory_space<semaphore_mem>>)
      %dma_wait3A = arith.constant 0 : i32
      %dma_wait3A_83 = arith.constant 0 : i32
      %dma_wait3A_84 = tpu.memref_slice %arg9[%run_scoped3A_67, %dma_wait3A, %dma_wait3A_83] : memref<2x128x64xf32, #tpu.memory_space<vmem>> -> memref<1x128x64xf32, #tpu.memory_space<vmem>>
      %dma_wait3A_85 = tpu.memref_squeeze %dma_wait3A_84 : memref<1x128x64xf32, #tpu.memory_space<vmem>> -> memref<128x64xf32, #tpu.memory_space<vmem>>
      %dma_wait3A_86 = arith.constant 0 : i32
      %dma_wait3A_87 = tpu.memref_slice %arg6[%arg0, %add3A_66, %dma_wait3A_86] : memref<2x10240x64xf32, #tpu.memory_space<hbm>> -> memref<1x128x64xf32, #tpu.memory_space<hbm>>
      %dma_wait3A_88 = tpu.memref_squeeze %dma_wait3A_87 : memref<1x128x64xf32, #tpu.memory_space<hbm>> -> memref<128x64xf32, #tpu.memory_space<hbm>>
      %dma_wait3A_89 = arith.constant 0 : i32
      %dma_wait3A_90 = tpu.memref_slice %arg6[%arg0, %add3A_66, %dma_wait3A_89] : memref<2x10240x64xf32, #tpu.memory_space<hbm>> -> memref<1x128x64xf32, #tpu.memory_space<hbm>>
      %dma_wait3A_91 = tpu.memref_squeeze %dma_wait3A_90 : memref<1x128x64xf32, #tpu.memory_space<hbm>> -> memref<128x64xf32, #tpu.memory_space<hbm>>
      %dma_wait3A_92 = arith.constant 0 : i32
      %dma_wait3A_93 = arith.constant 0 : i32
      %dma_wait3A_94 = tpu.memref_slice %arg9[%run_scoped3A_67, %dma_wait3A_92, %dma_wait3A_93] : memref<2x128x64xf32, #tpu.memory_space<vmem>> -> memref<1x128x64xf32, #tpu.memory_space<vmem>>
      %dma_wait3A_95 = tpu.memref_squeeze %dma_wait3A_94 : memref<1x128x64xf32, #tpu.memory_space<vmem>> -> memref<128x64xf32, #tpu.memory_space<vmem>>
      tpu.wait_dma2 semaphore(%run_scoped3A_68 : memref<!tpu.dma_semaphore, #tpu.memory_space<semaphore_mem>>) src(%dma_wait3A_95 : memref<128x64xf32, #tpu.memory_space<vmem>>) dst(%dma_wait3A_91 : memref<128x64xf32, #tpu.memory_space<hbm>>)
      tpu.yield
    }) : () -> ()
    return
  }
}

#map = affine_map<(d0, d1) -> (0, 0)>
#map1 = affine_map<(d0, d1) -> (0, 0, 0)>
module attributes {stable_mosaic.version = 14 : i64} {
  func.func @body(%arg0: i32, %arg1: i32, %arg2: memref<20480x64xf32, #tpu.memory_space<hbm>>, %arg3: memref<16x158x128xi32, #tpu.memory_space<hbm>>, %arg4: memref<16x158x128xi32, #tpu.memory_space<hbm>>, %arg5: memref<128x64xf32, #tpu.memory_space<hbm>>, %arg6: memref<128x16xf32, #tpu.memory_space<hbm>>, %arg7: memref<128x16xf32, #tpu.memory_space<hbm>>, %arg8: memref<2x10240x64xf32, #tpu.memory_space<hbm>>, %arg9: memref<10240x16xf32, #tpu.memory_space<hbm>>, %arg10: memref<158x128xi32, #tpu.memory_space<vmem>>, %arg11: memref<158x128xi32, #tpu.memory_space<vmem>>, %arg12: memref<2x128x64xf32, #tpu.memory_space<vmem>>, %arg13: memref<10240x64xf32, #tpu.memory_space<vmem_shared>>, %arg14: memref<!tpu.dma_semaphore, #tpu.memory_space<semaphore_mem>>, %arg15: memref<!tpu.dma_semaphore, #tpu.memory_space<semaphore_mem>>, %arg16: memref<128x16xf32, #tpu.memory_space<vmem>>, %arg17: memref<128x16xf32, #tpu.memory_space<vmem>>, %arg18: memref<10240x16xf32, #tpu.memory_space<vmem_shared>>) attributes {dimension_semantics = [#tpu.dimension_semantics<core_parallel>, #tpu.dimension_semantics<subcore_parallel>], iteration_bounds = array<i64: 2, 16>, scalar_prefetch = 0 : i64, scratch_operands = 9 : i64, tpu.core_type = #tpu.core_type<sc_vector_subcore>, window_params = [{transform_indices = #map}, {transform_indices = #map1}, {transform_indices = #map1}, {transform_indices = #map}, {transform_indices = #map}, {transform_indices = #map}, {transform_indices = #map1}, {transform_indices = #map}]} {
    %mul3A = arith.constant 640 : i32
    %mul3A_0 = arith.muli %arg1, %mul3A : i32
    "tpu.region"() ({
      %run_scoped3A_75 = tpu.sem_alloc : memref<!tpu.dma_semaphore, #tpu.memory_space<semaphore_mem>>
      %dma_start3A_76 = arith.constant 0 : i32
      %dma_start3A_77 = arith.constant 0 : i32
      %dma_start3A_78 = tpu.memref_slice %arg3[%arg1, %dma_start3A_76, %dma_start3A_77] : memref<16x158x128xi32, #tpu.memory_space<hbm>> -> memref<1x158x128xi32, #tpu.memory_space<hbm>>
      %dma_start3A_79 = tpu.memref_squeeze %dma_start3A_78 : memref<1x158x128xi32, #tpu.memory_space<hbm>> -> memref<158x128xi32, #tpu.memory_space<hbm>>
      %dma_start3A_80 = arith.constant 0 : i32
      %dma_start3A_81 = arith.constant 0 : i32
      %dma_start3A_82 = tpu.memref_slice %arg3[%arg1, %dma_start3A_80, %dma_start3A_81] : memref<16x158x128xi32, #tpu.memory_space<hbm>> -> memref<1x158x128xi32, #tpu.memory_space<hbm>>
      %dma_start3A_83 = tpu.memref_squeeze %dma_start3A_82 : memref<1x158x128xi32, #tpu.memory_space<hbm>> -> memref<158x128xi32, #tpu.memory_space<hbm>>
      tpu.enqueue_dma source(%dma_start3A_83 : memref<158x128xi32, #tpu.memory_space<hbm>>) target(%arg10 : memref<158x128xi32, #tpu.memory_space<vmem>>) target_semaphore(%run_scoped3A_75 : memref<!tpu.dma_semaphore, #tpu.memory_space<semaphore_mem>>)
      %dma_wait3A = arith.constant 0 : i32
      %dma_wait3A_84 = arith.constant 0 : i32
      %dma_wait3A_85 = tpu.memref_slice %arg3[%arg1, %dma_wait3A, %dma_wait3A_84] : memref<16x158x128xi32, #tpu.memory_space<hbm>> -> memref<1x158x128xi32, #tpu.memory_space<hbm>>
      %dma_wait3A_86 = tpu.memref_squeeze %dma_wait3A_85 : memref<1x158x128xi32, #tpu.memory_space<hbm>> -> memref<158x128xi32, #tpu.memory_space<hbm>>
      %dma_wait3A_87 = arith.constant 0 : i32
      %dma_wait3A_88 = arith.constant 0 : i32
      %dma_wait3A_89 = tpu.memref_slice %arg3[%arg1, %dma_wait3A_87, %dma_wait3A_88] : memref<16x158x128xi32, #tpu.memory_space<hbm>> -> memref<1x158x128xi32, #tpu.memory_space<hbm>>
      %dma_wait3A_90 = tpu.memref_squeeze %dma_wait3A_89 : memref<1x158x128xi32, #tpu.memory_space<hbm>> -> memref<158x128xi32, #tpu.memory_space<hbm>>
      tpu.wait_dma2 semaphore(%run_scoped3A_75 : memref<!tpu.dma_semaphore, #tpu.memory_space<semaphore_mem>>) src(%dma_wait3A_90 : memref<158x128xi32, #tpu.memory_space<hbm>>) dst(%arg10 : memref<158x128xi32, #tpu.memory_space<vmem>>)
      tpu.yield
    }) : () -> ()
    "tpu.region"() ({
      %run_scoped3A_75 = tpu.sem_alloc : memref<!tpu.dma_semaphore, #tpu.memory_space<semaphore_mem>>
      %dma_start3A_76 = arith.constant 0 : i32
      %dma_start3A_77 = arith.constant 0 : i32
      %dma_start3A_78 = tpu.memref_slice %arg4[%arg1, %dma_start3A_76, %dma_start3A_77] : memref<16x158x128xi32, #tpu.memory_space<hbm>> -> memref<1x158x128xi32, #tpu.memory_space<hbm>>
      %dma_start3A_79 = tpu.memref_squeeze %dma_start3A_78 : memref<1x158x128xi32, #tpu.memory_space<hbm>> -> memref<158x128xi32, #tpu.memory_space<hbm>>
      %dma_start3A_80 = arith.constant 0 : i32
      %dma_start3A_81 = arith.constant 0 : i32
      %dma_start3A_82 = tpu.memref_slice %arg4[%arg1, %dma_start3A_80, %dma_start3A_81] : memref<16x158x128xi32, #tpu.memory_space<hbm>> -> memref<1x158x128xi32, #tpu.memory_space<hbm>>
      %dma_start3A_83 = tpu.memref_squeeze %dma_start3A_82 : memref<1x158x128xi32, #tpu.memory_space<hbm>> -> memref<158x128xi32, #tpu.memory_space<hbm>>
      tpu.enqueue_dma source(%dma_start3A_83 : memref<158x128xi32, #tpu.memory_space<hbm>>) target(%arg11 : memref<158x128xi32, #tpu.memory_space<vmem>>) target_semaphore(%run_scoped3A_75 : memref<!tpu.dma_semaphore, #tpu.memory_space<semaphore_mem>>)
      %dma_wait3A = arith.constant 0 : i32
      %dma_wait3A_84 = arith.constant 0 : i32
      %dma_wait3A_85 = tpu.memref_slice %arg4[%arg1, %dma_wait3A, %dma_wait3A_84] : memref<16x158x128xi32, #tpu.memory_space<hbm>> -> memref<1x158x128xi32, #tpu.memory_space<hbm>>
      %dma_wait3A_86 = tpu.memref_squeeze %dma_wait3A_85 : memref<1x158x128xi32, #tpu.memory_space<hbm>> -> memref<158x128xi32, #tpu.memory_space<hbm>>
      %dma_wait3A_87 = arith.constant 0 : i32
      %dma_wait3A_88 = arith.constant 0 : i32
      %dma_wait3A_89 = tpu.memref_slice %arg4[%arg1, %dma_wait3A_87, %dma_wait3A_88] : memref<16x158x128xi32, #tpu.memory_space<hbm>> -> memref<1x158x128xi32, #tpu.memory_space<hbm>>
      %dma_wait3A_90 = tpu.memref_squeeze %dma_wait3A_89 : memref<1x158x128xi32, #tpu.memory_space<hbm>> -> memref<158x128xi32, #tpu.memory_space<hbm>>
      tpu.wait_dma2 semaphore(%run_scoped3A_75 : memref<!tpu.dma_semaphore, #tpu.memory_space<semaphore_mem>>) src(%dma_wait3A_90 : memref<158x128xi32, #tpu.memory_space<hbm>>) dst(%arg11 : memref<158x128xi32, #tpu.memory_space<vmem>>)
      tpu.yield
    }) : () -> ()
    %scan3A = arith.constant 0 : i32
    %scan3A_1 = arith.constant 0 : i32
    %scan3A_2 = arith.constant 158 : i32
    %scan3A_3 = arith.addi %scan3A_1, %scan3A_2 : i32
    %scan3A_4 = arith.constant 1 : i32
    scf.for %scan3A_75 = %scan3A_1 to %scan3A_3 step %scan3A_4  : i32 {
      %get3A = arith.index_cast %scan3A_75 : i32 to index
      %get3A_76 = arith.constant 0 : index
      %get3A_77 = tpu.vector_load %arg10[%get3A, %get3A_76] {strides = array<i32>} : memref<158x128xi32, #tpu.memory_space<vmem>>, vector<1x16xi32>,
      %get3A_78 = vector.shape_cast %get3A_77 : vector<1x16xi32> to vector<16xi32>
      %get3A_79 = arith.index_cast %scan3A_75 : i32 to index
      %get3A_80 = arith.constant 0 : index
      %get3A_81 = tpu.vector_load %arg11[%get3A_79, %get3A_80] {strides = array<i32>} : memref<158x128xi32, #tpu.memory_space<vmem>>, vector<1x16xi32>,
      %get3A_82 = vector.shape_cast %get3A_81 : vector<1x16xi32> to vector<16xi32>
      %eq3A_83 = arith.cmpi eq, %get3A_78, %get3A_82 : vector<16xi32>
      %broadcast_in_dim3A = arith.constant 10000 : i32
      %broadcast_in_dim3A_84 = vector.broadcast %broadcast_in_dim3A : i32 to vector<16xi32>
      %select_n3A = arith.select %eq3A_83, %broadcast_in_dim3A_84, %get3A_82 : vector<16xi1>, vector<16xi32>
      %swap3A = arith.index_cast %scan3A_75 : i32 to index
      %swap3A_85 = arith.constant 0 : index
      %swap3A_86 = tpu.vector_load %arg11[%swap3A, %swap3A_85] {strides = array<i32>} : memref<158x128xi32, #tpu.memory_space<vmem>>, vector<1x16xi32>,
      %swap3A_87 = vector.shape_cast %swap3A_86 : vector<1x16xi32> to vector<16xi32>
      %swap3A_88 = vector.shape_cast %select_n3A : vector<16xi32> to vector<1x16xi32>
      tpu.vector_store %arg11[%swap3A, %swap3A_85], %swap3A_88 {strides = array<i32>} : memref<158x128xi32, #tpu.memory_space<vmem>>, vector<1x16xi32>,
      %mul3A_89 = arith.constant 2 : i32
      %mul3A_90 = vector.broadcast %mul3A_89 : i32 to vector<16xi32>
      %mul3A_91 = arith.muli %get3A_78, %mul3A_90 : vector<16xi32>
      %add3A_92 = vector.broadcast %arg0 : i32 to vector<16xi32>
      %add3A_93 = arith.addi %mul3A_91, %add3A_92 : vector<16xi32>
      %swap3A_94 = arith.index_cast %scan3A_75 : i32 to index
      %swap3A_95 = arith.constant 0 : index
      %swap3A_96 = tpu.vector_load %arg10[%swap3A_94, %swap3A_95] {strides = array<i32>} : memref<158x128xi32, #tpu.memory_space<vmem>>, vector<1x16xi32>,
      %swap3A_97 = vector.shape_cast %swap3A_96 : vector<1x16xi32> to vector<16xi32>
      %swap3A_98 = vector.shape_cast %add3A_93 : vector<16xi32> to vector<1x16xi32>
      tpu.vector_store %arg10[%swap3A_94, %swap3A_95], %swap3A_98 {strides = array<i32>} : memref<158x128xi32, #tpu.memory_space<vmem>>, vector<1x16xi32>,
      %get3A_99 = arith.index_cast %scan3A_75 : i32 to index
      %get3A_100 = arith.constant 16 : index
      %get3A_101 = tpu.vector_load %arg10[%get3A_99, %get3A_100] {strides = array<i32>} : memref<158x128xi32, #tpu.memory_space<vmem>>, vector<1x16xi32>,
      %get3A_102 = vector.shape_cast %get3A_101 : vector<1x16xi32> to vector<16xi32>
      %get3A_103 = arith.index_cast %scan3A_75 : i32 to index
      %get3A_104 = arith.constant 16 : index
      %get3A_105 = tpu.vector_load %arg11[%get3A_103, %get3A_104] {strides = array<i32>} : memref<158x128xi32, #tpu.memory_space<vmem>>, vector<1x16xi32>,
      %get3A_106 = vector.shape_cast %get3A_105 : vector<1x16xi32> to vector<16xi32>
      %eq3A_107 = arith.cmpi eq, %get3A_102, %get3A_106 : vector<16xi32>
      %broadcast_in_dim3A_108 = arith.constant 10000 : i32
      %broadcast_in_dim3A_109 = vector.broadcast %broadcast_in_dim3A_108 : i32 to vector<16xi32>
      %select_n3A_110 = arith.select %eq3A_107, %broadcast_in_dim3A_109, %get3A_106 : vector<16xi1>, vector<16xi32>
      %swap3A_111 = arith.index_cast %scan3A_75 : i32 to index
      %swap3A_112 = arith.constant 16 : index
      %swap3A_113 = tpu.vector_load %arg11[%swap3A_111, %swap3A_112] {strides = array<i32>} : memref<158x128xi32, #tpu.memory_space<vmem>>, vector<1x16xi32>,
      %swap3A_114 = vector.shape_cast %swap3A_113 : vector<1x16xi32> to vector<16xi32>
      %swap3A_115 = vector.shape_cast %select_n3A_110 : vector<16xi32> to vector<1x16xi32>
      tpu.vector_store %arg11[%swap3A_111, %swap3A_112], %swap3A_115 {strides = array<i32>} : memref<158x128xi32, #tpu.memory_space<vmem>>, vector<1x16xi32>,
      %mul3A_116 = arith.constant 2 : i32
      %mul3A_117 = vector.broadcast %mul3A_116 : i32 to vector<16xi32>
      %mul3A_118 = arith.muli %get3A_102, %mul3A_117 : vector<16xi32>
      %add3A_119 = vector.broadcast %arg0 : i32 to vector<16xi32>
      %add3A_120 = arith.addi %mul3A_118, %add3A_119 : vector<16xi32>
      %swap3A_121 = arith.index_cast %scan3A_75 : i32 to index
      %swap3A_122 = arith.constant 16 : index
      %swap3A_123 = tpu.vector_load %arg10[%swap3A_121, %swap3A_122] {strides = array<i32>} : memref<158x128xi32, #tpu.memory_space<vmem>>, vector<1x16xi32>,
      %swap3A_124 = vector.shape_cast %swap3A_123 : vector<1x16xi32> to vector<16xi32>
      %swap3A_125 = vector.shape_cast %add3A_120 : vector<16xi32> to vector<1x16xi32>
      tpu.vector_store %arg10[%swap3A_121, %swap3A_122], %swap3A_125 {strides = array<i32>} : memref<158x128xi32, #tpu.memory_space<vmem>>, vector<1x16xi32>,
      %get3A_126 = arith.index_cast %scan3A_75 : i32 to index
      %get3A_127 = arith.constant 32 : index
      %get3A_128 = tpu.vector_load %arg10[%get3A_126, %get3A_127] {strides = array<i32>} : memref<158x128xi32, #tpu.memory_space<vmem>>, vector<1x16xi32>,
      %get3A_129 = vector.shape_cast %get3A_128 : vector<1x16xi32> to vector<16xi32>
      %get3A_130 = arith.index_cast %scan3A_75 : i32 to index
      %get3A_131 = arith.constant 32 : index
      %get3A_132 = tpu.vector_load %arg11[%get3A_130, %get3A_131] {strides = array<i32>} : memref<158x128xi32, #tpu.memory_space<vmem>>, vector<1x16xi32>,
      %get3A_133 = vector.shape_cast %get3A_132 : vector<1x16xi32> to vector<16xi32>
      %eq3A_134 = arith.cmpi eq, %get3A_129, %get3A_133 : vector<16xi32>
      %broadcast_in_dim3A_135 = arith.constant 10000 : i32
      %broadcast_in_dim3A_136 = vector.broadcast %broadcast_in_dim3A_135 : i32 to vector<16xi32>
      %select_n3A_137 = arith.select %eq3A_134, %broadcast_in_dim3A_136, %get3A_133 : vector<16xi1>, vector<16xi32>
      %swap3A_138 = arith.index_cast %scan3A_75 : i32 to index
      %swap3A_139 = arith.constant 32 : index
      %swap3A_140 = tpu.vector_load %arg11[%swap3A_138, %swap3A_139] {strides = array<i32>} : memref<158x128xi32, #tpu.memory_space<vmem>>, vector<1x16xi32>,
      %swap3A_141 = vector.shape_cast %swap3A_140 : vector<1x16xi32> to vector<16xi32>
      %swap3A_142 = vector.shape_cast %select_n3A_137 : vector<16xi32> to vector<1x16xi32>
      tpu.vector_store %arg11[%swap3A_138, %swap3A_139], %swap3A_142 {strides = array<i32>} : memref<158x128xi32, #tpu.memory_space<vmem>>, vector<1x16xi32>,
      %mul3A_143 = arith.constant 2 : i32
      %mul3A_144 = vector.broadcast %mul3A_143 : i32 to vector<16xi32>
      %mul3A_145 = arith.muli %get3A_129, %mul3A_144 : vector<16xi32>
      %add3A_146 = vector.broadcast %arg0 : i32 to vector<16xi32>
      %add3A_147 = arith.addi %mul3A_145, %add3A_146 : vector<16xi32>
      %swap3A_148 = arith.index_cast %scan3A_75 : i32 to index
      %swap3A_149 = arith.constant 32 : index
      %swap3A_150 = tpu.vector_load %arg10[%swap3A_148, %swap3A_149] {strides = array<i32>} : memref<158x128xi32, #tpu.memory_space<vmem>>, vector<1x16xi32>,
      %swap3A_151 = vector.shape_cast %swap3A_150 : vector<1x16xi32> to vector<16xi32>
      %swap3A_152 = vector.shape_cast %add3A_147 : vector<16xi32> to vector<1x16xi32>
      tpu.vector_store %arg10[%swap3A_148, %swap3A_149], %swap3A_152 {strides = array<i32>} : memref<158x128xi32, #tpu.memory_space<vmem>>, vector<1x16xi32>,
      %get3A_153 = arith.index_cast %scan3A_75 : i32 to index
      %get3A_154 = arith.constant 48 : index
      %get3A_155 = tpu.vector_load %arg10[%get3A_153, %get3A_154] {strides = array<i32>} : memref<158x128xi32, #tpu.memory_space<vmem>>, vector<1x16xi32>,
      %get3A_156 = vector.shape_cast %get3A_155 : vector<1x16xi32> to vector<16xi32>
      %get3A_157 = arith.index_cast %scan3A_75 : i32 to index
      %get3A_158 = arith.constant 48 : index
      %get3A_159 = tpu.vector_load %arg11[%get3A_157, %get3A_158] {strides = array<i32>} : memref<158x128xi32, #tpu.memory_space<vmem>>, vector<1x16xi32>,
      %get3A_160 = vector.shape_cast %get3A_159 : vector<1x16xi32> to vector<16xi32>
      %eq3A_161 = arith.cmpi eq, %get3A_156, %get3A_160 : vector<16xi32>
      %broadcast_in_dim3A_162 = arith.constant 10000 : i32
      %broadcast_in_dim3A_163 = vector.broadcast %broadcast_in_dim3A_162 : i32 to vector<16xi32>
      %select_n3A_164 = arith.select %eq3A_161, %broadcast_in_dim3A_163, %get3A_160 : vector<16xi1>, vector<16xi32>
      %swap3A_165 = arith.index_cast %scan3A_75 : i32 to index
      %swap3A_166 = arith.constant 48 : index
      %swap3A_167 = tpu.vector_load %arg11[%swap3A_165, %swap3A_166] {strides = array<i32>} : memref<158x128xi32, #tpu.memory_space<vmem>>, vector<1x16xi32>,
      %swap3A_168 = vector.shape_cast %swap3A_167 : vector<1x16xi32> to vector<16xi32>
      %swap3A_169 = vector.shape_cast %select_n3A_164 : vector<16xi32> to vector<1x16xi32>
      tpu.vector_store %arg11[%swap3A_165, %swap3A_166], %swap3A_169 {strides = array<i32>} : memref<158x128xi32, #tpu.memory_space<vmem>>, vector<1x16xi32>,
      %mul3A_170 = arith.constant 2 : i32
      %mul3A_171 = vector.broadcast %mul3A_170 : i32 to vector<16xi32>
      %mul3A_172 = arith.muli %get3A_156, %mul3A_171 : vector<16xi32>
      %add3A_173 = vector.broadcast %arg0 : i32 to vector<16xi32>
      %add3A_174 = arith.addi %mul3A_172, %add3A_173 : vector<16xi32>
      %swap3A_175 = arith.index_cast %scan3A_75 : i32 to index
      %swap3A_176 = arith.constant 48 : index
      %swap3A_177 = tpu.vector_load %arg10[%swap3A_175, %swap3A_176] {strides = array<i32>} : memref<158x128xi32, #tpu.memory_space<vmem>>, vector<1x16xi32>,
      %swap3A_178 = vector.shape_cast %swap3A_177 : vector<1x16xi32> to vector<16xi32>
      %swap3A_179 = vector.shape_cast %add3A_174 : vector<16xi32> to vector<1x16xi32>
      tpu.vector_store %arg10[%swap3A_175, %swap3A_176], %swap3A_179 {strides = array<i32>} : memref<158x128xi32, #tpu.memory_space<vmem>>, vector<1x16xi32>,
      %get3A_180 = arith.index_cast %scan3A_75 : i32 to index
      %get3A_181 = arith.constant 64 : index
      %get3A_182 = tpu.vector_load %arg10[%get3A_180, %get3A_181] {strides = array<i32>} : memref<158x128xi32, #tpu.memory_space<vmem>>, vector<1x16xi32>,
      %get3A_183 = vector.shape_cast %get3A_182 : vector<1x16xi32> to vector<16xi32>
      %get3A_184 = arith.index_cast %scan3A_75 : i32 to index
      %get3A_185 = arith.constant 64 : index
      %get3A_186 = tpu.vector_load %arg11[%get3A_184, %get3A_185] {strides = array<i32>} : memref<158x128xi32, #tpu.memory_space<vmem>>, vector<1x16xi32>,
      %get3A_187 = vector.shape_cast %get3A_186 : vector<1x16xi32> to vector<16xi32>
      %eq3A_188 = arith.cmpi eq, %get3A_183, %get3A_187 : vector<16xi32>
      %broadcast_in_dim3A_189 = arith.constant 10000 : i32
      %broadcast_in_dim3A_190 = vector.broadcast %broadcast_in_dim3A_189 : i32 to vector<16xi32>
      %select_n3A_191 = arith.select %eq3A_188, %broadcast_in_dim3A_190, %get3A_187 : vector<16xi1>, vector<16xi32>
      %swap3A_192 = arith.index_cast %scan3A_75 : i32 to index
      %swap3A_193 = arith.constant 64 : index
      %swap3A_194 = tpu.vector_load %arg11[%swap3A_192, %swap3A_193] {strides = array<i32>} : memref<158x128xi32, #tpu.memory_space<vmem>>, vector<1x16xi32>,
      %swap3A_195 = vector.shape_cast %swap3A_194 : vector<1x16xi32> to vector<16xi32>
      %swap3A_196 = vector.shape_cast %select_n3A_191 : vector<16xi32> to vector<1x16xi32>
      tpu.vector_store %arg11[%swap3A_192, %swap3A_193], %swap3A_196 {strides = array<i32>} : memref<158x128xi32, #tpu.memory_space<vmem>>, vector<1x16xi32>,
      %mul3A_197 = arith.constant 2 : i32
      %mul3A_198 = vector.broadcast %mul3A_197 : i32 to vector<16xi32>
      %mul3A_199 = arith.muli %get3A_183, %mul3A_198 : vector<16xi32>
      %add3A_200 = vector.broadcast %arg0 : i32 to vector<16xi32>
      %add3A_201 = arith.addi %mul3A_199, %add3A_200 : vector<16xi32>
      %swap3A_202 = arith.index_cast %scan3A_75 : i32 to index
      %swap3A_203 = arith.constant 64 : index
      %swap3A_204 = tpu.vector_load %arg10[%swap3A_202, %swap3A_203] {strides = array<i32>} : memref<158x128xi32, #tpu.memory_space<vmem>>, vector<1x16xi32>,
      %swap3A_205 = vector.shape_cast %swap3A_204 : vector<1x16xi32> to vector<16xi32>
      %swap3A_206 = vector.shape_cast %add3A_201 : vector<16xi32> to vector<1x16xi32>
      tpu.vector_store %arg10[%swap3A_202, %swap3A_203], %swap3A_206 {strides = array<i32>} : memref<158x128xi32, #tpu.memory_space<vmem>>, vector<1x16xi32>,
      %get3A_207 = arith.index_cast %scan3A_75 : i32 to index
      %get3A_208 = arith.constant 80 : index
      %get3A_209 = tpu.vector_load %arg10[%get3A_207, %get3A_208] {strides = array<i32>} : memref<158x128xi32, #tpu.memory_space<vmem>>, vector<1x16xi32>,
      %get3A_210 = vector.shape_cast %get3A_209 : vector<1x16xi32> to vector<16xi32>
      %get3A_211 = arith.index_cast %scan3A_75 : i32 to index
      %get3A_212 = arith.constant 80 : index
      %get3A_213 = tpu.vector_load %arg11[%get3A_211, %get3A_212] {strides = array<i32>} : memref<158x128xi32, #tpu.memory_space<vmem>>, vector<1x16xi32>,
      %get3A_214 = vector.shape_cast %get3A_213 : vector<1x16xi32> to vector<16xi32>
      %eq3A_215 = arith.cmpi eq, %get3A_210, %get3A_214 : vector<16xi32>
      %broadcast_in_dim3A_216 = arith.constant 10000 : i32
      %broadcast_in_dim3A_217 = vector.broadcast %broadcast_in_dim3A_216 : i32 to vector<16xi32>
      %select_n3A_218 = arith.select %eq3A_215, %broadcast_in_dim3A_217, %get3A_214 : vector<16xi1>, vector<16xi32>
      %swap3A_219 = arith.index_cast %scan3A_75 : i32 to index
      %swap3A_220 = arith.constant 80 : index
      %swap3A_221 = tpu.vector_load %arg11[%swap3A_219, %swap3A_220] {strides = array<i32>} : memref<158x128xi32, #tpu.memory_space<vmem>>, vector<1x16xi32>,
      %swap3A_222 = vector.shape_cast %swap3A_221 : vector<1x16xi32> to vector<16xi32>
      %swap3A_223 = vector.shape_cast %select_n3A_218 : vector<16xi32> to vector<1x16xi32>
      tpu.vector_store %arg11[%swap3A_219, %swap3A_220], %swap3A_223 {strides = array<i32>} : memref<158x128xi32, #tpu.memory_space<vmem>>, vector<1x16xi32>,
      %mul3A_224 = arith.constant 2 : i32
      %mul3A_225 = vector.broadcast %mul3A_224 : i32 to vector<16xi32>
      %mul3A_226 = arith.muli %get3A_210, %mul3A_225 : vector<16xi32>
      %add3A_227 = vector.broadcast %arg0 : i32 to vector<16xi32>
      %add3A_228 = arith.addi %mul3A_226, %add3A_227 : vector<16xi32>
      %swap3A_229 = arith.index_cast %scan3A_75 : i32 to index
      %swap3A_230 = arith.constant 80 : index
      %swap3A_231 = tpu.vector_load %arg10[%swap3A_229, %swap3A_230] {strides = array<i32>} : memref<158x128xi32, #tpu.memory_space<vmem>>, vector<1x16xi32>,
      %swap3A_232 = vector.shape_cast %swap3A_231 : vector<1x16xi32> to vector<16xi32>
      %swap3A_233 = vector.shape_cast %add3A_228 : vector<16xi32> to vector<1x16xi32>
      tpu.vector_store %arg10[%swap3A_229, %swap3A_230], %swap3A_233 {strides = array<i32>} : memref<158x128xi32, #tpu.memory_space<vmem>>, vector<1x16xi32>,
      %get3A_234 = arith.index_cast %scan3A_75 : i32 to index
      %get3A_235 = arith.constant 96 : index
      %get3A_236 = tpu.vector_load %arg10[%get3A_234, %get3A_235] {strides = array<i32>} : memref<158x128xi32, #tpu.memory_space<vmem>>, vector<1x16xi32>,
      %get3A_237 = vector.shape_cast %get3A_236 : vector<1x16xi32> to vector<16xi32>
      %get3A_238 = arith.index_cast %scan3A_75 : i32 to index
      %get3A_239 = arith.constant 96 : index
      %get3A_240 = tpu.vector_load %arg11[%get3A_238, %get3A_239] {strides = array<i32>} : memref<158x128xi32, #tpu.memory_space<vmem>>, vector<1x16xi32>,
      %get3A_241 = vector.shape_cast %get3A_240 : vector<1x16xi32> to vector<16xi32>
      %eq3A_242 = arith.cmpi eq, %get3A_237, %get3A_241 : vector<16xi32>
      %broadcast_in_dim3A_243 = arith.constant 10000 : i32
      %broadcast_in_dim3A_244 = vector.broadcast %broadcast_in_dim3A_243 : i32 to vector<16xi32>
      %select_n3A_245 = arith.select %eq3A_242, %broadcast_in_dim3A_244, %get3A_241 : vector<16xi1>, vector<16xi32>
      %swap3A_246 = arith.index_cast %scan3A_75 : i32 to index
      %swap3A_247 = arith.constant 96 : index
      %swap3A_248 = tpu.vector_load %arg11[%swap3A_246, %swap3A_247] {strides = array<i32>} : memref<158x128xi32, #tpu.memory_space<vmem>>, vector<1x16xi32>,
      %swap3A_249 = vector.shape_cast %swap3A_248 : vector<1x16xi32> to vector<16xi32>
      %swap3A_250 = vector.shape_cast %select_n3A_245 : vector<16xi32> to vector<1x16xi32>
      tpu.vector_store %arg11[%swap3A_246, %swap3A_247], %swap3A_250 {strides = array<i32>} : memref<158x128xi32, #tpu.memory_space<vmem>>, vector<1x16xi32>,
      %mul3A_251 = arith.constant 2 : i32
      %mul3A_252 = vector.broadcast %mul3A_251 : i32 to vector<16xi32>
      %mul3A_253 = arith.muli %get3A_237, %mul3A_252 : vector<16xi32>
      %add3A_254 = vector.broadcast %arg0 : i32 to vector<16xi32>
      %add3A_255 = arith.addi %mul3A_253, %add3A_254 : vector<16xi32>
      %swap3A_256 = arith.index_cast %scan3A_75 : i32 to index
      %swap3A_257 = arith.constant 96 : index
      %swap3A_258 = tpu.vector_load %arg10[%swap3A_256, %swap3A_257] {strides = array<i32>} : memref<158x128xi32, #tpu.memory_space<vmem>>, vector<1x16xi32>,
      %swap3A_259 = vector.shape_cast %swap3A_258 : vector<1x16xi32> to vector<16xi32>
      %swap3A_260 = vector.shape_cast %add3A_255 : vector<16xi32> to vector<1x16xi32>
      tpu.vector_store %arg10[%swap3A_256, %swap3A_257], %swap3A_260 {strides = array<i32>} : memref<158x128xi32, #tpu.memory_space<vmem>>, vector<1x16xi32>,
      %get3A_261 = arith.index_cast %scan3A_75 : i32 to index
      %get3A_262 = arith.constant 112 : index
      %get3A_263 = tpu.vector_load %arg10[%get3A_261, %get3A_262] {strides = array<i32>} : memref<158x128xi32, #tpu.memory_space<vmem>>, vector<1x16xi32>,
      %get3A_264 = vector.shape_cast %get3A_263 : vector<1x16xi32> to vector<16xi32>
      %get3A_265 = arith.index_cast %scan3A_75 : i32 to index
      %get3A_266 = arith.constant 112 : index
      %get3A_267 = tpu.vector_load %arg11[%get3A_265, %get3A_266] {strides = array<i32>} : memref<158x128xi32, #tpu.memory_space<vmem>>, vector<1x16xi32>,
      %get3A_268 = vector.shape_cast %get3A_267 : vector<1x16xi32> to vector<16xi32>
      %eq3A_269 = arith.cmpi eq, %get3A_264, %get3A_268 : vector<16xi32>
      %broadcast_in_dim3A_270 = arith.constant 10000 : i32
      %broadcast_in_dim3A_271 = vector.broadcast %broadcast_in_dim3A_270 : i32 to vector<16xi32>
      %select_n3A_272 = arith.select %eq3A_269, %broadcast_in_dim3A_271, %get3A_268 : vector<16xi1>, vector<16xi32>
      %swap3A_273 = arith.index_cast %scan3A_75 : i32 to index
      %swap3A_274 = arith.constant 112 : index
      %swap3A_275 = tpu.vector_load %arg11[%swap3A_273, %swap3A_274] {strides = array<i32>} : memref<158x128xi32, #tpu.memory_space<vmem>>, vector<1x16xi32>,
      %swap3A_276 = vector.shape_cast %swap3A_275 : vector<1x16xi32> to vector<16xi32>
      %swap3A_277 = vector.shape_cast %select_n3A_272 : vector<16xi32> to vector<1x16xi32>
      tpu.vector_store %arg11[%swap3A_273, %swap3A_274], %swap3A_277 {strides = array<i32>} : memref<158x128xi32, #tpu.memory_space<vmem>>, vector<1x16xi32>,
      %mul3A_278 = arith.constant 2 : i32
      %mul3A_279 = vector.broadcast %mul3A_278 : i32 to vector<16xi32>
      %mul3A_280 = arith.muli %get3A_264, %mul3A_279 : vector<16xi32>
      %add3A_281 = vector.broadcast %arg0 : i32 to vector<16xi32>
      %add3A_282 = arith.addi %mul3A_280, %add3A_281 : vector<16xi32>
      %swap3A_283 = arith.index_cast %scan3A_75 : i32 to index
      %swap3A_284 = arith.constant 112 : index
      %swap3A_285 = tpu.vector_load %arg10[%swap3A_283, %swap3A_284] {strides = array<i32>} : memref<158x128xi32, #tpu.memory_space<vmem>>, vector<1x16xi32>,
      %swap3A_286 = vector.shape_cast %swap3A_285 : vector<1x16xi32> to vector<16xi32>
      %swap3A_287 = vector.shape_cast %add3A_282 : vector<16xi32> to vector<1x16xi32>
      tpu.vector_store %arg10[%swap3A_283, %swap3A_284], %swap3A_287 {strides = array<i32>} : memref<158x128xi32, #tpu.memory_space<vmem>>, vector<1x16xi32>,
    }
    %scan3A_5 = arith.constant 158 : i32
    %run_scoped3A = arith.constant 0 : i32
    "tpu.region"() ({
      %run_scoped3A_75 = tpu.sem_alloc : memref<!tpu.dma_semaphore, #tpu.memory_space<semaphore_mem>>
      %dma_start3A_76 = arith.constant 0 : i32
      %dma_start3A_77 = arith.constant 0 : i32
      %dma_start3A_78 = tpu.memref_slice %arg12[%run_scoped3A, %dma_start3A_76, %dma_start3A_77] : memref<2x128x64xf32, #tpu.memory_space<vmem>> -> memref<1x128x64xf32, #tpu.memory_space<vmem>>
      %dma_start3A_79 = tpu.memref_squeeze %dma_start3A_78 : memref<1x128x64xf32, #tpu.memory_space<vmem>> -> memref<128x64xf32, #tpu.memory_space<vmem>>
      %dma_start3A_80 = arith.constant 0 : i32
      %dma_start3A_81 = arith.constant 0 : i32
      %dma_start3A_82 = tpu.memref_slice %arg12[%run_scoped3A, %dma_start3A_80, %dma_start3A_81] : memref<2x128x64xf32, #tpu.memory_space<vmem>> -> memref<1x128x64xf32, #tpu.memory_space<vmem>>
      %dma_start3A_83 = tpu.memref_squeeze %dma_start3A_82 : memref<1x128x64xf32, #tpu.memory_space<vmem>> -> memref<128x64xf32, #tpu.memory_space<vmem>>
      tpu.enqueue_dma source(%arg5 : memref<128x64xf32, #tpu.memory_space<hbm>>) target(%dma_start3A_83 : memref<128x64xf32, #tpu.memory_space<vmem>>) target_semaphore(%run_scoped3A_75 : memref<!tpu.dma_semaphore, #tpu.memory_space<semaphore_mem>>)
      %dma_wait3A = arith.constant 0 : i32
      %dma_wait3A_84 = arith.constant 0 : i32
      %dma_wait3A_85 = tpu.memref_slice %arg12[%run_scoped3A, %dma_wait3A, %dma_wait3A_84] : memref<2x128x64xf32, #tpu.memory_space<vmem>> -> memref<1x128x64xf32, #tpu.memory_space<vmem>>
      %dma_wait3A_86 = tpu.memref_squeeze %dma_wait3A_85 : memref<1x128x64xf32, #tpu.memory_space<vmem>> -> memref<128x64xf32, #tpu.memory_space<vmem>>
      %dma_wait3A_87 = arith.constant 0 : i32
      %dma_wait3A_88 = arith.constant 0 : i32
      %dma_wait3A_89 = tpu.memref_slice %arg12[%run_scoped3A, %dma_wait3A_87, %dma_wait3A_88] : memref<2x128x64xf32, #tpu.memory_space<vmem>> -> memref<1x128x64xf32, #tpu.memory_space<vmem>>
      %dma_wait3A_90 = tpu.memref_squeeze %dma_wait3A_89 : memref<1x128x64xf32, #tpu.memory_space<vmem>> -> memref<128x64xf32, #tpu.memory_space<vmem>>
      tpu.wait_dma2 semaphore(%run_scoped3A_75 : memref<!tpu.dma_semaphore, #tpu.memory_space<semaphore_mem>>) src(%arg5 : memref<128x64xf32, #tpu.memory_space<hbm>>) dst(%dma_wait3A_90 : memref<128x64xf32, #tpu.memory_space<vmem>>)
      tpu.yield
    }) : () -> ()
    %add3A = arith.constant 0 : i32
    %add3A_6 = arith.addi %mul3A_0, %add3A : i32
    %run_scoped3A_7 = arith.constant 0 : i32
    "tpu.region"() ({
      %run_scoped3A_75 = tpu.sem_alloc : memref<!tpu.dma_semaphore, #tpu.memory_space<semaphore_mem>>
      %dma_start3A_76 = arith.constant 0 : i32
      %dma_start3A_77 = arith.constant 0 : i32
      %dma_start3A_78 = tpu.memref_slice %arg12[%run_scoped3A_7, %dma_start3A_76, %dma_start3A_77] : memref<2x128x64xf32, #tpu.memory_space<vmem>> -> memref<1x128x64xf32, #tpu.memory_space<vmem>>
      %dma_start3A_79 = tpu.memref_squeeze %dma_start3A_78 : memref<1x128x64xf32, #tpu.memory_space<vmem>> -> memref<128x64xf32, #tpu.memory_space<vmem>>
      %dma_start3A_80 = arith.constant 0 : i32
      %dma_start3A_81 = tpu.memref_slice %arg13[%add3A_6, %dma_start3A_80] : memref<10240x64xf32, #tpu.memory_space<vmem_shared>> -> memref<128x64xf32, #tpu.memory_space<vmem_shared>>
      %dma_start3A_82 = arith.constant 0 : i32
      %dma_start3A_83 = tpu.memref_slice %arg13[%add3A_6, %dma_start3A_82] : memref<10240x64xf32, #tpu.memory_space<vmem_shared>> -> memref<128x64xf32, #tpu.memory_space<vmem_shared>>
      %dma_start3A_84 = arith.constant 0 : i32
      %dma_start3A_85 = arith.constant 0 : i32
      %dma_start3A_86 = tpu.memref_slice %arg12[%run_scoped3A_7, %dma_start3A_84, %dma_start3A_85] : memref<2x128x64xf32, #tpu.memory_space<vmem>> -> memref<1x128x64xf32, #tpu.memory_space<vmem>>
      %dma_start3A_87 = tpu.memref_squeeze %dma_start3A_86 : memref<1x128x64xf32, #tpu.memory_space<vmem>> -> memref<128x64xf32, #tpu.memory_space<vmem>>
      tpu.enqueue_dma source(%dma_start3A_87 : memref<128x64xf32, #tpu.memory_space<vmem>>) target(%dma_start3A_83 : memref<128x64xf32, #tpu.memory_space<vmem_shared>>) target_semaphore(%run_scoped3A_75 : memref<!tpu.dma_semaphore, #tpu.memory_space<semaphore_mem>>)
      %dma_wait3A = arith.constant 0 : i32
      %dma_wait3A_88 = arith.constant 0 : i32
      %dma_wait3A_89 = tpu.memref_slice %arg12[%run_scoped3A_7, %dma_wait3A, %dma_wait3A_88] : memref<2x128x64xf32, #tpu.memory_space<vmem>> -> memref<1x128x64xf32, #tpu.memory_space<vmem>>
      %dma_wait3A_90 = tpu.memref_squeeze %dma_wait3A_89 : memref<1x128x64xf32, #tpu.memory_space<vmem>> -> memref<128x64xf32, #tpu.memory_space<vmem>>
      %dma_wait3A_91 = arith.constant 0 : i32
      %dma_wait3A_92 = tpu.memref_slice %arg13[%add3A_6, %dma_wait3A_91] : memref<10240x64xf32, #tpu.memory_space<vmem_shared>> -> memref<128x64xf32, #tpu.memory_space<vmem_shared>>
      %dma_wait3A_93 = arith.constant 0 : i32
      %dma_wait3A_94 = tpu.memref_slice %arg13[%add3A_6, %dma_wait3A_93] : memref<10240x64xf32, #tpu.memory_space<vmem_shared>> -> memref<128x64xf32, #tpu.memory_space<vmem_shared>>
      %dma_wait3A_95 = arith.constant 0 : i32
      %dma_wait3A_96 = arith.constant 0 : i32
      %dma_wait3A_97 = tpu.memref_slice %arg12[%run_scoped3A_7, %dma_wait3A_95, %dma_wait3A_96] : memref<2x128x64xf32, #tpu.memory_space<vmem>> -> memref<1x128x64xf32, #tpu.memory_space<vmem>>
      %dma_wait3A_98 = tpu.memref_squeeze %dma_wait3A_97 : memref<1x128x64xf32, #tpu.memory_space<vmem>> -> memref<128x64xf32, #tpu.memory_space<vmem>>
      tpu.wait_dma2 semaphore(%run_scoped3A_75 : memref<!tpu.dma_semaphore, #tpu.memory_space<semaphore_mem>>) src(%dma_wait3A_98 : memref<128x64xf32, #tpu.memory_space<vmem>>) dst(%dma_wait3A_94 : memref<128x64xf32, #tpu.memory_space<vmem_shared>>)
      tpu.yield
    }) : () -> ()
    %add3A_8 = arith.constant 128 : i32
    %add3A_9 = arith.addi %mul3A_0, %add3A_8 : i32
    %run_scoped3A_10 = arith.constant 0 : i32
    "tpu.region"() ({
      %run_scoped3A_75 = tpu.sem_alloc : memref<!tpu.dma_semaphore, #tpu.memory_space<semaphore_mem>>
      %dma_start3A_76 = arith.constant 0 : i32
      %dma_start3A_77 = arith.constant 0 : i32
      %dma_start3A_78 = tpu.memref_slice %arg12[%run_scoped3A_10, %dma_start3A_76, %dma_start3A_77] : memref<2x128x64xf32, #tpu.memory_space<vmem>> -> memref<1x128x64xf32, #tpu.memory_space<vmem>>
      %dma_start3A_79 = tpu.memref_squeeze %dma_start3A_78 : memref<1x128x64xf32, #tpu.memory_space<vmem>> -> memref<128x64xf32, #tpu.memory_space<vmem>>
      %dma_start3A_80 = arith.constant 0 : i32
      %dma_start3A_81 = tpu.memref_slice %arg13[%add3A_9, %dma_start3A_80] : memref<10240x64xf32, #tpu.memory_space<vmem_shared>> -> memref<128x64xf32, #tpu.memory_space<vmem_shared>>
      %dma_start3A_82 = arith.constant 0 : i32
      %dma_start3A_83 = tpu.memref_slice %arg13[%add3A_9, %dma_start3A_82] : memref<10240x64xf32, #tpu.memory_space<vmem_shared>> -> memref<128x64xf32, #tpu.memory_space<vmem_shared>>
      %dma_start3A_84 = arith.constant 0 : i32
      %dma_start3A_85 = arith.constant 0 : i32
      %dma_start3A_86 = tpu.memref_slice %arg12[%run_scoped3A_10, %dma_start3A_84, %dma_start3A_85] : memref<2x128x64xf32, #tpu.memory_space<vmem>> -> memref<1x128x64xf32, #tpu.memory_space<vmem>>
      %dma_start3A_87 = tpu.memref_squeeze %dma_start3A_86 : memref<1x128x64xf32, #tpu.memory_space<vmem>> -> memref<128x64xf32, #tpu.memory_space<vmem>>
      tpu.enqueue_dma source(%dma_start3A_87 : memref<128x64xf32, #tpu.memory_space<vmem>>) target(%dma_start3A_83 : memref<128x64xf32, #tpu.memory_space<vmem_shared>>) target_semaphore(%run_scoped3A_75 : memref<!tpu.dma_semaphore, #tpu.memory_space<semaphore_mem>>)
      %dma_wait3A = arith.constant 0 : i32
      %dma_wait3A_88 = arith.constant 0 : i32
      %dma_wait3A_89 = tpu.memref_slice %arg12[%run_scoped3A_10, %dma_wait3A, %dma_wait3A_88] : memref<2x128x64xf32, #tpu.memory_space<vmem>> -> memref<1x128x64xf32, #tpu.memory_space<vmem>>
      %dma_wait3A_90 = tpu.memref_squeeze %dma_wait3A_89 : memref<1x128x64xf32, #tpu.memory_space<vmem>> -> memref<128x64xf32, #tpu.memory_space<vmem>>
      %dma_wait3A_91 = arith.constant 0 : i32
      %dma_wait3A_92 = tpu.memref_slice %arg13[%add3A_9, %dma_wait3A_91] : memref<10240x64xf32, #tpu.memory_space<vmem_shared>> -> memref<128x64xf32, #tpu.memory_space<vmem_shared>>
      %dma_wait3A_93 = arith.constant 0 : i32
      %dma_wait3A_94 = tpu.memref_slice %arg13[%add3A_9, %dma_wait3A_93] : memref<10240x64xf32, #tpu.memory_space<vmem_shared>> -> memref<128x64xf32, #tpu.memory_space<vmem_shared>>
      %dma_wait3A_95 = arith.constant 0 : i32
      %dma_wait3A_96 = arith.constant 0 : i32
      %dma_wait3A_97 = tpu.memref_slice %arg12[%run_scoped3A_10, %dma_wait3A_95, %dma_wait3A_96] : memref<2x128x64xf32, #tpu.memory_space<vmem>> -> memref<1x128x64xf32, #tpu.memory_space<vmem>>
      %dma_wait3A_98 = tpu.memref_squeeze %dma_wait3A_97 : memref<1x128x64xf32, #tpu.memory_space<vmem>> -> memref<128x64xf32, #tpu.memory_space<vmem>>
      tpu.wait_dma2 semaphore(%run_scoped3A_75 : memref<!tpu.dma_semaphore, #tpu.memory_space<semaphore_mem>>) src(%dma_wait3A_98 : memref<128x64xf32, #tpu.memory_space<vmem>>) dst(%dma_wait3A_94 : memref<128x64xf32, #tpu.memory_space<vmem_shared>>)
      tpu.yield
    }) : () -> ()
    %add3A_11 = arith.constant 256 : i32
    %add3A_12 = arith.addi %mul3A_0, %add3A_11 : i32
    %run_scoped3A_13 = arith.constant 0 : i32
    "tpu.region"() ({
      %run_scoped3A_75 = tpu.sem_alloc : memref<!tpu.dma_semaphore, #tpu.memory_space<semaphore_mem>>
      %dma_start3A_76 = arith.constant 0 : i32
      %dma_start3A_77 = arith.constant 0 : i32
      %dma_start3A_78 = tpu.memref_slice %arg12[%run_scoped3A_13, %dma_start3A_76, %dma_start3A_77] : memref<2x128x64xf32, #tpu.memory_space<vmem>> -> memref<1x128x64xf32, #tpu.memory_space<vmem>>
      %dma_start3A_79 = tpu.memref_squeeze %dma_start3A_78 : memref<1x128x64xf32, #tpu.memory_space<vmem>> -> memref<128x64xf32, #tpu.memory_space<vmem>>
      %dma_start3A_80 = arith.constant 0 : i32
      %dma_start3A_81 = tpu.memref_slice %arg13[%add3A_12, %dma_start3A_80] : memref<10240x64xf32, #tpu.memory_space<vmem_shared>> -> memref<128x64xf32, #tpu.memory_space<vmem_shared>>
      %dma_start3A_82 = arith.constant 0 : i32
      %dma_start3A_83 = tpu.memref_slice %arg13[%add3A_12, %dma_start3A_82] : memref<10240x64xf32, #tpu.memory_space<vmem_shared>> -> memref<128x64xf32, #tpu.memory_space<vmem_shared>>
      %dma_start3A_84 = arith.constant 0 : i32
      %dma_start3A_85 = arith.constant 0 : i32
      %dma_start3A_86 = tpu.memref_slice %arg12[%run_scoped3A_13, %dma_start3A_84, %dma_start3A_85] : memref<2x128x64xf32, #tpu.memory_space<vmem>> -> memref<1x128x64xf32, #tpu.memory_space<vmem>>
      %dma_start3A_87 = tpu.memref_squeeze %dma_start3A_86 : memref<1x128x64xf32, #tpu.memory_space<vmem>> -> memref<128x64xf32, #tpu.memory_space<vmem>>
      tpu.enqueue_dma source(%dma_start3A_87 : memref<128x64xf32, #tpu.memory_space<vmem>>) target(%dma_start3A_83 : memref<128x64xf32, #tpu.memory_space<vmem_shared>>) target_semaphore(%run_scoped3A_75 : memref<!tpu.dma_semaphore, #tpu.memory_space<semaphore_mem>>)
      %dma_wait3A = arith.constant 0 : i32
      %dma_wait3A_88 = arith.constant 0 : i32
      %dma_wait3A_89 = tpu.memref_slice %arg12[%run_scoped3A_13, %dma_wait3A, %dma_wait3A_88] : memref<2x128x64xf32, #tpu.memory_space<vmem>> -> memref<1x128x64xf32, #tpu.memory_space<vmem>>
      %dma_wait3A_90 = tpu.memref_squeeze %dma_wait3A_89 : memref<1x128x64xf32, #tpu.memory_space<vmem>> -> memref<128x64xf32, #tpu.memory_space<vmem>>
      %dma_wait3A_91 = arith.constant 0 : i32
      %dma_wait3A_92 = tpu.memref_slice %arg13[%add3A_12, %dma_wait3A_91] : memref<10240x64xf32, #tpu.memory_space<vmem_shared>> -> memref<128x64xf32, #tpu.memory_space<vmem_shared>>
      %dma_wait3A_93 = arith.constant 0 : i32
      %dma_wait3A_94 = tpu.memref_slice %arg13[%add3A_12, %dma_wait3A_93] : memref<10240x64xf32, #tpu.memory_space<vmem_shared>> -> memref<128x64xf32, #tpu.memory_space<vmem_shared>>
      %dma_wait3A_95 = arith.constant 0 : i32
      %dma_wait3A_96 = arith.constant 0 : i32
      %dma_wait3A_97 = tpu.memref_slice %arg12[%run_scoped3A_13, %dma_wait3A_95, %dma_wait3A_96] : memref<2x128x64xf32, #tpu.memory_space<vmem>> -> memref<1x128x64xf32, #tpu.memory_space<vmem>>
      %dma_wait3A_98 = tpu.memref_squeeze %dma_wait3A_97 : memref<1x128x64xf32, #tpu.memory_space<vmem>> -> memref<128x64xf32, #tpu.memory_space<vmem>>
      tpu.wait_dma2 semaphore(%run_scoped3A_75 : memref<!tpu.dma_semaphore, #tpu.memory_space<semaphore_mem>>) src(%dma_wait3A_98 : memref<128x64xf32, #tpu.memory_space<vmem>>) dst(%dma_wait3A_94 : memref<128x64xf32, #tpu.memory_space<vmem_shared>>)
      tpu.yield
    }) : () -> ()
    %add3A_14 = arith.constant 384 : i32
    %add3A_15 = arith.addi %mul3A_0, %add3A_14 : i32
    %run_scoped3A_16 = arith.constant 0 : i32
    "tpu.region"() ({
      %run_scoped3A_75 = tpu.sem_alloc : memref<!tpu.dma_semaphore, #tpu.memory_space<semaphore_mem>>
      %dma_start3A_76 = arith.constant 0 : i32
      %dma_start3A_77 = arith.constant 0 : i32
      %dma_start3A_78 = tpu.memref_slice %arg12[%run_scoped3A_16, %dma_start3A_76, %dma_start3A_77] : memref<2x128x64xf32, #tpu.memory_space<vmem>> -> memref<1x128x64xf32, #tpu.memory_space<vmem>>
      %dma_start3A_79 = tpu.memref_squeeze %dma_start3A_78 : memref<1x128x64xf32, #tpu.memory_space<vmem>> -> memref<128x64xf32, #tpu.memory_space<vmem>>
      %dma_start3A_80 = arith.constant 0 : i32
      %dma_start3A_81 = tpu.memref_slice %arg13[%add3A_15, %dma_start3A_80] : memref<10240x64xf32, #tpu.memory_space<vmem_shared>> -> memref<128x64xf32, #tpu.memory_space<vmem_shared>>
      %dma_start3A_82 = arith.constant 0 : i32
      %dma_start3A_83 = tpu.memref_slice %arg13[%add3A_15, %dma_start3A_82] : memref<10240x64xf32, #tpu.memory_space<vmem_shared>> -> memref<128x64xf32, #tpu.memory_space<vmem_shared>>
      %dma_start3A_84 = arith.constant 0 : i32
      %dma_start3A_85 = arith.constant 0 : i32
      %dma_start3A_86 = tpu.memref_slice %arg12[%run_scoped3A_16, %dma_start3A_84, %dma_start3A_85] : memref<2x128x64xf32, #tpu.memory_space<vmem>> -> memref<1x128x64xf32, #tpu.memory_space<vmem>>
      %dma_start3A_87 = tpu.memref_squeeze %dma_start3A_86 : memref<1x128x64xf32, #tpu.memory_space<vmem>> -> memref<128x64xf32, #tpu.memory_space<vmem>>
      tpu.enqueue_dma source(%dma_start3A_87 : memref<128x64xf32, #tpu.memory_space<vmem>>) target(%dma_start3A_83 : memref<128x64xf32, #tpu.memory_space<vmem_shared>>) target_semaphore(%run_scoped3A_75 : memref<!tpu.dma_semaphore, #tpu.memory_space<semaphore_mem>>)
      %dma_wait3A = arith.constant 0 : i32
      %dma_wait3A_88 = arith.constant 0 : i32
      %dma_wait3A_89 = tpu.memref_slice %arg12[%run_scoped3A_16, %dma_wait3A, %dma_wait3A_88] : memref<2x128x64xf32, #tpu.memory_space<vmem>> -> memref<1x128x64xf32, #tpu.memory_space<vmem>>
      %dma_wait3A_90 = tpu.memref_squeeze %dma_wait3A_89 : memref<1x128x64xf32, #tpu.memory_space<vmem>> -> memref<128x64xf32, #tpu.memory_space<vmem>>
      %dma_wait3A_91 = arith.constant 0 : i32
      %dma_wait3A_92 = tpu.memref_slice %arg13[%add3A_15, %dma_wait3A_91] : memref<10240x64xf32, #tpu.memory_space<vmem_shared>> -> memref<128x64xf32, #tpu.memory_space<vmem_shared>>
      %dma_wait3A_93 = arith.constant 0 : i32
      %dma_wait3A_94 = tpu.memref_slice %arg13[%add3A_15, %dma_wait3A_93] : memref<10240x64xf32, #tpu.memory_space<vmem_shared>> -> memref<128x64xf32, #tpu.memory_space<vmem_shared>>
      %dma_wait3A_95 = arith.constant 0 : i32
      %dma_wait3A_96 = arith.constant 0 : i32
      %dma_wait3A_97 = tpu.memref_slice %arg12[%run_scoped3A_16, %dma_wait3A_95, %dma_wait3A_96] : memref<2x128x64xf32, #tpu.memory_space<vmem>> -> memref<1x128x64xf32, #tpu.memory_space<vmem>>
      %dma_wait3A_98 = tpu.memref_squeeze %dma_wait3A_97 : memref<1x128x64xf32, #tpu.memory_space<vmem>> -> memref<128x64xf32, #tpu.memory_space<vmem>>
      tpu.wait_dma2 semaphore(%run_scoped3A_75 : memref<!tpu.dma_semaphore, #tpu.memory_space<semaphore_mem>>) src(%dma_wait3A_98 : memref<128x64xf32, #tpu.memory_space<vmem>>) dst(%dma_wait3A_94 : memref<128x64xf32, #tpu.memory_space<vmem_shared>>)
      tpu.yield
    }) : () -> ()
    %add3A_17 = arith.constant 512 : i32
    %add3A_18 = arith.addi %mul3A_0, %add3A_17 : i32
    %run_scoped3A_19 = arith.constant 0 : i32
    "tpu.region"() ({
      %run_scoped3A_75 = tpu.sem_alloc : memref<!tpu.dma_semaphore, #tpu.memory_space<semaphore_mem>>
      %dma_start3A_76 = arith.constant 0 : i32
      %dma_start3A_77 = arith.constant 0 : i32
      %dma_start3A_78 = tpu.memref_slice %arg12[%run_scoped3A_19, %dma_start3A_76, %dma_start3A_77] : memref<2x128x64xf32, #tpu.memory_space<vmem>> -> memref<1x128x64xf32, #tpu.memory_space<vmem>>
      %dma_start3A_79 = tpu.memref_squeeze %dma_start3A_78 : memref<1x128x64xf32, #tpu.memory_space<vmem>> -> memref<128x64xf32, #tpu.memory_space<vmem>>
      %dma_start3A_80 = arith.constant 0 : i32
      %dma_start3A_81 = tpu.memref_slice %arg13[%add3A_18, %dma_start3A_80] : memref<10240x64xf32, #tpu.memory_space<vmem_shared>> -> memref<128x64xf32, #tpu.memory_space<vmem_shared>>
      %dma_start3A_82 = arith.constant 0 : i32
      %dma_start3A_83 = tpu.memref_slice %arg13[%add3A_18, %dma_start3A_82] : memref<10240x64xf32, #tpu.memory_space<vmem_shared>> -> memref<128x64xf32, #tpu.memory_space<vmem_shared>>
      %dma_start3A_84 = arith.constant 0 : i32
      %dma_start3A_85 = arith.constant 0 : i32
      %dma_start3A_86 = tpu.memref_slice %arg12[%run_scoped3A_19, %dma_start3A_84, %dma_start3A_85] : memref<2x128x64xf32, #tpu.memory_space<vmem>> -> memref<1x128x64xf32, #tpu.memory_space<vmem>>
      %dma_start3A_87 = tpu.memref_squeeze %dma_start3A_86 : memref<1x128x64xf32, #tpu.memory_space<vmem>> -> memref<128x64xf32, #tpu.memory_space<vmem>>
      tpu.enqueue_dma source(%dma_start3A_87 : memref<128x64xf32, #tpu.memory_space<vmem>>) target(%dma_start3A_83 : memref<128x64xf32, #tpu.memory_space<vmem_shared>>) target_semaphore(%run_scoped3A_75 : memref<!tpu.dma_semaphore, #tpu.memory_space<semaphore_mem>>)
      %dma_wait3A = arith.constant 0 : i32
      %dma_wait3A_88 = arith.constant 0 : i32
      %dma_wait3A_89 = tpu.memref_slice %arg12[%run_scoped3A_19, %dma_wait3A, %dma_wait3A_88] : memref<2x128x64xf32, #tpu.memory_space<vmem>> -> memref<1x128x64xf32, #tpu.memory_space<vmem>>
      %dma_wait3A_90 = tpu.memref_squeeze %dma_wait3A_89 : memref<1x128x64xf32, #tpu.memory_space<vmem>> -> memref<128x64xf32, #tpu.memory_space<vmem>>
      %dma_wait3A_91 = arith.constant 0 : i32
      %dma_wait3A_92 = tpu.memref_slice %arg13[%add3A_18, %dma_wait3A_91] : memref<10240x64xf32, #tpu.memory_space<vmem_shared>> -> memref<128x64xf32, #tpu.memory_space<vmem_shared>>
      %dma_wait3A_93 = arith.constant 0 : i32
      %dma_wait3A_94 = tpu.memref_slice %arg13[%add3A_18, %dma_wait3A_93] : memref<10240x64xf32, #tpu.memory_space<vmem_shared>> -> memref<128x64xf32, #tpu.memory_space<vmem_shared>>
      %dma_wait3A_95 = arith.constant 0 : i32
      %dma_wait3A_96 = arith.constant 0 : i32
      %dma_wait3A_97 = tpu.memref_slice %arg12[%run_scoped3A_19, %dma_wait3A_95, %dma_wait3A_96] : memref<2x128x64xf32, #tpu.memory_space<vmem>> -> memref<1x128x64xf32, #tpu.memory_space<vmem>>
      %dma_wait3A_98 = tpu.memref_squeeze %dma_wait3A_97 : memref<1x128x64xf32, #tpu.memory_space<vmem>> -> memref<128x64xf32, #tpu.memory_space<vmem>>
      tpu.wait_dma2 semaphore(%run_scoped3A_75 : memref<!tpu.dma_semaphore, #tpu.memory_space<semaphore_mem>>) src(%dma_wait3A_98 : memref<128x64xf32, #tpu.memory_space<vmem>>) dst(%dma_wait3A_94 : memref<128x64xf32, #tpu.memory_space<vmem_shared>>)
      tpu.yield
    }) : () -> ()
    "tpu.region"() ({
      %run_scoped3A_75 = tpu.sem_alloc : memref<!tpu.dma_semaphore, #tpu.memory_space<semaphore_mem>>
      tpu.enqueue_dma source(%arg7 : memref<128x16xf32, #tpu.memory_space<hbm>>) target(%arg16 : memref<128x16xf32, #tpu.memory_space<vmem>>) target_semaphore(%run_scoped3A_75 : memref<!tpu.dma_semaphore, #tpu.memory_space<semaphore_mem>>)
      tpu.wait_dma2 semaphore(%run_scoped3A_75 : memref<!tpu.dma_semaphore, #tpu.memory_space<semaphore_mem>>) src(%arg7 : memref<128x16xf32, #tpu.memory_space<hbm>>) dst(%arg16 : memref<128x16xf32, #tpu.memory_space<vmem>>)
      tpu.yield
    }) : () -> ()
    %eq3A = arith.constant 0 : i32
    %eq3A_20 = arith.cmpi eq, %arg0, %eq3A : i32
    %convert_element_type3A = arith.extui %eq3A_20 : i1 to i32
    %cond3A = arith.constant 0 : i32
    %cond3A_21 = arith.cmpi ne, %convert_element_type3A, %cond3A : i32
    scf.if %cond3A_21 {
      "tpu.region"() ({
        %run_scoped3A_85 = tpu.sem_alloc : memref<!tpu.dma_semaphore, #tpu.memory_space<semaphore_mem>>
        tpu.enqueue_dma source(%arg6 : memref<128x16xf32, #tpu.memory_space<hbm>>) target(%arg17 : memref<128x16xf32, #tpu.memory_space<vmem>>) target_semaphore(%run_scoped3A_85 : memref<!tpu.dma_semaphore, #tpu.memory_space<semaphore_mem>>)
        tpu.wait_dma2 semaphore(%run_scoped3A_85 : memref<!tpu.dma_semaphore, #tpu.memory_space<semaphore_mem>>) src(%arg6 : memref<128x16xf32, #tpu.memory_space<hbm>>) dst(%arg17 : memref<128x16xf32, #tpu.memory_space<vmem>>)
        tpu.yield
      }) : () -> ()
      %add3A_75 = arith.constant 0 : i32
      %add3A_76 = arith.addi %mul3A_0, %add3A_75 : i32
      "tpu.region"() ({
        %run_scoped3A_85 = tpu.sem_alloc : memref<!tpu.dma_semaphore, #tpu.memory_space<semaphore_mem>>
        %dma_start3A_86 = arith.constant 0 : i32
        %dma_start3A_87 = tpu.memref_slice %arg18[%add3A_76, %dma_start3A_86] : memref<10240x16xf32, #tpu.memory_space<vmem_shared>> -> memref<128x16xf32, #tpu.memory_space<vmem_shared>>
        %dma_start3A_88 = arith.constant 0 : i32
        %dma_start3A_89 = tpu.memref_slice %arg18[%add3A_76, %dma_start3A_88] : memref<10240x16xf32, #tpu.memory_space<vmem_shared>> -> memref<128x16xf32, #tpu.memory_space<vmem_shared>>
        tpu.enqueue_dma source(%arg17 : memref<128x16xf32, #tpu.memory_space<vmem>>) target(%dma_start3A_89 : memref<128x16xf32, #tpu.memory_space<vmem_shared>>) target_semaphore(%run_scoped3A_85 : memref<!tpu.dma_semaphore, #tpu.memory_space<semaphore_mem>>)
        %dma_wait3A = arith.constant 0 : i32
        %dma_wait3A_90 = tpu.memref_slice %arg18[%add3A_76, %dma_wait3A] : memref<10240x16xf32, #tpu.memory_space<vmem_shared>> -> memref<128x16xf32, #tpu.memory_space<vmem_shared>>
        %dma_wait3A_91 = arith.constant 0 : i32
        %dma_wait3A_92 = tpu.memref_slice %arg18[%add3A_76, %dma_wait3A_91] : memref<10240x16xf32, #tpu.memory_space<vmem_shared>> -> memref<128x16xf32, #tpu.memory_space<vmem_shared>>
        tpu.wait_dma2 semaphore(%run_scoped3A_85 : memref<!tpu.dma_semaphore, #tpu.memory_space<semaphore_mem>>) src(%arg17 : memref<128x16xf32, #tpu.memory_space<vmem>>) dst(%dma_wait3A_92 : memref<128x16xf32, #tpu.memory_space<vmem_shared>>)
        tpu.yield
      }) : () -> ()
      %add3A_77 = arith.constant 128 : i32
      %add3A_78 = arith.addi %mul3A_0, %add3A_77 : i32
      "tpu.region"() ({
        %run_scoped3A_85 = tpu.sem_alloc : memref<!tpu.dma_semaphore, #tpu.memory_space<semaphore_mem>>
        %dma_start3A_86 = arith.constant 0 : i32
        %dma_start3A_87 = tpu.memref_slice %arg18[%add3A_78, %dma_start3A_86] : memref<10240x16xf32, #tpu.memory_space<vmem_shared>> -> memref<128x16xf32, #tpu.memory_space<vmem_shared>>
        %dma_start3A_88 = arith.constant 0 : i32
        %dma_start3A_89 = tpu.memref_slice %arg18[%add3A_78, %dma_start3A_88] : memref<10240x16xf32, #tpu.memory_space<vmem_shared>> -> memref<128x16xf32, #tpu.memory_space<vmem_shared>>
        tpu.enqueue_dma source(%arg17 : memref<128x16xf32, #tpu.memory_space<vmem>>) target(%dma_start3A_89 : memref<128x16xf32, #tpu.memory_space<vmem_shared>>) target_semaphore(%run_scoped3A_85 : memref<!tpu.dma_semaphore, #tpu.memory_space<semaphore_mem>>)
        %dma_wait3A = arith.constant 0 : i32
        %dma_wait3A_90 = tpu.memref_slice %arg18[%add3A_78, %dma_wait3A] : memref<10240x16xf32, #tpu.memory_space<vmem_shared>> -> memref<128x16xf32, #tpu.memory_space<vmem_shared>>
        %dma_wait3A_91 = arith.constant 0 : i32
        %dma_wait3A_92 = tpu.memref_slice %arg18[%add3A_78, %dma_wait3A_91] : memref<10240x16xf32, #tpu.memory_space<vmem_shared>> -> memref<128x16xf32, #tpu.memory_space<vmem_shared>>
        tpu.wait_dma2 semaphore(%run_scoped3A_85 : memref<!tpu.dma_semaphore, #tpu.memory_space<semaphore_mem>>) src(%arg17 : memref<128x16xf32, #tpu.memory_space<vmem>>) dst(%dma_wait3A_92 : memref<128x16xf32, #tpu.memory_space<vmem_shared>>)
        tpu.yield
      }) : () -> ()
      %add3A_79 = arith.constant 256 : i32
      %add3A_80 = arith.addi %mul3A_0, %add3A_79 : i32
      "tpu.region"() ({
        %run_scoped3A_85 = tpu.sem_alloc : memref<!tpu.dma_semaphore, #tpu.memory_space<semaphore_mem>>
        %dma_start3A_86 = arith.constant 0 : i32
        %dma_start3A_87 = tpu.memref_slice %arg18[%add3A_80, %dma_start3A_86] : memref<10240x16xf32, #tpu.memory_space<vmem_shared>> -> memref<128x16xf32, #tpu.memory_space<vmem_shared>>
        %dma_start3A_88 = arith.constant 0 : i32
        %dma_start3A_89 = tpu.memref_slice %arg18[%add3A_80, %dma_start3A_88] : memref<10240x16xf32, #tpu.memory_space<vmem_shared>> -> memref<128x16xf32, #tpu.memory_space<vmem_shared>>
        tpu.enqueue_dma source(%arg17 : memref<128x16xf32, #tpu.memory_space<vmem>>) target(%dma_start3A_89 : memref<128x16xf32, #tpu.memory_space<vmem_shared>>) target_semaphore(%run_scoped3A_85 : memref<!tpu.dma_semaphore, #tpu.memory_space<semaphore_mem>>)
        %dma_wait3A = arith.constant 0 : i32
        %dma_wait3A_90 = tpu.memref_slice %arg18[%add3A_80, %dma_wait3A] : memref<10240x16xf32, #tpu.memory_space<vmem_shared>> -> memref<128x16xf32, #tpu.memory_space<vmem_shared>>
        %dma_wait3A_91 = arith.constant 0 : i32
        %dma_wait3A_92 = tpu.memref_slice %arg18[%add3A_80, %dma_wait3A_91] : memref<10240x16xf32, #tpu.memory_space<vmem_shared>> -> memref<128x16xf32, #tpu.memory_space<vmem_shared>>
        tpu.wait_dma2 semaphore(%run_scoped3A_85 : memref<!tpu.dma_semaphore, #tpu.memory_space<semaphore_mem>>) src(%arg17 : memref<128x16xf32, #tpu.memory_space<vmem>>) dst(%dma_wait3A_92 : memref<128x16xf32, #tpu.memory_space<vmem_shared>>)
        tpu.yield
      }) : () -> ()
      %add3A_81 = arith.constant 384 : i32
      %add3A_82 = arith.addi %mul3A_0, %add3A_81 : i32
      "tpu.region"() ({
        %run_scoped3A_85 = tpu.sem_alloc : memref<!tpu.dma_semaphore, #tpu.memory_space<semaphore_mem>>
        %dma_start3A_86 = arith.constant 0 : i32
        %dma_start3A_87 = tpu.memref_slice %arg18[%add3A_82, %dma_start3A_86] : memref<10240x16xf32, #tpu.memory_space<vmem_shared>> -> memref<128x16xf32, #tpu.memory_space<vmem_shared>>
        %dma_start3A_88 = arith.constant 0 : i32
        %dma_start3A_89 = tpu.memref_slice %arg18[%add3A_82, %dma_start3A_88] : memref<10240x16xf32, #tpu.memory_space<vmem_shared>> -> memref<128x16xf32, #tpu.memory_space<vmem_shared>>
        tpu.enqueue_dma source(%arg17 : memref<128x16xf32, #tpu.memory_space<vmem>>) target(%dma_start3A_89 : memref<128x16xf32, #tpu.memory_space<vmem_shared>>) target_semaphore(%run_scoped3A_85 : memref<!tpu.dma_semaphore, #tpu.memory_space<semaphore_mem>>)
        %dma_wait3A = arith.constant 0 : i32
        %dma_wait3A_90 = tpu.memref_slice %arg18[%add3A_82, %dma_wait3A] : memref<10240x16xf32, #tpu.memory_space<vmem_shared>> -> memref<128x16xf32, #tpu.memory_space<vmem_shared>>
        %dma_wait3A_91 = arith.constant 0 : i32
        %dma_wait3A_92 = tpu.memref_slice %arg18[%add3A_82, %dma_wait3A_91] : memref<10240x16xf32, #tpu.memory_space<vmem_shared>> -> memref<128x16xf32, #tpu.memory_space<vmem_shared>>
        tpu.wait_dma2 semaphore(%run_scoped3A_85 : memref<!tpu.dma_semaphore, #tpu.memory_space<semaphore_mem>>) src(%arg17 : memref<128x16xf32, #tpu.memory_space<vmem>>) dst(%dma_wait3A_92 : memref<128x16xf32, #tpu.memory_space<vmem_shared>>)
        tpu.yield
      }) : () -> ()
      %add3A_83 = arith.constant 512 : i32
      %add3A_84 = arith.addi %mul3A_0, %add3A_83 : i32
      "tpu.region"() ({
        %run_scoped3A_85 = tpu.sem_alloc : memref<!tpu.dma_semaphore, #tpu.memory_space<semaphore_mem>>
        %dma_start3A_86 = arith.constant 0 : i32
        %dma_start3A_87 = tpu.memref_slice %arg18[%add3A_84, %dma_start3A_86] : memref<10240x16xf32, #tpu.memory_space<vmem_shared>> -> memref<128x16xf32, #tpu.memory_space<vmem_shared>>
        %dma_start3A_88 = arith.constant 0 : i32
        %dma_start3A_89 = tpu.memref_slice %arg18[%add3A_84, %dma_start3A_88] : memref<10240x16xf32, #tpu.memory_space<vmem_shared>> -> memref<128x16xf32, #tpu.memory_space<vmem_shared>>
        tpu.enqueue_dma source(%arg17 : memref<128x16xf32, #tpu.memory_space<vmem>>) target(%dma_start3A_89 : memref<128x16xf32, #tpu.memory_space<vmem_shared>>) target_semaphore(%run_scoped3A_85 : memref<!tpu.dma_semaphore, #tpu.memory_space<semaphore_mem>>)
        %dma_wait3A = arith.constant 0 : i32
        %dma_wait3A_90 = tpu.memref_slice %arg18[%add3A_84, %dma_wait3A] : memref<10240x16xf32, #tpu.memory_space<vmem_shared>> -> memref<128x16xf32, #tpu.memory_space<vmem_shared>>
        %dma_wait3A_91 = arith.constant 0 : i32
        %dma_wait3A_92 = tpu.memref_slice %arg18[%add3A_84, %dma_wait3A_91] : memref<10240x16xf32, #tpu.memory_space<vmem_shared>> -> memref<128x16xf32, #tpu.memory_space<vmem_shared>>
        tpu.wait_dma2 semaphore(%run_scoped3A_85 : memref<!tpu.dma_semaphore, #tpu.memory_space<semaphore_mem>>) src(%arg17 : memref<128x16xf32, #tpu.memory_space<vmem>>) dst(%dma_wait3A_92 : memref<128x16xf32, #tpu.memory_space<vmem_shared>>)
        tpu.yield
      }) : () -> ()
    } else {
    }
    %barrier3A = arith.constant 0 : index
    tpu.barrier barrier_id(%barrier3A)
    %dma_start3A = arith.constant 0 : i32
    %dma_start3A_22 = arith.constant 0 : i32
    %dma_start3A_23 = arith.constant 0 : i32
    %dma_start3A_24 = arith.constant 0 : i32
    %dma_start3A_25 = tpu.memref_slice %arg12[%dma_start3A_22, %dma_start3A_23, %dma_start3A_24] : memref<2x128x64xf32, #tpu.memory_space<vmem>> -> memref<1x128x64xf32, #tpu.memory_space<vmem>>
    %dma_start3A_26 = tpu.memref_squeeze %dma_start3A_25 : memref<1x128x64xf32, #tpu.memory_space<vmem>> -> memref<128x64xf32, #tpu.memory_space<vmem>>
    %dma_start3A_27 = arith.constant 0 : i32
    %dma_start3A_28 = tpu.memref_slice %arg10[%dma_start3A, %dma_start3A_27] : memref<158x128xi32, #tpu.memory_space<vmem>> -> memref<1x128xi32, #tpu.memory_space<vmem>>
    %dma_start3A_29 = tpu.memref_squeeze %dma_start3A_28 : memref<1x128xi32, #tpu.memory_space<vmem>> -> memref<128xi32, #tpu.memory_space<vmem>>
    %dma_start3A_30 = arith.constant 0 : i32
    %dma_start3A_31 = arith.constant 0 : i32
    %dma_start3A_32 = tpu.memref_slice %arg2[%dma_start3A_30, %dma_start3A_31] : memref<20480x64xf32, #tpu.memory_space<hbm>> -> memref<20480x64xf32, #tpu.memory_space<hbm>>
    tpu.enqueue_indirect_dma source(%dma_start3A_32 : memref<20480x64xf32, #tpu.memory_space<hbm>>) target(%dma_start3A_26 : memref<128x64xf32, #tpu.memory_space<vmem>>) offsets(%dma_start3A_29 : memref<128xi32, #tpu.memory_space<vmem>>) semaphore(%arg14 : memref<!tpu.dma_semaphore, #tpu.memory_space<semaphore_mem>>)
    %scan3A_33 = arith.constant 0 : i32
    %scan3A_34 = arith.constant 0 : i32
    %scan3A_35 = arith.constant 79 : i32
    %scan3A_36 = arith.addi %scan3A_34, %scan3A_35 : i32
    %scan3A_37 = arith.constant 1 : i32
    scf.for %scan3A_75 = %scan3A_34 to %scan3A_36 step %scan3A_37  : i32 {
      %mul3A_76 = arith.constant 2 : i32
      %mul3A_77 = arith.muli %mul3A_76, %scan3A_75 : i32
      %add3A_78 = arith.constant 1 : i32
      %add3A_79 = arith.addi %mul3A_77, %add3A_78 : i32
      %dma_start3A_80 = arith.constant 1 : i32
      %dma_start3A_81 = arith.constant 0 : i32
      %dma_start3A_82 = arith.constant 0 : i32
      %dma_start3A_83 = tpu.memref_slice %arg12[%dma_start3A_80, %dma_start3A_81, %dma_start3A_82] : memref<2x128x64xf32, #tpu.memory_space<vmem>> -> memref<1x128x64xf32, #tpu.memory_space<vmem>>
      %dma_start3A_84 = tpu.memref_squeeze %dma_start3A_83 : memref<1x128x64xf32, #tpu.memory_space<vmem>> -> memref<128x64xf32, #tpu.memory_space<vmem>>
      %dma_start3A_85 = arith.constant 0 : i32
      %dma_start3A_86 = tpu.memref_slice %arg10[%add3A_79, %dma_start3A_85] : memref<158x128xi32, #tpu.memory_space<vmem>> -> memref<1x128xi32, #tpu.memory_space<vmem>>
      %dma_start3A_87 = tpu.memref_squeeze %dma_start3A_86 : memref<1x128xi32, #tpu.memory_space<vmem>> -> memref<128xi32, #tpu.memory_space<vmem>>
      %dma_start3A_88 = arith.constant 0 : i32
      %dma_start3A_89 = arith.constant 0 : i32
      %dma_start3A_90 = tpu.memref_slice %arg2[%dma_start3A_88, %dma_start3A_89] : memref<20480x64xf32, #tpu.memory_space<hbm>> -> memref<20480x64xf32, #tpu.memory_space<hbm>>
      tpu.enqueue_indirect_dma source(%dma_start3A_90 : memref<20480x64xf32, #tpu.memory_space<hbm>>) target(%dma_start3A_84 : memref<128x64xf32, #tpu.memory_space<vmem>>) offsets(%dma_start3A_87 : memref<128xi32, #tpu.memory_space<vmem>>) semaphore(%arg15 : memref<!tpu.dma_semaphore, #tpu.memory_space<semaphore_mem>>)
      %dma_wait3A = arith.constant 0 : i32
      %dma_wait3A_91 = arith.constant 0 : i32
      %dma_wait3A_92 = arith.constant 0 : i32
      %dma_wait3A_93 = arith.constant 0 : i32
      %dma_wait3A_94 = tpu.memref_slice %arg12[%dma_wait3A_91, %dma_wait3A_92, %dma_wait3A_93] : memref<2x128x64xf32, #tpu.memory_space<vmem>> -> memref<1x128x64xf32, #tpu.memory_space<vmem>>
      %dma_wait3A_95 = tpu.memref_squeeze %dma_wait3A_94 : memref<1x128x64xf32, #tpu.memory_space<vmem>> -> memref<128x64xf32, #tpu.memory_space<vmem>>
      %dma_wait3A_96 = arith.constant 0 : i32
      %dma_wait3A_97 = tpu.memref_slice %arg10[%dma_wait3A, %dma_wait3A_96] : memref<158x128xi32, #tpu.memory_space<vmem>> -> memref<1x128xi32, #tpu.memory_space<vmem>>
      %dma_wait3A_98 = tpu.memref_squeeze %dma_wait3A_97 : memref<1x128xi32, #tpu.memory_space<vmem>> -> memref<128xi32, #tpu.memory_space<vmem>>
      %dma_wait3A_99 = arith.constant 0 : i32
      %dma_wait3A_100 = arith.constant 0 : i32
      %dma_wait3A_101 = tpu.memref_slice %arg2[%dma_wait3A_99, %dma_wait3A_100] : memref<20480x64xf32, #tpu.memory_space<hbm>> -> memref<20480x64xf32, #tpu.memory_space<hbm>>
      tpu.wait_indirect_dma semaphore(%arg14 : memref<!tpu.dma_semaphore, #tpu.memory_space<semaphore_mem>>) src(%dma_wait3A_101 : memref<20480x64xf32, #tpu.memory_space<hbm>>) dst(%dma_wait3A_95 : memref<128x64xf32, #tpu.memory_space<vmem>>)
      %mul3A_102 = arith.constant 2 : i32
      %mul3A_103 = arith.muli %mul3A_102, %scan3A_75 : i32
      %run_scoped3A_104 = arith.constant 0 : i32
      "tpu.region"() ({
        %run_scoped3A_138 = tpu.sem_alloc : memref<!tpu.dma_semaphore, #tpu.memory_space<semaphore_mem>>
        %dma_start3A_139 = arith.constant 0 : i32
        %dma_start3A_140 = arith.constant 0 : i32
        %dma_start3A_141 = tpu.memref_slice %arg12[%run_scoped3A_104, %dma_start3A_139, %dma_start3A_140] : memref<2x128x64xf32, #tpu.memory_space<vmem>> -> memref<1x128x64xf32, #tpu.memory_space<vmem>>
        %dma_start3A_142 = tpu.memref_squeeze %dma_start3A_141 : memref<1x128x64xf32, #tpu.memory_space<vmem>> -> memref<128x64xf32, #tpu.memory_space<vmem>>
        %dma_start3A_143 = arith.constant 0 : i32
        %dma_start3A_144 = tpu.memref_slice %arg11[%mul3A_103, %dma_start3A_143] : memref<158x128xi32, #tpu.memory_space<vmem>> -> memref<1x128xi32, #tpu.memory_space<vmem>>
        %dma_start3A_145 = tpu.memref_squeeze %dma_start3A_144 : memref<1x128xi32, #tpu.memory_space<vmem>> -> memref<128xi32, #tpu.memory_space<vmem>>
        %dma_start3A_146 = arith.constant 0 : i32
        %dma_start3A_147 = arith.constant 0 : i32
        %dma_start3A_148 = tpu.memref_slice %arg13[%dma_start3A_146, %dma_start3A_147] : memref<10240x64xf32, #tpu.memory_space<vmem_shared>> -> memref<10240x64xf32, #tpu.memory_space<vmem_shared>>
        tpu.enqueue_indirect_dma source(%dma_start3A_142 : memref<128x64xf32, #tpu.memory_space<vmem>>) target(%dma_start3A_148 : memref<10240x64xf32, #tpu.memory_space<vmem_shared>>) offsets(%dma_start3A_145 : memref<128xi32, #tpu.memory_space<vmem>>) semaphore(%run_scoped3A_138 : memref<!tpu.dma_semaphore, #tpu.memory_space<semaphore_mem>>) {add = true}
        %dma_wait3A_149 = arith.constant 0 : i32
        %dma_wait3A_150 = arith.constant 0 : i32
        %dma_wait3A_151 = tpu.memref_slice %arg12[%run_scoped3A_104, %dma_wait3A_149, %dma_wait3A_150] : memref<2x128x64xf32, #tpu.memory_space<vmem>> -> memref<1x128x64xf32, #tpu.memory_space<vmem>>
        %dma_wait3A_152 = tpu.memref_squeeze %dma_wait3A_151 : memref<1x128x64xf32, #tpu.memory_space<vmem>> -> memref<128x64xf32, #tpu.memory_space<vmem>>
        %dma_wait3A_153 = arith.constant 0 : i32
        %dma_wait3A_154 = tpu.memref_slice %arg11[%mul3A_103, %dma_wait3A_153] : memref<158x128xi32, #tpu.memory_space<vmem>> -> memref<1x128xi32, #tpu.memory_space<vmem>>
        %dma_wait3A_155 = tpu.memref_squeeze %dma_wait3A_154 : memref<1x128xi32, #tpu.memory_space<vmem>> -> memref<128xi32, #tpu.memory_space<vmem>>
        %dma_wait3A_156 = arith.constant 0 : i32
        %dma_wait3A_157 = arith.constant 0 : i32
        %dma_wait3A_158 = tpu.memref_slice %arg13[%dma_wait3A_156, %dma_wait3A_157] : memref<10240x64xf32, #tpu.memory_space<vmem_shared>> -> memref<10240x64xf32, #tpu.memory_space<vmem_shared>>
        tpu.wait_indirect_dma semaphore(%run_scoped3A_138 : memref<!tpu.dma_semaphore, #tpu.memory_space<semaphore_mem>>) src(%dma_wait3A_152 : memref<128x64xf32, #tpu.memory_space<vmem>>) dst(%dma_wait3A_158 : memref<10240x64xf32, #tpu.memory_space<vmem_shared>>)
        tpu.yield
      }) : () -> ()
      %eq3A_105 = arith.constant 0 : i32
      %eq3A_106 = arith.cmpi eq, %arg0, %eq3A_105 : i32
      %convert_element_type3A_107 = arith.extui %eq3A_106 : i1 to i32
      %cond3A_108 = arith.constant 0 : i32
      %cond3A_109 = arith.cmpi ne, %convert_element_type3A_107, %cond3A_108 : i32
      scf.if %cond3A_109 {
        "tpu.region"() ({
          %run_scoped3A_138 = tpu.sem_alloc : memref<!tpu.dma_semaphore, #tpu.memory_space<semaphore_mem>>
          %dma_start3A_139 = arith.constant 0 : i32
          %dma_start3A_140 = tpu.memref_slice %arg11[%mul3A_103, %dma_start3A_139] : memref<158x128xi32, #tpu.memory_space<vmem>> -> memref<1x128xi32, #tpu.memory_space<vmem>>
          %dma_start3A_141 = tpu.memref_squeeze %dma_start3A_140 : memref<1x128xi32, #tpu.memory_space<vmem>> -> memref<128xi32, #tpu.memory_space<vmem>>
          %dma_start3A_142 = arith.constant 0 : i32
          %dma_start3A_143 = arith.constant 0 : i32
          %dma_start3A_144 = tpu.memref_slice %arg18[%dma_start3A_142, %dma_start3A_143] : memref<10240x16xf32, #tpu.memory_space<vmem_shared>> -> memref<10240x16xf32, #tpu.memory_space<vmem_shared>>
          tpu.enqueue_indirect_dma source(%arg16 : memref<128x16xf32, #tpu.memory_space<vmem>>) target(%dma_start3A_144 : memref<10240x16xf32, #tpu.memory_space<vmem_shared>>) offsets(%dma_start3A_141 : memref<128xi32, #tpu.memory_space<vmem>>) semaphore(%run_scoped3A_138 : memref<!tpu.dma_semaphore, #tpu.memory_space<semaphore_mem>>) {add = true}
          %dma_wait3A_145 = arith.constant 0 : i32
          %dma_wait3A_146 = tpu.memref_slice %arg11[%mul3A_103, %dma_wait3A_145] : memref<158x128xi32, #tpu.memory_space<vmem>> -> memref<1x128xi32, #tpu.memory_space<vmem>>
          %dma_wait3A_147 = tpu.memref_squeeze %dma_wait3A_146 : memref<1x128xi32, #tpu.memory_space<vmem>> -> memref<128xi32, #tpu.memory_space<vmem>>
          %dma_wait3A_148 = arith.constant 0 : i32
          %dma_wait3A_149 = arith.constant 0 : i32
          %dma_wait3A_150 = tpu.memref_slice %arg18[%dma_wait3A_148, %dma_wait3A_149] : memref<10240x16xf32, #tpu.memory_space<vmem_shared>> -> memref<10240x16xf32, #tpu.memory_space<vmem_shared>>
          tpu.wait_indirect_dma semaphore(%run_scoped3A_138 : memref<!tpu.dma_semaphore, #tpu.memory_space<semaphore_mem>>) src(%arg16 : memref<128x16xf32, #tpu.memory_space<vmem>>) dst(%dma_wait3A_150 : memref<10240x16xf32, #tpu.memory_space<vmem_shared>>)
          tpu.yield
        }) : () -> ()
      } else {
      }
      %add3A_110 = arith.constant 1 : i32
      %add3A_111 = arith.addi %scan3A_75, %add3A_110 : i32
      %lt3A = arith.constant 79 : i32
      %lt3A_112 = arith.cmpi slt, %add3A_111, %lt3A : i32
      %convert_element_type3A_113 = arith.extui %lt3A_112 : i1 to i32
      %cond3A_114 = arith.constant 0 : i32
      %cond3A_115 = arith.cmpi ne, %convert_element_type3A_113, %cond3A_114 : i32
      scf.if %cond3A_115 {
        %mul3A_138 = arith.constant 2 : i32
        %mul3A_139 = arith.muli %mul3A_138, %scan3A_75 : i32
        %add3A_140 = arith.constant 2 : i32
        %add3A_141 = arith.addi %mul3A_139, %add3A_140 : i32
        %dma_start3A_142 = arith.constant 0 : i32
        %dma_start3A_143 = arith.constant 0 : i32
        %dma_start3A_144 = arith.constant 0 : i32
        %dma_start3A_145 = tpu.memref_slice %arg12[%dma_start3A_142, %dma_start3A_143, %dma_start3A_144] : memref<2x128x64xf32, #tpu.memory_space<vmem>> -> memref<1x128x64xf32, #tpu.memory_space<vmem>>
        %dma_start3A_146 = tpu.memref_squeeze %dma_start3A_145 : memref<1x128x64xf32, #tpu.memory_space<vmem>> -> memref<128x64xf32, #tpu.memory_space<vmem>>
        %dma_start3A_147 = arith.constant 0 : i32
        %dma_start3A_148 = tpu.memref_slice %arg10[%add3A_141, %dma_start3A_147] : memref<158x128xi32, #tpu.memory_space<vmem>> -> memref<1x128xi32, #tpu.memory_space<vmem>>
        %dma_start3A_149 = tpu.memref_squeeze %dma_start3A_148 : memref<1x128xi32, #tpu.memory_space<vmem>> -> memref<128xi32, #tpu.memory_space<vmem>>
        %dma_start3A_150 = arith.constant 0 : i32
        %dma_start3A_151 = arith.constant 0 : i32
        %dma_start3A_152 = tpu.memref_slice %arg2[%dma_start3A_150, %dma_start3A_151] : memref<20480x64xf32, #tpu.memory_space<hbm>> -> memref<20480x64xf32, #tpu.memory_space<hbm>>
        tpu.enqueue_indirect_dma source(%dma_start3A_152 : memref<20480x64xf32, #tpu.memory_space<hbm>>) target(%dma_start3A_146 : memref<128x64xf32, #tpu.memory_space<vmem>>) offsets(%dma_start3A_149 : memref<128xi32, #tpu.memory_space<vmem>>) semaphore(%arg14 : memref<!tpu.dma_semaphore, #tpu.memory_space<semaphore_mem>>)
      } else {
      }
      %dma_wait3A_116 = arith.constant 0 : i32
      %dma_wait3A_117 = arith.constant 1 : i32
      %dma_wait3A_118 = arith.constant 0 : i32
      %dma_wait3A_119 = arith.constant 0 : i32
      %dma_wait3A_120 = tpu.memref_slice %arg12[%dma_wait3A_117, %dma_wait3A_118, %dma_wait3A_119] : memref<2x128x64xf32, #tpu.memory_space<vmem>> -> memref<1x128x64xf32, #tpu.memory_space<vmem>>
      %dma_wait3A_121 = tpu.memref_squeeze %dma_wait3A_120 : memref<1x128x64xf32, #tpu.memory_space<vmem>> -> memref<128x64xf32, #tpu.memory_space<vmem>>
      %dma_wait3A_122 = arith.constant 0 : i32
      %dma_wait3A_123 = tpu.memref_slice %arg10[%dma_wait3A_116, %dma_wait3A_122] : memref<158x128xi32, #tpu.memory_space<vmem>> -> memref<1x128xi32, #tpu.memory_space<vmem>>
      %dma_wait3A_124 = tpu.memref_squeeze %dma_wait3A_123 : memref<1x128xi32, #tpu.memory_space<vmem>> -> memref<128xi32, #tpu.memory_space<vmem>>
      %dma_wait3A_125 = arith.constant 0 : i32
      %dma_wait3A_126 = arith.constant 0 : i32
      %dma_wait3A_127 = tpu.memref_slice %arg2[%dma_wait3A_125, %dma_wait3A_126] : memref<20480x64xf32, #tpu.memory_space<hbm>> -> memref<20480x64xf32, #tpu.memory_space<hbm>>
      tpu.wait_indirect_dma semaphore(%arg15 : memref<!tpu.dma_semaphore, #tpu.memory_space<semaphore_mem>>) src(%dma_wait3A_127 : memref<20480x64xf32, #tpu.memory_space<hbm>>) dst(%dma_wait3A_121 : memref<128x64xf32, #tpu.memory_space<vmem>>)
      %mul3A_128 = arith.constant 2 : i32
      %mul3A_129 = arith.muli %mul3A_128, %scan3A_75 : i32
      %add3A_130 = arith.constant 1 : i32
      %add3A_131 = arith.addi %mul3A_129, %add3A_130 : i32
      %run_scoped3A_132 = arith.constant 1 : i32
      "tpu.region"() ({
        %run_scoped3A_138 = tpu.sem_alloc : memref<!tpu.dma_semaphore, #tpu.memory_space<semaphore_mem>>
        %dma_start3A_139 = arith.constant 0 : i32
        %dma_start3A_140 = arith.constant 0 : i32
        %dma_start3A_141 = tpu.memref_slice %arg12[%run_scoped3A_132, %dma_start3A_139, %dma_start3A_140] : memref<2x128x64xf32, #tpu.memory_space<vmem>> -> memref<1x128x64xf32, #tpu.memory_space<vmem>>
        %dma_start3A_142 = tpu.memref_squeeze %dma_start3A_141 : memref<1x128x64xf32, #tpu.memory_space<vmem>> -> memref<128x64xf32, #tpu.memory_space<vmem>>
        %dma_start3A_143 = arith.constant 0 : i32
        %dma_start3A_144 = tpu.memref_slice %arg11[%add3A_131, %dma_start3A_143] : memref<158x128xi32, #tpu.memory_space<vmem>> -> memref<1x128xi32, #tpu.memory_space<vmem>>
        %dma_start3A_145 = tpu.memref_squeeze %dma_start3A_144 : memref<1x128xi32, #tpu.memory_space<vmem>> -> memref<128xi32, #tpu.memory_space<vmem>>
        %dma_start3A_146 = arith.constant 0 : i32
        %dma_start3A_147 = arith.constant 0 : i32
        %dma_start3A_148 = tpu.memref_slice %arg13[%dma_start3A_146, %dma_start3A_147] : memref<10240x64xf32, #tpu.memory_space<vmem_shared>> -> memref<10240x64xf32, #tpu.memory_space<vmem_shared>>
        tpu.enqueue_indirect_dma source(%dma_start3A_142 : memref<128x64xf32, #tpu.memory_space<vmem>>) target(%dma_start3A_148 : memref<10240x64xf32, #tpu.memory_space<vmem_shared>>) offsets(%dma_start3A_145 : memref<128xi32, #tpu.memory_space<vmem>>) semaphore(%run_scoped3A_138 : memref<!tpu.dma_semaphore, #tpu.memory_space<semaphore_mem>>) {add = true}
        %dma_wait3A_149 = arith.constant 0 : i32
        %dma_wait3A_150 = arith.constant 0 : i32
        %dma_wait3A_151 = tpu.memref_slice %arg12[%run_scoped3A_132, %dma_wait3A_149, %dma_wait3A_150] : memref<2x128x64xf32, #tpu.memory_space<vmem>> -> memref<1x128x64xf32, #tpu.memory_space<vmem>>
        %dma_wait3A_152 = tpu.memref_squeeze %dma_wait3A_151 : memref<1x128x64xf32, #tpu.memory_space<vmem>> -> memref<128x64xf32, #tpu.memory_space<vmem>>
        %dma_wait3A_153 = arith.constant 0 : i32
        %dma_wait3A_154 = tpu.memref_slice %arg11[%add3A_131, %dma_wait3A_153] : memref<158x128xi32, #tpu.memory_space<vmem>> -> memref<1x128xi32, #tpu.memory_space<vmem>>
        %dma_wait3A_155 = tpu.memref_squeeze %dma_wait3A_154 : memref<1x128xi32, #tpu.memory_space<vmem>> -> memref<128xi32, #tpu.memory_space<vmem>>
        %dma_wait3A_156 = arith.constant 0 : i32
        %dma_wait3A_157 = arith.constant 0 : i32
        %dma_wait3A_158 = tpu.memref_slice %arg13[%dma_wait3A_156, %dma_wait3A_157] : memref<10240x64xf32, #tpu.memory_space<vmem_shared>> -> memref<10240x64xf32, #tpu.memory_space<vmem_shared>>
        tpu.wait_indirect_dma semaphore(%run_scoped3A_138 : memref<!tpu.dma_semaphore, #tpu.memory_space<semaphore_mem>>) src(%dma_wait3A_152 : memref<128x64xf32, #tpu.memory_space<vmem>>) dst(%dma_wait3A_158 : memref<10240x64xf32, #tpu.memory_space<vmem_shared>>)
        tpu.yield
      }) : () -> ()
      %eq3A_133 = arith.constant 0 : i32
      %eq3A_134 = arith.cmpi eq, %arg0, %eq3A_133 : i32
      %convert_element_type3A_135 = arith.extui %eq3A_134 : i1 to i32
      %cond3A_136 = arith.constant 0 : i32
      %cond3A_137 = arith.cmpi ne, %convert_element_type3A_135, %cond3A_136 : i32
      scf.if %cond3A_137 {
        "tpu.region"() ({
          %run_scoped3A_138 = tpu.sem_alloc : memref<!tpu.dma_semaphore, #tpu.memory_space<semaphore_mem>>
          %dma_start3A_139 = arith.constant 0 : i32
          %dma_start3A_140 = tpu.memref_slice %arg11[%add3A_131, %dma_start3A_139] : memref<158x128xi32, #tpu.memory_space<vmem>> -> memref<1x128xi32, #tpu.memory_space<vmem>>
          %dma_start3A_141 = tpu.memref_squeeze %dma_start3A_140 : memref<1x128xi32, #tpu.memory_space<vmem>> -> memref<128xi32, #tpu.memory_space<vmem>>
          %dma_start3A_142 = arith.constant 0 : i32
          %dma_start3A_143 = arith.constant 0 : i32
          %dma_start3A_144 = tpu.memref_slice %arg18[%dma_start3A_142, %dma_start3A_143] : memref<10240x16xf32, #tpu.memory_space<vmem_shared>> -> memref<10240x16xf32, #tpu.memory_space<vmem_shared>>
          tpu.enqueue_indirect_dma source(%arg16 : memref<128x16xf32, #tpu.memory_space<vmem>>) target(%dma_start3A_144 : memref<10240x16xf32, #tpu.memory_space<vmem_shared>>) offsets(%dma_start3A_141 : memref<128xi32, #tpu.memory_space<vmem>>) semaphore(%run_scoped3A_138 : memref<!tpu.dma_semaphore, #tpu.memory_space<semaphore_mem>>) {add = true}
          %dma_wait3A_145 = arith.constant 0 : i32
          %dma_wait3A_146 = tpu.memref_slice %arg11[%add3A_131, %dma_wait3A_145] : memref<158x128xi32, #tpu.memory_space<vmem>> -> memref<1x128xi32, #tpu.memory_space<vmem>>
          %dma_wait3A_147 = tpu.memref_squeeze %dma_wait3A_146 : memref<1x128xi32, #tpu.memory_space<vmem>> -> memref<128xi32, #tpu.memory_space<vmem>>
          %dma_wait3A_148 = arith.constant 0 : i32
          %dma_wait3A_149 = arith.constant 0 : i32
          %dma_wait3A_150 = tpu.memref_slice %arg18[%dma_wait3A_148, %dma_wait3A_149] : memref<10240x16xf32, #tpu.memory_space<vmem_shared>> -> memref<10240x16xf32, #tpu.memory_space<vmem_shared>>
          tpu.wait_indirect_dma semaphore(%run_scoped3A_138 : memref<!tpu.dma_semaphore, #tpu.memory_space<semaphore_mem>>) src(%arg16 : memref<128x16xf32, #tpu.memory_space<vmem>>) dst(%dma_wait3A_150 : memref<10240x16xf32, #tpu.memory_space<vmem_shared>>)
          tpu.yield
        }) : () -> ()
      } else {
      }
    }
    %scan3A_38 = arith.constant 79 : i32
    %barrier3A_39 = arith.constant 0 : index
    tpu.barrier barrier_id(%barrier3A_39)
    %add3A_40 = arith.constant 0 : i32
    %add3A_41 = arith.addi %mul3A_0, %add3A_40 : i32
    %run_scoped3A_42 = arith.constant 0 : i32
    "tpu.region"() ({
      %run_scoped3A_75 = tpu.sem_alloc : memref<!tpu.dma_semaphore, #tpu.memory_space<semaphore_mem>>
      %dma_start3A_76 = arith.constant 0 : i32
      %dma_start3A_77 = arith.constant 0 : i32
      %dma_start3A_78 = tpu.memref_slice %arg12[%run_scoped3A_42, %dma_start3A_76, %dma_start3A_77] : memref<2x128x64xf32, #tpu.memory_space<vmem>> -> memref<1x128x64xf32, #tpu.memory_space<vmem>>
      %dma_start3A_79 = tpu.memref_squeeze %dma_start3A_78 : memref<1x128x64xf32, #tpu.memory_space<vmem>> -> memref<128x64xf32, #tpu.memory_space<vmem>>
      %dma_start3A_80 = arith.constant 0 : i32
      %dma_start3A_81 = tpu.memref_slice %arg13[%add3A_41, %dma_start3A_80] : memref<10240x64xf32, #tpu.memory_space<vmem_shared>> -> memref<128x64xf32, #tpu.memory_space<vmem_shared>>
      %dma_start3A_82 = arith.constant 0 : i32
      %dma_start3A_83 = arith.constant 0 : i32
      %dma_start3A_84 = tpu.memref_slice %arg12[%run_scoped3A_42, %dma_start3A_82, %dma_start3A_83] : memref<2x128x64xf32, #tpu.memory_space<vmem>> -> memref<1x128x64xf32, #tpu.memory_space<vmem>>
      %dma_start3A_85 = tpu.memref_squeeze %dma_start3A_84 : memref<1x128x64xf32, #tpu.memory_space<vmem>> -> memref<128x64xf32, #tpu.memory_space<vmem>>
      %dma_start3A_86 = arith.constant 0 : i32
      %dma_start3A_87 = tpu.memref_slice %arg13[%add3A_41, %dma_start3A_86] : memref<10240x64xf32, #tpu.memory_space<vmem_shared>> -> memref<128x64xf32, #tpu.memory_space<vmem_shared>>
      tpu.enqueue_dma source(%dma_start3A_87 : memref<128x64xf32, #tpu.memory_space<vmem_shared>>) target(%dma_start3A_85 : memref<128x64xf32, #tpu.memory_space<vmem>>) target_semaphore(%run_scoped3A_75 : memref<!tpu.dma_semaphore, #tpu.memory_space<semaphore_mem>>)
      %dma_wait3A = arith.constant 0 : i32
      %dma_wait3A_88 = arith.constant 0 : i32
      %dma_wait3A_89 = tpu.memref_slice %arg12[%run_scoped3A_42, %dma_wait3A, %dma_wait3A_88] : memref<2x128x64xf32, #tpu.memory_space<vmem>> -> memref<1x128x64xf32, #tpu.memory_space<vmem>>
      %dma_wait3A_90 = tpu.memref_squeeze %dma_wait3A_89 : memref<1x128x64xf32, #tpu.memory_space<vmem>> -> memref<128x64xf32, #tpu.memory_space<vmem>>
      %dma_wait3A_91 = arith.constant 0 : i32
      %dma_wait3A_92 = tpu.memref_slice %arg13[%add3A_41, %dma_wait3A_91] : memref<10240x64xf32, #tpu.memory_space<vmem_shared>> -> memref<128x64xf32, #tpu.memory_space<vmem_shared>>
      %dma_wait3A_93 = arith.constant 0 : i32
      %dma_wait3A_94 = arith.constant 0 : i32
      %dma_wait3A_95 = tpu.memref_slice %arg12[%run_scoped3A_42, %dma_wait3A_93, %dma_wait3A_94] : memref<2x128x64xf32, #tpu.memory_space<vmem>> -> memref<1x128x64xf32, #tpu.memory_space<vmem>>
      %dma_wait3A_96 = tpu.memref_squeeze %dma_wait3A_95 : memref<1x128x64xf32, #tpu.memory_space<vmem>> -> memref<128x64xf32, #tpu.memory_space<vmem>>
      %dma_wait3A_97 = arith.constant 0 : i32
      %dma_wait3A_98 = tpu.memref_slice %arg13[%add3A_41, %dma_wait3A_97] : memref<10240x64xf32, #tpu.memory_space<vmem_shared>> -> memref<128x64xf32, #tpu.memory_space<vmem_shared>>
      tpu.wait_dma2 semaphore(%run_scoped3A_75 : memref<!tpu.dma_semaphore, #tpu.memory_space<semaphore_mem>>) src(%dma_wait3A_98 : memref<128x64xf32, #tpu.memory_space<vmem_shared>>) dst(%dma_wait3A_96 : memref<128x64xf32, #tpu.memory_space<vmem>>)
      tpu.yield
    }) : () -> ()
    %add3A_43 = arith.constant 0 : i32
    %add3A_44 = arith.addi %mul3A_0, %add3A_43 : i32
    %run_scoped3A_45 = arith.constant 0 : i32
    "tpu.region"() ({
      %run_scoped3A_75 = tpu.sem_alloc : memref<!tpu.dma_semaphore, #tpu.memory_space<semaphore_mem>>
      %dma_start3A_76 = arith.constant 0 : i32
      %dma_start3A_77 = arith.constant 0 : i32
      %dma_start3A_78 = tpu.memref_slice %arg12[%run_scoped3A_45, %dma_start3A_76, %dma_start3A_77] : memref<2x128x64xf32, #tpu.memory_space<vmem>> -> memref<1x128x64xf32, #tpu.memory_space<vmem>>
      %dma_start3A_79 = tpu.memref_squeeze %dma_start3A_78 : memref<1x128x64xf32, #tpu.memory_space<vmem>> -> memref<128x64xf32, #tpu.memory_space<vmem>>
      %dma_start3A_80 = arith.constant 0 : i32
      %dma_start3A_81 = tpu.memref_slice %arg8[%arg0, %add3A_44, %dma_start3A_80] : memref<2x10240x64xf32, #tpu.memory_space<hbm>> -> memref<1x128x64xf32, #tpu.memory_space<hbm>>
      %dma_start3A_82 = tpu.memref_squeeze %dma_start3A_81 : memref<1x128x64xf32, #tpu.memory_space<hbm>> -> memref<128x64xf32, #tpu.memory_space<hbm>>
      %dma_start3A_83 = arith.constant 0 : i32
      %dma_start3A_84 = tpu.memref_slice %arg8[%arg0, %add3A_44, %dma_start3A_83] : memref<2x10240x64xf32, #tpu.memory_space<hbm>> -> memref<1x128x64xf32, #tpu.memory_space<hbm>>
      %dma_start3A_85 = tpu.memref_squeeze %dma_start3A_84 : memref<1x128x64xf32, #tpu.memory_space<hbm>> -> memref<128x64xf32, #tpu.memory_space<hbm>>
      %dma_start3A_86 = arith.constant 0 : i32
      %dma_start3A_87 = arith.constant 0 : i32
      %dma_start3A_88 = tpu.memref_slice %arg12[%run_scoped3A_45, %dma_start3A_86, %dma_start3A_87] : memref<2x128x64xf32, #tpu.memory_space<vmem>> -> memref<1x128x64xf32, #tpu.memory_space<vmem>>
      %dma_start3A_89 = tpu.memref_squeeze %dma_start3A_88 : memref<1x128x64xf32, #tpu.memory_space<vmem>> -> memref<128x64xf32, #tpu.memory_space<vmem>>
      tpu.enqueue_dma source(%dma_start3A_89 : memref<128x64xf32, #tpu.memory_space<vmem>>) target(%dma_start3A_85 : memref<128x64xf32, #tpu.memory_space<hbm>>) target_semaphore(%run_scoped3A_75 : memref<!tpu.dma_semaphore, #tpu.memory_space<semaphore_mem>>)
      %dma_wait3A = arith.constant 0 : i32
      %dma_wait3A_90 = arith.constant 0 : i32
      %dma_wait3A_91 = tpu.memref_slice %arg12[%run_scoped3A_45, %dma_wait3A, %dma_wait3A_90] : memref<2x128x64xf32, #tpu.memory_space<vmem>> -> memref<1x128x64xf32, #tpu.memory_space<vmem>>
      %dma_wait3A_92 = tpu.memref_squeeze %dma_wait3A_91 : memref<1x128x64xf32, #tpu.memory_space<vmem>> -> memref<128x64xf32, #tpu.memory_space<vmem>>
      %dma_wait3A_93 = arith.constant 0 : i32
      %dma_wait3A_94 = tpu.memref_slice %arg8[%arg0, %add3A_44, %dma_wait3A_93] : memref<2x10240x64xf32, #tpu.memory_space<hbm>> -> memref<1x128x64xf32, #tpu.memory_space<hbm>>
      %dma_wait3A_95 = tpu.memref_squeeze %dma_wait3A_94 : memref<1x128x64xf32, #tpu.memory_space<hbm>> -> memref<128x64xf32, #tpu.memory_space<hbm>>
      %dma_wait3A_96 = arith.constant 0 : i32
      %dma_wait3A_97 = tpu.memref_slice %arg8[%arg0, %add3A_44, %dma_wait3A_96] : memref<2x10240x64xf32, #tpu.memory_space<hbm>> -> memref<1x128x64xf32, #tpu.memory_space<hbm>>
      %dma_wait3A_98 = tpu.memref_squeeze %dma_wait3A_97 : memref<1x128x64xf32, #tpu.memory_space<hbm>> -> memref<128x64xf32, #tpu.memory_space<hbm>>
      %dma_wait3A_99 = arith.constant 0 : i32
      %dma_wait3A_100 = arith.constant 0 : i32
      %dma_wait3A_101 = tpu.memref_slice %arg12[%run_scoped3A_45, %dma_wait3A_99, %dma_wait3A_100] : memref<2x128x64xf32, #tpu.memory_space<vmem>> -> memref<1x128x64xf32, #tpu.memory_space<vmem>>
      %dma_wait3A_102 = tpu.memref_squeeze %dma_wait3A_101 : memref<1x128x64xf32, #tpu.memory_space<vmem>> -> memref<128x64xf32, #tpu.memory_space<vmem>>
      tpu.wait_dma2 semaphore(%run_scoped3A_75 : memref<!tpu.dma_semaphore, #tpu.memory_space<semaphore_mem>>) src(%dma_wait3A_102 : memref<128x64xf32, #tpu.memory_space<vmem>>) dst(%dma_wait3A_98 : memref<128x64xf32, #tpu.memory_space<hbm>>)
      tpu.yield
    }) : () -> ()
    %add3A_46 = arith.constant 128 : i32
    %add3A_47 = arith.addi %mul3A_0, %add3A_46 : i32
    %run_scoped3A_48 = arith.constant 0 : i32
    "tpu.region"() ({
      %run_scoped3A_75 = tpu.sem_alloc : memref<!tpu.dma_semaphore, #tpu.memory_space<semaphore_mem>>
      %dma_start3A_76 = arith.constant 0 : i32
      %dma_start3A_77 = arith.constant 0 : i32
      %dma_start3A_78 = tpu.memref_slice %arg12[%run_scoped3A_48, %dma_start3A_76, %dma_start3A_77] : memref<2x128x64xf32, #tpu.memory_space<vmem>> -> memref<1x128x64xf32, #tpu.memory_space<vmem>>
      %dma_start3A_79 = tpu.memref_squeeze %dma_start3A_78 : memref<1x128x64xf32, #tpu.memory_space<vmem>> -> memref<128x64xf32, #tpu.memory_space<vmem>>
      %dma_start3A_80 = arith.constant 0 : i32
      %dma_start3A_81 = tpu.memref_slice %arg13[%add3A_47, %dma_start3A_80] : memref<10240x64xf32, #tpu.memory_space<vmem_shared>> -> memref<128x64xf32, #tpu.memory_space<vmem_shared>>
      %dma_start3A_82 = arith.constant 0 : i32
      %dma_start3A_83 = arith.constant 0 : i32
      %dma_start3A_84 = tpu.memref_slice %arg12[%run_scoped3A_48, %dma_start3A_82, %dma_start3A_83] : memref<2x128x64xf32, #tpu.memory_space<vmem>> -> memref<1x128x64xf32, #tpu.memory_space<vmem>>
      %dma_start3A_85 = tpu.memref_squeeze %dma_start3A_84 : memref<1x128x64xf32, #tpu.memory_space<vmem>> -> memref<128x64xf32, #tpu.memory_space<vmem>>
      %dma_start3A_86 = arith.constant 0 : i32
      %dma_start3A_87 = tpu.memref_slice %arg13[%add3A_47, %dma_start3A_86] : memref<10240x64xf32, #tpu.memory_space<vmem_shared>> -> memref<128x64xf32, #tpu.memory_space<vmem_shared>>
      tpu.enqueue_dma source(%dma_start3A_87 : memref<128x64xf32, #tpu.memory_space<vmem_shared>>) target(%dma_start3A_85 : memref<128x64xf32, #tpu.memory_space<vmem>>) target_semaphore(%run_scoped3A_75 : memref<!tpu.dma_semaphore, #tpu.memory_space<semaphore_mem>>)
      %dma_wait3A = arith.constant 0 : i32
      %dma_wait3A_88 = arith.constant 0 : i32
      %dma_wait3A_89 = tpu.memref_slice %arg12[%run_scoped3A_48, %dma_wait3A, %dma_wait3A_88] : memref<2x128x64xf32, #tpu.memory_space<vmem>> -> memref<1x128x64xf32, #tpu.memory_space<vmem>>
      %dma_wait3A_90 = tpu.memref_squeeze %dma_wait3A_89 : memref<1x128x64xf32, #tpu.memory_space<vmem>> -> memref<128x64xf32, #tpu.memory_space<vmem>>
      %dma_wait3A_91 = arith.constant 0 : i32
      %dma_wait3A_92 = tpu.memref_slice %arg13[%add3A_47, %dma_wait3A_91] : memref<10240x64xf32, #tpu.memory_space<vmem_shared>> -> memref<128x64xf32, #tpu.memory_space<vmem_shared>>
      %dma_wait3A_93 = arith.constant 0 : i32
      %dma_wait3A_94 = arith.constant 0 : i32
      %dma_wait3A_95 = tpu.memref_slice %arg12[%run_scoped3A_48, %dma_wait3A_93, %dma_wait3A_94] : memref<2x128x64xf32, #tpu.memory_space<vmem>> -> memref<1x128x64xf32, #tpu.memory_space<vmem>>
      %dma_wait3A_96 = tpu.memref_squeeze %dma_wait3A_95 : memref<1x128x64xf32, #tpu.memory_space<vmem>> -> memref<128x64xf32, #tpu.memory_space<vmem>>
      %dma_wait3A_97 = arith.constant 0 : i32
      %dma_wait3A_98 = tpu.memref_slice %arg13[%add3A_47, %dma_wait3A_97] : memref<10240x64xf32, #tpu.memory_space<vmem_shared>> -> memref<128x64xf32, #tpu.memory_space<vmem_shared>>
      tpu.wait_dma2 semaphore(%run_scoped3A_75 : memref<!tpu.dma_semaphore, #tpu.memory_space<semaphore_mem>>) src(%dma_wait3A_98 : memref<128x64xf32, #tpu.memory_space<vmem_shared>>) dst(%dma_wait3A_96 : memref<128x64xf32, #tpu.memory_space<vmem>>)
      tpu.yield
    }) : () -> ()
    %add3A_49 = arith.constant 128 : i32
    %add3A_50 = arith.addi %mul3A_0, %add3A_49 : i32
    %run_scoped3A_51 = arith.constant 0 : i32
    "tpu.region"() ({
      %run_scoped3A_75 = tpu.sem_alloc : memref<!tpu.dma_semaphore, #tpu.memory_space<semaphore_mem>>
      %dma_start3A_76 = arith.constant 0 : i32
      %dma_start3A_77 = arith.constant 0 : i32
      %dma_start3A_78 = tpu.memref_slice %arg12[%run_scoped3A_51, %dma_start3A_76, %dma_start3A_77] : memref<2x128x64xf32, #tpu.memory_space<vmem>> -> memref<1x128x64xf32, #tpu.memory_space<vmem>>
      %dma_start3A_79 = tpu.memref_squeeze %dma_start3A_78 : memref<1x128x64xf32, #tpu.memory_space<vmem>> -> memref<128x64xf32, #tpu.memory_space<vmem>>
      %dma_start3A_80 = arith.constant 0 : i32
      %dma_start3A_81 = tpu.memref_slice %arg8[%arg0, %add3A_50, %dma_start3A_80] : memref<2x10240x64xf32, #tpu.memory_space<hbm>> -> memref<1x128x64xf32, #tpu.memory_space<hbm>>
      %dma_start3A_82 = tpu.memref_squeeze %dma_start3A_81 : memref<1x128x64xf32, #tpu.memory_space<hbm>> -> memref<128x64xf32, #tpu.memory_space<hbm>>
      %dma_start3A_83 = arith.constant 0 : i32
      %dma_start3A_84 = tpu.memref_slice %arg8[%arg0, %add3A_50, %dma_start3A_83] : memref<2x10240x64xf32, #tpu.memory_space<hbm>> -> memref<1x128x64xf32, #tpu.memory_space<hbm>>
      %dma_start3A_85 = tpu.memref_squeeze %dma_start3A_84 : memref<1x128x64xf32, #tpu.memory_space<hbm>> -> memref<128x64xf32, #tpu.memory_space<hbm>>
      %dma_start3A_86 = arith.constant 0 : i32
      %dma_start3A_87 = arith.constant 0 : i32
      %dma_start3A_88 = tpu.memref_slice %arg12[%run_scoped3A_51, %dma_start3A_86, %dma_start3A_87] : memref<2x128x64xf32, #tpu.memory_space<vmem>> -> memref<1x128x64xf32, #tpu.memory_space<vmem>>
      %dma_start3A_89 = tpu.memref_squeeze %dma_start3A_88 : memref<1x128x64xf32, #tpu.memory_space<vmem>> -> memref<128x64xf32, #tpu.memory_space<vmem>>
      tpu.enqueue_dma source(%dma_start3A_89 : memref<128x64xf32, #tpu.memory_space<vmem>>) target(%dma_start3A_85 : memref<128x64xf32, #tpu.memory_space<hbm>>) target_semaphore(%run_scoped3A_75 : memref<!tpu.dma_semaphore, #tpu.memory_space<semaphore_mem>>)
      %dma_wait3A = arith.constant 0 : i32
      %dma_wait3A_90 = arith.constant 0 : i32
      %dma_wait3A_91 = tpu.memref_slice %arg12[%run_scoped3A_51, %dma_wait3A, %dma_wait3A_90] : memref<2x128x64xf32, #tpu.memory_space<vmem>> -> memref<1x128x64xf32, #tpu.memory_space<vmem>>
      %dma_wait3A_92 = tpu.memref_squeeze %dma_wait3A_91 : memref<1x128x64xf32, #tpu.memory_space<vmem>> -> memref<128x64xf32, #tpu.memory_space<vmem>>
      %dma_wait3A_93 = arith.constant 0 : i32
      %dma_wait3A_94 = tpu.memref_slice %arg8[%arg0, %add3A_50, %dma_wait3A_93] : memref<2x10240x64xf32, #tpu.memory_space<hbm>> -> memref<1x128x64xf32, #tpu.memory_space<hbm>>
      %dma_wait3A_95 = tpu.memref_squeeze %dma_wait3A_94 : memref<1x128x64xf32, #tpu.memory_space<hbm>> -> memref<128x64xf32, #tpu.memory_space<hbm>>
      %dma_wait3A_96 = arith.constant 0 : i32
      %dma_wait3A_97 = tpu.memref_slice %arg8[%arg0, %add3A_50, %dma_wait3A_96] : memref<2x10240x64xf32, #tpu.memory_space<hbm>> -> memref<1x128x64xf32, #tpu.memory_space<hbm>>
      %dma_wait3A_98 = tpu.memref_squeeze %dma_wait3A_97 : memref<1x128x64xf32, #tpu.memory_space<hbm>> -> memref<128x64xf32, #tpu.memory_space<hbm>>
      %dma_wait3A_99 = arith.constant 0 : i32
      %dma_wait3A_100 = arith.constant 0 : i32
      %dma_wait3A_101 = tpu.memref_slice %arg12[%run_scoped3A_51, %dma_wait3A_99, %dma_wait3A_100] : memref<2x128x64xf32, #tpu.memory_space<vmem>> -> memref<1x128x64xf32, #tpu.memory_space<vmem>>
      %dma_wait3A_102 = tpu.memref_squeeze %dma_wait3A_101 : memref<1x128x64xf32, #tpu.memory_space<vmem>> -> memref<128x64xf32, #tpu.memory_space<vmem>>
      tpu.wait_dma2 semaphore(%run_scoped3A_75 : memref<!tpu.dma_semaphore, #tpu.memory_space<semaphore_mem>>) src(%dma_wait3A_102 : memref<128x64xf32, #tpu.memory_space<vmem>>) dst(%dma_wait3A_98 : memref<128x64xf32, #tpu.memory_space<hbm>>)
      tpu.yield
    }) : () -> ()
    %add3A_52 = arith.constant 256 : i32
    %add3A_53 = arith.addi %mul3A_0, %add3A_52 : i32
    %run_scoped3A_54 = arith.constant 0 : i32
    "tpu.region"() ({
      %run_scoped3A_75 = tpu.sem_alloc : memref<!tpu.dma_semaphore, #tpu.memory_space<semaphore_mem>>
      %dma_start3A_76 = arith.constant 0 : i32
      %dma_start3A_77 = arith.constant 0 : i32
      %dma_start3A_78 = tpu.memref_slice %arg12[%run_scoped3A_54, %dma_start3A_76, %dma_start3A_77] : memref<2x128x64xf32, #tpu.memory_space<vmem>> -> memref<1x128x64xf32, #tpu.memory_space<vmem>>
      %dma_start3A_79 = tpu.memref_squeeze %dma_start3A_78 : memref<1x128x64xf32, #tpu.memory_space<vmem>> -> memref<128x64xf32, #tpu.memory_space<vmem>>
      %dma_start3A_80 = arith.constant 0 : i32
      %dma_start3A_81 = tpu.memref_slice %arg13[%add3A_53, %dma_start3A_80] : memref<10240x64xf32, #tpu.memory_space<vmem_shared>> -> memref<128x64xf32, #tpu.memory_space<vmem_shared>>
      %dma_start3A_82 = arith.constant 0 : i32
      %dma_start3A_83 = arith.constant 0 : i32
      %dma_start3A_84 = tpu.memref_slice %arg12[%run_scoped3A_54, %dma_start3A_82, %dma_start3A_83] : memref<2x128x64xf32, #tpu.memory_space<vmem>> -> memref<1x128x64xf32, #tpu.memory_space<vmem>>
      %dma_start3A_85 = tpu.memref_squeeze %dma_start3A_84 : memref<1x128x64xf32, #tpu.memory_space<vmem>> -> memref<128x64xf32, #tpu.memory_space<vmem>>
      %dma_start3A_86 = arith.constant 0 : i32
      %dma_start3A_87 = tpu.memref_slice %arg13[%add3A_53, %dma_start3A_86] : memref<10240x64xf32, #tpu.memory_space<vmem_shared>> -> memref<128x64xf32, #tpu.memory_space<vmem_shared>>
      tpu.enqueue_dma source(%dma_start3A_87 : memref<128x64xf32, #tpu.memory_space<vmem_shared>>) target(%dma_start3A_85 : memref<128x64xf32, #tpu.memory_space<vmem>>) target_semaphore(%run_scoped3A_75 : memref<!tpu.dma_semaphore, #tpu.memory_space<semaphore_mem>>)
      %dma_wait3A = arith.constant 0 : i32
      %dma_wait3A_88 = arith.constant 0 : i32
      %dma_wait3A_89 = tpu.memref_slice %arg12[%run_scoped3A_54, %dma_wait3A, %dma_wait3A_88] : memref<2x128x64xf32, #tpu.memory_space<vmem>> -> memref<1x128x64xf32, #tpu.memory_space<vmem>>
      %dma_wait3A_90 = tpu.memref_squeeze %dma_wait3A_89 : memref<1x128x64xf32, #tpu.memory_space<vmem>> -> memref<128x64xf32, #tpu.memory_space<vmem>>
      %dma_wait3A_91 = arith.constant 0 : i32
      %dma_wait3A_92 = tpu.memref_slice %arg13[%add3A_53, %dma_wait3A_91] : memref<10240x64xf32, #tpu.memory_space<vmem_shared>> -> memref<128x64xf32, #tpu.memory_space<vmem_shared>>
      %dma_wait3A_93 = arith.constant 0 : i32
      %dma_wait3A_94 = arith.constant 0 : i32
      %dma_wait3A_95 = tpu.memref_slice %arg12[%run_scoped3A_54, %dma_wait3A_93, %dma_wait3A_94] : memref<2x128x64xf32, #tpu.memory_space<vmem>> -> memref<1x128x64xf32, #tpu.memory_space<vmem>>
      %dma_wait3A_96 = tpu.memref_squeeze %dma_wait3A_95 : memref<1x128x64xf32, #tpu.memory_space<vmem>> -> memref<128x64xf32, #tpu.memory_space<vmem>>
      %dma_wait3A_97 = arith.constant 0 : i32
      %dma_wait3A_98 = tpu.memref_slice %arg13[%add3A_53, %dma_wait3A_97] : memref<10240x64xf32, #tpu.memory_space<vmem_shared>> -> memref<128x64xf32, #tpu.memory_space<vmem_shared>>
      tpu.wait_dma2 semaphore(%run_scoped3A_75 : memref<!tpu.dma_semaphore, #tpu.memory_space<semaphore_mem>>) src(%dma_wait3A_98 : memref<128x64xf32, #tpu.memory_space<vmem_shared>>) dst(%dma_wait3A_96 : memref<128x64xf32, #tpu.memory_space<vmem>>)
      tpu.yield
    }) : () -> ()
    %add3A_55 = arith.constant 256 : i32
    %add3A_56 = arith.addi %mul3A_0, %add3A_55 : i32
    %run_scoped3A_57 = arith.constant 0 : i32
    "tpu.region"() ({
      %run_scoped3A_75 = tpu.sem_alloc : memref<!tpu.dma_semaphore, #tpu.memory_space<semaphore_mem>>
      %dma_start3A_76 = arith.constant 0 : i32
      %dma_start3A_77 = arith.constant 0 : i32
      %dma_start3A_78 = tpu.memref_slice %arg12[%run_scoped3A_57, %dma_start3A_76, %dma_start3A_77] : memref<2x128x64xf32, #tpu.memory_space<vmem>> -> memref<1x128x64xf32, #tpu.memory_space<vmem>>
      %dma_start3A_79 = tpu.memref_squeeze %dma_start3A_78 : memref<1x128x64xf32, #tpu.memory_space<vmem>> -> memref<128x64xf32, #tpu.memory_space<vmem>>
      %dma_start3A_80 = arith.constant 0 : i32
      %dma_start3A_81 = tpu.memref_slice %arg8[%arg0, %add3A_56, %dma_start3A_80] : memref<2x10240x64xf32, #tpu.memory_space<hbm>> -> memref<1x128x64xf32, #tpu.memory_space<hbm>>
      %dma_start3A_82 = tpu.memref_squeeze %dma_start3A_81 : memref<1x128x64xf32, #tpu.memory_space<hbm>> -> memref<128x64xf32, #tpu.memory_space<hbm>>
      %dma_start3A_83 = arith.constant 0 : i32
      %dma_start3A_84 = tpu.memref_slice %arg8[%arg0, %add3A_56, %dma_start3A_83] : memref<2x10240x64xf32, #tpu.memory_space<hbm>> -> memref<1x128x64xf32, #tpu.memory_space<hbm>>
      %dma_start3A_85 = tpu.memref_squeeze %dma_start3A_84 : memref<1x128x64xf32, #tpu.memory_space<hbm>> -> memref<128x64xf32, #tpu.memory_space<hbm>>
      %dma_start3A_86 = arith.constant 0 : i32
      %dma_start3A_87 = arith.constant 0 : i32
      %dma_start3A_88 = tpu.memref_slice %arg12[%run_scoped3A_57, %dma_start3A_86, %dma_start3A_87] : memref<2x128x64xf32, #tpu.memory_space<vmem>> -> memref<1x128x64xf32, #tpu.memory_space<vmem>>
      %dma_start3A_89 = tpu.memref_squeeze %dma_start3A_88 : memref<1x128x64xf32, #tpu.memory_space<vmem>> -> memref<128x64xf32, #tpu.memory_space<vmem>>
      tpu.enqueue_dma source(%dma_start3A_89 : memref<128x64xf32, #tpu.memory_space<vmem>>) target(%dma_start3A_85 : memref<128x64xf32, #tpu.memory_space<hbm>>) target_semaphore(%run_scoped3A_75 : memref<!tpu.dma_semaphore, #tpu.memory_space<semaphore_mem>>)
      %dma_wait3A = arith.constant 0 : i32
      %dma_wait3A_90 = arith.constant 0 : i32
      %dma_wait3A_91 = tpu.memref_slice %arg12[%run_scoped3A_57, %dma_wait3A, %dma_wait3A_90] : memref<2x128x64xf32, #tpu.memory_space<vmem>> -> memref<1x128x64xf32, #tpu.memory_space<vmem>>
      %dma_wait3A_92 = tpu.memref_squeeze %dma_wait3A_91 : memref<1x128x64xf32, #tpu.memory_space<vmem>> -> memref<128x64xf32, #tpu.memory_space<vmem>>
      %dma_wait3A_93 = arith.constant 0 : i32
      %dma_wait3A_94 = tpu.memref_slice %arg8[%arg0, %add3A_56, %dma_wait3A_93] : memref<2x10240x64xf32, #tpu.memory_space<hbm>> -> memref<1x128x64xf32, #tpu.memory_space<hbm>>
      %dma_wait3A_95 = tpu.memref_squeeze %dma_wait3A_94 : memref<1x128x64xf32, #tpu.memory_space<hbm>> -> memref<128x64xf32, #tpu.memory_space<hbm>>
      %dma_wait3A_96 = arith.constant 0 : i32
      %dma_wait3A_97 = tpu.memref_slice %arg8[%arg0, %add3A_56, %dma_wait3A_96] : memref<2x10240x64xf32, #tpu.memory_space<hbm>> -> memref<1x128x64xf32, #tpu.memory_space<hbm>>
      %dma_wait3A_98 = tpu.memref_squeeze %dma_wait3A_97 : memref<1x128x64xf32, #tpu.memory_space<hbm>> -> memref<128x64xf32, #tpu.memory_space<hbm>>
      %dma_wait3A_99 = arith.constant 0 : i32
      %dma_wait3A_100 = arith.constant 0 : i32
      %dma_wait3A_101 = tpu.memref_slice %arg12[%run_scoped3A_57, %dma_wait3A_99, %dma_wait3A_100] : memref<2x128x64xf32, #tpu.memory_space<vmem>> -> memref<1x128x64xf32, #tpu.memory_space<vmem>>
      %dma_wait3A_102 = tpu.memref_squeeze %dma_wait3A_101 : memref<1x128x64xf32, #tpu.memory_space<vmem>> -> memref<128x64xf32, #tpu.memory_space<vmem>>
      tpu.wait_dma2 semaphore(%run_scoped3A_75 : memref<!tpu.dma_semaphore, #tpu.memory_space<semaphore_mem>>) src(%dma_wait3A_102 : memref<128x64xf32, #tpu.memory_space<vmem>>) dst(%dma_wait3A_98 : memref<128x64xf32, #tpu.memory_space<hbm>>)
      tpu.yield
    }) : () -> ()
    %add3A_58 = arith.constant 384 : i32
    %add3A_59 = arith.addi %mul3A_0, %add3A_58 : i32
    %run_scoped3A_60 = arith.constant 0 : i32
    "tpu.region"() ({
      %run_scoped3A_75 = tpu.sem_alloc : memref<!tpu.dma_semaphore, #tpu.memory_space<semaphore_mem>>
      %dma_start3A_76 = arith.constant 0 : i32
      %dma_start3A_77 = arith.constant 0 : i32
      %dma_start3A_78 = tpu.memref_slice %arg12[%run_scoped3A_60, %dma_start3A_76, %dma_start3A_77] : memref<2x128x64xf32, #tpu.memory_space<vmem>> -> memref<1x128x64xf32, #tpu.memory_space<vmem>>
      %dma_start3A_79 = tpu.memref_squeeze %dma_start3A_78 : memref<1x128x64xf32, #tpu.memory_space<vmem>> -> memref<128x64xf32, #tpu.memory_space<vmem>>
      %dma_start3A_80 = arith.constant 0 : i32
      %dma_start3A_81 = tpu.memref_slice %arg13[%add3A_59, %dma_start3A_80] : memref<10240x64xf32, #tpu.memory_space<vmem_shared>> -> memref<128x64xf32, #tpu.memory_space<vmem_shared>>
      %dma_start3A_82 = arith.constant 0 : i32
      %dma_start3A_83 = arith.constant 0 : i32
      %dma_start3A_84 = tpu.memref_slice %arg12[%run_scoped3A_60, %dma_start3A_82, %dma_start3A_83] : memref<2x128x64xf32, #tpu.memory_space<vmem>> -> memref<1x128x64xf32, #tpu.memory_space<vmem>>
      %dma_start3A_85 = tpu.memref_squeeze %dma_start3A_84 : memref<1x128x64xf32, #tpu.memory_space<vmem>> -> memref<128x64xf32, #tpu.memory_space<vmem>>
      %dma_start3A_86 = arith.constant 0 : i32
      %dma_start3A_87 = tpu.memref_slice %arg13[%add3A_59, %dma_start3A_86] : memref<10240x64xf32, #tpu.memory_space<vmem_shared>> -> memref<128x64xf32, #tpu.memory_space<vmem_shared>>
      tpu.enqueue_dma source(%dma_start3A_87 : memref<128x64xf32, #tpu.memory_space<vmem_shared>>) target(%dma_start3A_85 : memref<128x64xf32, #tpu.memory_space<vmem>>) target_semaphore(%run_scoped3A_75 : memref<!tpu.dma_semaphore, #tpu.memory_space<semaphore_mem>>)
      %dma_wait3A = arith.constant 0 : i32
      %dma_wait3A_88 = arith.constant 0 : i32
      %dma_wait3A_89 = tpu.memref_slice %arg12[%run_scoped3A_60, %dma_wait3A, %dma_wait3A_88] : memref<2x128x64xf32, #tpu.memory_space<vmem>> -> memref<1x128x64xf32, #tpu.memory_space<vmem>>
      %dma_wait3A_90 = tpu.memref_squeeze %dma_wait3A_89 : memref<1x128x64xf32, #tpu.memory_space<vmem>> -> memref<128x64xf32, #tpu.memory_space<vmem>>
      %dma_wait3A_91 = arith.constant 0 : i32
      %dma_wait3A_92 = tpu.memref_slice %arg13[%add3A_59, %dma_wait3A_91] : memref<10240x64xf32, #tpu.memory_space<vmem_shared>> -> memref<128x64xf32, #tpu.memory_space<vmem_shared>>
      %dma_wait3A_93 = arith.constant 0 : i32
      %dma_wait3A_94 = arith.constant 0 : i32
      %dma_wait3A_95 = tpu.memref_slice %arg12[%run_scoped3A_60, %dma_wait3A_93, %dma_wait3A_94] : memref<2x128x64xf32, #tpu.memory_space<vmem>> -> memref<1x128x64xf32, #tpu.memory_space<vmem>>
      %dma_wait3A_96 = tpu.memref_squeeze %dma_wait3A_95 : memref<1x128x64xf32, #tpu.memory_space<vmem>> -> memref<128x64xf32, #tpu.memory_space<vmem>>
      %dma_wait3A_97 = arith.constant 0 : i32
      %dma_wait3A_98 = tpu.memref_slice %arg13[%add3A_59, %dma_wait3A_97] : memref<10240x64xf32, #tpu.memory_space<vmem_shared>> -> memref<128x64xf32, #tpu.memory_space<vmem_shared>>
      tpu.wait_dma2 semaphore(%run_scoped3A_75 : memref<!tpu.dma_semaphore, #tpu.memory_space<semaphore_mem>>) src(%dma_wait3A_98 : memref<128x64xf32, #tpu.memory_space<vmem_shared>>) dst(%dma_wait3A_96 : memref<128x64xf32, #tpu.memory_space<vmem>>)
      tpu.yield
    }) : () -> ()
    %add3A_61 = arith.constant 384 : i32
    %add3A_62 = arith.addi %mul3A_0, %add3A_61 : i32
    %run_scoped3A_63 = arith.constant 0 : i32
    "tpu.region"() ({
      %run_scoped3A_75 = tpu.sem_alloc : memref<!tpu.dma_semaphore, #tpu.memory_space<semaphore_mem>>
      %dma_start3A_76 = arith.constant 0 : i32
      %dma_start3A_77 = arith.constant 0 : i32
      %dma_start3A_78 = tpu.memref_slice %arg12[%run_scoped3A_63, %dma_start3A_76, %dma_start3A_77] : memref<2x128x64xf32, #tpu.memory_space<vmem>> -> memref<1x128x64xf32, #tpu.memory_space<vmem>>
      %dma_start3A_79 = tpu.memref_squeeze %dma_start3A_78 : memref<1x128x64xf32, #tpu.memory_space<vmem>> -> memref<128x64xf32, #tpu.memory_space<vmem>>
      %dma_start3A_80 = arith.constant 0 : i32
      %dma_start3A_81 = tpu.memref_slice %arg8[%arg0, %add3A_62, %dma_start3A_80] : memref<2x10240x64xf32, #tpu.memory_space<hbm>> -> memref<1x128x64xf32, #tpu.memory_space<hbm>>
      %dma_start3A_82 = tpu.memref_squeeze %dma_start3A_81 : memref<1x128x64xf32, #tpu.memory_space<hbm>> -> memref<128x64xf32, #tpu.memory_space<hbm>>
      %dma_start3A_83 = arith.constant 0 : i32
      %dma_start3A_84 = tpu.memref_slice %arg8[%arg0, %add3A_62, %dma_start3A_83] : memref<2x10240x64xf32, #tpu.memory_space<hbm>> -> memref<1x128x64xf32, #tpu.memory_space<hbm>>
      %dma_start3A_85 = tpu.memref_squeeze %dma_start3A_84 : memref<1x128x64xf32, #tpu.memory_space<hbm>> -> memref<128x64xf32, #tpu.memory_space<hbm>>
      %dma_start3A_86 = arith.constant 0 : i32
      %dma_start3A_87 = arith.constant 0 : i32
      %dma_start3A_88 = tpu.memref_slice %arg12[%run_scoped3A_63, %dma_start3A_86, %dma_start3A_87] : memref<2x128x64xf32, #tpu.memory_space<vmem>> -> memref<1x128x64xf32, #tpu.memory_space<vmem>>
      %dma_start3A_89 = tpu.memref_squeeze %dma_start3A_88 : memref<1x128x64xf32, #tpu.memory_space<vmem>> -> memref<128x64xf32, #tpu.memory_space<vmem>>
      tpu.enqueue_dma source(%dma_start3A_89 : memref<128x64xf32, #tpu.memory_space<vmem>>) target(%dma_start3A_85 : memref<128x64xf32, #tpu.memory_space<hbm>>) target_semaphore(%run_scoped3A_75 : memref<!tpu.dma_semaphore, #tpu.memory_space<semaphore_mem>>)
      %dma_wait3A = arith.constant 0 : i32
      %dma_wait3A_90 = arith.constant 0 : i32
      %dma_wait3A_91 = tpu.memref_slice %arg12[%run_scoped3A_63, %dma_wait3A, %dma_wait3A_90] : memref<2x128x64xf32, #tpu.memory_space<vmem>> -> memref<1x128x64xf32, #tpu.memory_space<vmem>>
      %dma_wait3A_92 = tpu.memref_squeeze %dma_wait3A_91 : memref<1x128x64xf32, #tpu.memory_space<vmem>> -> memref<128x64xf32, #tpu.memory_space<vmem>>
      %dma_wait3A_93 = arith.constant 0 : i32
      %dma_wait3A_94 = tpu.memref_slice %arg8[%arg0, %add3A_62, %dma_wait3A_93] : memref<2x10240x64xf32, #tpu.memory_space<hbm>> -> memref<1x128x64xf32, #tpu.memory_space<hbm>>
      %dma_wait3A_95 = tpu.memref_squeeze %dma_wait3A_94 : memref<1x128x64xf32, #tpu.memory_space<hbm>> -> memref<128x64xf32, #tpu.memory_space<hbm>>
      %dma_wait3A_96 = arith.constant 0 : i32
      %dma_wait3A_97 = tpu.memref_slice %arg8[%arg0, %add3A_62, %dma_wait3A_96] : memref<2x10240x64xf32, #tpu.memory_space<hbm>> -> memref<1x128x64xf32, #tpu.memory_space<hbm>>
      %dma_wait3A_98 = tpu.memref_squeeze %dma_wait3A_97 : memref<1x128x64xf32, #tpu.memory_space<hbm>> -> memref<128x64xf32, #tpu.memory_space<hbm>>
      %dma_wait3A_99 = arith.constant 0 : i32
      %dma_wait3A_100 = arith.constant 0 : i32
      %dma_wait3A_101 = tpu.memref_slice %arg12[%run_scoped3A_63, %dma_wait3A_99, %dma_wait3A_100] : memref<2x128x64xf32, #tpu.memory_space<vmem>> -> memref<1x128x64xf32, #tpu.memory_space<vmem>>
      %dma_wait3A_102 = tpu.memref_squeeze %dma_wait3A_101 : memref<1x128x64xf32, #tpu.memory_space<vmem>> -> memref<128x64xf32, #tpu.memory_space<vmem>>
      tpu.wait_dma2 semaphore(%run_scoped3A_75 : memref<!tpu.dma_semaphore, #tpu.memory_space<semaphore_mem>>) src(%dma_wait3A_102 : memref<128x64xf32, #tpu.memory_space<vmem>>) dst(%dma_wait3A_98 : memref<128x64xf32, #tpu.memory_space<hbm>>)
      tpu.yield
    }) : () -> ()
    %add3A_64 = arith.constant 512 : i32
    %add3A_65 = arith.addi %mul3A_0, %add3A_64 : i32
    %run_scoped3A_66 = arith.constant 0 : i32
    "tpu.region"() ({
      %run_scoped3A_75 = tpu.sem_alloc : memref<!tpu.dma_semaphore, #tpu.memory_space<semaphore_mem>>
      %dma_start3A_76 = arith.constant 0 : i32
      %dma_start3A_77 = arith.constant 0 : i32
      %dma_start3A_78 = tpu.memref_slice %arg12[%run_scoped3A_66, %dma_start3A_76, %dma_start3A_77] : memref<2x128x64xf32, #tpu.memory_space<vmem>> -> memref<1x128x64xf32, #tpu.memory_space<vmem>>
      %dma_start3A_79 = tpu.memref_squeeze %dma_start3A_78 : memref<1x128x64xf32, #tpu.memory_space<vmem>> -> memref<128x64xf32, #tpu.memory_space<vmem>>
      %dma_start3A_80 = arith.constant 0 : i32
      %dma_start3A_81 = tpu.memref_slice %arg13[%add3A_65, %dma_start3A_80] : memref<10240x64xf32, #tpu.memory_space<vmem_shared>> -> memref<128x64xf32, #tpu.memory_space<vmem_shared>>
      %dma_start3A_82 = arith.constant 0 : i32
      %dma_start3A_83 = arith.constant 0 : i32
      %dma_start3A_84 = tpu.memref_slice %arg12[%run_scoped3A_66, %dma_start3A_82, %dma_start3A_83] : memref<2x128x64xf32, #tpu.memory_space<vmem>> -> memref<1x128x64xf32, #tpu.memory_space<vmem>>
      %dma_start3A_85 = tpu.memref_squeeze %dma_start3A_84 : memref<1x128x64xf32, #tpu.memory_space<vmem>> -> memref<128x64xf32, #tpu.memory_space<vmem>>
      %dma_start3A_86 = arith.constant 0 : i32
      %dma_start3A_87 = tpu.memref_slice %arg13[%add3A_65, %dma_start3A_86] : memref<10240x64xf32, #tpu.memory_space<vmem_shared>> -> memref<128x64xf32, #tpu.memory_space<vmem_shared>>
      tpu.enqueue_dma source(%dma_start3A_87 : memref<128x64xf32, #tpu.memory_space<vmem_shared>>) target(%dma_start3A_85 : memref<128x64xf32, #tpu.memory_space<vmem>>) target_semaphore(%run_scoped3A_75 : memref<!tpu.dma_semaphore, #tpu.memory_space<semaphore_mem>>)
      %dma_wait3A = arith.constant 0 : i32
      %dma_wait3A_88 = arith.constant 0 : i32
      %dma_wait3A_89 = tpu.memref_slice %arg12[%run_scoped3A_66, %dma_wait3A, %dma_wait3A_88] : memref<2x128x64xf32, #tpu.memory_space<vmem>> -> memref<1x128x64xf32, #tpu.memory_space<vmem>>
      %dma_wait3A_90 = tpu.memref_squeeze %dma_wait3A_89 : memref<1x128x64xf32, #tpu.memory_space<vmem>> -> memref<128x64xf32, #tpu.memory_space<vmem>>
      %dma_wait3A_91 = arith.constant 0 : i32
      %dma_wait3A_92 = tpu.memref_slice %arg13[%add3A_65, %dma_wait3A_91] : memref<10240x64xf32, #tpu.memory_space<vmem_shared>> -> memref<128x64xf32, #tpu.memory_space<vmem_shared>>
      %dma_wait3A_93 = arith.constant 0 : i32
      %dma_wait3A_94 = arith.constant 0 : i32
      %dma_wait3A_95 = tpu.memref_slice %arg12[%run_scoped3A_66, %dma_wait3A_93, %dma_wait3A_94] : memref<2x128x64xf32, #tpu.memory_space<vmem>> -> memref<1x128x64xf32, #tpu.memory_space<vmem>>
      %dma_wait3A_96 = tpu.memref_squeeze %dma_wait3A_95 : memref<1x128x64xf32, #tpu.memory_space<vmem>> -> memref<128x64xf32, #tpu.memory_space<vmem>>
      %dma_wait3A_97 = arith.constant 0 : i32
      %dma_wait3A_98 = tpu.memref_slice %arg13[%add3A_65, %dma_wait3A_97] : memref<10240x64xf32, #tpu.memory_space<vmem_shared>> -> memref<128x64xf32, #tpu.memory_space<vmem_shared>>
      tpu.wait_dma2 semaphore(%run_scoped3A_75 : memref<!tpu.dma_semaphore, #tpu.memory_space<semaphore_mem>>) src(%dma_wait3A_98 : memref<128x64xf32, #tpu.memory_space<vmem_shared>>) dst(%dma_wait3A_96 : memref<128x64xf32, #tpu.memory_space<vmem>>)
      tpu.yield
    }) : () -> ()
    %add3A_67 = arith.constant 512 : i32
    %add3A_68 = arith.addi %mul3A_0, %add3A_67 : i32
    %run_scoped3A_69 = arith.constant 0 : i32
    "tpu.region"() ({
      %run_scoped3A_75 = tpu.sem_alloc : memref<!tpu.dma_semaphore, #tpu.memory_space<semaphore_mem>>
      %dma_start3A_76 = arith.constant 0 : i32
      %dma_start3A_77 = arith.constant 0 : i32
      %dma_start3A_78 = tpu.memref_slice %arg12[%run_scoped3A_69, %dma_start3A_76, %dma_start3A_77] : memref<2x128x64xf32, #tpu.memory_space<vmem>> -> memref<1x128x64xf32, #tpu.memory_space<vmem>>
      %dma_start3A_79 = tpu.memref_squeeze %dma_start3A_78 : memref<1x128x64xf32, #tpu.memory_space<vmem>> -> memref<128x64xf32, #tpu.memory_space<vmem>>
      %dma_start3A_80 = arith.constant 0 : i32
      %dma_start3A_81 = tpu.memref_slice %arg8[%arg0, %add3A_68, %dma_start3A_80] : memref<2x10240x64xf32, #tpu.memory_space<hbm>> -> memref<1x128x64xf32, #tpu.memory_space<hbm>>
      %dma_start3A_82 = tpu.memref_squeeze %dma_start3A_81 : memref<1x128x64xf32, #tpu.memory_space<hbm>> -> memref<128x64xf32, #tpu.memory_space<hbm>>
      %dma_start3A_83 = arith.constant 0 : i32
      %dma_start3A_84 = tpu.memref_slice %arg8[%arg0, %add3A_68, %dma_start3A_83] : memref<2x10240x64xf32, #tpu.memory_space<hbm>> -> memref<1x128x64xf32, #tpu.memory_space<hbm>>
      %dma_start3A_85 = tpu.memref_squeeze %dma_start3A_84 : memref<1x128x64xf32, #tpu.memory_space<hbm>> -> memref<128x64xf32, #tpu.memory_space<hbm>>
      %dma_start3A_86 = arith.constant 0 : i32
      %dma_start3A_87 = arith.constant 0 : i32
      %dma_start3A_88 = tpu.memref_slice %arg12[%run_scoped3A_69, %dma_start3A_86, %dma_start3A_87] : memref<2x128x64xf32, #tpu.memory_space<vmem>> -> memref<1x128x64xf32, #tpu.memory_space<vmem>>
      %dma_start3A_89 = tpu.memref_squeeze %dma_start3A_88 : memref<1x128x64xf32, #tpu.memory_space<vmem>> -> memref<128x64xf32, #tpu.memory_space<vmem>>
      tpu.enqueue_dma source(%dma_start3A_89 : memref<128x64xf32, #tpu.memory_space<vmem>>) target(%dma_start3A_85 : memref<128x64xf32, #tpu.memory_space<hbm>>) target_semaphore(%run_scoped3A_75 : memref<!tpu.dma_semaphore, #tpu.memory_space<semaphore_mem>>)
      %dma_wait3A = arith.constant 0 : i32
      %dma_wait3A_90 = arith.constant 0 : i32
      %dma_wait3A_91 = tpu.memref_slice %arg12[%run_scoped3A_69, %dma_wait3A, %dma_wait3A_90] : memref<2x128x64xf32, #tpu.memory_space<vmem>> -> memref<1x128x64xf32, #tpu.memory_space<vmem>>
      %dma_wait3A_92 = tpu.memref_squeeze %dma_wait3A_91 : memref<1x128x64xf32, #tpu.memory_space<vmem>> -> memref<128x64xf32, #tpu.memory_space<vmem>>
      %dma_wait3A_93 = arith.constant 0 : i32
      %dma_wait3A_94 = tpu.memref_slice %arg8[%arg0, %add3A_68, %dma_wait3A_93] : memref<2x10240x64xf32, #tpu.memory_space<hbm>> -> memref<1x128x64xf32, #tpu.memory_space<hbm>>
      %dma_wait3A_95 = tpu.memref_squeeze %dma_wait3A_94 : memref<1x128x64xf32, #tpu.memory_space<hbm>> -> memref<128x64xf32, #tpu.memory_space<hbm>>
      %dma_wait3A_96 = arith.constant 0 : i32
      %dma_wait3A_97 = tpu.memref_slice %arg8[%arg0, %add3A_68, %dma_wait3A_96] : memref<2x10240x64xf32, #tpu.memory_space<hbm>> -> memref<1x128x64xf32, #tpu.memory_space<hbm>>
      %dma_wait3A_98 = tpu.memref_squeeze %dma_wait3A_97 : memref<1x128x64xf32, #tpu.memory_space<hbm>> -> memref<128x64xf32, #tpu.memory_space<hbm>>
      %dma_wait3A_99 = arith.constant 0 : i32
      %dma_wait3A_100 = arith.constant 0 : i32
      %dma_wait3A_101 = tpu.memref_slice %arg12[%run_scoped3A_69, %dma_wait3A_99, %dma_wait3A_100] : memref<2x128x64xf32, #tpu.memory_space<vmem>> -> memref<1x128x64xf32, #tpu.memory_space<vmem>>
      %dma_wait3A_102 = tpu.memref_squeeze %dma_wait3A_101 : memref<1x128x64xf32, #tpu.memory_space<vmem>> -> memref<128x64xf32, #tpu.memory_space<vmem>>
      tpu.wait_dma2 semaphore(%run_scoped3A_75 : memref<!tpu.dma_semaphore, #tpu.memory_space<semaphore_mem>>) src(%dma_wait3A_102 : memref<128x64xf32, #tpu.memory_space<vmem>>) dst(%dma_wait3A_98 : memref<128x64xf32, #tpu.memory_space<hbm>>)
      tpu.yield
    }) : () -> ()
    %eq3A_70 = arith.constant 0 : i32
    %eq3A_71 = arith.cmpi eq, %arg0, %eq3A_70 : i32
    %convert_element_type3A_72 = arith.extui %eq3A_71 : i1 to i32
    %cond3A_73 = arith.constant 0 : i32
    %cond3A_74 = arith.cmpi ne, %convert_element_type3A_72, %cond3A_73 : i32
    scf.if %cond3A_74 {
      %add3A_75 = arith.constant 0 : i32
      %add3A_76 = arith.addi %mul3A_0, %add3A_75 : i32
      "tpu.region"() ({
        %run_scoped3A_95 = tpu.sem_alloc : memref<!tpu.dma_semaphore, #tpu.memory_space<semaphore_mem>>
        %dma_start3A_96 = arith.constant 0 : i32
        %dma_start3A_97 = tpu.memref_slice %arg18[%add3A_76, %dma_start3A_96] : memref<10240x16xf32, #tpu.memory_space<vmem_shared>> -> memref<128x16xf32, #tpu.memory_space<vmem_shared>>
        %dma_start3A_98 = arith.constant 0 : i32
        %dma_start3A_99 = tpu.memref_slice %arg18[%add3A_76, %dma_start3A_98] : memref<10240x16xf32, #tpu.memory_space<vmem_shared>> -> memref<128x16xf32, #tpu.memory_space<vmem_shared>>
        tpu.enqueue_dma source(%dma_start3A_99 : memref<128x16xf32, #tpu.memory_space<vmem_shared>>) target(%arg17 : memref<128x16xf32, #tpu.memory_space<vmem>>) target_semaphore(%run_scoped3A_95 : memref<!tpu.dma_semaphore, #tpu.memory_space<semaphore_mem>>)
        %dma_wait3A = arith.constant 0 : i32
        %dma_wait3A_100 = tpu.memref_slice %arg18[%add3A_76, %dma_wait3A] : memref<10240x16xf32, #tpu.memory_space<vmem_shared>> -> memref<128x16xf32, #tpu.memory_space<vmem_shared>>
        %dma_wait3A_101 = arith.constant 0 : i32
        %dma_wait3A_102 = tpu.memref_slice %arg18[%add3A_76, %dma_wait3A_101] : memref<10240x16xf32, #tpu.memory_space<vmem_shared>> -> memref<128x16xf32, #tpu.memory_space<vmem_shared>>
        tpu.wait_dma2 semaphore(%run_scoped3A_95 : memref<!tpu.dma_semaphore, #tpu.memory_space<semaphore_mem>>) src(%dma_wait3A_102 : memref<128x16xf32, #tpu.memory_space<vmem_shared>>) dst(%arg17 : memref<128x16xf32, #tpu.memory_space<vmem>>)
        tpu.yield
      }) : () -> ()
      %add3A_77 = arith.constant 0 : i32
      %add3A_78 = arith.addi %mul3A_0, %add3A_77 : i32
      "tpu.region"() ({
        %run_scoped3A_95 = tpu.sem_alloc : memref<!tpu.dma_semaphore, #tpu.memory_space<semaphore_mem>>
        %dma_start3A_96 = arith.constant 0 : i32
        %dma_start3A_97 = tpu.memref_slice %arg9[%add3A_78, %dma_start3A_96] : memref<10240x16xf32, #tpu.memory_space<hbm>> -> memref<128x16xf32, #tpu.memory_space<hbm>>
        %dma_start3A_98 = arith.constant 0 : i32
        %dma_start3A_99 = tpu.memref_slice %arg9[%add3A_78, %dma_start3A_98] : memref<10240x16xf32, #tpu.memory_space<hbm>> -> memref<128x16xf32, #tpu.memory_space<hbm>>
        tpu.enqueue_dma source(%arg17 : memref<128x16xf32, #tpu.memory_space<vmem>>) target(%dma_start3A_99 : memref<128x16xf32, #tpu.memory_space<hbm>>) target_semaphore(%run_scoped3A_95 : memref<!tpu.dma_semaphore, #tpu.memory_space<semaphore_mem>>)
        %dma_wait3A = arith.constant 0 : i32
        %dma_wait3A_100 = tpu.memref_slice %arg9[%add3A_78, %dma_wait3A] : memref<10240x16xf32, #tpu.memory_space<hbm>> -> memref<128x16xf32, #tpu.memory_space<hbm>>
        %dma_wait3A_101 = arith.constant 0 : i32
        %dma_wait3A_102 = tpu.memref_slice %arg9[%add3A_78, %dma_wait3A_101] : memref<10240x16xf32, #tpu.memory_space<hbm>> -> memref<128x16xf32, #tpu.memory_space<hbm>>
        tpu.wait_dma2 semaphore(%run_scoped3A_95 : memref<!tpu.dma_semaphore, #tpu.memory_space<semaphore_mem>>) src(%arg17 : memref<128x16xf32, #tpu.memory_space<vmem>>) dst(%dma_wait3A_102 : memref<128x16xf32, #tpu.memory_space<hbm>>)
        tpu.yield
      }) : () -> ()
      %add3A_79 = arith.constant 128 : i32
      %add3A_80 = arith.addi %mul3A_0, %add3A_79 : i32
      "tpu.region"() ({
        %run_scoped3A_95 = tpu.sem_alloc : memref<!tpu.dma_semaphore, #tpu.memory_space<semaphore_mem>>
        %dma_start3A_96 = arith.constant 0 : i32
        %dma_start3A_97 = tpu.memref_slice %arg18[%add3A_80, %dma_start3A_96] : memref<10240x16xf32, #tpu.memory_space<vmem_shared>> -> memref<128x16xf32, #tpu.memory_space<vmem_shared>>
        %dma_start3A_98 = arith.constant 0 : i32
        %dma_start3A_99 = tpu.memref_slice %arg18[%add3A_80, %dma_start3A_98] : memref<10240x16xf32, #tpu.memory_space<vmem_shared>> -> memref<128x16xf32, #tpu.memory_space<vmem_shared>>
        tpu.enqueue_dma source(%dma_start3A_99 : memref<128x16xf32, #tpu.memory_space<vmem_shared>>) target(%arg17 : memref<128x16xf32, #tpu.memory_space<vmem>>) target_semaphore(%run_scoped3A_95 : memref<!tpu.dma_semaphore, #tpu.memory_space<semaphore_mem>>)
        %dma_wait3A = arith.constant 0 : i32
        %dma_wait3A_100 = tpu.memref_slice %arg18[%add3A_80, %dma_wait3A] : memref<10240x16xf32, #tpu.memory_space<vmem_shared>> -> memref<128x16xf32, #tpu.memory_space<vmem_shared>>
        %dma_wait3A_101 = arith.constant 0 : i32
        %dma_wait3A_102 = tpu.memref_slice %arg18[%add3A_80, %dma_wait3A_101] : memref<10240x16xf32, #tpu.memory_space<vmem_shared>> -> memref<128x16xf32, #tpu.memory_space<vmem_shared>>
        tpu.wait_dma2 semaphore(%run_scoped3A_95 : memref<!tpu.dma_semaphore, #tpu.memory_space<semaphore_mem>>) src(%dma_wait3A_102 : memref<128x16xf32, #tpu.memory_space<vmem_shared>>) dst(%arg17 : memref<128x16xf32, #tpu.memory_space<vmem>>)
        tpu.yield
      }) : () -> ()
      %add3A_81 = arith.constant 128 : i32
      %add3A_82 = arith.addi %mul3A_0, %add3A_81 : i32
      "tpu.region"() ({
        %run_scoped3A_95 = tpu.sem_alloc : memref<!tpu.dma_semaphore, #tpu.memory_space<semaphore_mem>>
        %dma_start3A_96 = arith.constant 0 : i32
        %dma_start3A_97 = tpu.memref_slice %arg9[%add3A_82, %dma_start3A_96] : memref<10240x16xf32, #tpu.memory_space<hbm>> -> memref<128x16xf32, #tpu.memory_space<hbm>>
        %dma_start3A_98 = arith.constant 0 : i32
        %dma_start3A_99 = tpu.memref_slice %arg9[%add3A_82, %dma_start3A_98] : memref<10240x16xf32, #tpu.memory_space<hbm>> -> memref<128x16xf32, #tpu.memory_space<hbm>>
        tpu.enqueue_dma source(%arg17 : memref<128x16xf32, #tpu.memory_space<vmem>>) target(%dma_start3A_99 : memref<128x16xf32, #tpu.memory_space<hbm>>) target_semaphore(%run_scoped3A_95 : memref<!tpu.dma_semaphore, #tpu.memory_space<semaphore_mem>>)
        %dma_wait3A = arith.constant 0 : i32
        %dma_wait3A_100 = tpu.memref_slice %arg9[%add3A_82, %dma_wait3A] : memref<10240x16xf32, #tpu.memory_space<hbm>> -> memref<128x16xf32, #tpu.memory_space<hbm>>
        %dma_wait3A_101 = arith.constant 0 : i32
        %dma_wait3A_102 = tpu.memref_slice %arg9[%add3A_82, %dma_wait3A_101] : memref<10240x16xf32, #tpu.memory_space<hbm>> -> memref<128x16xf32, #tpu.memory_space<hbm>>
        tpu.wait_dma2 semaphore(%run_scoped3A_95 : memref<!tpu.dma_semaphore, #tpu.memory_space<semaphore_mem>>) src(%arg17 : memref<128x16xf32, #tpu.memory_space<vmem>>) dst(%dma_wait3A_102 : memref<128x16xf32, #tpu.memory_space<hbm>>)
        tpu.yield
      }) : () -> ()
      %add3A_83 = arith.constant 256 : i32
      %add3A_84 = arith.addi %mul3A_0, %add3A_83 : i32
      "tpu.region"() ({
        %run_scoped3A_95 = tpu.sem_alloc : memref<!tpu.dma_semaphore, #tpu.memory_space<semaphore_mem>>
        %dma_start3A_96 = arith.constant 0 : i32
        %dma_start3A_97 = tpu.memref_slice %arg18[%add3A_84, %dma_start3A_96] : memref<10240x16xf32, #tpu.memory_space<vmem_shared>> -> memref<128x16xf32, #tpu.memory_space<vmem_shared>>
        %dma_start3A_98 = arith.constant 0 : i32
        %dma_start3A_99 = tpu.memref_slice %arg18[%add3A_84, %dma_start3A_98] : memref<10240x16xf32, #tpu.memory_space<vmem_shared>> -> memref<128x16xf32, #tpu.memory_space<vmem_shared>>
        tpu.enqueue_dma source(%dma_start3A_99 : memref<128x16xf32, #tpu.memory_space<vmem_shared>>) target(%arg17 : memref<128x16xf32, #tpu.memory_space<vmem>>) target_semaphore(%run_scoped3A_95 : memref<!tpu.dma_semaphore, #tpu.memory_space<semaphore_mem>>)
        %dma_wait3A = arith.constant 0 : i32
        %dma_wait3A_100 = tpu.memref_slice %arg18[%add3A_84, %dma_wait3A] : memref<10240x16xf32, #tpu.memory_space<vmem_shared>> -> memref<128x16xf32, #tpu.memory_space<vmem_shared>>
        %dma_wait3A_101 = arith.constant 0 : i32
        %dma_wait3A_102 = tpu.memref_slice %arg18[%add3A_84, %dma_wait3A_101] : memref<10240x16xf32, #tpu.memory_space<vmem_shared>> -> memref<128x16xf32, #tpu.memory_space<vmem_shared>>
        tpu.wait_dma2 semaphore(%run_scoped3A_95 : memref<!tpu.dma_semaphore, #tpu.memory_space<semaphore_mem>>) src(%dma_wait3A_102 : memref<128x16xf32, #tpu.memory_space<vmem_shared>>) dst(%arg17 : memref<128x16xf32, #tpu.memory_space<vmem>>)
        tpu.yield
      }) : () -> ()
      %add3A_85 = arith.constant 256 : i32
      %add3A_86 = arith.addi %mul3A_0, %add3A_85 : i32
      "tpu.region"() ({
        %run_scoped3A_95 = tpu.sem_alloc : memref<!tpu.dma_semaphore, #tpu.memory_space<semaphore_mem>>
        %dma_start3A_96 = arith.constant 0 : i32
        %dma_start3A_97 = tpu.memref_slice %arg9[%add3A_86, %dma_start3A_96] : memref<10240x16xf32, #tpu.memory_space<hbm>> -> memref<128x16xf32, #tpu.memory_space<hbm>>
        %dma_start3A_98 = arith.constant 0 : i32
        %dma_start3A_99 = tpu.memref_slice %arg9[%add3A_86, %dma_start3A_98] : memref<10240x16xf32, #tpu.memory_space<hbm>> -> memref<128x16xf32, #tpu.memory_space<hbm>>
        tpu.enqueue_dma source(%arg17 : memref<128x16xf32, #tpu.memory_space<vmem>>) target(%dma_start3A_99 : memref<128x16xf32, #tpu.memory_space<hbm>>) target_semaphore(%run_scoped3A_95 : memref<!tpu.dma_semaphore, #tpu.memory_space<semaphore_mem>>)
        %dma_wait3A = arith.constant 0 : i32
        %dma_wait3A_100 = tpu.memref_slice %arg9[%add3A_86, %dma_wait3A] : memref<10240x16xf32, #tpu.memory_space<hbm>> -> memref<128x16xf32, #tpu.memory_space<hbm>>
        %dma_wait3A_101 = arith.constant 0 : i32
        %dma_wait3A_102 = tpu.memref_slice %arg9[%add3A_86, %dma_wait3A_101] : memref<10240x16xf32, #tpu.memory_space<hbm>> -> memref<128x16xf32, #tpu.memory_space<hbm>>
        tpu.wait_dma2 semaphore(%run_scoped3A_95 : memref<!tpu.dma_semaphore, #tpu.memory_space<semaphore_mem>>) src(%arg17 : memref<128x16xf32, #tpu.memory_space<vmem>>) dst(%dma_wait3A_102 : memref<128x16xf32, #tpu.memory_space<hbm>>)
        tpu.yield
      }) : () -> ()
      %add3A_87 = arith.constant 384 : i32
      %add3A_88 = arith.addi %mul3A_0, %add3A_87 : i32
      "tpu.region"() ({
        %run_scoped3A_95 = tpu.sem_alloc : memref<!tpu.dma_semaphore, #tpu.memory_space<semaphore_mem>>
        %dma_start3A_96 = arith.constant 0 : i32
        %dma_start3A_97 = tpu.memref_slice %arg18[%add3A_88, %dma_start3A_96] : memref<10240x16xf32, #tpu.memory_space<vmem_shared>> -> memref<128x16xf32, #tpu.memory_space<vmem_shared>>
        %dma_start3A_98 = arith.constant 0 : i32
        %dma_start3A_99 = tpu.memref_slice %arg18[%add3A_88, %dma_start3A_98] : memref<10240x16xf32, #tpu.memory_space<vmem_shared>> -> memref<128x16xf32, #tpu.memory_space<vmem_shared>>
        tpu.enqueue_dma source(%dma_start3A_99 : memref<128x16xf32, #tpu.memory_space<vmem_shared>>) target(%arg17 : memref<128x16xf32, #tpu.memory_space<vmem>>) target_semaphore(%run_scoped3A_95 : memref<!tpu.dma_semaphore, #tpu.memory_space<semaphore_mem>>)
        %dma_wait3A = arith.constant 0 : i32
        %dma_wait3A_100 = tpu.memref_slice %arg18[%add3A_88, %dma_wait3A] : memref<10240x16xf32, #tpu.memory_space<vmem_shared>> -> memref<128x16xf32, #tpu.memory_space<vmem_shared>>
        %dma_wait3A_101 = arith.constant 0 : i32
        %dma_wait3A_102 = tpu.memref_slice %arg18[%add3A_88, %dma_wait3A_101] : memref<10240x16xf32, #tpu.memory_space<vmem_shared>> -> memref<128x16xf32, #tpu.memory_space<vmem_shared>>
        tpu.wait_dma2 semaphore(%run_scoped3A_95 : memref<!tpu.dma_semaphore, #tpu.memory_space<semaphore_mem>>) src(%dma_wait3A_102 : memref<128x16xf32, #tpu.memory_space<vmem_shared>>) dst(%arg17 : memref<128x16xf32, #tpu.memory_space<vmem>>)
        tpu.yield
      }) : () -> ()
      %add3A_89 = arith.constant 384 : i32
      %add3A_90 = arith.addi %mul3A_0, %add3A_89 : i32
      "tpu.region"() ({
        %run_scoped3A_95 = tpu.sem_alloc : memref<!tpu.dma_semaphore, #tpu.memory_space<semaphore_mem>>
        %dma_start3A_96 = arith.constant 0 : i32
        %dma_start3A_97 = tpu.memref_slice %arg9[%add3A_90, %dma_start3A_96] : memref<10240x16xf32, #tpu.memory_space<hbm>> -> memref<128x16xf32, #tpu.memory_space<hbm>>
        %dma_start3A_98 = arith.constant 0 : i32
        %dma_start3A_99 = tpu.memref_slice %arg9[%add3A_90, %dma_start3A_98] : memref<10240x16xf32, #tpu.memory_space<hbm>> -> memref<128x16xf32, #tpu.memory_space<hbm>>
        tpu.enqueue_dma source(%arg17 : memref<128x16xf32, #tpu.memory_space<vmem>>) target(%dma_start3A_99 : memref<128x16xf32, #tpu.memory_space<hbm>>) target_semaphore(%run_scoped3A_95 : memref<!tpu.dma_semaphore, #tpu.memory_space<semaphore_mem>>)
        %dma_wait3A = arith.constant 0 : i32
        %dma_wait3A_100 = tpu.memref_slice %arg9[%add3A_90, %dma_wait3A] : memref<10240x16xf32, #tpu.memory_space<hbm>> -> memref<128x16xf32, #tpu.memory_space<hbm>>
        %dma_wait3A_101 = arith.constant 0 : i32
        %dma_wait3A_102 = tpu.memref_slice %arg9[%add3A_90, %dma_wait3A_101] : memref<10240x16xf32, #tpu.memory_space<hbm>> -> memref<128x16xf32, #tpu.memory_space<hbm>>
        tpu.wait_dma2 semaphore(%run_scoped3A_95 : memref<!tpu.dma_semaphore, #tpu.memory_space<semaphore_mem>>) src(%arg17 : memref<128x16xf32, #tpu.memory_space<vmem>>) dst(%dma_wait3A_102 : memref<128x16xf32, #tpu.memory_space<hbm>>)
        tpu.yield
      }) : () -> ()
      %add3A_91 = arith.constant 512 : i32
      %add3A_92 = arith.addi %mul3A_0, %add3A_91 : i32
      "tpu.region"() ({
        %run_scoped3A_95 = tpu.sem_alloc : memref<!tpu.dma_semaphore, #tpu.memory_space<semaphore_mem>>
        %dma_start3A_96 = arith.constant 0 : i32
        %dma_start3A_97 = tpu.memref_slice %arg18[%add3A_92, %dma_start3A_96] : memref<10240x16xf32, #tpu.memory_space<vmem_shared>> -> memref<128x16xf32, #tpu.memory_space<vmem_shared>>
        %dma_start3A_98 = arith.constant 0 : i32
        %dma_start3A_99 = tpu.memref_slice %arg18[%add3A_92, %dma_start3A_98] : memref<10240x16xf32, #tpu.memory_space<vmem_shared>> -> memref<128x16xf32, #tpu.memory_space<vmem_shared>>
        tpu.enqueue_dma source(%dma_start3A_99 : memref<128x16xf32, #tpu.memory_space<vmem_shared>>) target(%arg17 : memref<128x16xf32, #tpu.memory_space<vmem>>) target_semaphore(%run_scoped3A_95 : memref<!tpu.dma_semaphore, #tpu.memory_space<semaphore_mem>>)
        %dma_wait3A = arith.constant 0 : i32
        %dma_wait3A_100 = tpu.memref_slice %arg18[%add3A_92, %dma_wait3A] : memref<10240x16xf32, #tpu.memory_space<vmem_shared>> -> memref<128x16xf32, #tpu.memory_space<vmem_shared>>
        %dma_wait3A_101 = arith.constant 0 : i32
        %dma_wait3A_102 = tpu.memref_slice %arg18[%add3A_92, %dma_wait3A_101] : memref<10240x16xf32, #tpu.memory_space<vmem_shared>> -> memref<128x16xf32, #tpu.memory_space<vmem_shared>>
        tpu.wait_dma2 semaphore(%run_scoped3A_95 : memref<!tpu.dma_semaphore, #tpu.memory_space<semaphore_mem>>) src(%dma_wait3A_102 : memref<128x16xf32, #tpu.memory_space<vmem_shared>>) dst(%arg17 : memref<128x16xf32, #tpu.memory_space<vmem>>)
        tpu.yield
      }) : () -> ()
      %add3A_93 = arith.constant 512 : i32
      %add3A_94 = arith.addi %mul3A_0, %add3A_93 : i32
      "tpu.region"() ({
        %run_scoped3A_95 = tpu.sem_alloc : memref<!tpu.dma_semaphore, #tpu.memory_space<semaphore_mem>>
        %dma_start3A_96 = arith.constant 0 : i32
        %dma_start3A_97 = tpu.memref_slice %arg9[%add3A_94, %dma_start3A_96] : memref<10240x16xf32, #tpu.memory_space<hbm>> -> memref<128x16xf32, #tpu.memory_space<hbm>>
        %dma_start3A_98 = arith.constant 0 : i32
        %dma_start3A_99 = tpu.memref_slice %arg9[%add3A_94, %dma_start3A_98] : memref<10240x16xf32, #tpu.memory_space<hbm>> -> memref<128x16xf32, #tpu.memory_space<hbm>>
        tpu.enqueue_dma source(%arg17 : memref<128x16xf32, #tpu.memory_space<vmem>>) target(%dma_start3A_99 : memref<128x16xf32, #tpu.memory_space<hbm>>) target_semaphore(%run_scoped3A_95 : memref<!tpu.dma_semaphore, #tpu.memory_space<semaphore_mem>>)
        %dma_wait3A = arith.constant 0 : i32
        %dma_wait3A_100 = tpu.memref_slice %arg9[%add3A_94, %dma_wait3A] : memref<10240x16xf32, #tpu.memory_space<hbm>> -> memref<128x16xf32, #tpu.memory_space<hbm>>
        %dma_wait3A_101 = arith.constant 0 : i32
        %dma_wait3A_102 = tpu.memref_slice %arg9[%add3A_94, %dma_wait3A_101] : memref<10240x16xf32, #tpu.memory_space<hbm>> -> memref<128x16xf32, #tpu.memory_space<hbm>>
        tpu.wait_dma2 semaphore(%run_scoped3A_95 : memref<!tpu.dma_semaphore, #tpu.memory_space<semaphore_mem>>) src(%arg17 : memref<128x16xf32, #tpu.memory_space<vmem>>) dst(%dma_wait3A_102 : memref<128x16xf32, #tpu.memory_space<hbm>>)
        tpu.yield
      }) : () -> ()
    } else {
    }
    return
  }
}

module attributes {stable_mosaic.version = 14 : i64} {
  func.func @_mm_relu_body(%arg0: i32, %arg1: memref<1024x128xf32, #tpu.memory_space<vmem>>, %arg2: memref<128x128xf32, #tpu.memory_space<vmem>>, %arg3: memref<1x128xf32, #tpu.memory_space<vmem>>, %arg4: memref<1024x128xf32, #tpu.memory_space<vmem>>) attributes {dimension_semantics = [#tpu.dimension_semantics<arbitrary>], iteration_bounds = array<i64: 10>, scalar_prefetch = 0 : i64, scratch_operands = 0 : i64, tpu.core_type = #tpu.core_type<tc>, window_params = [{transform_indices = @transform_0, window_bounds = array<i64: 1024, 128>}, {pipeline_mode = #tpu.pipeline_mode<synchronous>, transform_indices = @transform_1, window_bounds = array<i64: 128, 128>}, {pipeline_mode = #tpu.pipeline_mode<synchronous>, transform_indices = @transform_2, window_bounds = array<i64: 1, 128>}, {transform_indices = @transform_3, window_bounds = array<i64: 1024, 128>}]} {
    %get3A = arith.constant 0 : index
    %get3A_0 = arith.constant 0 : index
    %get3A_1 = vector.load %arg1[%get3A, %get3A_0] : memref<1024x128xf32, #tpu.memory_space<vmem>>, vector<1024x128xf32>
    %get3A_2 = arith.constant 0 : index
    %get3A_3 = arith.constant 0 : index
    %get3A_4 = vector.load %arg2[%get3A_2, %get3A_3] : memref<128x128xf32, #tpu.memory_space<vmem>>, vector<128x128xf32>
    %dot_general3A = arith.constant dense<0.000000e+00> : vector<1024x128xf32>
    %dot_general3A_5 = tpu.matmul %get3A_1, %get3A_4, %dot_general3A {dimension_numbers = #tpu.dot_dimension_numbers<[1], [0], [0], [1], [0, 0, 1, 1], [], []>, transpose_lhs_hint = false} : vector<1024x128xf32>, vector<128x128xf32>, vector<1024x128xf32> -> vector<1024x128xf32>
    %get3A_6 = arith.constant 0 : index
    %get3A_7 = arith.constant 0 : index
    %get3A_8 = vector.load %arg3[%get3A_6, %get3A_7] : memref<1x128xf32, #tpu.memory_space<vmem>>, vector<1x128xf32>
    %add3A = vector.broadcast %get3A_8 : vector<1x128xf32> to vector<1024x128xf32>
    %add3A_9 = arith.addf %dot_general3A_5, %add3A : vector<1024x128xf32>
    %max3A = arith.constant 0.000000e+00 : f32
    %max3A_10 = vector.broadcast %max3A : f32 to vector<1024x128xf32>
    %max3A_11 = arith.maximumf %add3A_9, %max3A_10 : vector<1024x128xf32>
    %swap3A = arith.constant 0 : index
    %swap3A_12 = arith.constant 0 : index
    %swap3A_13 = vector.load %arg4[%swap3A, %swap3A_12] : memref<1024x128xf32, #tpu.memory_space<vmem>>, vector<1024x128xf32>
    tpu.vector_store %arg4[%swap3A, %swap3A_12], %max3A_11 {strides = array<i32>} : memref<1024x128xf32, #tpu.memory_space<vmem>>, vector<1024x128xf32>,
    return
  }
  func.func @transform_0(%arg0: i32) -> (i32, i32) {
    %c0_i32 = arith.constant 0 : i32
    %c0_i32_0 = arith.constant 0 : i32
    return %arg0, %c0_i32 : i32, i32
  }
  func.func @transform_1(%arg0: i32) -> (i32, i32) {
    %c0_i32 = arith.constant 0 : i32
    %c0_i32_0 = arith.constant 0 : i32
    %c0_i32_1 = arith.constant 0 : i32
    return %c0_i32, %c0_i32_0 : i32, i32
  }
  func.func @transform_2(%arg0: i32) -> (i32, i32) {
    %c0_i32 = arith.constant 0 : i32
    %c0_i32_0 = arith.constant 0 : i32
    %c0_i32_1 = arith.constant 0 : i32
    return %c0_i32, %c0_i32_0 : i32, i32
  }
  func.func @transform_3(%arg0: i32) -> (i32, i32) {
    %c0_i32 = arith.constant 0 : i32
    %c0_i32_0 = arith.constant 0 : i32
    return %arg0, %c0_i32 : i32, i32
  }
}

module attributes {stable_mosaic.version = 14 : i64} {
  func.func @_layer0_body(%arg0: i32, %arg1: memref<1024x64xf32, #tpu.memory_space<vmem>>, %arg2: memref<1024x64xf32, #tpu.memory_space<vmem>>, %arg3: memref<1024x16xf32, #tpu.memory_space<vmem>>, %arg4: memref<1024x128xf32, #tpu.memory_space<vmem>>, %arg5: memref<128x128xf32, #tpu.memory_space<vmem>>, %arg6: memref<128x128xf32, #tpu.memory_space<vmem>>, %arg7: memref<1x128xf32, #tpu.memory_space<vmem>>, %arg8: memref<128x128xf32, #tpu.memory_space<vmem>>, %arg9: memref<1x128xf32, #tpu.memory_space<vmem>>, %arg10: memref<1024x128xf32, #tpu.memory_space<vmem>>, %arg11: memref<1024x128xf32, #tpu.memory_space<vmem>>) attributes {dimension_semantics = [#tpu.dimension_semantics<arbitrary>], iteration_bounds = array<i64: 10>, scalar_prefetch = 0 : i64, scratch_operands = 0 : i64, tpu.core_type = #tpu.core_type<tc>, window_params = [{transform_indices = @transform_0, window_bounds = array<i64: 1024, 64>}, {transform_indices = @transform_1, window_bounds = array<i64: 1024, 64>}, {transform_indices = @transform_2, window_bounds = array<i64: 1024, 16>}, {transform_indices = @transform_3, window_bounds = array<i64: 1024, 128>}, {pipeline_mode = #tpu.pipeline_mode<synchronous>, transform_indices = @transform_4, window_bounds = array<i64: 128, 128>}, {pipeline_mode = #tpu.pipeline_mode<synchronous>, transform_indices = @transform_5, window_bounds = array<i64: 128, 128>}, {pipeline_mode = #tpu.pipeline_mode<synchronous>, transform_indices = @transform_6, window_bounds = array<i64: 1, 128>}, {pipeline_mode = #tpu.pipeline_mode<synchronous>, transform_indices = @transform_7, window_bounds = array<i64: 128, 128>}, {pipeline_mode = #tpu.pipeline_mode<synchronous>, transform_indices = @transform_8, window_bounds = array<i64: 1, 128>}, {transform_indices = @transform_9, window_bounds = array<i64: 1024, 128>}, {transform_indices = @transform_10, window_bounds = array<i64: 1024, 128>}]} {
    %get3A = arith.constant 0 : index
    %get3A_0 = arith.constant 0 : index
    %get3A_1 = vector.load %arg3[%get3A, %get3A_0] : memref<1024x16xf32, #tpu.memory_space<vmem>>, vector<1024x1xf32>
    %max3A = arith.constant 1.000000e+00 : f32
    %max3A_2 = vector.broadcast %max3A : f32 to vector<1024x1xf32>
    %max3A_3 = arith.maximumf %get3A_1, %max3A_2 : vector<1024x1xf32>
    %get3A_4 = arith.constant 0 : index
    %get3A_5 = arith.constant 0 : index
    %get3A_6 = vector.load %arg1[%get3A_4, %get3A_5] : memref<1024x64xf32, #tpu.memory_space<vmem>>, vector<1024x64xf32>
    %get3A_7 = arith.constant 0 : index
    %get3A_8 = arith.constant 0 : index
    %get3A_9 = vector.load %arg2[%get3A_7, %get3A_8] : memref<1024x64xf32, #tpu.memory_space<vmem>>, vector<1024x64xf32>
    %concatenate3A = tpu.concatenate %get3A_6, %get3A_9 in 1 : vector<1024x64xf32>, vector<1024x64xf32> -> vector<1024x128xf32>
    %div3A = vector.broadcast %max3A_3 : vector<1024x1xf32> to vector<1024x128xf32>
    %div3A_10 = arith.divf %concatenate3A, %div3A : vector<1024x128xf32>
    %get3A_11 = arith.constant 0 : index
    %get3A_12 = arith.constant 0 : index
    %get3A_13 = vector.load %arg4[%get3A_11, %get3A_12] : memref<1024x128xf32, #tpu.memory_space<vmem>>, vector<1024x128xf32>
    %get3A_14 = arith.constant 0 : index
    %get3A_15 = arith.constant 0 : index
    %get3A_16 = vector.load %arg5[%get3A_14, %get3A_15] : memref<128x128xf32, #tpu.memory_space<vmem>>, vector<128x128xf32>
    %dot_general3A = arith.constant dense<0.000000e+00> : vector<1024x128xf32>
    %dot_general3A_17 = tpu.matmul %get3A_13, %get3A_16, %dot_general3A {dimension_numbers = #tpu.dot_dimension_numbers<[1], [0], [0], [1], [0, 0, 1, 1], [], []>, transpose_lhs_hint = false} : vector<1024x128xf32>, vector<128x128xf32>, vector<1024x128xf32> -> vector<1024x128xf32>
    %get3A_18 = arith.constant 0 : index
    %get3A_19 = arith.constant 0 : index
    %get3A_20 = vector.load %arg6[%get3A_18, %get3A_19] : memref<128x128xf32, #tpu.memory_space<vmem>>, vector<128x128xf32>
    %dot_general3A_21 = arith.constant dense<0.000000e+00> : vector<1024x128xf32>
    %dot_general3A_22 = tpu.matmul %div3A_10, %get3A_20, %dot_general3A_21 {dimension_numbers = #tpu.dot_dimension_numbers<[1], [0], [0], [1], [0, 0, 1, 1], [], []>, transpose_lhs_hint = false} : vector<1024x128xf32>, vector<128x128xf32>, vector<1024x128xf32> -> vector<1024x128xf32>
    %add3A = arith.addf %dot_general3A_17, %dot_general3A_22 : vector<1024x128xf32>
    %get3A_23 = arith.constant 0 : index
    %get3A_24 = arith.constant 0 : index
    %get3A_25 = vector.load %arg7[%get3A_23, %get3A_24] : memref<1x128xf32, #tpu.memory_space<vmem>>, vector<1x128xf32>
    %add3A_26 = vector.broadcast %get3A_25 : vector<1x128xf32> to vector<1024x128xf32>
    %add3A_27 = arith.addf %add3A, %add3A_26 : vector<1024x128xf32>
    %max3A_28 = arith.constant 0.000000e+00 : f32
    %max3A_29 = vector.broadcast %max3A_28 : f32 to vector<1024x128xf32>
    %max3A_30 = arith.maximumf %add3A_27, %max3A_29 : vector<1024x128xf32>
    %mul3A = arith.mulf %max3A_30, %max3A_30 : vector<1024x128xf32>
    %reduce_sum3A = arith.constant dense<0.000000e+00> : vector<1024xf32>
    %reduce_sum3A_31 = vector.multi_reduction <add>, %mul3A, %reduce_sum3A [1] : vector<1024x128xf32> to vector<1024xf32>
    %broadcast_in_dim3A = vector.shape_cast %reduce_sum3A_31 : vector<1024xf32> to vector<1024x1xf32>
    %sqrt3A = math.sqrt %broadcast_in_dim3A : vector<1024x1xf32>
    %max3A_32 = arith.constant 9.99999996E-13 : f32
    %max3A_33 = vector.broadcast %max3A_32 : f32 to vector<1024x1xf32>
    %max3A_34 = arith.maximumf %sqrt3A, %max3A_33 : vector<1024x1xf32>
    %div3A_35 = vector.broadcast %max3A_34 : vector<1024x1xf32> to vector<1024x128xf32>
    %div3A_36 = arith.divf %max3A_30, %div3A_35 : vector<1024x128xf32>
    %swap3A = arith.constant 0 : index
    %swap3A_37 = arith.constant 0 : index
    %swap3A_38 = vector.load %arg10[%swap3A, %swap3A_37] : memref<1024x128xf32, #tpu.memory_space<vmem>>, vector<1024x128xf32>
    tpu.vector_store %arg10[%swap3A, %swap3A_37], %div3A_36 {strides = array<i32>} : memref<1024x128xf32, #tpu.memory_space<vmem>>, vector<1024x128xf32>,
    %get3A_39 = arith.constant 0 : index
    %get3A_40 = arith.constant 0 : index
    %get3A_41 = vector.load %arg8[%get3A_39, %get3A_40] : memref<128x128xf32, #tpu.memory_space<vmem>>, vector<128x128xf32>
    %dot_general3A_42 = arith.constant dense<0.000000e+00> : vector<1024x128xf32>
    %dot_general3A_43 = tpu.matmul %div3A_36, %get3A_41, %dot_general3A_42 {dimension_numbers = #tpu.dot_dimension_numbers<[1], [0], [0], [1], [0, 0, 1, 1], [], []>, transpose_lhs_hint = false} : vector<1024x128xf32>, vector<128x128xf32>, vector<1024x128xf32> -> vector<1024x128xf32>
    %get3A_44 = arith.constant 0 : index
    %get3A_45 = arith.constant 0 : index
    %get3A_46 = vector.load %arg9[%get3A_44, %get3A_45] : memref<1x128xf32, #tpu.memory_space<vmem>>, vector<1x128xf32>
    %add3A_47 = vector.broadcast %get3A_46 : vector<1x128xf32> to vector<1024x128xf32>
    %add3A_48 = arith.addf %dot_general3A_43, %add3A_47 : vector<1024x128xf32>
    %max3A_49 = arith.constant 0.000000e+00 : f32
    %max3A_50 = vector.broadcast %max3A_49 : f32 to vector<1024x128xf32>
    %max3A_51 = arith.maximumf %add3A_48, %max3A_50 : vector<1024x128xf32>
    %swap3A_52 = arith.constant 0 : index
    %swap3A_53 = arith.constant 0 : index
    %swap3A_54 = vector.load %arg11[%swap3A_52, %swap3A_53] : memref<1024x128xf32, #tpu.memory_space<vmem>>, vector<1024x128xf32>
    tpu.vector_store %arg11[%swap3A_52, %swap3A_53], %max3A_51 {strides = array<i32>} : memref<1024x128xf32, #tpu.memory_space<vmem>>, vector<1024x128xf32>,
    return
  }
  func.func @transform_0(%arg0: i32) -> (i32, i32) {
    %c0_i32 = arith.constant 0 : i32
    %c0_i32_0 = arith.constant 0 : i32
    return %arg0, %c0_i32 : i32, i32
  }
  func.func @transform_1(%arg0: i32) -> (i32, i32) {
    %c0_i32 = arith.constant 0 : i32
    %c0_i32_0 = arith.constant 0 : i32
    return %arg0, %c0_i32 : i32, i32
  }
  func.func @transform_2(%arg0: i32) -> (i32, i32) {
    %c0_i32 = arith.constant 0 : i32
    %c0_i32_0 = arith.constant 0 : i32
    return %arg0, %c0_i32 : i32, i32
  }
  func.func @transform_3(%arg0: i32) -> (i32, i32) {
    %c0_i32 = arith.constant 0 : i32
    %c0_i32_0 = arith.constant 0 : i32
    return %arg0, %c0_i32 : i32, i32
  }
  func.func @transform_4(%arg0: i32) -> (i32, i32) {
    %c0_i32 = arith.constant 0 : i32
    %c0_i32_0 = arith.constant 0 : i32
    %c0_i32_1 = arith.constant 0 : i32
    return %c0_i32, %c0_i32_0 : i32, i32
  }
  func.func @transform_5(%arg0: i32) -> (i32, i32) {
    %c0_i32 = arith.constant 0 : i32
    %c0_i32_0 = arith.constant 0 : i32
    %c0_i32_1 = arith.constant 0 : i32
    return %c0_i32, %c0_i32_0 : i32, i32
  }
  func.func @transform_6(%arg0: i32) -> (i32, i32) {
    %c0_i32 = arith.constant 0 : i32
    %c0_i32_0 = arith.constant 0 : i32
    %c0_i32_1 = arith.constant 0 : i32
    return %c0_i32, %c0_i32_0 : i32, i32
  }
  func.func @transform_7(%arg0: i32) -> (i32, i32) {
    %c0_i32 = arith.constant 0 : i32
    %c0_i32_0 = arith.constant 0 : i32
    %c0_i32_1 = arith.constant 0 : i32
    return %c0_i32, %c0_i32_0 : i32, i32
  }
  func.func @transform_8(%arg0: i32) -> (i32, i32) {
    %c0_i32 = arith.constant 0 : i32
    %c0_i32_0 = arith.constant 0 : i32
    %c0_i32_1 = arith.constant 0 : i32
    return %c0_i32, %c0_i32_0 : i32, i32
  }
  func.func @transform_9(%arg0: i32) -> (i32, i32) {
    %c0_i32 = arith.constant 0 : i32
    %c0_i32_0 = arith.constant 0 : i32
    return %arg0, %c0_i32 : i32, i32
  }
  func.func @transform_10(%arg0: i32) -> (i32, i32) {
    %c0_i32 = arith.constant 0 : i32
    %c0_i32_0 = arith.constant 0 : i32
    return %arg0, %c0_i32 : i32, i32
  }
}

module attributes {stable_mosaic.version = 14 : i64} {
  func.func @_layer1_body(%arg0: i32, %arg1: memref<1024x64xf32, #tpu.memory_space<vmem>>, %arg2: memref<1024x64xf32, #tpu.memory_space<vmem>>, %arg3: memref<1024x16xf32, #tpu.memory_space<vmem>>, %arg4: memref<1024x128xf32, #tpu.memory_space<vmem>>, %arg5: memref<128x128xf32, #tpu.memory_space<vmem>>, %arg6: memref<128x128xf32, #tpu.memory_space<vmem>>, %arg7: memref<1x128xf32, #tpu.memory_space<vmem>>, %arg8: memref<128x128xf32, #tpu.memory_space<vmem>>, %arg9: memref<1x128xf32, #tpu.memory_space<vmem>>, %arg10: memref<128x128xf32, #tpu.memory_space<vmem>>, %arg11: memref<1x128xf32, #tpu.memory_space<vmem>>, %arg12: memref<1024x128xf32, #tpu.memory_space<vmem>>) attributes {dimension_semantics = [#tpu.dimension_semantics<arbitrary>], iteration_bounds = array<i64: 10>, scalar_prefetch = 0 : i64, scratch_operands = 0 : i64, tpu.core_type = #tpu.core_type<tc>, window_params = [{transform_indices = @transform_0, window_bounds = array<i64: 1024, 64>}, {transform_indices = @transform_1, window_bounds = array<i64: 1024, 64>}, {transform_indices = @transform_2, window_bounds = array<i64: 1024, 16>}, {transform_indices = @transform_3, window_bounds = array<i64: 1024, 128>}, {pipeline_mode = #tpu.pipeline_mode<synchronous>, transform_indices = @transform_4, window_bounds = array<i64: 128, 128>}, {pipeline_mode = #tpu.pipeline_mode<synchronous>, transform_indices = @transform_5, window_bounds = array<i64: 128, 128>}, {pipeline_mode = #tpu.pipeline_mode<synchronous>, transform_indices = @transform_6, window_bounds = array<i64: 1, 128>}, {pipeline_mode = #tpu.pipeline_mode<synchronous>, transform_indices = @transform_7, window_bounds = array<i64: 128, 128>}, {pipeline_mode = #tpu.pipeline_mode<synchronous>, transform_indices = @transform_8, window_bounds = array<i64: 1, 128>}, {pipeline_mode = #tpu.pipeline_mode<synchronous>, transform_indices = @transform_9, window_bounds = array<i64: 128, 128>}, {pipeline_mode = #tpu.pipeline_mode<synchronous>, transform_indices = @transform_10, window_bounds = array<i64: 1, 128>}, {transform_indices = @transform_11, window_bounds = array<i64: 1024, 128>}]} {
    %get3A = arith.constant 0 : index
    %get3A_0 = arith.constant 0 : index
    %get3A_1 = vector.load %arg3[%get3A, %get3A_0] : memref<1024x16xf32, #tpu.memory_space<vmem>>, vector<1024x1xf32>
    %max3A = arith.constant 1.000000e+00 : f32
    %max3A_2 = vector.broadcast %max3A : f32 to vector<1024x1xf32>
    %max3A_3 = arith.maximumf %get3A_1, %max3A_2 : vector<1024x1xf32>
    %get3A_4 = arith.constant 0 : index
    %get3A_5 = arith.constant 0 : index
    %get3A_6 = vector.load %arg1[%get3A_4, %get3A_5] : memref<1024x64xf32, #tpu.memory_space<vmem>>, vector<1024x64xf32>
    %get3A_7 = arith.constant 0 : index
    %get3A_8 = arith.constant 0 : index
    %get3A_9 = vector.load %arg2[%get3A_7, %get3A_8] : memref<1024x64xf32, #tpu.memory_space<vmem>>, vector<1024x64xf32>
    %concatenate3A = tpu.concatenate %get3A_6, %get3A_9 in 1 : vector<1024x64xf32>, vector<1024x64xf32> -> vector<1024x128xf32>
    %div3A = vector.broadcast %max3A_3 : vector<1024x1xf32> to vector<1024x128xf32>
    %div3A_10 = arith.divf %concatenate3A, %div3A : vector<1024x128xf32>
    %get3A_11 = arith.constant 0 : index
    %get3A_12 = arith.constant 0 : index
    %get3A_13 = vector.load %arg4[%get3A_11, %get3A_12] : memref<1024x128xf32, #tpu.memory_space<vmem>>, vector<1024x128xf32>
    %get3A_14 = arith.constant 0 : index
    %get3A_15 = arith.constant 0 : index
    %get3A_16 = vector.load %arg5[%get3A_14, %get3A_15] : memref<128x128xf32, #tpu.memory_space<vmem>>, vector<128x128xf32>
    %dot_general3A = arith.constant dense<0.000000e+00> : vector<1024x128xf32>
    %dot_general3A_17 = tpu.matmul %get3A_13, %get3A_16, %dot_general3A {dimension_numbers = #tpu.dot_dimension_numbers<[1], [0], [0], [1], [0, 0, 1, 1], [], []>, transpose_lhs_hint = false} : vector<1024x128xf32>, vector<128x128xf32>, vector<1024x128xf32> -> vector<1024x128xf32>
    %get3A_18 = arith.constant 0 : index
    %get3A_19 = arith.constant 0 : index
    %get3A_20 = vector.load %arg6[%get3A_18, %get3A_19] : memref<128x128xf32, #tpu.memory_space<vmem>>, vector<128x128xf32>
    %dot_general3A_21 = arith.constant dense<0.000000e+00> : vector<1024x128xf32>
    %dot_general3A_22 = tpu.matmul %div3A_10, %get3A_20, %dot_general3A_21 {dimension_numbers = #tpu.dot_dimension_numbers<[1], [0], [0], [1], [0, 0, 1, 1], [], []>, transpose_lhs_hint = false} : vector<1024x128xf32>, vector<128x128xf32>, vector<1024x128xf32> -> vector<1024x128xf32>
    %add3A = arith.addf %dot_general3A_17, %dot_general3A_22 : vector<1024x128xf32>
    %get3A_23 = arith.constant 0 : index
    %get3A_24 = arith.constant 0 : index
    %get3A_25 = vector.load %arg7[%get3A_23, %get3A_24] : memref<1x128xf32, #tpu.memory_space<vmem>>, vector<1x128xf32>
    %add3A_26 = vector.broadcast %get3A_25 : vector<1x128xf32> to vector<1024x128xf32>
    %add3A_27 = arith.addf %add3A, %add3A_26 : vector<1024x128xf32>
    %max3A_28 = arith.constant 0.000000e+00 : f32
    %max3A_29 = vector.broadcast %max3A_28 : f32 to vector<1024x128xf32>
    %max3A_30 = arith.maximumf %add3A_27, %max3A_29 : vector<1024x128xf32>
    %mul3A = arith.mulf %max3A_30, %max3A_30 : vector<1024x128xf32>
    %reduce_sum3A = arith.constant dense<0.000000e+00> : vector<1024xf32>
    %reduce_sum3A_31 = vector.multi_reduction <add>, %mul3A, %reduce_sum3A [1] : vector<1024x128xf32> to vector<1024xf32>
    %broadcast_in_dim3A = vector.shape_cast %reduce_sum3A_31 : vector<1024xf32> to vector<1024x1xf32>
    %sqrt3A = math.sqrt %broadcast_in_dim3A : vector<1024x1xf32>
    %max3A_32 = arith.constant 9.99999996E-13 : f32
    %max3A_33 = vector.broadcast %max3A_32 : f32 to vector<1024x1xf32>
    %max3A_34 = arith.maximumf %sqrt3A, %max3A_33 : vector<1024x1xf32>
    %div3A_35 = vector.broadcast %max3A_34 : vector<1024x1xf32> to vector<1024x128xf32>
    %div3A_36 = arith.divf %max3A_30, %div3A_35 : vector<1024x128xf32>
    %get3A_37 = arith.constant 0 : index
    %get3A_38 = arith.constant 0 : index
    %get3A_39 = vector.load %arg8[%get3A_37, %get3A_38] : memref<128x128xf32, #tpu.memory_space<vmem>>, vector<128x128xf32>
    %dot_general3A_40 = arith.constant dense<0.000000e+00> : vector<1024x128xf32>
    %dot_general3A_41 = tpu.matmul %div3A_36, %get3A_39, %dot_general3A_40 {dimension_numbers = #tpu.dot_dimension_numbers<[1], [0], [0], [1], [0, 0, 1, 1], [], []>, transpose_lhs_hint = false} : vector<1024x128xf32>, vector<128x128xf32>, vector<1024x128xf32> -> vector<1024x128xf32>
    %get3A_42 = arith.constant 0 : index
    %get3A_43 = arith.constant 0 : index
    %get3A_44 = vector.load %arg9[%get3A_42, %get3A_43] : memref<1x128xf32, #tpu.memory_space<vmem>>, vector<1x128xf32>
    %add3A_45 = vector.broadcast %get3A_44 : vector<1x128xf32> to vector<1024x128xf32>
    %add3A_46 = arith.addf %dot_general3A_41, %add3A_45 : vector<1024x128xf32>
    %get3A_47 = arith.constant 0 : index
    %get3A_48 = arith.constant 0 : index
    %get3A_49 = vector.load %arg10[%get3A_47, %get3A_48] : memref<128x128xf32, #tpu.memory_space<vmem>>, vector<128x128xf32>
    %dot_general3A_50 = arith.constant dense<0.000000e+00> : vector<1024x128xf32>
    %dot_general3A_51 = tpu.matmul %add3A_46, %get3A_49, %dot_general3A_50 {dimension_numbers = #tpu.dot_dimension_numbers<[1], [0], [0], [1], [0, 0, 1, 1], [], []>, transpose_lhs_hint = false} : vector<1024x128xf32>, vector<128x128xf32>, vector<1024x128xf32> -> vector<1024x128xf32>
    %get3A_52 = arith.constant 0 : index
    %get3A_53 = arith.constant 0 : index
    %get3A_54 = vector.load %arg11[%get3A_52, %get3A_53] : memref<1x128xf32, #tpu.memory_space<vmem>>, vector<1x128xf32>
    %add3A_55 = vector.broadcast %get3A_54 : vector<1x128xf32> to vector<1024x128xf32>
    %add3A_56 = arith.addf %dot_general3A_51, %add3A_55 : vector<1024x128xf32>
    %reduce_max3A = arith.constant dense<0xFF800000> : vector<1024xf32>
    %reduce_max3A_57 = vector.multi_reduction <maximumf>, %add3A_56, %reduce_max3A [1] : vector<1024x128xf32> to vector<1024xf32>
    %broadcast_in_dim3A_58 = vector.shape_cast %reduce_max3A_57 : vector<1024xf32> to vector<1024x1xf32>
    %sub3A = vector.broadcast %broadcast_in_dim3A_58 : vector<1024x1xf32> to vector<1024x128xf32>
    %sub3A_59 = arith.subf %add3A_56, %sub3A : vector<1024x128xf32>
    %exp3A = math.exp %sub3A_59 : vector<1024x128xf32>
    %reduce_sum3A_60 = arith.constant dense<0.000000e+00> : vector<1024xf32>
    %reduce_sum3A_61 = vector.multi_reduction <add>, %exp3A, %reduce_sum3A_60 [1] : vector<1024x128xf32> to vector<1024xf32>
    %broadcast_in_dim3A_62 = vector.shape_cast %reduce_sum3A_61 : vector<1024xf32> to vector<1024x1xf32>
    %log3A = math.log %broadcast_in_dim3A_62 : vector<1024x1xf32>
    %sub3A_63 = vector.broadcast %log3A : vector<1024x1xf32> to vector<1024x128xf32>
    %sub3A_64 = arith.subf %sub3A_59, %sub3A_63 : vector<1024x128xf32>
    %swap3A = arith.constant 0 : index
    %swap3A_65 = arith.constant 0 : index
    %swap3A_66 = vector.load %arg12[%swap3A, %swap3A_65] : memref<1024x128xf32, #tpu.memory_space<vmem>>, vector<1024x128xf32>
    tpu.vector_store %arg12[%swap3A, %swap3A_65], %sub3A_64 {strides = array<i32>} : memref<1024x128xf32, #tpu.memory_space<vmem>>, vector<1024x128xf32>,
    return
  }
  func.func @transform_0(%arg0: i32) -> (i32, i32) {
    %c0_i32 = arith.constant 0 : i32
    %c0_i32_0 = arith.constant 0 : i32
    return %arg0, %c0_i32 : i32, i32
  }
  func.func @transform_1(%arg0: i32) -> (i32, i32) {
    %c0_i32 = arith.constant 0 : i32
    %c0_i32_0 = arith.constant 0 : i32
    return %arg0, %c0_i32 : i32, i32
  }
  func.func @transform_2(%arg0: i32) -> (i32, i32) {
    %c0_i32 = arith.constant 0 : i32
    %c0_i32_0 = arith.constant 0 : i32
    return %arg0, %c0_i32 : i32, i32
  }
  func.func @transform_3(%arg0: i32) -> (i32, i32) {
    %c0_i32 = arith.constant 0 : i32
    %c0_i32_0 = arith.constant 0 : i32
    return %arg0, %c0_i32 : i32, i32
  }
  func.func @transform_4(%arg0: i32) -> (i32, i32) {
    %c0_i32 = arith.constant 0 : i32
    %c0_i32_0 = arith.constant 0 : i32
    %c0_i32_1 = arith.constant 0 : i32
    return %c0_i32, %c0_i32_0 : i32, i32
  }
  func.func @transform_5(%arg0: i32) -> (i32, i32) {
    %c0_i32 = arith.constant 0 : i32
    %c0_i32_0 = arith.constant 0 : i32
    %c0_i32_1 = arith.constant 0 : i32
    return %c0_i32, %c0_i32_0 : i32, i32
  }
  func.func @transform_6(%arg0: i32) -> (i32, i32) {
    %c0_i32 = arith.constant 0 : i32
    %c0_i32_0 = arith.constant 0 : i32
    %c0_i32_1 = arith.constant 0 : i32
    return %c0_i32, %c0_i32_0 : i32, i32
  }
  func.func @transform_7(%arg0: i32) -> (i32, i32) {
    %c0_i32 = arith.constant 0 : i32
    %c0_i32_0 = arith.constant 0 : i32
    %c0_i32_1 = arith.constant 0 : i32
    return %c0_i32, %c0_i32_0 : i32, i32
  }
  func.func @transform_8(%arg0: i32) -> (i32, i32) {
    %c0_i32 = arith.constant 0 : i32
    %c0_i32_0 = arith.constant 0 : i32
    %c0_i32_1 = arith.constant 0 : i32
    return %c0_i32, %c0_i32_0 : i32, i32
  }
  func.func @transform_9(%arg0: i32) -> (i32, i32) {
    %c0_i32 = arith.constant 0 : i32
    %c0_i32_0 = arith.constant 0 : i32
    %c0_i32_1 = arith.constant 0 : i32
    return %c0_i32, %c0_i32_0 : i32, i32
  }
  func.func @transform_10(%arg0: i32) -> (i32, i32) {
    %c0_i32 = arith.constant 0 : i32
    %c0_i32_0 = arith.constant 0 : i32
    %c0_i32_1 = arith.constant 0 : i32
    return %c0_i32, %c0_i32_0 : i32, i32
  }
  func.func @transform_11(%arg0: i32) -> (i32, i32) {
    %c0_i32 = arith.constant 0 : i32
    %c0_i32_0 = arith.constant 0 : i32
    return %arg0, %c0_i32 : i32, i32
  }
}

</mosaic_0001>

<sc_bundles>
// kernel: kernel.10.cloned.1.call-start
scs
__scs_entry_jumppad:
0x0: {  	(pc) =	sbr.rel $0x88, $3  }
0x1: {  	(tag) =	ssettag $0x0;
	lr =	simm.s32 $0x1  }
0x2: {  	[smem:$0x3F93] =	sst lr;
	_ =	strace $0xD0000000  }
0x3: {  	_ = 	snop  }
0x4: {  	_ = 	snop  }
0x5: {  	_ = 	snop  }
0x6: {  	_ = 	snop  }
0x7: {  	_ = 	snop  }
__scs_overlays_trampoline_lowered:
0x8: {  	[smem:$0x3FA2] =	sst s0  }
0x9: {  	[smem:$0x3FA3] =	sst s1  }
0xa: {  	[smem:$0x3FA4] =	sst s2  }
0xb: {  	[smem:$0x3FA5] =	sst s3  }
0xc: {  	[smem:$0x3FA6] =	sst s4  }
0xd: {  	[smem:$0x3FA7] =	sst s5  }
0xe: {  	[smem:$0x3FA8] =	sst s6  }
0xf: {  	[smem:$0x3FA9] =	sst s7  }
0x10: {  	[smem:$0x3FAA] =	sst s8  }
0x11: {  	[smem:$0x3FAB] =	sst s9;
	s0 =	simm.s32 @!p0 $0x0  }
0x12: {  	s1 =	sld [smem:$0x3F91];
	s0 =	simm.s32 @p0 $0x1  }
0x13: {  	[smem:$0x3FAC] =	sst s0;
	s0 =	simm.s32 @!p1 $0x0  }
0x14: {  	s2 =	sld [smem:$0x3F90];
	s0 =	simm.s32 @p1 $0x1  }
0x15: {  	[smem:$0x3FAD] =	sst s0;
	s0 =	simm.s32 @!p2 $0x0  }
0x16: {  	s3 =	sld [smem:$0x3FDB];
	s0 =	simm.s32 @p2 $0x1  }
0x17: {  	s4 =	simm.s32 $0x1BF5;
	[smem:$0x3FAF] =	sst s0  }
0x18: {  	s0 =	sld [smem:$0x3F92];
	_ =	swait.ge [sflag:s4], $0x0  }
0x19: {  	s7 =	sld [smem:$0x3F93]  }
0x1a: {  	s8 =	sadd.s32 $0xFFFFE003, lr  }
0x1b: {  	s9 =	sadd.s32 $0xFFFFFEF7, lr;
	s5 =	simm.s32 $0xFFFFFFFF;
	p2 =	slt.u32 s8, $0xFFFFF086  }
0x1c: {  	p1 =	slt.u32 s9, $0xF7A;
	s5 =	simm.s32 @!p2 $0x0  }
0x1d: {  	s5 =	simm.s32 @p1 $0x1;
	p0 =	seq.s32 s7, s2  }
0x1e: {  	s7 =	smul.u32 @!p0 $0xF7A, s2;
	p2 =	seq.s32 @!p0 s5, $0x0  }
0x1f: {  	s9 =	smul.u32 $0xF7A, s1;
	s8 =	simm.s32 @!p0 $0x1BF5;
	p2 =	por !p2, p0  }
0x20: {  	[sflag:s8] =	ssyncset.s32 @!p0 $0xFFFFF086;
	s6 =	sadd.s32 @!p0 s3, s7;
	s7 =	simm.s32 @!p0 $0x108  }
0x21: {  	s3 =	sadd.s32 s3, s9;
	s6 =	sadd.s32 @!p0 $0x88, s6;
	s7 =	simm.s32 @p2 $0x1082  }
0x22: {  	[simem:s7], [sflag:s8] =	dma.local @!p0 [hbm:s6], $0xF7A  }
0x23: {  	s9 =	sor.u32 $0xD0000000, s2;
	s6 =	simm.s32 $0x108;
	_ =	swait.ge @!p0 [sflag:s8], $0x0  }
0x24: {  	s3 =	sadd.s32 $0x88, s3;
	s6 =	simm.s32 @!p1 $0x1082;
	[sflag:s4] =	ssyncset.s32 $0xFFFFF086  }
0x25: {  	[simem:s6], [sflag:s4] =	dma.local [hbm:s3], $0xF7A  }
0x26: {  	[smem:$0x3F93] =	sst s1;
	(tag) =	ssettag s2;
	_ =	strace s9  }
0x27: {  	s1 =	sld [smem:$0x3FA3]  }
0x28: {  	s2 =	sld [smem:$0x3FA4]  }
0x29: {  	s4 =	sld [smem:$0x3FA6]  }
0x2a: {  	p0 =	seq.s32 s5, $0x0;
	s5 =	sld [smem:$0x3FA7]  }
0x2b: {  	s6 =	sld [smem:$0x3FA8]  }
0x2c: {  	s7 =	sld [smem:$0x3FA9]  }
0x2d: {  	s3 =	simm.s32 $0x108;
	s8 =	sld [smem:$0x3FAA]  }
0x2e: {  	s3 =	simm.s32 @!p0 $0x1082;
	s9 =	sld [smem:$0x3FAB]  }
0x2f: {  	lr =	sadd.s32 s0, s3;
	s0 =	sld [smem:$0x3FA2]  }
0x30: {  	s3 =	sld [smem:$0x3FA5]  }
0x31: {  	[smem:$0x3FAE] =	sst s10  }
0x32: {  	s10 =	sld [smem:$0x3FAC];
	_ =	sdelay $0x3  }
0x33: {  	p0 =	seq.s32 s10, $0x1;
	s10 =	sld [smem:$0x3FAE];
	_ =	sdelay $0x3  }
0x34: {  	[smem:$0x3FAE] =	sst s10  }
0x35: {  	s10 =	sld [smem:$0x3FAD];
	_ =	sdelay $0x3  }
0x36: {  	p1 =	seq.s32 s10, $0x1;
	s10 =	sld [smem:$0x3FAE];
	_ =	sdelay $0x3  }
0x37: {  	[smem:$0x3FAE] =	sst s10  }
0x38: {  	s10 =	sld [smem:$0x3FAF]  }
0x39: {  	_ = 	snop;
	(pc) =	sbr.ind lr, $3  }
0x3a: {  	_ = 	snop  }
0x3b: {  	_ = 	snop  }
0x3c: {  	p2 =	seq.s32 s10, $0x1;
	s10 =	sld [smem:$0x3FAE]  }
0x3d: {  	_ =	shalt  }
0x3e: {  	_ =	shalt  }
0x3f: {  	_ =	shalt  }
0x40: {  	_ =	shalt  }
0x41: {  	_ =	shalt  }
0x42: {  	_ =	shalt  }
0x43: {  	_ =	shalt  }
0x44: {  	_ =	shalt  }
0x45: {  	_ =	shalt  }
0x46: {  	_ =	shalt  }
0x47: {  	_ =	shalt  }
0x48: {  	_ =	shalt  }
0x49: {  	_ =	shalt  }
0x4a: {  	_ =	shalt  }
0x4b: {  	_ =	shalt  }
0x4c: {  	_ =	shalt  }
0x4d: {  	_ =	shalt  }
0x4e: {  	_ =	shalt  }
0x4f: {  	_ =	shalt  }
0x50: {  	_ =	shalt  }
0x51: {  	_ =	shalt  }
0x52: {  	_ =	shalt  }
0x53: {  	_ =	shalt  }
0x54: {  	_ =	shalt  }
0x55: {  	_ =	shalt  }
0x56: {  	_ =	shalt  }
0x57: {  	_ =	shalt  }
0x58: {  	_ =	shalt  }
0x59: {  	_ =	shalt  }
0x5a: {  	_ =	shalt  }
0x5b: {  	_ =	shalt  }
0x5c: {  	_ =	shalt  }
0x5d: {  	_ =	shalt  }
0x5e: {  	_ =	shalt  }
0x5f: {  	_ =	shalt  }
0x60: {  	_ =	shalt  }
0x61: {  	_ =	shalt  }
0x62: {  	_ =	shalt  }
0x63: {  	_ =	shalt  }
0x64: {  	_ =	shalt  }
0x65: {  	_ =	shalt  }
0x66: {  	_ =	shalt  }
0x67: {  	_ =	shalt  }
0x68: {  	_ =	shalt  }
0x69: {  	_ =	shalt  }
0x6a: {  	_ =	shalt  }
0x6b: {  	_ =	shalt  }
0x6c: {  	_ =	shalt  }
0x6d: {  	_ =	shalt  }
0x6e: {  	_ =	shalt  }
0x6f: {  	_ =	shalt  }
0x70: {  	_ =	shalt  }
0x71: {  	_ =	shalt  }
0x72: {  	_ =	shalt  }
0x73: {  	_ =	shalt  }
0x74: {  	_ =	shalt  }
0x75: {  	_ =	shalt  }
0x76: {  	_ =	shalt  }
0x77: {  	_ =	shalt  }
0x78: {  	_ =	shalt  }
0x79: {  	_ =	shalt  }
0x7a: {  	_ =	shalt  }
0x7b: {  	_ =	shalt  }
0x7c: {  	_ =	shalt  }
0x7d: {  	_ =	shalt  }
0x7e: {  	_ =	shalt  }
0x7f: {  	_ =	shalt  }
0x80: {  	_ =	shalt  }
0x81: {  	_ =	shalt  }
0x82: {  	_ =	shalt  }
0x83: {  	_ =	shalt  }
0x84: {  	_ =	shalt  }
0x85: {  	_ =	shalt  }
0x86: {  	_ =	shalt  }
0x87: {  	_ =	shalt  }
.Lfunc_end0:
.L_simem_size_0:
called_computation.1_lowered:
.L_overlay_start_0:
0x88: {  	s2 =	sld [smem:$0x3FD9]  }
0x89: {  	s3 =	sld [smem:$0x3FFE];
	_ =	sdelay $0x1  }
0x8a: {  	s1 =	srdreg.scid  }
0x8b: {  	s0 =	sand.u32 $0x1, s1  }
0x8c: {  	s17 =	sshll.u32 s0, $0xA;
	s2 =	sadd.s32 s3, s2  }
0x8d: {  	s2 =	sadd.s32 s2, s17  }
0x8e: {  	[smem:$0x3FBA] =	sst s2  }
0x8f: {  	_ = 	snop  }
0x90: {  	s2 =	sld [smem:$0x3FD0];
	(tm) =	ssettm $0x1  }
0x91: {  	s18 =	sld [smem:$0x3FFB];
	_ =	sdelay $0x3  }
0x92: {  	_ =	strace s18  }
0x93: {  	s3 =	sld [smem:$0x3FFC];
	_ =	sdelay $0x3  }
0x94: {  	_ =	strace s3  }
0x95: {  	s3 =	sld [smem:$0x3FFD];
	_ =	sdelay $0x3  }
0x96: {  	_ =	strace s3  }
0x97: {  	_ =	strace $0x8FFFFFFF  }
0x98: {  	s19 =	sld [smem:$0x3FDB];
	_ =	sdelay $0x1  }
0x99: {  	s4 =	simm.s32 $_scs_section_size  }
0x9a: {  	s5 =	simm.s32 $_size__tile_overlayer_lowered;
	s6 =	simm.s32 $_tile_overlayer_lowered  }
0x9b: {  	s22 =	simm.s32 $0x1BFF;
	s21 =	sshll.u32 s6, $0x1;
	s3 =	sadd.s32 s4, s19  }
0x9c: {  	s7 =	simm.s32 $0x0;
	s20 =	sshll.u32 s5, $0x1;
	s5 =	sadd.s32 s21, s3  }
0x9d: {  	[timem:s7], [sflag:s22] =	dma.local [hbm:s5], s20  }
0x9e: {  	_ =	swait.ge [sflag:s22], s20  }
0x9f: {  	s4 =	ssub.s32 $0x0, s20;
	[sflag:s22] =	ssyncset.done $0x0  }
0xa0: {  	[sflag:s22] =	ssyncadd.s32 s4;
	_ =	sdelay $0x1  }
0xa1: {  	s23 =	simm.s32 $0x1B8B  }
0xa2: {  	_ =	swait.ge [sflag:s23], $0x1  }
0xa3: {  	[sflag:s23] =	ssyncset.done $0x0  }
0xa4: {  	s25 =	simm.s32 $0x1B8E;
	s24 =	sld [smem:$0x3FFE];
	[sflag:s23] =	ssyncadd.s32 $0xFFFFFFFF  }
0xa5: {  	s26 =	simm.s32 $execute0_lowered;
	[smem:$0x3FD2] =	sst s25  }
0xa6: {  	s5 =	sshll.u32 s26, $0x1;
	_ =	strace $0x80000049;
	[dreg:$0x1] =	wrdreg $0xFFFFFFFF  }
0xa7: {  	s28 =	simm.s32 $_size_execute0_lowered;
	s3 =	sadd.s32 s3, s5;
	[dreg:$0x0] =	wrdreg $0x0  }
0xa8: {  	s5 =	sshll.u32 s28, $0x1;
	[dreg:$0x2] =	wrdreg s3  }
0xa9: {  	[dreg:$0x3] =	wrdreg s5  }
0xaa: {  	[dreg:$0x4] =	wrdreg $0xC0  }
0xab: {  	_ =	task [dreg:s7], $0x5FFFF  }
0xac: {  	[dreg:$0x1] =	wrdreg $0xFFFFFFFF  }
0xad: {  	[dreg:$0x0] =	wrdreg $0x60  }
0xae: {  	[dreg:$0x2] =	wrdreg s24  }
0xaf: {  	[dreg:$0x3] =	wrdreg s2  }
0xb0: {  	[dreg:$0x4] =	wrdreg $0xDE000  }
0xb1: {  	[dreg:$0x5] =	wrdreg $0x9  }
0xb2: {  	_ =	task.clear_ibuf [dreg:s7], $0x6FFFF;
	_ =	strace $0x90000049  }
0xb3: {  	s29 =	simm.s32 $0x9;
	_ =	strace $0x8000004B  }
0xb4: {  	_ =	swait.ge [sflag:s29], $0x1  }
0xb5: {  	[sflag:s29] =	ssyncadd.s32 $0xFFFFFFFF  }
0xb6: {  	_ =	strace $0x9000004B  }
0xb7: {  	_ =	sfence  }
0xb8: {  	s30 =	sld [smem:$0x0];
	_ =	sdelay $0x2  }
0xb9: {  	s31 =	sshll.u32 s1, $0xD;
	s1 =	sshrl.u32 s1, $0x2  }
0xba: {  	s3 =	sand.u32 $0x4000, s31;
	s1 =	sadd.s32 s1, s30  }
0xbb: {  	s0 =	sor.u32 s3, s0;
	s1 =	sshll.u32 s1, $0x11  }
0xbc: {  	s0 =	sor.u32 s1, s0  }
0xbd: {  	s0 =	sadd.s32 $0x8F2B, s0  }
0xbe: {  	[sflag:s0] =	ssyncadd.remote.s32 $0x1  }
0xbf: {  	_ =	sfence.sel $0xFFFF  }
0xc0: {  	[dreg:$0x0] =	wrdreg $0xFFFFFFFF;
	(pc) =	sbr.abs _section_cstart, $3  }
0xc1: {  	[dreg:$0x1] =	wrdreg $0xFFFFFFFF  }
0xc2: {  	_ =	task.clear_ibuf [dreg:s7], $0x2FFFF;
	_ =	strace $0x9FFFFFFF  }
0xc3: {  	(tm) =	ssettm $0x7FFFFFFF  }
tec
execute0_lowered:
.L_overlay_start_1:
0x0: {  	(tag) =	ssettag $0x1  }
0x1: {  	s0 =	rddreg [dreg:$0x0]  }
0x2: {  	s6 =	rddreg [dreg:$0x1]  }
0x3: {  	s2 =	rddreg [dreg:$0x2];
	s3 =	simm.s32 $0x0  }
0x4: {  	s1 =	stileid.u32;
	s4 =	srdreg.scid;
	s21 =	simm.s32 $0x9E00  }
0x5: {  	s22 =	simm.s32 $0x80;
	s23 =	simm.s32 $0xBE00;
	s24 =	simm.s32 $0x1  }
0x6: {  	s25 =	simm.s32 $0x2;
	s29 =	simm.s32 $0x9D80;
	s30 =	simm.s32 $0x0  }
0x7: {  	[smem:$0x7FF] =	sst s3;
	s7 =	smul.u32 $0x9E0, s1;
	s28 =	sand.u32 $0x1, s4  }
0x8: {  	s4 =	sadd.s32 $0xD800, s0;
	s12 =	smul.u32 $0xA000, s1;
	s5 =	sadd.s32 $0x5D800, s0  }
0x9: {  	_ =	strace $0x8000004A;
	s8 =	ssub.s32 $0x2, s28;
	s16 =	smul.u32 $0xA0000, s28  }
0xa: {  	v0 =	vmov s28;
	s28 =	simm.s32 $0x9D00;
	s9 =	sadd.s32 s7, s0;
	s10 =	sshrl.u32 s8, $0x1  }
0xb: {  	s0 =	sadd.s32 $0x85C00, s0;
	s6 =	sadd.s32 s6, s7;
	s13 =	sadd.s32 $0x2000, s12  }
0xc: {  	s15 =	sadd.s32 $0x4000, s12;
	s17 =	sadd.s32 $0x6000, s12;
	s19 =	sadd.s32 $0x8000, s12  }
0xd: {  	s18 =	ssub.s32 s8, s10;
	s7 =	sadd.s32 $0x3A00, s9;
	s8 =	sadd.s32 s12, s2  }
0xe: {  	s9 =	sadd.s32 s13, s2;
	s10 =	sadd.s32 s15, s2;
	s11 =	sadd.s32 s17, s2  }
0xf: {  	s14 =	sadd.s32 s12, s16;
	s13 =	sadd.s32 s16, s13;
	s12 =	sadd.s32 s19, s2  }
0x10: {  	s15 =	sadd.s32 s16, s15;
	s17 =	sadd.s32 s16, s17;
	s16 =	sadd.s32 s16, s19  }
0x11: {  	s14 =	sshrl.u32 s14, $0x3;
	s20 =	sshrl.u32 s13, $0x3;
	s15 =	sshrl.u32 s15, $0x3  }
0x12: {  	s17 =	sshrl.u32 s17, $0x3;
	s19 =	sshrl.u32 s16, $0x3;
	s18 =	smax.u32 s18, $0x1  }
0x13: {  	s13 =	sadd.s32 s0, s14;
	s14 =	sadd.s32 s0, s20;
	s15 =	sadd.s32 s0, s15  }
0x14: {  	s16 =	sadd.s32 s0, s17;
	s17 =	sadd.s32 s0, s19;
	s19 =	simm.s32 $0x3  }
.LBB2_1:
0x15: {  	[tilespmem:s3], [sflag:$0x3] =	stream.linear.gather [hbm4b:s6+s3], $0x4F00, $0x38;
	[tilespmem:$0x17E00] =	vst v63  }
0x16: {  	_ =	swait.ge [sflag:s19], $0x4F00  }
0x17: {  	[sflag:s19] =	ssyncset.done $0x0  }
0x18: {  	s0 =	simm.s32 $0x4F00;
	[sflag:s19] =	ssyncadd.s32 $0xFFFFB100  }
0x19: {  	[tilespmem:s0], [sflag:$0x3] =	stream.linear.gather [hbm4b:s7+s3], $0x4F00, $0x38;
	[tilespmem:$0x17E00] =	vst v63  }
0x1a: {  	_ =	swait.ge [sflag:s19], $0x4F00  }
0x1b: {  	[sflag:s19] =	ssyncset.done $0x0  }
0x1c: {  	s31 =	simm.s32 $0x0;
	[sflag:s19] =	ssyncadd.s32 $0xFFFFB100  }
0x1d: {  	v1 =	vld [tilespmem:s31+$0x0]  }
0x1e: {  	v2 =	vld [tilespmem:s31+$0x4F00]  }
0x1f: {  	v3 =	vld [tilespmem:s31+$0x10]  }
0x20: {  	v4 =	vld [tilespmem:s31+$0x4F10]  }
0x21: {  	v5 =	vld [tilespmem:s31+$0x20]  }
0x22: {  	v7 =	vld [tilespmem:s31+$0x4F20];
	v6 =	vshll.u32 v1, $0x1  }
0x23: {  	v8 =	vld [tilespmem:s31+$0x30];
	vm0 =	veq.s32 v1, v2;
	v6 =	vor.u32 v0, v6  }
0x24: {  	v1 =	vsel vm0, $0x2710, v2;
	v2 =	vshll.u32 v3, $0x1;
	[tilespmem:s31+$0x0] =	vst v6;
	v6 =	vld [tilespmem:s31+$0x4F30]  }
0x25: {  	v9 =	vld [tilespmem:s31+$0x40];
	vm0 =	veq.s32 v3, v4;
	[tilespmem:s31+$0x4F00] =	vst v1;
	v1 =	vor.u32 v0, v2  }
0x26: {  	v3 =	vshll.u32 v5, $0x1;
	v2 =	vld [tilespmem:s31+$0x4F40];
	[tilespmem:s31+$0x10] =	vst v1;
	v1 =	vsel vm0, $0x2710, v4  }
0x27: {  	v3 =	vor.u32 v0, v3;
	vm0 =	veq.s32 v5, v7;
	[tilespmem:s31+$0x4F10] =	vst v1;
	v1 =	vld [tilespmem:s31+$0x50]  }
0x28: {  	[tilespmem:s31+$0x20] =	vst v3;
	v4 =	vld [tilespmem:s31+$0x4F50];
	v5 =	vshll.u32 v8, $0x1;
	v3 =	vsel vm0, $0x2710, v7  }
0x29: {  	v5 =	vor.u32 v0, v5;
	[tilespmem:s31+$0x4F20] =	vst v3;
	v3 =	vld [tilespmem:s31+$0x60];
	vm0 =	veq.s32 v8, v6  }
0x2a: {  	v7 =	vshll.u32 v9, $0x1;
	[tilespmem:s31+$0x30] =	vst v5;
	v5 =	vld [tilespmem:s31+$0x4F60];
	v6 =	vsel vm0, $0x2710, v6  }
0x2b: {  	s0 =	simm.s32 $0x200;
	v7 =	vor.u32 v0, v7;
	vm0 =	veq.s32 v9, v2;
	[tilespmem:s31+$0x4F30] =	vst v6;
	v6 =	vld [tilespmem:s31+$0x70]  }
.LBB2_2:
0x2c: {  	s1 =	sshra.s32 s0, $0x2;
	p0 =	sne.s32 s0, $0x13A00;
	v2 =	vsel vm0, $0x2710, v2;
	[tilespmem:s31+$0x40] =	vst v7;
	v7 =	vshll.u32 v1, $0x1;
	v8 =	vld [tilespmem:s31+$0x4F70]  }
0x2d: {  	v9 =	vld [tilespmem:s1+$0x0];
	[tilespmem:s31+$0x4F40] =	vst v2;
	vm0 =	veq.s32 v1, v4;
	v1 =	vor.u32 v0, v7  }
0x2e: {  	v2 =	vld [tilespmem:s1+$0x4F00];
	v4 =	vsel vm0, $0x2710, v4;
	[tilespmem:s31+$0x50] =	vst v1;
	v1 =	vshll.u32 v3, $0x1  }
0x2f: {  	v7 =	vld [tilespmem:s1+$0x10];
	[tilespmem:s31+$0x4F50] =	vst v4;
	vm0 =	veq.s32 v3, v5;
	v1 =	vor.u32 v0, v1  }
0x30: {  	v3 =	vld [tilespmem:s1+$0x4F10];
	v4 =	vsel vm0, $0x2710, v5;
	[tilespmem:s31+$0x60] =	vst v1;
	v1 =	vshll.u32 v6, $0x1  }
0x31: {  	v5 =	vld [tilespmem:s1+$0x20];
	[tilespmem:s31+$0x4F60] =	vst v4;
	vm0 =	veq.s32 v6, v8;
	v1 =	vor.u32 v0, v1  }
0x32: {  	v4 =	vshll.u32 v9, $0x1;
	v6 =	vld [tilespmem:s1+$0x4F20];
	v8 =	vsel vm0, $0x2710, v8;
	[tilespmem:s31+$0x70] =	vst v1  }
0x33: {  	vm0 =	veq.s32 v9, v2;
	v1 =	vor.u32 v0, v4;
	v9 =	vld [tilespmem:s1+$0x30];
	[tilespmem:s31+$0x4F70] =	vst v8;
	s31 =	smov.u32 s1  }
0x34: {  	v2 =	vsel vm0, $0x2710, v2;
	[tilespmem:s31+$0x0] =	vst v1;
	v1 =	vshll.u32 v7, $0x1;
	v8 =	vld [tilespmem:s31+$0x4F30]  }
0x35: {  	[tilespmem:s31+$0x4F00] =	vst v2;
	vm0 =	veq.s32 v7, v3;
	v1 =	vor.u32 v0, v1;
	v7 =	vld [tilespmem:s31+$0x40]  }
0x36: {  	v3 =	vsel vm0, $0x2710, v3;
	[tilespmem:s31+$0x10] =	vst v1;
	v1 =	vshll.u32 v5, $0x1;
	v2 =	vld [tilespmem:s31+$0x4F40]  }
.Ltmp0:
0x37: {  	[tilespmem:s31+$0x4F10] =	vst v3;
	vm0 =	veq.s32 v5, v6;
	v3 =	vor.u32 v0, v1;
	v1 =	vld [tilespmem:s31+$0x50];
	(pc) =	sbr.rel @p0 .LBB2_2-.Ltmp0, $4  }
0x38: {  	v5 =	vsel vm0, $0x2710, v6;
	[tilespmem:s31+$0x20] =	vst v3;
	v3 =	vshll.u32 v9, $0x1;
	v4 =	vld [tilespmem:s31+$0x4F50]  }
0x39: {  	[tilespmem:s31+$0x4F20] =	vst v5;
	vm0 =	veq.s32 v9, v8;
	v5 =	vor.u32 v0, v3;
	v3 =	vld [tilespmem:s31+$0x60]  }
0x3a: {  	v6 =	vsel vm0, $0x2710, v8;
	[tilespmem:s31+$0x30] =	vst v5;
	v8 =	vshll.u32 v7, $0x1;
	v5 =	vld [tilespmem:s31+$0x4F60]  }
0x3b: {  	s0 =	sadd.s32 $0x200, s0;
	[tilespmem:s31+$0x4F30] =	vst v6;
	vm0 =	veq.s32 v7, v2;
	v7 =	vor.u32 v0, v8;
	v6 =	vld [tilespmem:s31+$0x70]  }
0x3c: {  	[tilespmem:s31+$0x40] =	vst v7;
	v2 =	vsel vm0, $0x2710, v2;
	v63 =	vshll.u32 v1, $0x1;
	v8 =	vld [tilespmem:s31+$0x4F70]  }
0x3d: {  	[tilespmem:s31+$0x4F40] =	vst v2;
	vm13 =	veq.s32 v1, v4;
	v1 =	vor.u32 v0, v63  }
0x3e: {  	v2 =	vsel vm13, $0x2710, v4;
	[tilespmem:s31+$0x50] =	vst v1;
	v1 =	vshll.u32 v3, $0x1  }
0x3f: {  	[tilespmem:s31+$0x4F50] =	vst v2;
	vm14 =	veq.s32 v3, v5;
	v1 =	vor.u32 v0, v1  }
0x40: {  	v2 =	vsel vm14, $0x2710, v5;
	[tilespmem:s31+$0x60] =	vst v1;
	v1 =	vshll.u32 v6, $0x1  }
0x41: {  	[tilespmem:s31+$0x4F60] =	vst v2;
	vm15 =	veq.s32 v6, v8;
	v1 =	vor.u32 v0, v1  }
0x42: {  	v2 =	vsel vm15, $0x2710, v8;
	[tilespmem:s31+$0x70] =	vst v1  }
0x43: {  	s0 =	simm.s32 $0x0;
	[tilespmem:s31+$0x4F70] =	vst v2  }
0x44: {  	[tilespmem:s21], [sflag:$0x3] =	stream.linear.gather [hbm4b:s5+s0], $0x2000, $0x38;
	[tilespmem:$0x17E00] =	vst v63  }
0x45: {  	_ =	swait.ge [sflag:s19], $0x2000  }
0x46: {  	[sflag:s19] =	ssyncset.done $0x0  }
0x47: {  	[sflag:s19] =	ssyncadd.s32 $0xFFFFE000  }
0x48: {  	[spmem:s8] =	stream.linear.scatter [tilespmem:s21], [sflag:$0x3], $0x2000, $0x38;
	[tilespmem:$0x17E00] =	vst v63  }
0x49: {  	_ =	swait.ge [sflag:s19], $0x2000  }
0x4a: {  	[sflag:s19] =	ssyncset.done $0x0  }
0x4b: {  	[sflag:s19] =	ssyncadd.s32 $0xFFFFE000  }
0x4c: {  	[spmem:s9] =	stream.linear.scatter [tilespmem:s21], [sflag:$0x3], $0x2000, $0x38;
	[tilespmem:$0x17E00] =	vst v63  }
0x4d: {  	_ =	swait.ge [sflag:s19], $0x2000  }
0x4e: {  	[sflag:s19] =	ssyncset.done $0x0  }
0x4f: {  	[sflag:s19] =	ssyncadd.s32 $0xFFFFE000  }
0x50: {  	[spmem:s10] =	stream.linear.scatter [tilespmem:s21], [sflag:$0x3], $0x2000, $0x38;
	[tilespmem:$0x17E00] =	vst v63  }
0x51: {  	_ =	swait.ge [sflag:s19], $0x2000  }
0x52: {  	[sflag:s19] =	ssyncset.done $0x0  }
0x53: {  	[sflag:s19] =	ssyncadd.s32 $0xFFFFE000  }
0x54: {  	[spmem:s11] =	stream.linear.scatter [tilespmem:s21], [sflag:$0x3], $0x2000, $0x38;
	[tilespmem:$0x17E00] =	vst v63  }
0x55: {  	_ =	swait.ge [sflag:s19], $0x2000  }
0x56: {  	[sflag:s19] =	ssyncset.done $0x0  }
0x57: {  	[sflag:s19] =	ssyncadd.s32 $0xFFFFE000  }
0x58: {  	[spmem:s12] =	stream.linear.scatter [tilespmem:s21], [sflag:$0x3], $0x2000, $0x38;
	[tilespmem:$0x17E00] =	vst v63  }
0x59: {  	_ =	swait.ge [sflag:s19], $0x2000  }
0x5a: {  	[sflag:s19] =	ssyncset.done $0x0  }
0x5b: {  	[sflag:s19] =	ssyncadd.s32 $0xFFFFE000  }
0x5c: {  	[bflag:$0x0] =	sbarrier.arrive $0xFFFF  }
0x5d: {  	[tilespmem:s21], [sflag:$0x1] =	stream.indirect.gather [hbm4b:s4+s22], $0x40, s0, s22, $0xb8;
	[tilespmem:$0x17E00] =	vst v63  }
0x5e: {  	s26 =	simm.s32 $0x80  }
0x5f: {  	[tilespmem:s23], [sflag:$0x2] =	stream.indirect.gather [hbm4b:s4+s22], $0x40, s26, s22, $0xb8;
	[tilespmem:$0x17E00] =	vst v63  }
0x60: {  	_ =	swait.ge [sflag:s24], $0x2000  }
0x61: {  	[sflag:s24] =	ssyncset.done $0x0  }
0x62: {  	s1 =	simm.s32 $0x4F00;
	[sflag:s24] =	ssyncadd.s32 $0xFFFFE000  }
0x63: {  	[spmem:s2] =	stream.indirect.scatter.add.f32 [tilespmem:s21], [sflag:$0x3], $0x40, s1, s22, $0xb8;
	[tilespmem:$0x17E00] =	vst v63  }
0x64: {  	_ =	swait.ge [sflag:s19], $0x2000  }
0x65: {  	[sflag:s19] =	ssyncset.done $0x0  }
0x66: {  	s20 =	simm.s32 $0x100;
	[sflag:s19] =	ssyncadd.s32 $0xFFFFE000  }
0x67: {  	[tilespmem:s21], [sflag:$0x1] =	stream.indirect.gather [hbm4b:s4+s22], $0x40, s20, s22, $0xb8;
	[tilespmem:$0x17E00] =	vst v63  }
0x68: {  	_ =	swait.ge [sflag:s25], $0x2000  }
0x69: {  	[sflag:s25] =	ssyncset.done $0x0  }
0x6a: {  	s26 =	simm.s32 $0x4F80;
	[sflag:s25] =	ssyncadd.s32 $0xFFFFE000  }
0x6b: {  	[spmem:s2] =	stream.indirect.scatter.add.f32 [tilespmem:s23], [sflag:$0x3], $0x40, s26, s22, $0xb8;
	[tilespmem:$0x17E00] =	vst v63  }
0x6c: {  	_ =	swait.ge [sflag:s19], $0x2000  }
0x6d: {  	s31 =	simm.s32 $0x800;
	s0 =	simm.s32 $0x100;
	[sflag:s19] =	ssyncset.done $0x0  }
.LBB2_4:
0x6e: {  	s1 =	sadd.s32 $0x80, s0  }
0x6f: {  	[sflag:s19] =	ssyncadd.s32 $0xFFFFE000;
	s20 =	smov.u32 s31;
	s26 =	sadd.s32 $0x400, s31  }
0x70: {  	[tilespmem:s23], [sflag:$0x2] =	stream.indirect.gather [hbm4b:s4+s22], $0x40, s1, s22, $0xb8;
	[tilespmem:$0x17E00] =	vst v63  }
0x71: {  	p0 =	sne.s32 s31, $0x13400;
	_ =	swait.ge [sflag:s24], $0x2000  }
0x72: {  	[sflag:s24] =	ssyncset.done $0x0  }
0x73: {  	s1 =	sadd.s32 $0x4F00, s0;
	[sflag:s24] =	ssyncadd.s32 $0xFFFFE000  }
0x74: {  	[spmem:s2] =	stream.indirect.scatter.add.f32 [tilespmem:s21], [sflag:$0x3], $0x40, s1, s22, $0xb8;
	[tilespmem:$0x17E00] =	vst v63  }
0x75: {  	_ =	swait.ge [sflag:s19], $0x2000  }
0x76: {  	[sflag:s19] =	ssyncset.done $0x0  }
0x77: {  	s1 =	sadd.s32 $0x100, s0;
	[sflag:s19] =	ssyncadd.s32 $0xFFFFE000  }
0x78: {  	[tilespmem:s21], [sflag:$0x1] =	stream.indirect.gather [hbm4b:s4+s22], $0x40, s1, s22, $0xb8;
	[tilespmem:$0x17E00] =	vst v63  }
0x79: {  	_ =	swait.ge [sflag:s25], $0x2000  }
.Ltmp1:
0x7a: {  	[sflag:s25] =	ssyncset.done $0x0;
	(pc) =	sbr.rel @p0 .LBB2_4-.Ltmp1, $4  }
0x7b: {  	s0 =	sadd.s32 $0x4F80, s0;
	[sflag:s25] =	ssyncadd.s32 $0xFFFFE000  }
0x7c: {  	[spmem:s2] =	stream.indirect.scatter.add.f32 [tilespmem:s23], [sflag:$0x3], $0x40, s0, s22, $0xb8;
	[tilespmem:$0x17E00] =	vst v63  }
0x7d: {  	_ =	swait.ge [sflag:s19], $0x2000  }
0x7e: {  	s31 =	smov.u32 s26;
	s0 =	sshra.s32 s20, $0x2;
	[sflag:s19] =	ssyncset.done $0x0  }
0x7f: {  	s1 =	sadd.s32 $0x80, s0;
	[sflag:s19] =	ssyncadd.s32 $0xFFFFE000  }
0x80: {  	[tilespmem:s23], [sflag:$0x2] =	stream.indirect.gather [hbm4b:s4+s22], $0x40, s1, s22, $0xb8;
	[tilespmem:$0x17E00] =	vst v63  }
0x81: {  	_ =	swait.ge [sflag:s24], $0x2000  }
0x82: {  	[sflag:s24] =	ssyncset.done $0x0  }
0x83: {  	s31 =	sadd.s32 $0x4F00, s0;
	[sflag:s24] =	ssyncadd.s32 $0xFFFFE000  }
0x84: {  	[spmem:s2] =	stream.indirect.scatter.add.f32 [tilespmem:s21], [sflag:$0x3], $0x40, s31, s22, $0xb8;
	[tilespmem:$0x17E00] =	vst v63  }
0x85: {  	_ =	swait.ge [sflag:s19], $0x2000  }
0x86: {  	[sflag:s19] =	ssyncset.done $0x0  }
0x87: {  	s20 =	sadd.s32 $0x100, s0;
	[sflag:s19] =	ssyncadd.s32 $0xFFFFE000  }
0x88: {  	[tilespmem:s21], [sflag:$0x1] =	stream.indirect.gather [hbm4b:s4+s22], $0x40, s20, s22, $0xb8;
	[tilespmem:$0x17E00] =	vst v63  }
0x89: {  	_ =	swait.ge [sflag:s25], $0x2000  }
0x8a: {  	[sflag:s25] =	ssyncset.done $0x0  }
0x8b: {  	s26 =	sadd.s32 $0x4F80, s0;
	[sflag:s25] =	ssyncadd.s32 $0xFFFFE000  }
0x8c: {  	[spmem:s2] =	stream.indirect.scatter.add.f32 [tilespmem:s23], [sflag:$0x3], $0x40, s26, s22, $0xb8;
	[tilespmem:$0x17E00] =	vst v63  }
0x8d: {  	_ =	swait.ge [sflag:s19], $0x2000  }
0x8e: {  	[sflag:s19] =	ssyncset.done $0x0  }
0x8f: {  	s31 =	simm.s32 $0x4E80;
	[sflag:s19] =	ssyncadd.s32 $0xFFFFE000  }
0x90: {  	[tilespmem:s23], [sflag:$0x2] =	stream.indirect.gather [hbm4b:s4+s22], $0x40, s31, s22, $0xb8;
	[tilespmem:$0x17E00] =	vst v63  }
0x91: {  	_ =	swait.ge [sflag:s24], $0x2000  }
0x92: {  	[sflag:s24] =	ssyncset.done $0x0  }
0x93: {  	[sflag:s24] =	ssyncadd.s32 $0xFFFFE000  }
0x94: {  	[spmem:s2] =	stream.indirect.scatter.add.f32 [tilespmem:s21], [sflag:$0x3], $0x40, s28, s22, $0xb8;
	[tilespmem:$0x17E00] =	vst v63  }
0x95: {  	_ =	swait.ge [sflag:s19], $0x2000  }
0x96: {  	[sflag:s19] =	ssyncset.done $0x0  }
0x97: {  	[sflag:s19] =	ssyncadd.s32 $0xFFFFE000  }
0x98: {  	_ =	swait.ge [sflag:s25], $0x2000  }
0x99: {  	[sflag:s25] =	ssyncset.done $0x0  }
0x9a: {  	[sflag:s25] =	ssyncadd.s32 $0xFFFFE000  }
0x9b: {  	[spmem:s2] =	stream.indirect.scatter.add.f32 [tilespmem:s23], [sflag:$0x3], $0x40, s29, s22, $0xb8;
	[tilespmem:$0x17E00] =	vst v63  }
0x9c: {  	_ =	swait.ge [sflag:s19], $0x2000  }
0x9d: {  	[sflag:s19] =	ssyncset.done $0x0  }
0x9e: {  	[sflag:s19] =	ssyncadd.s32 $0xFFFFE000  }
0x9f: {  	[bflag:$0x0] =	sbarrier.arrive $0xFFFF  }
0xa0: {  	[tilespmem:s21], [sflag:$0x3] =	stream.linear.gather [spmem:s8], $0x2000, $0x38;
	[tilespmem:$0x17E00] =	vst v63  }
0xa1: {  	_ =	swait.ge [sflag:s19], $0x2000  }
0xa2: {  	[sflag:s19] =	ssyncset.done $0x0  }
0xa3: {  	[sflag:s19] =	ssyncadd.s32 $0xFFFFE000  }
0xa4: {  	[hbm4b:s13+s3] =	stream.linear.scatter [tilespmem:s21], [sflag:$0x3], $0x2000, $0x38;
	[tilespmem:$0x17E00] =	vst v63  }
0xa5: {  	_ =	swait.ge [sflag:s19], $0x2000  }
0xa6: {  	[sflag:s19] =	ssyncset.done $0x0  }
0xa7: {  	[sflag:s19] =	ssyncadd.s32 $0xFFFFE000  }
0xa8: {  	[tilespmem:s21], [sflag:$0x3] =	stream.linear.gather [spmem:s9], $0x2000, $0x38;
	[tilespmem:$0x17E00] =	vst v63  }
0xa9: {  	_ =	swait.ge [sflag:s19], $0x2000  }
0xaa: {  	[sflag:s19] =	ssyncset.done $0x0  }
0xab: {  	[sflag:s19] =	ssyncadd.s32 $0xFFFFE000  }
0xac: {  	[hbm4b:s14+s3] =	stream.linear.scatter [tilespmem:s21], [sflag:$0x3], $0x2000, $0x38;
	[tilespmem:$0x17E00] =	vst v63  }
0xad: {  	_ =	swait.ge [sflag:s19], $0x2000  }
0xae: {  	[sflag:s19] =	ssyncset.done $0x0  }
0xaf: {  	[sflag:s19] =	ssyncadd.s32 $0xFFFFE000  }
0xb0: {  	[tilespmem:s21], [sflag:$0x3] =	stream.linear.gather [spmem:s10], $0x2000, $0x38;
	[tilespmem:$0x17E00] =	vst v63  }
0xb1: {  	_ =	swait.ge [sflag:s19], $0x2000  }
0xb2: {  	[sflag:s19] =	ssyncset.done $0x0  }
0xb3: {  	[sflag:s19] =	ssyncadd.s32 $0xFFFFE000  }
0xb4: {  	[hbm4b:s15+s3] =	stream.linear.scatter [tilespmem:s21], [sflag:$0x3], $0x2000, $0x38;
	[tilespmem:$0x17E00] =	vst v63  }
0xb5: {  	_ =	swait.ge [sflag:s19], $0x2000  }
0xb6: {  	[sflag:s19] =	ssyncset.done $0x0  }
0xb7: {  	[sflag:s19] =	ssyncadd.s32 $0xFFFFE000  }
0xb8: {  	[tilespmem:s21], [sflag:$0x3] =	stream.linear.gather [spmem:s11], $0x2000, $0x38;
	[tilespmem:$0x17E00] =	vst v63  }
0xb9: {  	_ =	swait.ge [sflag:s19], $0x2000  }
0xba: {  	[sflag:s19] =	ssyncset.done $0x0  }
0xbb: {  	[sflag:s19] =	ssyncadd.s32 $0xFFFFE000  }
0xbc: {  	[hbm4b:s16+s3] =	stream.linear.scatter [tilespmem:s21], [sflag:$0x3], $0x2000, $0x38;
	[tilespmem:$0x17E00] =	vst v63  }
0xbd: {  	_ =	swait.ge [sflag:s19], $0x2000  }
0xbe: {  	[sflag:s19] =	ssyncset.done $0x0  }
0xbf: {  	[sflag:s19] =	ssyncadd.s32 $0xFFFFE000  }
0xc0: {  	[tilespmem:s21], [sflag:$0x3] =	stream.linear.gather [spmem:s12], $0x2000, $0x38;
	[tilespmem:$0x17E00] =	vst v63  }
0xc1: {  	s30 =	sadd.s32 $0x1, s30;
	_ =	swait.ge [sflag:s19], $0x2000  }
0xc2: {  	p0 =	sne.s32 s30, s18;
	[sflag:s19] =	ssyncset.done $0x0  }
.Ltmp2:
0xc3: {  	[sflag:s19] =	ssyncadd.s32 $0xFFFFE000;
	(pc) =	sbr.rel @p0 .LBB2_1-.Ltmp2, $4  }
0xc4: {  	[hbm4b:s17+s3] =	stream.linear.scatter [tilespmem:s21], [sflag:$0x3], $0x2000, $0x38;
	[tilespmem:$0x17E00] =	vst v63  }
0xc5: {  	_ =	swait.ge [sflag:s19], $0x2000  }
0xc6: {  	[sflag:s19] =	ssyncset.done $0x0  }
0xc7: {  	[sflag:s19] =	ssyncadd.s32 $0xFFFFE000  }
0xc8: {  	_ =	sfence.sel $0x180000  }
0xc9: {  	[bflag:$0x0] =	sbarrier.arrive $0xFFFF  }
0xca: {  	_ =	strace $0x9000004A  }
0xcb: {  	s0 =	stileid.u32;
	[bflag:$0x2] =	sbarrier.arrive $0xFFFF  }
0xcc: {  	p0 =	sne.s32 s0, $0x0;
	s0 =	rddreg [dreg:$0x3]  }
0xcd: {  	s0 =	sadd.s32 @!p0 $0x100000, s0  }
0xce: {  	[sflag:s0] =	ssyncadd.tile.s32 @!p0 $0x1;
	_ =	shalt  }
.Lfunc_end2:
_tile_overlayer_lowered:
.L_overlay_start_2:
0xcf: {  	(tag) =	ssettag $0x2  }
0xd0: {  	s0 =	rddreg [dreg:$0x0];
	s2 =	stileid.u32  }
0xd1: {  	s1 =	rddreg [dreg:$0x1];
	p0 =	sne.s32 s2, $0x0  }
0xd2: {  	s3 =	rddreg [dreg:$0x2];
	[bflag:$0x3] =	sbarrier.arrive $0xFFFF;
	s2 =	simm.s32 @!p0 $0x1C03  }
0xd3: {  	[timem:s3], [sflag:s2] =	dma.local @!p0 [hbm:s0], s1  }
0xd4: {  	s0 =	simm.s32 @!p0 $0x3  }
0xd5: {  	_ =	swait.ge @!p0 [sflag:s0], s1  }
0xd6: {  	s1 =	ssub.s32 @!p0 $0x0, s1;
	[sflag:s0] =	ssyncset.done @!p0 $0x0  }
0xd7: {  	[sflag:s0] =	ssyncadd.s32 @!p0 s1  }
0xd8: {  	[bflag:$0x3] =	sbarrier.arrive $0xFFFF  }
0xd9: {  	_ =	shalt  }

// kernel: kernel.7.cloned.1.call-start
scs
__scs_entry_jumppad:
0x0: {  	(pc) =	sbr.rel $0x88, $3  }
0x1: {  	(tag) =	ssettag $0x0;
	lr =	simm.s32 $0x1  }
0x2: {  	[smem:$0x3F93] =	sst lr;
	_ =	strace $0xD0000000  }
0x3: {  	_ = 	snop  }
0x4: {  	_ = 	snop  }
0x5: {  	_ = 	snop  }
0x6: {  	_ = 	snop  }
0x7: {  	_ = 	snop  }
__scs_overlays_trampoline_lowered:
0x8: {  	[smem:$0x3FA2] =	sst s0  }
0x9: {  	[smem:$0x3FA3] =	sst s1  }
0xa: {  	[smem:$0x3FA4] =	sst s2  }
0xb: {  	[smem:$0x3FA5] =	sst s3  }
0xc: {  	[smem:$0x3FA6] =	sst s4  }
0xd: {  	[smem:$0x3FA7] =	sst s5  }
0xe: {  	[smem:$0x3FA8] =	sst s6  }
0xf: {  	[smem:$0x3FA9] =	sst s7  }
0x10: {  	[smem:$0x3FAA] =	sst s8  }
0x11: {  	[smem:$0x3FAB] =	sst s9;
	s0 =	simm.s32 @!p0 $0x0  }
0x12: {  	s1 =	sld [smem:$0x3F91];
	s0 =	simm.s32 @p0 $0x1  }
0x13: {  	[smem:$0x3FAC] =	sst s0;
	s0 =	simm.s32 @!p1 $0x0  }
0x14: {  	s2 =	sld [smem:$0x3F90];
	s0 =	simm.s32 @p1 $0x1  }
0x15: {  	[smem:$0x3FAD] =	sst s0;
	s0 =	simm.s32 @!p2 $0x0  }
0x16: {  	s3 =	sld [smem:$0x3FDB];
	s0 =	simm.s32 @p2 $0x1  }
0x17: {  	s4 =	simm.s32 $0x1BF5;
	[smem:$0x3FAF] =	sst s0  }
0x18: {  	s0 =	sld [smem:$0x3F92];
	_ =	swait.ge [sflag:s4], $0x0  }
0x19: {  	s7 =	sld [smem:$0x3F93]  }
0x1a: {  	s8 =	sadd.s32 $0xFFFFE003, lr  }
0x1b: {  	s9 =	sadd.s32 $0xFFFFFEF7, lr;
	s5 =	simm.s32 $0xFFFFFFFF;
	p2 =	slt.u32 s8, $0xFFFFF086  }
0x1c: {  	p1 =	slt.u32 s9, $0xF7A;
	s5 =	simm.s32 @!p2 $0x0  }
0x1d: {  	s5 =	simm.s32 @p1 $0x1;
	p0 =	seq.s32 s7, s2  }
0x1e: {  	s7 =	smul.u32 @!p0 $0xF7A, s2;
	p2 =	seq.s32 @!p0 s5, $0x0  }
0x1f: {  	s9 =	smul.u32 $0xF7A, s1;
	s8 =	simm.s32 @!p0 $0x1BF5;
	p2 =	por !p2, p0  }
0x20: {  	[sflag:s8] =	ssyncset.s32 @!p0 $0xFFFFF086;
	s6 =	sadd.s32 @!p0 s3, s7;
	s7 =	simm.s32 @!p0 $0x108  }
0x21: {  	s3 =	sadd.s32 s3, s9;
	s6 =	sadd.s32 @!p0 $0x88, s6;
	s7 =	simm.s32 @p2 $0x1082  }
0x22: {  	[simem:s7], [sflag:s8] =	dma.local @!p0 [hbm:s6], $0xF7A  }
0x23: {  	s9 =	sor.u32 $0xD0000000, s2;
	s6 =	simm.s32 $0x108;
	_ =	swait.ge @!p0 [sflag:s8], $0x0  }
0x24: {  	s3 =	sadd.s32 $0x88, s3;
	s6 =	simm.s32 @!p1 $0x1082;
	[sflag:s4] =	ssyncset.s32 $0xFFFFF086  }
0x25: {  	[simem:s6], [sflag:s4] =	dma.local [hbm:s3], $0xF7A  }
0x26: {  	[smem:$0x3F93] =	sst s1;
	(tag) =	ssettag s2;
	_ =	strace s9  }
0x27: {  	s1 =	sld [smem:$0x3FA3]  }
0x28: {  	s2 =	sld [smem:$0x3FA4]  }
0x29: {  	s4 =	sld [smem:$0x3FA6]  }
0x2a: {  	p0 =	seq.s32 s5, $0x0;
	s5 =	sld [smem:$0x3FA7]  }
0x2b: {  	s6 =	sld [smem:$0x3FA8]  }
0x2c: {  	s7 =	sld [smem:$0x3FA9]  }
0x2d: {  	s3 =	simm.s32 $0x108;
	s8 =	sld [smem:$0x3FAA]  }
0x2e: {  	s3 =	simm.s32 @!p0 $0x1082;
	s9 =	sld [smem:$0x3FAB]  }
0x2f: {  	lr =	sadd.s32 s0, s3;
	s0 =	sld [smem:$0x3FA2]  }
0x30: {  	s3 =	sld [smem:$0x3FA5]  }
0x31: {  	[smem:$0x3FAE] =	sst s10  }
0x32: {  	s10 =	sld [smem:$0x3FAC];
	_ =	sdelay $0x3  }
0x33: {  	p0 =	seq.s32 s10, $0x1;
	s10 =	sld [smem:$0x3FAE];
	_ =	sdelay $0x3  }
0x34: {  	[smem:$0x3FAE] =	sst s10  }
0x35: {  	s10 =	sld [smem:$0x3FAD];
	_ =	sdelay $0x3  }
0x36: {  	p1 =	seq.s32 s10, $0x1;
	s10 =	sld [smem:$0x3FAE];
	_ =	sdelay $0x3  }
0x37: {  	[smem:$0x3FAE] =	sst s10  }
0x38: {  	s10 =	sld [smem:$0x3FAF]  }
0x39: {  	_ = 	snop;
	(pc) =	sbr.ind lr, $3  }
0x3a: {  	_ = 	snop  }
0x3b: {  	_ = 	snop  }
0x3c: {  	p2 =	seq.s32 s10, $0x1;
	s10 =	sld [smem:$0x3FAE]  }
0x3d: {  	_ =	shalt  }
0x3e: {  	_ =	shalt  }
0x3f: {  	_ =	shalt  }
0x40: {  	_ =	shalt  }
0x41: {  	_ =	shalt  }
0x42: {  	_ =	shalt  }
0x43: {  	_ =	shalt  }
0x44: {  	_ =	shalt  }
0x45: {  	_ =	shalt  }
0x46: {  	_ =	shalt  }
0x47: {  	_ =	shalt  }
0x48: {  	_ =	shalt  }
0x49: {  	_ =	shalt  }
0x4a: {  	_ =	shalt  }
0x4b: {  	_ =	shalt  }
0x4c: {  	_ =	shalt  }
0x4d: {  	_ =	shalt  }
0x4e: {  	_ =	shalt  }
0x4f: {  	_ =	shalt  }
0x50: {  	_ =	shalt  }
0x51: {  	_ =	shalt  }
0x52: {  	_ =	shalt  }
0x53: {  	_ =	shalt  }
0x54: {  	_ =	shalt  }
0x55: {  	_ =	shalt  }
0x56: {  	_ =	shalt  }
0x57: {  	_ =	shalt  }
0x58: {  	_ =	shalt  }
0x59: {  	_ =	shalt  }
0x5a: {  	_ =	shalt  }
0x5b: {  	_ =	shalt  }
0x5c: {  	_ =	shalt  }
0x5d: {  	_ =	shalt  }
0x5e: {  	_ =	shalt  }
0x5f: {  	_ =	shalt  }
0x60: {  	_ =	shalt  }
0x61: {  	_ =	shalt  }
0x62: {  	_ =	shalt  }
0x63: {  	_ =	shalt  }
0x64: {  	_ =	shalt  }
0x65: {  	_ =	shalt  }
0x66: {  	_ =	shalt  }
0x67: {  	_ =	shalt  }
0x68: {  	_ =	shalt  }
0x69: {  	_ =	shalt  }
0x6a: {  	_ =	shalt  }
0x6b: {  	_ =	shalt  }
0x6c: {  	_ =	shalt  }
0x6d: {  	_ =	shalt  }
0x6e: {  	_ =	shalt  }
0x6f: {  	_ =	shalt  }
0x70: {  	_ =	shalt  }
0x71: {  	_ =	shalt  }
0x72: {  	_ =	shalt  }
0x73: {  	_ =	shalt  }
0x74: {  	_ =	shalt  }
0x75: {  	_ =	shalt  }
0x76: {  	_ =	shalt  }
0x77: {  	_ =	shalt  }
0x78: {  	_ =	shalt  }
0x79: {  	_ =	shalt  }
0x7a: {  	_ =	shalt  }
0x7b: {  	_ =	shalt  }
0x7c: {  	_ =	shalt  }
0x7d: {  	_ =	shalt  }
0x7e: {  	_ =	shalt  }
0x7f: {  	_ =	shalt  }
0x80: {  	_ =	shalt  }
0x81: {  	_ =	shalt  }
0x82: {  	_ =	shalt  }
0x83: {  	_ =	shalt  }
0x84: {  	_ =	shalt  }
0x85: {  	_ =	shalt  }
0x86: {  	_ =	shalt  }
0x87: {  	_ =	shalt  }
.Lfunc_end0:
.L_simem_size_0:
called_computation_lowered:
.L_overlay_start_0:
0x88: {  	s2 =	sld [smem:$0x3FD9]  }
0x89: {  	s3 =	sld [smem:$0x3FFE];
	_ =	sdelay $0x1  }
0x8a: {  	s1 =	srdreg.scid  }
0x8b: {  	s0 =	sand.u32 $0x1, s1  }
0x8c: {  	s17 =	sshll.u32 s0, $0xA;
	s2 =	sadd.s32 s3, s2  }
0x8d: {  	s2 =	sadd.s32 s2, s17  }
0x8e: {  	[smem:$0x3FBA] =	sst s2  }
0x8f: {  	_ = 	snop  }
0x90: {  	s2 =	sld [smem:$0x3FD0];
	(tm) =	ssettm $0x1  }
0x91: {  	s18 =	sld [smem:$0x3FFB];
	_ =	sdelay $0x3  }
0x92: {  	_ =	strace s18  }
0x93: {  	s3 =	sld [smem:$0x3FFC];
	_ =	sdelay $0x3  }
0x94: {  	_ =	strace s3  }
0x95: {  	s3 =	sld [smem:$0x3FFD];
	_ =	sdelay $0x3  }
0x96: {  	_ =	strace s3  }
0x97: {  	_ =	strace $0x8FFFFFFF  }
0x98: {  	s19 =	sld [smem:$0x3FDB];
	_ =	sdelay $0x1  }
0x99: {  	s4 =	simm.s32 $_scs_section_size  }
0x9a: {  	s5 =	simm.s32 $_size__tile_overlayer_lowered;
	s6 =	simm.s32 $_tile_overlayer_lowered  }
0x9b: {  	s22 =	simm.s32 $0x1BFF;
	s21 =	sshll.u32 s6, $0x1;
	s3 =	sadd.s32 s4, s19  }
0x9c: {  	s7 =	simm.s32 $0x0;
	s20 =	sshll.u32 s5, $0x1;
	s5 =	sadd.s32 s21, s3  }
0x9d: {  	[timem:s7], [sflag:s22] =	dma.local [hbm:s5], s20  }
0x9e: {  	_ =	swait.ge [sflag:s22], s20  }
0x9f: {  	s4 =	ssub.s32 $0x0, s20;
	[sflag:s22] =	ssyncset.done $0x0  }
0xa0: {  	[sflag:s22] =	ssyncadd.s32 s4;
	_ =	sdelay $0x1  }
0xa1: {  	s23 =	simm.s32 $0x1B8B  }
0xa2: {  	_ =	swait.ge [sflag:s23], $0x1  }
0xa3: {  	[sflag:s23] =	ssyncset.done $0x0  }
0xa4: {  	s25 =	simm.s32 $0x1B8E;
	s24 =	sld [smem:$0x3FFE];
	[sflag:s23] =	ssyncadd.s32 $0xFFFFFFFF  }
0xa5: {  	s26 =	simm.s32 $execute0_lowered;
	[smem:$0x3FD2] =	sst s25  }
0xa6: {  	s5 =	sshll.u32 s26, $0x1;
	_ =	strace $0x80000046;
	[dreg:$0x1] =	wrdreg $0xFFFFFFFF  }
0xa7: {  	s28 =	simm.s32 $_size_execute0_lowered;
	s3 =	sadd.s32 s3, s5;
	[dreg:$0x0] =	wrdreg $0x0  }
0xa8: {  	s5 =	sshll.u32 s28, $0x1;
	[dreg:$0x2] =	wrdreg s3  }
0xa9: {  	[dreg:$0x3] =	wrdreg s5  }
0xaa: {  	[dreg:$0x4] =	wrdreg $0xC0  }
0xab: {  	_ =	task [dreg:s7], $0x5FFFF  }
0xac: {  	[dreg:$0x1] =	wrdreg $0xFFFFFFFF  }
0xad: {  	[dreg:$0x0] =	wrdreg $0x60  }
0xae: {  	[dreg:$0x2] =	wrdreg s24  }
0xaf: {  	[dreg:$0x3] =	wrdreg s2  }
0xb0: {  	[dreg:$0x4] =	wrdreg $0xDE000  }
0xb1: {  	[dreg:$0x5] =	wrdreg $0x18E000  }
0xb2: {  	[dreg:$0x6] =	wrdreg $0x9  }
0xb3: {  	_ =	task.clear_ibuf [dreg:s7], $0x7FFFF;
	_ =	strace $0x90000046  }
0xb4: {  	s29 =	simm.s32 $0x9;
	_ =	strace $0x80000048  }
0xb5: {  	_ =	swait.ge [sflag:s29], $0x1  }
0xb6: {  	[sflag:s29] =	ssyncadd.s32 $0xFFFFFFFF  }
0xb7: {  	_ =	strace $0x90000048  }
0xb8: {  	_ =	sfence  }
0xb9: {  	s30 =	sld [smem:$0x0];
	_ =	sdelay $0x2  }
0xba: {  	s31 =	sshll.u32 s1, $0xD;
	s1 =	sshrl.u32 s1, $0x2  }
0xbb: {  	s3 =	sand.u32 $0x4000, s31;
	s1 =	sadd.s32 s1, s30  }
0xbc: {  	s0 =	sor.u32 s3, s0;
	s1 =	sshll.u32 s1, $0x11  }
0xbd: {  	s0 =	sor.u32 s1, s0  }
0xbe: {  	s0 =	sadd.s32 $0x8F2B, s0  }
0xbf: {  	[sflag:s0] =	ssyncadd.remote.s32 $0x1  }
0xc0: {  	_ =	sfence.sel $0xFFFF  }
0xc1: {  	[dreg:$0x0] =	wrdreg $0xFFFFFFFF;
	(pc) =	sbr.abs _section_cstart, $3  }
0xc2: {  	[dreg:$0x1] =	wrdreg $0xFFFFFFFF  }
0xc3: {  	_ =	task.clear_ibuf [dreg:s7], $0x2FFFF;
	_ =	strace $0x9FFFFFFF  }
0xc4: {  	(tm) =	ssettm $0x7FFFFFFF  }
0xc5: {  	_ =	shalt  }
tec
execute0_lowered:
.L_overlay_start_1:
0x0: {  	(tag) =	ssettag $0x1  }
0x1: {  	s0 =	rddreg [dreg:$0x0]  }
0x2: {  	s23 =	rddreg [dreg:$0x1]  }
0x3: {  	s1 =	rddreg [dreg:$0x2]  }
0x4: {  	s2 =	rddreg [dreg:$0x3]  }
0x5: {  	s3 =	simm.s32 $0x0;
	s4 =	stileid.u32;
	s5 =	srdreg.scid  }
0x6: {  	[smem:$0x7FF] =	sst s3;
	s20 =	smul.u32 $0x280, s4  }
0x7: {  	s12 =	sand.u32 $0x1, s5;
	s6 =	smul.u32 $0x9E0, s4;
	s7 =	sadd.s32 $0x5E000, s0  }
0x8: {  	s9 =	sadd.s32 $0x86000, s0;
	s8 =	ssub.s32 $0x2, s12;
	s16 =	smul.u32 $0xA0000, s12  }
0x9: {  	p0 =	sne.s32 s12, $0x0;
	v0 =	vmov s12;
	s12 =	simm.s32 $0x0;
	s10 =	sshrl.u32 s8, $0x1  }
0xa: {  	s11 =	sadd.s32 $0x80, s20;
	s14 =	sadd.s32 $0x100, s20;
	s15 =	sadd.s32 $0x180, s20  }
0xb: {  	s5 =	sadd.s32 $0x200, s20;
	s8 =	ssub.s32 s8, s10;
	s10 =	smul.u32 $0xA000, s4  }
0xc: {  	s13 =	sshll.u32 s11, $0x6;
	s17 =	sshll.u32 s14, $0x6;
	s18 =	sshll.u32 s15, $0x6  }
0xd: {  	s19 =	sshll.u32 s5, $0x6;
	s4 =	smul.u32 $0x2800, s4;
	s5 =	sshll.u32 s5, $0x1  }
0xe: {  	s21 =	sadd.s32 s16, s13;
	s22 =	sadd.s32 s16, s17;
	s25 =	sadd.s32 s16, s18  }
0xf: {  	s5 =	sadd.s32 s9, s5;
	s28 =	sadd.s32 s19, s1;
	s20 =	sadd.s32 s10, s16  }
0x10: {  	s21 =	sshrl.u32 s21, $0x3;
	s24 =	sshrl.u32 s22, $0x3;
	s16 =	sadd.s32 s16, s19  }
0x11: {  	s26 =	sshrl.u32 s25, $0x3;
	[dreg:$0xe] =	wrdreg s5;
	s25 =	sadd.s32 s23, s6  }
0x12: {  	s23 =	sshrl.u32 s19, $0x2;
	s5 =	simm.s32 $0x9E00;
	s20 =	sshrl.u32 s20, $0x3  }
0x13: {  	s21 =	sadd.s32 s7, s21;
	s16 =	sshrl.u32 s16, $0x3;
	s31 =	sadd.s32 s23, s2  }
0x14: {  	s20 =	sadd.s32 s7, s20;
	[dreg:$0x6] =	wrdreg s21;
	s21 =	sshll.u32 s14, $0x1  }
0x15: {  	s14 =	sshrl.u32 s10, $0x2;
	[dreg:$0x5] =	wrdreg s20;
	s20 =	sadd.s32 s7, s24  }
0x16: {  	s22 =	sadd.s32 s9, s21;
	s24 =	sshll.u32 s15, $0x1;
	s21 =	sadd.s32 s10, s1  }
0x17: {  	s15 =	sshrl.u32 s13, $0x2;
	s10 =	sadd.s32 s4, s2;
	[dreg:$0x7] =	wrdreg s20  }
0x18: {  	s20 =	sadd.s32 s7, s26;
	s7 =	sadd.s32 s7, s16;
	[dreg:$0xc] =	wrdreg s22  }
0x19: {  	s16 =	sshrl.u32 s4, $0x3;
	s26 =	sadd.s32 s6, s0;
	[dreg:$0x8] =	wrdreg s20  }
0x1a: {  	[dreg:$0x9] =	wrdreg s7;
	s7 =	sadd.s32 s9, s16;
	s20 =	sshll.u32 s11, $0x1  }
0x1b: {  	s22 =	sadd.s32 s13, s1;
	[dreg:$0xa] =	wrdreg s7;
	s7 =	sadd.s32 s9, s20  }
0x1c: {  	s4 =	simm.s32 $0x3;
	[dreg:$0xb] =	wrdreg s7;
	s7 =	sadd.s32 s9, s24  }
0x1d: {  	s6 =	simm.s32 $0x80;
	s16 =	sadd.s32 $0x35800, s0;
	[dreg:$0xd] =	wrdreg s7  }
0x1e: {  	s7 =	sadd.s32 $0x5D800, s0;
	_ =	strace $0x80000047;
	[dreg:$0xf] =	wrdreg s25  }
0x1f: {  	s11 =	sadd.s32 $0x3A00, s26;
	s9 =	sadd.s32 $0x5DE00, s0;
	[dreg:$0x10] =	wrdreg s7  }
0x20: {  	s26 =	sadd.s32 s18, s1;
	s0 =	sadd.s32 $0x5DC00, s0;
	[dreg:$0x11] =	wrdreg s9  }
0x21: {  	s20 =	sshrl.u32 s18, $0x2;
	s24 =	sadd.s32 s15, s2;
	[dreg:$0x12] =	wrdreg s0  }
0x22: {  	s30 =	sadd.s32 s20, s2;
	[dreg:$0x13] =	wrdreg s11;
	s0 =	sadd.s32 s14, s2  }
0x23: {  	s25 =	sadd.s32 s17, s1;
	s17 =	sshrl.u32 s17, $0x2;
	s7 =	simm.s32 $0xBE00  }
0x24: {  	s9 =	simm.s32 $0x4;
	s11 =	simm.s32 $0x2;
	[dreg:$0x14] =	wrdreg s0  }
0x25: {  	s29 =	sadd.s32 s17, s2;
	s0 =	smax.u32 s8, $0x1;
	s8 =	simm.s32 $0x1  }
.LBB2_1:
0x26: {  	s13 =	rddreg [dreg:$0xf]  }
0x27: {  	[tilespmem:s3], [sflag:$0x3] =	stream.linear.gather [hbm4b:s13+s3], $0x4F00, $0x38;
	[tilespmem:$0x1B600] =	vst v63  }
0x28: {  	_ =	swait.ge [sflag:s4], $0x4F00  }
0x29: {  	[sflag:s4] =	ssyncset.done $0x0  }
0x2a: {  	s14 =	simm.s32 $0x4F00;
	s23 =	rddreg [dreg:$0x13];
	[sflag:s4] =	ssyncadd.s32 $0xFFFFB100  }
0x2b: {  	[tilespmem:s14], [sflag:$0x3] =	stream.linear.gather [hbm4b:s23+s3], $0x4F00, $0x38;
	[tilespmem:$0x1B600] =	vst v63  }
0x2c: {  	_ =	swait.ge [sflag:s4], $0x4F00  }
0x2d: {  	[sflag:s4] =	ssyncset.done $0x0  }
0x2e: {  	s13 =	simm.s32 $0x0;
	[sflag:s4] =	ssyncadd.s32 $0xFFFFB100  }
0x2f: {  	v1 =	vld [tilespmem:s13+$0x0]  }
0x30: {  	v2 =	vld [tilespmem:s13+$0x4F00]  }
0x31: {  	v3 =	vld [tilespmem:s13+$0x10]  }
0x32: {  	v4 =	vld [tilespmem:s13+$0x4F10]  }
0x33: {  	v5 =	vld [tilespmem:s13+$0x20]  }
0x34: {  	v7 =	vld [tilespmem:s13+$0x4F20];
	v6 =	vshll.u32 v1, $0x1  }
0x35: {  	v8 =	vld [tilespmem:s13+$0x30];
	vm0 =	veq.s32 v1, v2;
	v6 =	vor.u32 v0, v6  }
0x36: {  	v1 =	vsel vm0, $0x2710, v2;
	v2 =	vshll.u32 v3, $0x1;
	[tilespmem:s13+$0x0] =	vst v6;
	v6 =	vld [tilespmem:s13+$0x4F30]  }
0x37: {  	v9 =	vld [tilespmem:s13+$0x40];
	vm0 =	veq.s32 v3, v4;
	[tilespmem:s13+$0x4F00] =	vst v1;
	v1 =	vor.u32 v0, v2  }
0x38: {  	v3 =	vshll.u32 v5, $0x1;
	v2 =	vld [tilespmem:s13+$0x4F40];
	[tilespmem:s13+$0x10] =	vst v1;
	v1 =	vsel vm0, $0x2710, v4  }
0x39: {  	v3 =	vor.u32 v0, v3;
	vm0 =	veq.s32 v5, v7;
	[tilespmem:s13+$0x4F10] =	vst v1;
	v1 =	vld [tilespmem:s13+$0x50]  }
0x3a: {  	[tilespmem:s13+$0x20] =	vst v3;
	v4 =	vld [tilespmem:s13+$0x4F50];
	v5 =	vshll.u32 v8, $0x1;
	v3 =	vsel vm0, $0x2710, v7  }
0x3b: {  	v5 =	vor.u32 v0, v5;
	[tilespmem:s13+$0x4F20] =	vst v3;
	v3 =	vld [tilespmem:s13+$0x60];
	vm0 =	veq.s32 v8, v6  }
0x3c: {  	v7 =	vshll.u32 v9, $0x1;
	[tilespmem:s13+$0x30] =	vst v5;
	v5 =	vld [tilespmem:s13+$0x4F60];
	v6 =	vsel vm0, $0x2710, v6  }
0x3d: {  	s14 =	simm.s32 $0x200;
	v7 =	vor.u32 v0, v7;
	vm0 =	veq.s32 v9, v2;
	[tilespmem:s13+$0x4F30] =	vst v6;
	v6 =	vld [tilespmem:s13+$0x70]  }
.LBB2_2:
0x3e: {  	s15 =	sshra.s32 s14, $0x2;
	p1 =	sne.s32 s14, $0x13A00;
	v2 =	vsel vm0, $0x2710, v2;
	[tilespmem:s13+$0x40] =	vst v7;
	v7 =	vshll.u32 v1, $0x1;
	v8 =	vld [tilespmem:s13+$0x4F70]  }
0x3f: {  	v9 =	vld [tilespmem:s15+$0x0];
	[tilespmem:s13+$0x4F40] =	vst v2;
	vm0 =	veq.s32 v1, v4;
	v1 =	vor.u32 v0, v7  }
0x40: {  	v2 =	vld [tilespmem:s15+$0x4F00];
	v4 =	vsel vm0, $0x2710, v4;
	[tilespmem:s13+$0x50] =	vst v1;
	v1 =	vshll.u32 v3, $0x1  }
0x41: {  	v7 =	vld [tilespmem:s15+$0x10];
	[tilespmem:s13+$0x4F50] =	vst v4;
	vm0 =	veq.s32 v3, v5;
	v1 =	vor.u32 v0, v1  }
0x42: {  	v3 =	vld [tilespmem:s15+$0x4F10];
	v4 =	vsel vm0, $0x2710, v5;
	[tilespmem:s13+$0x60] =	vst v1;
	v1 =	vshll.u32 v6, $0x1  }
0x43: {  	v5 =	vld [tilespmem:s15+$0x20];
	[tilespmem:s13+$0x4F60] =	vst v4;
	vm0 =	veq.s32 v6, v8;
	v1 =	vor.u32 v0, v1  }
0x44: {  	v4 =	vshll.u32 v9, $0x1;
	v6 =	vld [tilespmem:s15+$0x4F20];
	v8 =	vsel vm0, $0x2710, v8;
	[tilespmem:s13+$0x70] =	vst v1  }
0x45: {  	vm0 =	veq.s32 v9, v2;
	v1 =	vor.u32 v0, v4;
	v9 =	vld [tilespmem:s15+$0x30];
	[tilespmem:s13+$0x4F70] =	vst v8;
	s13 =	smov.u32 s15  }
0x46: {  	v2 =	vsel vm0, $0x2710, v2;
	[tilespmem:s13+$0x0] =	vst v1;
	v1 =	vshll.u32 v7, $0x1;
	v8 =	vld [tilespmem:s13+$0x4F30]  }
0x47: {  	[tilespmem:s13+$0x4F00] =	vst v2;
	vm0 =	veq.s32 v7, v3;
	v1 =	vor.u32 v0, v1;
	v7 =	vld [tilespmem:s13+$0x40]  }
0x48: {  	v3 =	vsel vm0, $0x2710, v3;
	[tilespmem:s13+$0x10] =	vst v1;
	v1 =	vshll.u32 v5, $0x1;
	v2 =	vld [tilespmem:s13+$0x4F40]  }
.Ltmp0:
0x49: {  	[tilespmem:s13+$0x4F10] =	vst v3;
	vm0 =	veq.s32 v5, v6;
	v3 =	vor.u32 v0, v1;
	v1 =	vld [tilespmem:s13+$0x50];
	(pc) =	sbr.rel @p1 .LBB2_2-.Ltmp0, $4  }
0x4a: {  	v5 =	vsel vm0, $0x2710, v6;
	[tilespmem:s13+$0x20] =	vst v3;
	v3 =	vshll.u32 v9, $0x1;
	v4 =	vld [tilespmem:s13+$0x4F50]  }
0x4b: {  	[tilespmem:s13+$0x4F20] =	vst v5;
	vm0 =	veq.s32 v9, v8;
	v5 =	vor.u32 v0, v3;
	v3 =	vld [tilespmem:s13+$0x60]  }
0x4c: {  	v6 =	vsel vm0, $0x2710, v8;
	[tilespmem:s13+$0x30] =	vst v5;
	v8 =	vshll.u32 v7, $0x1;
	v5 =	vld [tilespmem:s13+$0x4F60]  }
0x4d: {  	s14 =	sadd.s32 $0x200, s14;
	[tilespmem:s13+$0x4F30] =	vst v6;
	vm0 =	veq.s32 v7, v2;
	v7 =	vor.u32 v0, v8;
	v6 =	vld [tilespmem:s13+$0x70]  }
0x4e: {  	[tilespmem:s13+$0x40] =	vst v7;
	v2 =	vsel vm0, $0x2710, v2;
	v63 =	vshll.u32 v1, $0x1;
	v8 =	vld [tilespmem:s13+$0x4F70]  }
0x4f: {  	[tilespmem:s13+$0x4F40] =	vst v2;
	vm13 =	veq.s32 v1, v4;
	v1 =	vor.u32 v0, v63  }
0x50: {  	v2 =	vsel vm13, $0x2710, v4;
	[tilespmem:s13+$0x50] =	vst v1;
	v1 =	vshll.u32 v3, $0x1  }
0x51: {  	[tilespmem:s13+$0x4F50] =	vst v2;
	vm14 =	veq.s32 v3, v5;
	v1 =	vor.u32 v0, v1  }
0x52: {  	v2 =	vsel vm14, $0x2710, v5;
	[tilespmem:s13+$0x60] =	vst v1;
	v1 =	vshll.u32 v6, $0x1  }
0x53: {  	[tilespmem:s13+$0x4F60] =	vst v2;
	vm15 =	veq.s32 v6, v8;
	v1 =	vor.u32 v0, v1  }
0x54: {  	v2 =	vsel vm15, $0x2710, v8;
	[tilespmem:s13+$0x70] =	vst v1  }
0x55: {  	s17 =	rddreg [dreg:$0x10];
	[tilespmem:s13+$0x4F70] =	vst v2  }
0x56: {  	[tilespmem:s5], [sflag:$0x3] =	stream.linear.gather [hbm4b:s17+s3], $0x2000, $0x38;
	[tilespmem:$0x1B600] =	vst v63  }
0x57: {  	_ =	swait.ge [sflag:s4], $0x2000  }
0x58: {  	[sflag:s4] =	ssyncset.done $0x0  }
0x59: {  	[sflag:s4] =	ssyncadd.s32 $0xFFFFE000  }
0x5a: {  	[spmem:s21] =	stream.linear.scatter [tilespmem:s5], [sflag:$0x3], $0x2000, $0x38;
	[tilespmem:$0x1B600] =	vst v63  }
0x5b: {  	_ =	swait.ge [sflag:s4], $0x2000  }
0x5c: {  	[sflag:s4] =	ssyncset.done $0x0  }
0x5d: {  	[sflag:s4] =	ssyncadd.s32 $0xFFFFE000  }
0x5e: {  	[spmem:s22] =	stream.linear.scatter [tilespmem:s5], [sflag:$0x3], $0x2000, $0x38;
	[tilespmem:$0x1B600] =	vst v63  }
0x5f: {  	_ =	swait.ge [sflag:s4], $0x2000  }
0x60: {  	[sflag:s4] =	ssyncset.done $0x0  }
0x61: {  	[sflag:s4] =	ssyncadd.s32 $0xFFFFE000  }
0x62: {  	[spmem:s25] =	stream.linear.scatter [tilespmem:s5], [sflag:$0x3], $0x2000, $0x38;
	[tilespmem:$0x1B600] =	vst v63  }
0x63: {  	_ =	swait.ge [sflag:s4], $0x2000  }
0x64: {  	[sflag:s4] =	ssyncset.done $0x0  }
0x65: {  	[sflag:s4] =	ssyncadd.s32 $0xFFFFE000  }
0x66: {  	[spmem:s26] =	stream.linear.scatter [tilespmem:s5], [sflag:$0x3], $0x2000, $0x38;
	[tilespmem:$0x1B600] =	vst v63  }
0x67: {  	_ =	swait.ge [sflag:s4], $0x2000  }
0x68: {  	[sflag:s4] =	ssyncset.done $0x0  }
0x69: {  	[sflag:s4] =	ssyncadd.s32 $0xFFFFE000  }
0x6a: {  	[spmem:s28] =	stream.linear.scatter [tilespmem:s5], [sflag:$0x3], $0x2000, $0x38;
	[tilespmem:$0x1B600] =	vst v63  }
0x6b: {  	_ =	swait.ge [sflag:s4], $0x2000  }
0x6c: {  	[sflag:s4] =	ssyncset.done $0x0  }
0x6d: {  	s14 =	simm.s32 $0x17E00;
	s18 =	rddreg [dreg:$0x12];
	[sflag:s4] =	ssyncadd.s32 $0xFFFFE000  }
0x6e: {  	[tilespmem:s14], [sflag:$0x3] =	stream.linear.gather [hbm4b:s18+s3], $0x800, $0x38;
	[tilespmem:$0x1B600] =	vst v63  }
0x6f: {  	_ =	swait.ge [sflag:s4], $0x800  }
0x70: {  	s13 =	simm.s32 @!p0 $0x0;
	[sflag:s4] =	ssyncset.done $0x0  }
0x71: {  	s14 =	simm.s32 @!p0 $0x18600;
	s15 =	rddreg [dreg:$0x11];
	[sflag:s4] =	ssyncadd.s32 $0xFFFFF800  }
0x72: {  	[tilespmem:s14], [sflag:$0x3] =	stream.linear.gather @!p0 [hbm4b:s15+s13], $0x800, $0x38;
	[tilespmem:$0x1B600] =	vst v63  }
0x73: {  	s13 =	simm.s32 @!p0 $0x3  }
0x74: {  	_ =	swait.ge @!p0 [sflag:s13], $0x800  }
0x75: {  	[sflag:s13] =	ssyncset.done @!p0 $0x0  }
0x76: {  	s15 =	rddreg [dreg:$0x14];
	[sflag:s13] =	ssyncadd.s32 @!p0 $0xFFFFF800  }
0x77: {  	[spmem:s15] =	stream.linear.scatter @!p0 [tilespmem:s14], [sflag:$0x3], $0x800, $0x38;
	[tilespmem:$0x1B600] =	vst v63  }
0x78: {  	_ =	swait.ge @!p0 [sflag:s13], $0x800  }
0x79: {  	[sflag:s13] =	ssyncset.done @!p0 $0x0  }
0x7a: {  	[sflag:s13] =	ssyncadd.s32 @!p0 $0xFFFFF800  }
0x7b: {  	[spmem:s24] =	stream.linear.scatter @!p0 [tilespmem:s14], [sflag:$0x3], $0x800, $0x38;
	[tilespmem:$0x1B600] =	vst v63  }
0x7c: {  	_ =	swait.ge @!p0 [sflag:s13], $0x800  }
0x7d: {  	[sflag:s13] =	ssyncset.done @!p0 $0x0  }
0x7e: {  	[sflag:s13] =	ssyncadd.s32 @!p0 $0xFFFFF800  }
0x7f: {  	[spmem:s29] =	stream.linear.scatter @!p0 [tilespmem:s14], [sflag:$0x3], $0x800, $0x38;
	[tilespmem:$0x1B600] =	vst v63  }
0x80: {  	_ =	swait.ge @!p0 [sflag:s13], $0x800  }
0x81: {  	[sflag:s13] =	ssyncset.done @!p0 $0x0  }
0x82: {  	[sflag:s13] =	ssyncadd.s32 @!p0 $0xFFFFF800  }
0x83: {  	[spmem:s30] =	stream.linear.scatter @!p0 [tilespmem:s14], [sflag:$0x3], $0x800, $0x38;
	[tilespmem:$0x1B600] =	vst v63  }
0x84: {  	_ =	swait.ge @!p0 [sflag:s13], $0x800  }
0x85: {  	[sflag:s13] =	ssyncset.done @!p0 $0x0  }
0x86: {  	[sflag:s13] =	ssyncadd.s32 @!p0 $0xFFFFF800  }
0x87: {  	[spmem:s31] =	stream.linear.scatter @!p0 [tilespmem:s14], [sflag:$0x3], $0x800, $0x38;
	[tilespmem:$0x1B600] =	vst v63  }
0x88: {  	_ =	swait.ge @!p0 [sflag:s13], $0x800  }
0x89: {  	[sflag:s13] =	ssyncset.done @!p0 $0x0  }
0x8a: {  	[sflag:s13] =	ssyncadd.s32 @!p0 $0xFFFFF800  }
0x8b: {  	s19 =	simm.s32 $0x0;
	[bflag:$0x0] =	sbarrier.arrive $0xFFFF  }
0x8c: {  	[tilespmem:s5], [sflag:$0x1] =	stream.indirect.gather [hbm4b:s16+s6], $0x40, s19, s6, $0xb8;
	[tilespmem:$0x1B600] =	vst v63  }
0x8d: {  	s20 =	simm.s32 $0x80  }
0x8e: {  	[tilespmem:s7], [sflag:$0x2] =	stream.indirect.gather [hbm4b:s16+s6], $0x40, s20, s6, $0xb8;
	[tilespmem:$0x1B600] =	vst v63  }
0x8f: {  	_ =	swait.ge [sflag:s8], $0x2000  }
0x90: {  	[sflag:s8] =	ssyncset.done $0x0  }
0x91: {  	s18 =	simm.s32 $0x4F00;
	[sflag:s8] =	ssyncadd.s32 $0xFFFFE000  }
0x92: {  	[spmem:s1] =	stream.indirect.scatter.add.f32 [tilespmem:s5], [sflag:$0x4], $0x40, s18, s6, $0xb8;
	[tilespmem:$0x1B600] =	vst v63  }
0x93: {  	_ =	swait.ge [sflag:s9], $0x2000  }
0x94: {  	s17 =	simm.s32 @!p0 $0x17E00;
	[sflag:s9] =	ssyncset.done $0x0  }
0x95: {  	s15 =	simm.s32 @!p0 $0x80;
	s14 =	simm.s32 @!p0 $0x4;
	[sflag:s9] =	ssyncadd.s32 $0xFFFFE000  }
0x96: {  	[spmem:s2] =	stream.indirect.scatter.add.f32 @!p0 [tilespmem:s17], [sflag:$0x4], $0x10, s18, s15, $0xb8;
	[tilespmem:$0x1B600] =	vst v63  }
0x97: {  	_ =	swait.ge @!p0 [sflag:s14], $0x800  }
0x98: {  	[sflag:s14] =	ssyncset.done @!p0 $0x0  }
0x99: {  	s23 =	simm.s32 $0x100;
	[sflag:s14] =	ssyncadd.s32 @!p0 $0xFFFFF800  }
0x9a: {  	[tilespmem:s5], [sflag:$0x1] =	stream.indirect.gather [hbm4b:s16+s6], $0x40, s23, s6, $0xb8;
	[tilespmem:$0x1B600] =	vst v63  }
0x9b: {  	_ =	swait.ge [sflag:s11], $0x2000  }
0x9c: {  	[sflag:s11] =	ssyncset.done $0x0  }
0x9d: {  	s18 =	simm.s32 $0x4F80;
	[sflag:s11] =	ssyncadd.s32 $0xFFFFE000  }
0x9e: {  	[spmem:s1] =	stream.indirect.scatter.add.f32 [tilespmem:s7], [sflag:$0x4], $0x40, s18, s6, $0xb8;
	[tilespmem:$0x1B600] =	vst v63  }
0x9f: {  	_ =	swait.ge [sflag:s9], $0x2000  }
0xa0: {  	[sflag:s9] =	ssyncset.done $0x0  }
0xa1: {  	[sflag:s9] =	ssyncadd.s32 $0xFFFFE000  }
0xa2: {  	[spmem:s2] =	stream.indirect.scatter.add.f32 @!p0 [tilespmem:s17], [sflag:$0x3], $0x10, s18, s15, $0xb8;
	[tilespmem:$0x1B600] =	vst v63  }
0xa3: {  	_ =	swait.ge @!p0 [sflag:s13], $0x800  }
0xa4: {  	s19 =	simm.s32 $0x800;
	s18 =	simm.s32 $0x100;
	[sflag:s13] =	ssyncset.done @!p0 $0x0  }
.LBB2_4:
0xa5: {  	s20 =	sadd.s32 $0x80, s18  }
0xa6: {  	[sflag:s13] =	ssyncadd.s32 @!p0 $0xFFFFF800;
	s23 =	smov.u32 s19;
	s19 =	sadd.s32 $0x400, s19  }
0xa7: {  	[tilespmem:s7], [sflag:$0x2] =	stream.indirect.gather [hbm4b:s16+s6], $0x40, s20, s6, $0xb8;
	[tilespmem:$0x1B600] =	vst v63  }
0xa8: {  	p1 =	sne.s32 s19, $0x13800;
	_ =	swait.ge [sflag:s8], $0x2000  }
0xa9: {  	[sflag:s8] =	ssyncset.done $0x0  }
0xaa: {  	s20 =	sadd.s32 $0x4F00, s18;
	[sflag:s8] =	ssyncadd.s32 $0xFFFFE000  }
0xab: {  	[spmem:s1] =	stream.indirect.scatter.add.f32 [tilespmem:s5], [sflag:$0x4], $0x40, s20, s6, $0xb8;
	[tilespmem:$0x1B600] =	vst v63  }
0xac: {  	_ =	swait.ge [sflag:s9], $0x2000  }
0xad: {  	[sflag:s9] =	ssyncset.done $0x0  }
0xae: {  	[sflag:s9] =	ssyncadd.s32 $0xFFFFE000  }
0xaf: {  	[spmem:s2] =	stream.indirect.scatter.add.f32 @!p0 [tilespmem:s17], [sflag:$0x4], $0x10, s20, s15, $0xb8;
	[tilespmem:$0x1B600] =	vst v63  }
0xb0: {  	_ =	swait.ge @!p0 [sflag:s14], $0x800  }
0xb1: {  	[sflag:s14] =	ssyncset.done @!p0 $0x0  }
0xb2: {  	s20 =	sadd.s32 $0x100, s18;
	[sflag:s14] =	ssyncadd.s32 @!p0 $0xFFFFF800  }
0xb3: {  	[tilespmem:s5], [sflag:$0x1] =	stream.indirect.gather [hbm4b:s16+s6], $0x40, s20, s6, $0xb8;
	[tilespmem:$0x1B600] =	vst v63  }
0xb4: {  	_ =	swait.ge [sflag:s11], $0x2000  }
0xb5: {  	[sflag:s11] =	ssyncset.done $0x0  }
0xb6: {  	s18 =	sadd.s32 $0x4F80, s18;
	[sflag:s11] =	ssyncadd.s32 $0xFFFFE000  }
0xb7: {  	[spmem:s1] =	stream.indirect.scatter.add.f32 [tilespmem:s7], [sflag:$0x4], $0x40, s18, s6, $0xb8;
	[tilespmem:$0x1B600] =	vst v63  }
0xb8: {  	_ =	swait.ge [sflag:s9], $0x2000  }
.Ltmp1:
0xb9: {  	[sflag:s9] =	ssyncset.done $0x0;
	(pc) =	sbr.rel @p1 .LBB2_4-.Ltmp1, $4  }
0xba: {  	[sflag:s9] =	ssyncadd.s32 $0xFFFFE000  }
0xbb: {  	[spmem:s2] =	stream.indirect.scatter.add.f32 @!p0 [tilespmem:s17], [sflag:$0x3], $0x10, s18, s15, $0xb8;
	[tilespmem:$0x1B600] =	vst v63  }
0xbc: {  	_ =	swait.ge @!p0 [sflag:s13], $0x800  }
0xbd: {  	s18 =	sshra.s32 s23, $0x2;
	[sflag:s13] =	ssyncset.done @!p0 $0x0  }
0xbe: {  	s14 =	sadd.s32 $0x80, s18;
	[sflag:s13] =	ssyncadd.s32 @!p0 $0xFFFFF800  }
0xbf: {  	[tilespmem:s7], [sflag:$0x2] =	stream.indirect.gather [hbm4b:s16+s6], $0x40, s14, s6, $0xb8;
	[tilespmem:$0x1B600] =	vst v63  }
0xc0: {  	_ =	swait.ge [sflag:s8], $0x2000  }
0xc1: {  	[sflag:s8] =	ssyncset.done $0x0  }
0xc2: {  	s14 =	sadd.s32 $0x4F00, s18;
	[sflag:s8] =	ssyncadd.s32 $0xFFFFE000  }
0xc3: {  	[spmem:s1] =	stream.indirect.scatter.add.f32 [tilespmem:s5], [sflag:$0x4], $0x40, s14, s6, $0xb8;
	[tilespmem:$0x1B600] =	vst v63  }
0xc4: {  	_ =	swait.ge [sflag:s9], $0x2000  }
0xc5: {  	s15 =	simm.s32 @!p0 $0x4;
	[sflag:s9] =	ssyncset.done $0x0  }
0xc6: {  	s17 =	simm.s32 @!p0 $0x80;
	s19 =	simm.s32 @!p0 $0x17E00;
	[sflag:s9] =	ssyncadd.s32 $0xFFFFE000  }
0xc7: {  	[spmem:s2] =	stream.indirect.scatter.add.f32 @!p0 [tilespmem:s19], [sflag:$0x4], $0x10, s14, s17, $0xb8;
	[tilespmem:$0x1B600] =	vst v63  }
0xc8: {  	_ =	swait.ge @!p0 [sflag:s15], $0x800  }
0xc9: {  	[sflag:s15] =	ssyncset.done @!p0 $0x0  }
0xca: {  	s20 =	sadd.s32 $0x100, s18;
	[sflag:s15] =	ssyncadd.s32 @!p0 $0xFFFFF800  }
0xcb: {  	[tilespmem:s5], [sflag:$0x1] =	stream.indirect.gather [hbm4b:s16+s6], $0x40, s20, s6, $0xb8;
	[tilespmem:$0x1B600] =	vst v63  }
0xcc: {  	_ =	swait.ge [sflag:s11], $0x2000  }
0xcd: {  	[sflag:s11] =	ssyncset.done $0x0  }
0xce: {  	s14 =	sadd.s32 $0x4F80, s18;
	[sflag:s11] =	ssyncadd.s32 $0xFFFFE000  }
0xcf: {  	[spmem:s1] =	stream.indirect.scatter.add.f32 [tilespmem:s7], [sflag:$0x4], $0x40, s14, s6, $0xb8;
	[tilespmem:$0x1B600] =	vst v63  }
0xd0: {  	_ =	swait.ge [sflag:s9], $0x2000  }
0xd1: {  	[sflag:s9] =	ssyncset.done $0x0  }
0xd2: {  	[sflag:s9] =	ssyncadd.s32 $0xFFFFE000  }
0xd3: {  	[spmem:s2] =	stream.indirect.scatter.add.f32 @!p0 [tilespmem:s19], [sflag:$0x3], $0x10, s14, s17, $0xb8;
	[tilespmem:$0x1B600] =	vst v63  }
0xd4: {  	_ =	swait.ge @!p0 [sflag:s13], $0x800  }
0xd5: {  	[sflag:s13] =	ssyncset.done @!p0 $0x0  }
0xd6: {  	s23 =	simm.s32 $0x4E80;
	[sflag:s13] =	ssyncadd.s32 @!p0 $0xFFFFF800  }
0xd7: {  	[tilespmem:s7], [sflag:$0x2] =	stream.indirect.gather [hbm4b:s16+s6], $0x40, s23, s6, $0xb8;
	[tilespmem:$0x1B600] =	vst v63  }
0xd8: {  	_ =	swait.ge [sflag:s8], $0x2000  }
0xd9: {  	[sflag:s8] =	ssyncset.done $0x0  }
0xda: {  	s14 =	simm.s32 $0x9D00;
	[sflag:s8] =	ssyncadd.s32 $0xFFFFE000  }
0xdb: {  	[spmem:s1] =	stream.indirect.scatter.add.f32 [tilespmem:s5], [sflag:$0x4], $0x40, s14, s6, $0xb8;
	[tilespmem:$0x1B600] =	vst v63  }
0xdc: {  	_ =	swait.ge [sflag:s9], $0x2000  }
0xdd: {  	[sflag:s9] =	ssyncset.done $0x0  }
0xde: {  	s13 =	simm.s32 @p0 $0x2;
	[sflag:s9] =	ssyncadd.s32 $0xFFFFE000  }
0xdf: {  	_ =	swait.ge @p0 [sflag:s13], $0x2000  }
0xe0: {  	s18 =	simm.s32 @p0 $0xBE00;
	[sflag:s13] =	ssyncset.done @p0 $0x0  }
0xe1: {  	s14 =	simm.s32 @p0 $0x9D80;
	[sflag:s13] =	ssyncadd.s32 @p0 $0xFFFFE000;
	s13 =	simm.s32 @p0 $0x80  }
0xe2: {  	[spmem:s1] =	stream.indirect.scatter.add.f32 @p0 [tilespmem:s18], [sflag:$0x4], $0x40, s14, s13, $0xb8;
	[tilespmem:$0x1B600] =	vst v63  }
0xe3: {  	s13 =	simm.s32 @p0 $0x4  }
0xe4: {  	_ =	swait.ge @p0 [sflag:s13], $0x2000  }
0xe5: {  	[sflag:s13] =	ssyncset.done @p0 $0x0  }
0xe6: {  	[sflag:s13] =	ssyncadd.s32 @p0 $0xFFFFE000;
	s13 =	simm.s32 @!p0 $0x9D00  }
0xe7: {  	[spmem:s2] =	stream.indirect.scatter.add.f32 @!p0 [tilespmem:s19], [sflag:$0x4], $0x10, s13, s17, $0xb8;
	[tilespmem:$0x1B600] =	vst v63  }
0xe8: {  	_ =	swait.ge @!p0 [sflag:s15], $0x800  }
0xe9: {  	[sflag:s15] =	ssyncset.done @!p0 $0x0  }
0xea: {  	s13 =	simm.s32 @!p0 $0x2;
	[sflag:s15] =	ssyncadd.s32 @!p0 $0xFFFFF800  }
0xeb: {  	_ =	swait.ge @!p0 [sflag:s13], $0x2000  }
0xec: {  	[sflag:s13] =	ssyncset.done @!p0 $0x0  }
0xed: {  	s14 =	simm.s32 @!p0 $0xBE00;
	[sflag:s13] =	ssyncadd.s32 @!p0 $0xFFFFE000;
	s13 =	simm.s32 @!p0 $0x9D80  }
0xee: {  	[spmem:s1] =	stream.indirect.scatter.add.f32 @!p0 [tilespmem:s14], [sflag:$0x4], $0x40, s13, s17, $0xb8;
	[tilespmem:$0x1B600] =	vst v63  }
0xef: {  	_ =	swait.ge @!p0 [sflag:s15], $0x2000  }
0xf0: {  	[sflag:s15] =	ssyncset.done @!p0 $0x0  }
0xf1: {  	[sflag:s15] =	ssyncadd.s32 @!p0 $0xFFFFE000  }
0xf2: {  	[spmem:s2] =	stream.indirect.scatter.add.f32 @!p0 [tilespmem:s19], [sflag:$0x3], $0x10, s13, s17, $0xb8;
	[tilespmem:$0x1B600] =	vst v63  }
0xf3: {  	s13 =	simm.s32 @!p0 $0x3  }
0xf4: {  	_ =	swait.ge @!p0 [sflag:s13], $0x800  }
0xf5: {  	[sflag:s13] =	ssyncset.done @!p0 $0x0  }
0xf6: {  	[sflag:s13] =	ssyncadd.s32 @!p0 $0xFFFFF800  }
0xf7: {  	[bflag:$0x0] =	sbarrier.arrive $0xFFFF  }
0xf8: {  	[tilespmem:s5], [sflag:$0x3] =	stream.linear.gather [spmem:s21], $0x2000, $0x38;
	[tilespmem:$0x1B600] =	vst v63  }
0xf9: {  	_ =	swait.ge [sflag:s4], $0x2000  }
0xfa: {  	[sflag:s4] =	ssyncset.done $0x0  }
0xfb: {  	s17 =	rddreg [dreg:$0x5];
	[sflag:s4] =	ssyncadd.s32 $0xFFFFE000  }
0xfc: {  	[hbm4b:s17+s3] =	stream.linear.scatter [tilespmem:s5], [sflag:$0x3], $0x2000, $0x38;
	[tilespmem:$0x1B600] =	vst v63  }
0xfd: {  	_ =	swait.ge [sflag:s4], $0x2000  }
0xfe: {  	[sflag:s4] =	ssyncset.done $0x0  }
0xff: {  	[sflag:s4] =	ssyncadd.s32 $0xFFFFE000  }
0x100: {  	[tilespmem:s5], [sflag:$0x3] =	stream.linear.gather [spmem:s22], $0x2000, $0x38;
	[tilespmem:$0x1B600] =	vst v63  }
0x101: {  	_ =	swait.ge [sflag:s4], $0x2000  }
0x102: {  	[sflag:s4] =	ssyncset.done $0x0  }
0x103: {  	s18 =	rddreg [dreg:$0x6];
	[sflag:s4] =	ssyncadd.s32 $0xFFFFE000  }
0x104: {  	[hbm4b:s18+s3] =	stream.linear.scatter [tilespmem:s5], [sflag:$0x3], $0x2000, $0x38;
	[tilespmem:$0x1B600] =	vst v63  }
0x105: {  	_ =	swait.ge [sflag:s4], $0x2000  }
0x106: {  	[sflag:s4] =	ssyncset.done $0x0  }
0x107: {  	[sflag:s4] =	ssyncadd.s32 $0xFFFFE000  }
0x108: {  	[tilespmem:s5], [sflag:$0x3] =	stream.linear.gather [spmem:s25], $0x2000, $0x38;
	[tilespmem:$0x1B600] =	vst v63  }
0x109: {  	_ =	swait.ge [sflag:s4], $0x2000  }
0x10a: {  	[sflag:s4] =	ssyncset.done $0x0  }
0x10b: {  	s19 =	rddreg [dreg:$0x7];
	[sflag:s4] =	ssyncadd.s32 $0xFFFFE000  }
0x10c: {  	[hbm4b:s19+s3] =	stream.linear.scatter [tilespmem:s5], [sflag:$0x3], $0x2000, $0x38;
	[tilespmem:$0x1B600] =	vst v63  }
0x10d: {  	_ =	swait.ge [sflag:s4], $0x2000  }
0x10e: {  	[sflag:s4] =	ssyncset.done $0x0  }
0x10f: {  	[sflag:s4] =	ssyncadd.s32 $0xFFFFE000  }
0x110: {  	[tilespmem:s5], [sflag:$0x3] =	stream.linear.gather [spmem:s26], $0x2000, $0x38;
	[tilespmem:$0x1B600] =	vst v63  }
0x111: {  	_ =	swait.ge [sflag:s4], $0x2000  }
0x112: {  	[sflag:s4] =	ssyncset.done $0x0  }
0x113: {  	s20 =	rddreg [dreg:$0x8];
	[sflag:s4] =	ssyncadd.s32 $0xFFFFE000  }
0x114: {  	[hbm4b:s20+s3] =	stream.linear.scatter [tilespmem:s5], [sflag:$0x3], $0x2000, $0x38;
	[tilespmem:$0x1B600] =	vst v63  }
0x115: {  	_ =	swait.ge [sflag:s4], $0x2000  }
0x116: {  	[sflag:s4] =	ssyncset.done $0x0  }
0x117: {  	[sflag:s4] =	ssyncadd.s32 $0xFFFFE000  }
0x118: {  	[tilespmem:s5], [sflag:$0x3] =	stream.linear.gather [spmem:s28], $0x2000, $0x38;
	[tilespmem:$0x1B600] =	vst v63  }
0x119: {  	_ =	swait.ge [sflag:s4], $0x2000  }
0x11a: {  	[sflag:s4] =	ssyncset.done $0x0  }
0x11b: {  	s23 =	rddreg [dreg:$0x9];
	[sflag:s4] =	ssyncadd.s32 $0xFFFFE000  }
0x11c: {  	[hbm4b:s23+s3] =	stream.linear.scatter [tilespmem:s5], [sflag:$0x3], $0x2000, $0x38;
	[tilespmem:$0x1B600] =	vst v63  }
0x11d: {  	_ =	swait.ge [sflag:s4], $0x2000  }
0x11e: {  	[sflag:s4] =	ssyncset.done $0x0  }
0x11f: {  	s14 =	simm.s32 @!p0 $0x18600;
	[sflag:s4] =	ssyncadd.s32 $0xFFFFE000  }
0x120: {  	[tilespmem:s14], [sflag:$0x3] =	stream.linear.gather @!p0 [spmem:s10], $0x800, $0x38;
	[tilespmem:$0x1B600] =	vst v63  }
0x121: {  	_ =	swait.ge @!p0 [sflag:s13], $0x800  }
0x122: {  	[sflag:s13] =	ssyncset.done @!p0 $0x0  }
0x123: {  	s15 =	simm.s32 @!p0 $0x0;
	s17 =	rddreg [dreg:$0xa];
	[sflag:s13] =	ssyncadd.s32 @!p0 $0xFFFFF800  }
0x124: {  	[hbm4b:s17+s15] =	stream.linear.scatter @!p0 [tilespmem:s14], [sflag:$0x3], $0x800, $0x38;
	[tilespmem:$0x1B600] =	vst v63  }
0x125: {  	_ =	swait.ge @!p0 [sflag:s13], $0x800  }
0x126: {  	[sflag:s13] =	ssyncset.done @!p0 $0x0  }
0x127: {  	[sflag:s13] =	ssyncadd.s32 @!p0 $0xFFFFF800  }
0x128: {  	[tilespmem:s14], [sflag:$0x3] =	stream.linear.gather @!p0 [spmem:s24], $0x800, $0x38;
	[tilespmem:$0x1B600] =	vst v63  }
0x129: {  	_ =	swait.ge @!p0 [sflag:s13], $0x800  }
0x12a: {  	[sflag:s13] =	ssyncset.done @!p0 $0x0  }
0x12b: {  	s17 =	rddreg [dreg:$0xb];
	[sflag:s13] =	ssyncadd.s32 @!p0 $0xFFFFF800  }
0x12c: {  	[hbm4b:s17+s15] =	stream.linear.scatter @!p0 [tilespmem:s14], [sflag:$0x3], $0x800, $0x38;
	[tilespmem:$0x1B600] =	vst v63  }
0x12d: {  	_ =	swait.ge @!p0 [sflag:s13], $0x800  }
0x12e: {  	[sflag:s13] =	ssyncset.done @!p0 $0x0  }
0x12f: {  	[sflag:s13] =	ssyncadd.s32 @!p0 $0xFFFFF800  }
0x130: {  	[tilespmem:s14], [sflag:$0x3] =	stream.linear.gather @!p0 [spmem:s29], $0x800, $0x38;
	[tilespmem:$0x1B600] =	vst v63  }
0x131: {  	_ =	swait.ge @!p0 [sflag:s13], $0x800  }
0x132: {  	[sflag:s13] =	ssyncset.done @!p0 $0x0  }
0x133: {  	s17 =	rddreg [dreg:$0xc];
	[sflag:s13] =	ssyncadd.s32 @!p0 $0xFFFFF800  }
0x134: {  	[hbm4b:s17+s15] =	stream.linear.scatter @!p0 [tilespmem:s14], [sflag:$0x3], $0x800, $0x38;
	[tilespmem:$0x1B600] =	vst v63  }
0x135: {  	_ =	swait.ge @!p0 [sflag:s13], $0x800  }
0x136: {  	[sflag:s13] =	ssyncset.done @!p0 $0x0  }
0x137: {  	[sflag:s13] =	ssyncadd.s32 @!p0 $0xFFFFF800  }
0x138: {  	[tilespmem:s14], [sflag:$0x3] =	stream.linear.gather @!p0 [spmem:s30], $0x800, $0x38;
	[tilespmem:$0x1B600] =	vst v63  }
0x139: {  	_ =	swait.ge @!p0 [sflag:s13], $0x800  }
0x13a: {  	[sflag:s13] =	ssyncset.done @!p0 $0x0  }
0x13b: {  	s17 =	rddreg [dreg:$0xd];
	[sflag:s13] =	ssyncadd.s32 @!p0 $0xFFFFF800  }
0x13c: {  	[hbm4b:s17+s15] =	stream.linear.scatter @!p0 [tilespmem:s14], [sflag:$0x3], $0x800, $0x38;
	[tilespmem:$0x1B600] =	vst v63  }
0x13d: {  	_ =	swait.ge @!p0 [sflag:s13], $0x800  }
0x13e: {  	[sflag:s13] =	ssyncset.done @!p0 $0x0  }
0x13f: {  	[sflag:s13] =	ssyncadd.s32 @!p0 $0xFFFFF800  }
0x140: {  	[tilespmem:s14], [sflag:$0x3] =	stream.linear.gather @!p0 [spmem:s31], $0x800, $0x38;
	[tilespmem:$0x1B600] =	vst v63  }
0x141: {  	s12 =	sadd.s32 $0x1, s12;
	_ =	swait.ge @!p0 [sflag:s13], $0x800  }
0x142: {  	p1 =	sne.s32 s12, s0;
	[sflag:s13] =	ssyncset.done @!p0 $0x0  }
.Ltmp2:
0x143: {  	s17 =	rddreg [dreg:$0xe];
	[sflag:s13] =	ssyncadd.s32 @!p0 $0xFFFFF800;
	(pc) =	sbr.rel @p1 .LBB2_1-.Ltmp2, $4  }
0x144: {  	[hbm4b:s17+s15] =	stream.linear.scatter @!p0 [tilespmem:s14], [sflag:$0x3], $0x800, $0x38;
	[tilespmem:$0x1B600] =	vst v63  }
0x145: {  	_ =	swait.ge @!p0 [sflag:s13], $0x800  }
0x146: {  	[sflag:s13] =	ssyncset.done @!p0 $0x0  }
0x147: {  	[sflag:s13] =	ssyncadd.s32 @!p0 $0xFFFFF800  }
0x148: {  	_ =	sfence.sel $0x180000  }
0x149: {  	[bflag:$0x0] =	sbarrier.arrive $0xFFFF  }
0x14a: {  	_ =	strace $0x90000047  }
0x14b: {  	s0 =	stileid.u32;
	[bflag:$0x2] =	sbarrier.arrive $0xFFFF  }
0x14c: {  	p0 =	sne.s32 s0, $0x0;
	s0 =	rddreg [dreg:$0x4]  }
0x14d: {  	s0 =	sadd.s32 @!p0 $0x100000, s0  }
0x14e: {  	[sflag:s0] =	ssyncadd.tile.s32 @!p0 $0x1;
	_ =	shalt  }
.Lfunc_end2:
_tile_overlayer_lowered:
.L_overlay_start_2:
0x14f: {  	(tag) =	ssettag $0x2  }
0x150: {  	s0 =	rddreg [dreg:$0x0];
	s2 =	stileid.u32  }
0x151: {  	s1 =	rddreg [dreg:$0x1];
	p0 =	sne.s32 s2, $0x0  }
0x152: {  	s3 =	rddreg [dreg:$0x2];
	[bflag:$0x3] =	sbarrier.arrive $0xFFFF;
	s2 =	simm.s32 @!p0 $0x1C03  }
0x153: {  	[timem:s3], [sflag:s2] =	dma.local @!p0 [hbm:s0], s1  }
0x154: {  	s0 =	simm.s32 @!p0 $0x3  }
0x155: {  	_ =	swait.ge @!p0 [sflag:s0], s1  }
0x156: {  	s1 =	ssub.s32 @!p0 $0x0, s1;
	[sflag:s0] =	ssyncset.done @!p0 $0x0  }
0x157: {  	[sflag:s0] =	ssyncadd.s32 @!p0 s1  }
0x158: {  	[bflag:$0x3] =	sbarrier.arrive $0xFFFF  }
0x159: {  	_ =	shalt  }

</sc_bundles>
